<compile_context>
chip_gen: v7x
topology: tpu7x:2x2x1
jax: 0.10.2.dev20260603
libtpu: 0.0.44.dev20260713+nightly
codegen_flags: <defaults>
</compile_context>

<pallas_src>
import functools

import jax
import jax.numpy as jnp
from jax import lax
from jax.experimental import pallas as pl
from jax.experimental.pallas import tpu as pltpu
from jax.experimental.pallas import tpu_sc as plsc

_NC = 2
_NS = 16
_NW = _NC * _NS
_L = 16


def _zero_vmem_2d(ref, rows, cols):
    z = jnp.zeros((_L,), jnp.float32)

    def body(r, c):
        for cb in range(cols // _L):
            ref[r, pl.ds(cb * _L, _L)] = z
        return c

    lax.fori_loop(0, rows, body, 0)


def _make_edge_pass(n_nodes, n_edges, dl, dr, nf, chunk, unroll=4,
                    with_compute=True, dacc=None):
    ept = n_edges // _NW
    nch = ept // chunk
    assert ept * _NW == n_edges and nch * chunk == ept and nch % 2 == 0
    nvl = dl // _L
    if dacc is None:
        dacc = dl
    flag_store = dacc > dl
    assert nvl * _L == dl and nf * _L <= dr + _L - 1 and nf <= nvl
    assert dacc in (dl, dl + _L)
    ntc = 10
    rpt = n_nodes // ntc
    zrows = 8
    assert rpt * ntc == n_nodes and rpt % zrows == 0 and rpt % 8 == 0

    mesh = plsc.VectorSubcoreMesh(core_axis_name="c", subcore_axis_name="s")

    scratch = [
        pltpu.VMEM((nch, chunk), jnp.int32),
        pltpu.VMEM((nch, chunk), jnp.int32),
        pltpu.VMEM((chunk, dl), jnp.float32),
        pltpu.VMEM((chunk, dl), jnp.float32),
        pltpu.VMEM((chunk, dr), jnp.float32),
        pltpu.VMEM((chunk, dr), jnp.float32),
        pltpu.VMEM((chunk, dacc), jnp.float32),
        pltpu.VMEM((chunk, dacc), jnp.float32),
        pltpu.VMEM((max(nf, 1) * _L,), jnp.float32),
        pltpu.VMEM((zrows, dacc), jnp.float32),
        pltpu.VMEM_SHARED((n_nodes, dacc), jnp.float32),
        pltpu.SemaphoreType.DMA,
        pltpu.SemaphoreType.DMA,
        pltpu.SemaphoreType.DMA,
        pltpu.SemaphoreType.DMA,
        pltpu.SemaphoreType.DMA,
        pltpu.SemaphoreType.DMA,
    ]

    @functools.partial(
        pl.kernel,
        out_type=jax.ShapeDtypeStruct((_NC, n_nodes, dacc), jnp.float32),
        mesh=mesh,
        scratch_types=scratch,
        compiler_params=pltpu.CompilerParams(
            needs_layout_passes=False, use_tc_tiling_on_sc=False),
    )
    def kern(xl_hbm, xr_hbm, src_hbm, dst_hbm, att_hbm, out_hbm,
             srcv, dstv, xl0, xl1, xr0, xr1, ob0, ob1, attbuf, zbuf, acc,
             sl0, sl1, sr0, sr1, ss0, ss1):
        cid = lax.axis_index("c")
        sid = lax.axis_index("s")
        wid = sid * _NC + cid
        xlb = (xl0, xl1)
        xrb = (xr0, xr1)
        obb = (ob0, ob1)
        slb = (sl0, sl1)
        srb = (sr0, sr1)
        ssb = (ss0, ss1)

        pltpu.sync_copy(src_hbm.at[wid], srcv)
        pltpu.sync_copy(dst_hbm.at[wid], dstv)
        if with_compute:
            pltpu.sync_copy(att_hbm, attbuf)
            attv = [attbuf[pl.ds(k * _L, _L)] for k in range(nf)]
        if flag_store:
            lane = lax.iota(jnp.int32, _L)
            flagv = jnp.where(lane == 0, 1.0, 0.0).astype(jnp.float32)

        _zero_vmem_2d(zbuf, zrows, dacc)

        rbase = sid * rpt
        @pl.when(sid < ntc)
        def _():
            def zacc(i, c):
                pltpu.sync_copy(zbuf, acc.at[pl.ds(rbase + i * zrows, zrows)])
                return c
            lax.fori_loop(0, rpt // zrows, zacc, 0)
        plsc.subcore_barrier()

        def issue_gathers(ci, b):
            pltpu.async_copy(xl_hbm.at[srcv.at[ci]], xlb[b], slb[b])
            if with_compute:
                pltpu.async_copy(xr_hbm.at[dstv.at[ci]], xrb[b], srb[b])

        def wait_gathers(ci, b):
            pltpu.make_async_copy(xl_hbm.at[srcv.at[ci]], xlb[b],
                                  slb[b]).wait()
            if with_compute:
                pltpu.make_async_copy(xr_hbm.at[dstv.at[ci]], xrb[b],
                                      srb[b]).wait()

        def wait_scatter(ci, b):
            src = obb[b] if with_compute else xlb[b]
            pltpu.make_async_copy(src, acc.at[dstv.at[ci]], ssb[b]).wait()

        def compute(b):
            xlr = xlb[b]
            xrr = xrb[b]
            obr = obb[b]

            @plsc.parallel_loop(0, chunk, 1, unroll=unroll)
            def _(e):
                vls = [xlr[e, pl.ds(k * _L, _L)] for k in range(nvl)]
                ea = None
                for k in range(nf):
                    t = vls[k] + xrr[e, pl.ds(k * _L, _L)]
                    t = jnp.where(t >= 0.0, t, t * 0.2)
                    t = t * attv[k]
                    ea = t if ea is None else ea + t
                p = jnp.exp(jnp.full((_L,), jnp.sum(ea), jnp.float32))
                pv = [p * v for v in vls]
                for k in range(nvl):
                    obr[e, pl.ds(k * _L, _L)] = pv[k]
                if flag_store:
                    obr[e, pl.ds(dl, _L)] = p * flagv

        issue_gathers(0, 0)

        if with_compute:
            def pair_body(i, c):
                a = 2 * i
                for b in (0, 1):
                    ci = a + b
                    if b == 0:
                        issue_gathers(ci + 1, 1)
                    wait_gathers(ci, b)
                    @pl.when(i > 0)
                    def _():
                        wait_scatter(ci, b)
                    compute(b)
                    pltpu.async_copy(obb[b], acc.at[dstv.at[ci]], ssb[b],
                                     add=True)
                    if b == 1:
                        @pl.when(ci + 1 < nch)
                        def _():
                            issue_gathers(ci + 1, 0)
                return c

            lax.fori_loop(0, nch // 2, pair_body, 0)
            wait_scatter(nch - 2, 0)
            wait_scatter(nch - 1, 1)
        else:
            def pair_body(i, c):
                a = 2 * i
                issue_gathers(a + 1, 1)
                wait_gathers(a, 0)
                pltpu.async_copy(xlb[0], acc.at[dstv.at[a]], ssb[0],
                                 add=True)
                wait_scatter(a, 0)
                @pl.when(a + 2 < nch)
                def _():
                    issue_gathers(a + 2, 0)
                wait_gathers(a + 1, 1)
                pltpu.async_copy(xlb[1], acc.at[dstv.at[a + 1]], ssb[1],
                                 add=True)
                wait_scatter(a + 1, 1)
                return c

            lax.fori_loop(0, nch // 2, pair_body, 0)
        plsc.subcore_barrier()

        @pl.when(sid < ntc)
        def _():
            pltpu.sync_copy(acc.at[pl.ds(rbase, rpt)],
                            out_hbm.at[cid, pl.ds(rbase, rpt)])

    return kern


def _mm_split_kernel(x_ref, w_ref, xl_ref, xr_ref):
    hid = xl_ref.shape[1]
    xw = jnp.dot(x_ref[...], w_ref[...], preferred_element_type=jnp.float32)
    xl_ref[...] = xw[:, :hid]
    xr_ref[...] = xw[:, hid:]


def _layer1_epilogue_kernel(parts_ref, xl_ref, xr_ref, pv_ref,
                            w_ref, ylp_ref, yrp_ref):
    xl = xl_ref[...]
    xr = xr_ref[...]
    hid = xl.shape[1]
    att = pv_ref[:, :hid]
    b = pv_ref[:, hid:2 * hid]
    t = xl + xr
    t = jnp.where(t >= 0.0, t, t * 0.2)
    e = jnp.sum(t * att, axis=1, keepdims=True)
    p = jnp.exp(e)
    ps = parts_ref[0] + parts_ref[1]
    num = ps[:, :hid] + p * xl
    den = ps[:, hid:hid + 1] + p + 1e-16
    h = num / den + b
    h = jnp.where(h > 0.0, h, jnp.exp(h) - 1.0)
    y = jnp.dot(h, w_ref[...], preferred_element_type=jnp.float32)
    k = y.shape[1] // 2
    rows = y.shape[0]
    ones = jnp.ones((rows, 1), jnp.float32)
    zero = jnp.zeros((rows, 1), jnp.float32)
    ylp_ref[...] = jnp.concatenate([y[:, :k], ones, zero], axis=1)
    yrp_ref[...] = jnp.concatenate([y[:, k:], zero, zero], axis=1)


def _layer2_epilogue_kernel(parts_ref, ylp_ref, yrp_ref, pv_ref,
                            z_ref, zp_ref):
    ylp = ylp_ref[...]
    yrp = yrp_ref[...]
    k = z_ref.shape[1]
    d2 = ylp.shape[1]
    att = pv_ref[:, 128:128 + d2]
    b = pv_ref[:, 128 + d2:128 + d2 + k]
    t = ylp + yrp
    t = jnp.where(t >= 0.0, t, t * 0.2)
    e = jnp.sum(t * att, axis=1, keepdims=True)
    p = jnp.exp(e)
    ps = parts_ref[0] + parts_ref[1]
    num = ps[:, :k] + p * ylp[:, :k]
    den = ps[:, k:k + 1] + p + 1e-16
    logits = num / den + b
    m = jnp.max(logits, axis=1, keepdims=True)
    z = jnp.exp(logits - m)
    z = z / jnp.sum(z, axis=1, keepdims=True)
    z_ref[...] = z
    zp_ref[...] = jnp.concatenate(
        [z, jnp.zeros((z.shape[0], zp_ref.shape[1] - k), jnp.float32)],
        axis=1)


def _blur_kernel(z_ref, zparts_ref, m_ref, pv_ref, o_ref):
    k = z_ref.shape[1]
    zs = zparts_ref[0][:, :k] + zparts_ref[1][:, :k]
    s = z_ref[...] + pv_ref[0, 190] * zs
    mr = jnp.maximum(m_ref[...], 0.0)
    o_ref[...] = jnp.dot(s, mr, preferred_element_type=jnp.float32)


def kernel(X, edge_index_feat, edge_index_spatial, Wl1, Wr1, att1, b1,
           Wl2, Wr2, att2, b2, M, alpha_p):
    n, f_in = X.shape
    hid = Wl1.shape[1]
    k = Wl2.shape[1]
    e_num = edge_index_feat.shape[1]

    d1 = 80
    d2 = 32
    chunk1 = 125
    chunk2 = 250
    rb = 2000

    nch1 = (e_num // _NW) // chunk1
    nch2 = (e_num // _NW) // chunk2
    src_f = edge_index_feat[0].reshape(_NW, nch1, chunk1)
    dst_f = edge_index_feat[1].reshape(_NW, nch1, chunk1)
    src_f2 = src_f.reshape(_NW, nch2, chunk2)
    dst_f2 = dst_f.reshape(_NW, nch2, chunk2)
    row_s = edge_index_spatial[0].reshape(_NW, nch2, chunk2)
    col_s = edge_index_spatial[1].reshape(_NW, nch2, chunk2)

    att2_pad = jnp.concatenate([att2, jnp.zeros((d2 - k,), jnp.float32)])
    pvec = jnp.concatenate(
        [att1, b1, att2_pad, b2, jnp.reshape(alpha_p, (1,)),
         jnp.zeros((1,), jnp.float32)]).reshape(1, 192)

    wcat1 = jnp.concatenate([Wl1, Wr1], axis=1)
    xl1, xr1 = pl.pallas_call(
        _mm_split_kernel,
        grid=(n // rb,),
        in_specs=[pl.BlockSpec((rb, f_in), lambda i: (i, 0)),
                  pl.BlockSpec((f_in, 2 * hid), lambda i: (0, 0))],
        out_specs=[pl.BlockSpec((rb, hid), lambda i: (i, 0)),
                   pl.BlockSpec((rb, hid), lambda i: (i, 0))],
        out_shape=[jax.ShapeDtypeStruct((n, hid), jnp.float32),
                   jax.ShapeDtypeStruct((n, hid), jnp.float32)],
    )(X, wcat1)

    pass1 = _make_edge_pass(n, e_num, hid, hid, hid // _L, chunk1, dacc=d1)
    parts1 = pass1(xl1, xr1, src_f, dst_f, att1)

    wcat2 = jnp.concatenate([Wl2, Wr2], axis=1)
    yl2_pad, yr2_pad = pl.pallas_call(
        _layer1_epilogue_kernel,
        grid=(n // rb,),
        in_specs=[pl.BlockSpec((_NC, rb, d1), lambda i: (0, i, 0)),
                  pl.BlockSpec((rb, hid), lambda i: (i, 0)),
                  pl.BlockSpec((rb, hid), lambda i: (i, 0)),
                  pl.BlockSpec((1, 192), lambda i: (0, 0)),
                  pl.BlockSpec((hid, 2 * k), lambda i: (0, 0))],
        out_specs=[pl.BlockSpec((rb, d2), lambda i: (i, 0)),
                   pl.BlockSpec((rb, d2), lambda i: (i, 0))],
        out_shape=[jax.ShapeDtypeStruct((n, d2), jnp.float32),
                   jax.ShapeDtypeStruct((n, d2), jnp.float32)],
    )(parts1, xl1, xr1, pvec, wcat2)

    pass2 = _make_edge_pass(n, e_num, d2, d2, d2 // _L, chunk2)
    parts2 = pass2(yl2_pad, yr2_pad, src_f2, dst_f2, att2_pad)

    Z, z_pad = pl.pallas_call(
        _layer2_epilogue_kernel,
        grid=(n // rb,),
        in_specs=[pl.BlockSpec((_NC, rb, d2), lambda i: (0, i, 0)),
                  pl.BlockSpec((rb, d2), lambda i: (i, 0)),
                  pl.BlockSpec((rb, d2), lambda i: (i, 0)),
                  pl.BlockSpec((1, 192), lambda i: (0, 0))],
        out_specs=[pl.BlockSpec((rb, k), lambda i: (i, 0)),
                   pl.BlockSpec((rb, d2), lambda i: (i, 0))],
        out_shape=[jax.ShapeDtypeStruct((n, k), jnp.float32),
                   jax.ShapeDtypeStruct((n, d2), jnp.float32)],
    )(parts2, yl2_pad, yr2_pad, pvec)

    pass3 = _make_edge_pass(n, e_num, d2, d2, 0, chunk2, with_compute=False)
    zparts = pass3(z_pad, z_pad, col_s, row_s,
                   jnp.zeros((_L,), jnp.float32))

    x_hat = pl.pallas_call(
        _blur_kernel,
        grid=(n // rb,),
        in_specs=[pl.BlockSpec((rb, k), lambda i: (i, 0)),
                  pl.BlockSpec((_NC, rb, d2), lambda i: (0, i, 0)),
                  pl.BlockSpec((k, f_in), lambda i: (0, 0)),
                  pl.BlockSpec(memory_space=pltpu.SMEM)],
        out_specs=pl.BlockSpec((rb, f_in), lambda i: (i, 0)),
        out_shape=jax.ShapeDtypeStruct((n, f_in), jnp.float32),
    )(Z, zparts, M, pvec)

    return (Z, x_hat)

# --- scband reference (transcript-rebuilt; emitter-appended) ---
"""Pipeline reference for scband-pibd-graph-75814762709192 (READ-ONLY COPY).

The authoritative reference and input builder live on the scoring server;
editing this copy changes nothing except your own understanding.
"""

import jax, jax.numpy as jnp
import numpy as np

N = 10000
E = 320000
F_IN = 128
HID = 64
K = 30


def _gatv2(x, src, dst, Wl, Wr, att, bias, num_nodes):
    # GATv2Conv (heads=1, add_self_loops=True, negative_slope=0.2)
    loop = jnp.arange(num_nodes, dtype=src.dtype)
    s = jnp.concatenate([src, loop])
    d = jnp.concatenate([dst, loop])
    xl = x @ Wl  # source transform
    xr = x @ Wr  # target transform
    feat = jax.nn.leaky_relu(xl[s] + xr[d], negative_slope=0.2)
    e = feat @ att  # [E+N]
    e_max = jax.ops.segment_max(e, d, num_segments=num_nodes)
    e_exp = jnp.exp(e - e_max[d])
    denom = jax.ops.segment_sum(e_exp, d, num_segments=num_nodes)
    alpha = e_exp / (denom[d] + 1e-16)
    out = jax.ops.segment_sum(alpha[:, None] * xl[s], d, num_segments=num_nodes)
    return out + bias


def setup_inputs(seed: int = 0) -> dict:
    key = jax.random.key(seed)
    ks = jax.random.split(key, 13)
    X = jax.random.normal(ks[0], (N, F_IN), dtype=jnp.float32)
    edge_index_feat = jax.random.randint(ks[1], (2, E), 0, N, dtype=jnp.int32)
    edge_index_spatial = jax.random.randint(ks[2], (2, E), 0, N, dtype=jnp.int32)
    Wl1 = jax.random.normal(ks[3], (F_IN, HID), dtype=jnp.float32) * (1.0 / np.sqrt(F_IN))
    Wr1 = jax.random.normal(ks[4], (F_IN, HID), dtype=jnp.float32) * (1.0 / np.sqrt(F_IN))
    att1 = jax.random.normal(ks[5], (HID,), dtype=jnp.float32) * (1.0 / np.sqrt(HID))
    b1 = jnp.zeros((HID,), dtype=jnp.float32)
    Wl2 = jax.random.normal(ks[6], (HID, K), dtype=jnp.float32) * (1.0 / np.sqrt(HID))
    Wr2 = jax.random.normal(ks[7], (HID, K), dtype=jnp.float32) * (1.0 / np.sqrt(HID))
    att2 = jax.random.normal(ks[8], (K,), dtype=jnp.float32) * (1.0 / np.sqrt(K))
    b2 = jnp.zeros((K,), dtype=jnp.float32)
    M = jax.random.uniform(ks[9], (K, F_IN), dtype=jnp.float32)
    alpha_p = jnp.float32(0.5)
    return {"X": X, "edge_index_feat": edge_index_feat, "edge_index_spatial": edge_index_spatial,
            "Wl1": Wl1, "Wr1": Wr1, "att1": att1, "b1": b1,
            "Wl2": Wl2, "Wr2": Wr2, "att2": att2, "b2": b2,
            "M": M, "alpha_p": alpha_p}


def reference(X, edge_index_feat, edge_index_spatial, Wl1, Wr1, att1, b1, Wl2, Wr2, att2, b2, M, alpha_p):
    src_f, dst_f = edge_index_feat[0], edge_index_feat[1]
    h = jax.nn.elu(_gatv2(X, src_f, dst_f, Wl1, Wr1, att1, b1, N))
    logits = _gatv2(h, src_f, dst_f, Wl2, Wr2, att2, b2, N)
    Z = jax.nn.softmax(logits, axis=1)
    X_pure = Z @ jax.nn.relu(M)
    row, col = edge_index_spatial[0], edge_index_spatial[1]
    blur_message = jax.ops.segment_sum(X_pure[col], row, num_segments=N)
    X_hat = X_pure + alpha_p * blur_message
    return (Z, X_hat)

if __name__ == "__main__":
    import jax
    _d = setup_inputs()
    print(jax.jit(kernel)(*tuple(_d.values())))

</pallas_src>

<mosaic_0001>
#map = affine_map<(d0, d1) -> (0, 0)>
#map1 = affine_map<(d0, d1) -> (0, 0, 0)>
#map2 = affine_map<(d0, d1) -> (0)>
module attributes {stable_mosaic.version = 14 : i64} {
  func.func @kern(%arg0: i32, %arg1: i32, %arg2: memref<10000x64xf32, #tpu.memory_space<hbm>>, %arg3: memref<10000x64xf32, #tpu.memory_space<hbm>>, %arg4: memref<32x80x125xi32, #tpu.memory_space<hbm>>, %arg5: memref<32x80x125xi32, #tpu.memory_space<hbm>>, %arg6: memref<64xf32, #tpu.memory_space<hbm>>, %arg7: memref<2x10000x80xf32, #tpu.memory_space<hbm>>, %arg8: memref<80x125xi32, #tpu.memory_space<vmem>>, %arg9: memref<80x125xi32, #tpu.memory_space<vmem>>, %arg10: memref<125x64xf32, #tpu.memory_space<vmem>>, %arg11: memref<125x64xf32, #tpu.memory_space<vmem>>, %arg12: memref<125x64xf32, #tpu.memory_space<vmem>>, %arg13: memref<125x64xf32, #tpu.memory_space<vmem>>, %arg14: memref<125x80xf32, #tpu.memory_space<vmem>>, %arg15: memref<125x80xf32, #tpu.memory_space<vmem>>, %arg16: memref<64xf32, #tpu.memory_space<vmem>>, %arg17: memref<8x80xf32, #tpu.memory_space<vmem>>, %arg18: memref<10000x80xf32, #tpu.memory_space<vmem_shared>>, %arg19: memref<!tpu.dma_semaphore, #tpu.memory_space<semaphore_mem>>, %arg20: memref<!tpu.dma_semaphore, #tpu.memory_space<semaphore_mem>>, %arg21: memref<!tpu.dma_semaphore, #tpu.memory_space<semaphore_mem>>, %arg22: memref<!tpu.dma_semaphore, #tpu.memory_space<semaphore_mem>>, %arg23: memref<!tpu.dma_semaphore, #tpu.memory_space<semaphore_mem>>, %arg24: memref<!tpu.dma_semaphore, #tpu.memory_space<semaphore_mem>>) attributes {dimension_semantics = [#tpu.dimension_semantics<core_parallel>, #tpu.dimension_semantics<subcore_parallel>], iteration_bounds = array<i64: 2, 16>, scalar_prefetch = 0 : i64, scratch_operands = 17 : i64, tpu.core_type = #tpu.core_type<sc_vector_subcore>, window_params = [{transform_indices = #map}, {transform_indices = #map}, {transform_indices = #map1}, {transform_indices = #map1}, {transform_indices = #map2}, {transform_indices = #map1}]} {
    %mul3A = arith.constant 2 : i32
    %mul3A_0 = arith.muli %arg1, %mul3A : i32
    %add3A = arith.addi %mul3A_0, %arg0 : i32
    "tpu.region"() ({
      %run_scoped3A = tpu.sem_alloc : memref<!tpu.dma_semaphore, #tpu.memory_space<semaphore_mem>>
      %dma_start3A_61 = arith.constant 0 : i32
      %dma_start3A_62 = arith.constant 0 : i32
      %dma_start3A_63 = tpu.memref_slice %arg4[%add3A, %dma_start3A_61, %dma_start3A_62] : memref<32x80x125xi32, #tpu.memory_space<hbm>> -> memref<1x80x125xi32, #tpu.memory_space<hbm>>
      %dma_start3A_64 = tpu.memref_squeeze %dma_start3A_63 : memref<1x80x125xi32, #tpu.memory_space<hbm>> -> memref<80x125xi32, #tpu.memory_space<hbm>>
      %dma_start3A_65 = arith.constant 0 : i32
      %dma_start3A_66 = arith.constant 0 : i32
      %dma_start3A_67 = tpu.memref_slice %arg4[%add3A, %dma_start3A_65, %dma_start3A_66] : memref<32x80x125xi32, #tpu.memory_space<hbm>> -> memref<1x80x125xi32, #tpu.memory_space<hbm>>
      %dma_start3A_68 = tpu.memref_squeeze %dma_start3A_67 : memref<1x80x125xi32, #tpu.memory_space<hbm>> -> memref<80x125xi32, #tpu.memory_space<hbm>>
      tpu.enqueue_dma source(%dma_start3A_68 : memref<80x125xi32, #tpu.memory_space<hbm>>) target(%arg8 : memref<80x125xi32, #tpu.memory_space<vmem>>) target_semaphore(%run_scoped3A : memref<!tpu.dma_semaphore, #tpu.memory_space<semaphore_mem>>)
      %dma_wait3A_69 = arith.constant 0 : i32
      %dma_wait3A_70 = arith.constant 0 : i32
      %dma_wait3A_71 = tpu.memref_slice %arg4[%add3A, %dma_wait3A_69, %dma_wait3A_70] : memref<32x80x125xi32, #tpu.memory_space<hbm>> -> memref<1x80x125xi32, #tpu.memory_space<hbm>>
      %dma_wait3A_72 = tpu.memref_squeeze %dma_wait3A_71 : memref<1x80x125xi32, #tpu.memory_space<hbm>> -> memref<80x125xi32, #tpu.memory_space<hbm>>
      %dma_wait3A_73 = arith.constant 0 : i32
      %dma_wait3A_74 = arith.constant 0 : i32
      %dma_wait3A_75 = tpu.memref_slice %arg4[%add3A, %dma_wait3A_73, %dma_wait3A_74] : memref<32x80x125xi32, #tpu.memory_space<hbm>> -> memref<1x80x125xi32, #tpu.memory_space<hbm>>
      %dma_wait3A_76 = tpu.memref_squeeze %dma_wait3A_75 : memref<1x80x125xi32, #tpu.memory_space<hbm>> -> memref<80x125xi32, #tpu.memory_space<hbm>>
      tpu.wait_dma2 semaphore(%run_scoped3A : memref<!tpu.dma_semaphore, #tpu.memory_space<semaphore_mem>>) src(%dma_wait3A_76 : memref<80x125xi32, #tpu.memory_space<hbm>>) dst(%arg8 : memref<80x125xi32, #tpu.memory_space<vmem>>)
      tpu.yield
    }) : () -> ()
    "tpu.region"() ({
      %run_scoped3A = tpu.sem_alloc : memref<!tpu.dma_semaphore, #tpu.memory_space<semaphore_mem>>
      %dma_start3A_61 = arith.constant 0 : i32
      %dma_start3A_62 = arith.constant 0 : i32
      %dma_start3A_63 = tpu.memref_slice %arg5[%add3A, %dma_start3A_61, %dma_start3A_62] : memref<32x80x125xi32, #tpu.memory_space<hbm>> -> memref<1x80x125xi32, #tpu.memory_space<hbm>>
      %dma_start3A_64 = tpu.memref_squeeze %dma_start3A_63 : memref<1x80x125xi32, #tpu.memory_space<hbm>> -> memref<80x125xi32, #tpu.memory_space<hbm>>
      %dma_start3A_65 = arith.constant 0 : i32
      %dma_start3A_66 = arith.constant 0 : i32
      %dma_start3A_67 = tpu.memref_slice %arg5[%add3A, %dma_start3A_65, %dma_start3A_66] : memref<32x80x125xi32, #tpu.memory_space<hbm>> -> memref<1x80x125xi32, #tpu.memory_space<hbm>>
      %dma_start3A_68 = tpu.memref_squeeze %dma_start3A_67 : memref<1x80x125xi32, #tpu.memory_space<hbm>> -> memref<80x125xi32, #tpu.memory_space<hbm>>
      tpu.enqueue_dma source(%dma_start3A_68 : memref<80x125xi32, #tpu.memory_space<hbm>>) target(%arg9 : memref<80x125xi32, #tpu.memory_space<vmem>>) target_semaphore(%run_scoped3A : memref<!tpu.dma_semaphore, #tpu.memory_space<semaphore_mem>>)
      %dma_wait3A_69 = arith.constant 0 : i32
      %dma_wait3A_70 = arith.constant 0 : i32
      %dma_wait3A_71 = tpu.memref_slice %arg5[%add3A, %dma_wait3A_69, %dma_wait3A_70] : memref<32x80x125xi32, #tpu.memory_space<hbm>> -> memref<1x80x125xi32, #tpu.memory_space<hbm>>
      %dma_wait3A_72 = tpu.memref_squeeze %dma_wait3A_71 : memref<1x80x125xi32, #tpu.memory_space<hbm>> -> memref<80x125xi32, #tpu.memory_space<hbm>>
      %dma_wait3A_73 = arith.constant 0 : i32
      %dma_wait3A_74 = arith.constant 0 : i32
      %dma_wait3A_75 = tpu.memref_slice %arg5[%add3A, %dma_wait3A_73, %dma_wait3A_74] : memref<32x80x125xi32, #tpu.memory_space<hbm>> -> memref<1x80x125xi32, #tpu.memory_space<hbm>>
      %dma_wait3A_76 = tpu.memref_squeeze %dma_wait3A_75 : memref<1x80x125xi32, #tpu.memory_space<hbm>> -> memref<80x125xi32, #tpu.memory_space<hbm>>
      tpu.wait_dma2 semaphore(%run_scoped3A : memref<!tpu.dma_semaphore, #tpu.memory_space<semaphore_mem>>) src(%dma_wait3A_76 : memref<80x125xi32, #tpu.memory_space<hbm>>) dst(%arg9 : memref<80x125xi32, #tpu.memory_space<vmem>>)
      tpu.yield
    }) : () -> ()
    "tpu.region"() ({
      %run_scoped3A = tpu.sem_alloc : memref<!tpu.dma_semaphore, #tpu.memory_space<semaphore_mem>>
      tpu.enqueue_dma source(%arg6 : memref<64xf32, #tpu.memory_space<hbm>>) target(%arg16 : memref<64xf32, #tpu.memory_space<vmem>>) target_semaphore(%run_scoped3A : memref<!tpu.dma_semaphore, #tpu.memory_space<semaphore_mem>>)
      tpu.wait_dma2 semaphore(%run_scoped3A : memref<!tpu.dma_semaphore, #tpu.memory_space<semaphore_mem>>) src(%arg6 : memref<64xf32, #tpu.memory_space<hbm>>) dst(%arg16 : memref<64xf32, #tpu.memory_space<vmem>>)
      tpu.yield
    }) : () -> ()
    %get3A = arith.constant 0 : index
    %get3A_1 = tpu.vector_load %arg16[%get3A] {strides = array<i32>} : memref<64xf32, #tpu.memory_space<vmem>>, vector<16xf32>,
    %get3A_2 = arith.constant 16 : index
    %get3A_3 = tpu.vector_load %arg16[%get3A_2] {strides = array<i32>} : memref<64xf32, #tpu.memory_space<vmem>>, vector<16xf32>,
    %get3A_4 = arith.constant 32 : index
    %get3A_5 = tpu.vector_load %arg16[%get3A_4] {strides = array<i32>} : memref<64xf32, #tpu.memory_space<vmem>>, vector<16xf32>,
    %get3A_6 = arith.constant 48 : index
    %get3A_7 = tpu.vector_load %arg16[%get3A_6] {strides = array<i32>} : memref<64xf32, #tpu.memory_space<vmem>>, vector<16xf32>,
    %iota3A = tpu.iota {dimensions = array<i32: 0>} : vector<16xi32>
    %eq3A = arith.constant 0 : i32
    %eq3A_8 = vector.broadcast %eq3A : i32 to vector<16xi32>
    %eq3A_9 = arith.cmpi eq, %iota3A, %eq3A_8 : vector<16xi32>
    %jit3A = arith.constant 1.000000e+00 : f32
    %jit3A_10 = arith.constant 0.000000e+00 : f32
    %broadcast_in_dim3A = vector.broadcast %jit3A : f32 to vector<16xf32>
    %broadcast_in_dim3A_11 = vector.broadcast %jit3A_10 : f32 to vector<16xf32>
    %select_n3A = arith.select %eq3A_9, %broadcast_in_dim3A, %broadcast_in_dim3A_11 : vector<16xi1>, vector<16xf32>
    %broadcast_in_dim3A_12 = arith.constant 0.000000e+00 : f32
    %broadcast_in_dim3A_13 = vector.broadcast %broadcast_in_dim3A_12 : f32 to vector<16xf32>
    %scan3A = arith.constant 0 : i32
    %scan3A_14 = arith.constant 0 : i32
    %scan3A_15 = arith.constant 8 : i32
    %scan3A_16 = arith.addi %scan3A_14, %scan3A_15 : i32
    %scan3A_17 = arith.constant 1 : i32
    scf.for %scan3A_61 = %scan3A_14 to %scan3A_16 step %scan3A_17  : i32 {
      %swap3A = arith.index_cast %scan3A_61 : i32 to index
      %swap3A_62 = arith.constant 0 : index
      %swap3A_63 = tpu.vector_load %arg17[%swap3A, %swap3A_62] {strides = array<i32>} : memref<8x80xf32, #tpu.memory_space<vmem>>, vector<16xf32>,
      tpu.vector_store %arg17[%swap3A, %swap3A_62], %broadcast_in_dim3A_13 {strides = array<i32>} : memref<8x80xf32, #tpu.memory_space<vmem>>, vector<16xf32>,
      %swap3A_64 = arith.index_cast %scan3A_61 : i32 to index
      %swap3A_65 = arith.constant 16 : index
      %swap3A_66 = tpu.vector_load %arg17[%swap3A_64, %swap3A_65] {strides = array<i32>} : memref<8x80xf32, #tpu.memory_space<vmem>>, vector<16xf32>,
      tpu.vector_store %arg17[%swap3A_64, %swap3A_65], %broadcast_in_dim3A_13 {strides = array<i32>} : memref<8x80xf32, #tpu.memory_space<vmem>>, vector<16xf32>,
      %swap3A_67 = arith.index_cast %scan3A_61 : i32 to index
      %swap3A_68 = arith.constant 32 : index
      %swap3A_69 = tpu.vector_load %arg17[%swap3A_67, %swap3A_68] {strides = array<i32>} : memref<8x80xf32, #tpu.memory_space<vmem>>, vector<16xf32>,
      tpu.vector_store %arg17[%swap3A_67, %swap3A_68], %broadcast_in_dim3A_13 {strides = array<i32>} : memref<8x80xf32, #tpu.memory_space<vmem>>, vector<16xf32>,
      %swap3A_70 = arith.index_cast %scan3A_61 : i32 to index
      %swap3A_71 = arith.constant 48 : index
      %swap3A_72 = tpu.vector_load %arg17[%swap3A_70, %swap3A_71] {strides = array<i32>} : memref<8x80xf32, #tpu.memory_space<vmem>>, vector<16xf32>,
      tpu.vector_store %arg17[%swap3A_70, %swap3A_71], %broadcast_in_dim3A_13 {strides = array<i32>} : memref<8x80xf32, #tpu.memory_space<vmem>>, vector<16xf32>,
      %swap3A_73 = arith.index_cast %scan3A_61 : i32 to index
      %swap3A_74 = arith.constant 64 : index
      %swap3A_75 = tpu.vector_load %arg17[%swap3A_73, %swap3A_74] {strides = array<i32>} : memref<8x80xf32, #tpu.memory_space<vmem>>, vector<16xf32>,
      tpu.vector_store %arg17[%swap3A_73, %swap3A_74], %broadcast_in_dim3A_13 {strides = array<i32>} : memref<8x80xf32, #tpu.memory_space<vmem>>, vector<16xf32>,
    }
    %scan3A_18 = arith.constant 8 : i32
    %mul3A_19 = arith.constant 1000 : i32
    %mul3A_20 = arith.muli %arg1, %mul3A_19 : i32
    %lt3A = arith.constant 10 : i32
    %lt3A_21 = arith.cmpi slt, %arg1, %lt3A : i32
    %convert_element_type3A = arith.extui %lt3A_21 : i1 to i32
    %cond3A = arith.constant 0 : i32
    %cond3A_22 = arith.cmpi ne, %convert_element_type3A, %cond3A : i32
    scf.if %cond3A_22 {
      %scan3A_61 = arith.constant 0 : i32
      %scan3A_62 = arith.constant 0 : i32
      %scan3A_63 = arith.constant 125 : i32
      %scan3A_64 = arith.addi %scan3A_62, %scan3A_63 : i32
      %scan3A_65 = arith.constant 1 : i32
      scf.for %scan3A_67 = %scan3A_62 to %scan3A_64 step %scan3A_65  : i32 {
        %mul3A_68 = arith.constant 8 : i32
        %mul3A_69 = arith.muli %scan3A_67, %mul3A_68 : i32
        %add3A_70 = arith.addi %mul3A_20, %mul3A_69 : i32
        "tpu.region"() ({
          %run_scoped3A = tpu.sem_alloc : memref<!tpu.dma_semaphore, #tpu.memory_space<semaphore_mem>>
          %dma_start3A_71 = arith.constant 0 : i32
          %dma_start3A_72 = tpu.memref_slice %arg18[%add3A_70, %dma_start3A_71] : memref<10000x80xf32, #tpu.memory_space<vmem_shared>> -> memref<8x80xf32, #tpu.memory_space<vmem_shared>>
          %dma_start3A_73 = arith.constant 0 : i32
          %dma_start3A_74 = tpu.memref_slice %arg18[%add3A_70, %dma_start3A_73] : memref<10000x80xf32, #tpu.memory_space<vmem_shared>> -> memref<8x80xf32, #tpu.memory_space<vmem_shared>>
          tpu.enqueue_dma source(%arg17 : memref<8x80xf32, #tpu.memory_space<vmem>>) target(%dma_start3A_74 : memref<8x80xf32, #tpu.memory_space<vmem_shared>>) target_semaphore(%run_scoped3A : memref<!tpu.dma_semaphore, #tpu.memory_space<semaphore_mem>>)
          %dma_wait3A_75 = arith.constant 0 : i32
          %dma_wait3A_76 = tpu.memref_slice %arg18[%add3A_70, %dma_wait3A_75] : memref<10000x80xf32, #tpu.memory_space<vmem_shared>> -> memref<8x80xf32, #tpu.memory_space<vmem_shared>>
          %dma_wait3A_77 = arith.constant 0 : i32
          %dma_wait3A_78 = tpu.memref_slice %arg18[%add3A_70, %dma_wait3A_77] : memref<10000x80xf32, #tpu.memory_space<vmem_shared>> -> memref<8x80xf32, #tpu.memory_space<vmem_shared>>
          tpu.wait_dma2 semaphore(%run_scoped3A : memref<!tpu.dma_semaphore, #tpu.memory_space<semaphore_mem>>) src(%arg17 : memref<8x80xf32, #tpu.memory_space<vmem>>) dst(%dma_wait3A_78 : memref<8x80xf32, #tpu.memory_space<vmem_shared>>)
          tpu.yield
        }) : () -> ()
      }
      %scan3A_66 = arith.constant 125 : i32
    } else {
    }
    %barrier3A = arith.constant 0 : index
    tpu.barrier barrier_id(%barrier3A)
    %dma_start3A = arith.constant 0 : i32
    %dma_start3A_23 = arith.constant 0 : i32
    %dma_start3A_24 = tpu.memref_slice %arg8[%dma_start3A, %dma_start3A_23] : memref<80x125xi32, #tpu.memory_space<vmem>> -> memref<1x125xi32, #tpu.memory_space<vmem>>
    %dma_start3A_25 = tpu.memref_squeeze %dma_start3A_24 : memref<1x125xi32, #tpu.memory_space<vmem>> -> memref<125xi32, #tpu.memory_space<vmem>>
    %dma_start3A_26 = arith.constant 0 : i32
    %dma_start3A_27 = arith.constant 0 : i32
    %dma_start3A_28 = tpu.memref_slice %arg2[%dma_start3A_26, %dma_start3A_27] : memref<10000x64xf32, #tpu.memory_space<hbm>> -> memref<10000x64xf32, #tpu.memory_space<hbm>>
    tpu.enqueue_indirect_dma source(%dma_start3A_28 : memref<10000x64xf32, #tpu.memory_space<hbm>>) target(%arg10 : memref<125x64xf32, #tpu.memory_space<vmem>>) offsets(%dma_start3A_25 : memref<125xi32, #tpu.memory_space<vmem>>) semaphore(%arg19 : memref<!tpu.dma_semaphore, #tpu.memory_space<semaphore_mem>>)
    %dma_start3A_29 = arith.constant 0 : i32
    %dma_start3A_30 = arith.constant 0 : i32
    %dma_start3A_31 = tpu.memref_slice %arg9[%dma_start3A_29, %dma_start3A_30] : memref<80x125xi32, #tpu.memory_space<vmem>> -> memref<1x125xi32, #tpu.memory_space<vmem>>
    %dma_start3A_32 = tpu.memref_squeeze %dma_start3A_31 : memref<1x125xi32, #tpu.memory_space<vmem>> -> memref<125xi32, #tpu.memory_space<vmem>>
    %dma_start3A_33 = arith.constant 0 : i32
    %dma_start3A_34 = arith.constant 0 : i32
    %dma_start3A_35 = tpu.memref_slice %arg3[%dma_start3A_33, %dma_start3A_34] : memref<10000x64xf32, #tpu.memory_space<hbm>> -> memref<10000x64xf32, #tpu.memory_space<hbm>>
    tpu.enqueue_indirect_dma source(%dma_start3A_35 : memref<10000x64xf32, #tpu.memory_space<hbm>>) target(%arg12 : memref<125x64xf32, #tpu.memory_space<vmem>>) offsets(%dma_start3A_32 : memref<125xi32, #tpu.memory_space<vmem>>) semaphore(%arg21 : memref<!tpu.dma_semaphore, #tpu.memory_space<semaphore_mem>>)
    %scan3A_36 = arith.constant 0 : i32
    %scan3A_37 = arith.constant 0 : i32
    %scan3A_38 = arith.constant 40 : i32
    %scan3A_39 = arith.addi %scan3A_37, %scan3A_38 : i32
    %scan3A_40 = arith.constant 1 : i32
    scf.for %scan3A_61 = %scan3A_37 to %scan3A_39 step %scan3A_40  : i32 {
      %mul3A_62 = arith.constant 2 : i32
      %mul3A_63 = arith.muli %mul3A_62, %scan3A_61 : i32
      %add3A_64 = arith.constant 0 : i32
      %add3A_65 = arith.addi %mul3A_63, %add3A_64 : i32
      %add3A_66 = arith.constant 1 : i32
      %add3A_67 = arith.addi %add3A_65, %add3A_66 : i32
      %dma_start3A_68 = arith.constant 0 : i32
      %dma_start3A_69 = tpu.memref_slice %arg8[%add3A_67, %dma_start3A_68] : memref<80x125xi32, #tpu.memory_space<vmem>> -> memref<1x125xi32, #tpu.memory_space<vmem>>
      %dma_start3A_70 = tpu.memref_squeeze %dma_start3A_69 : memref<1x125xi32, #tpu.memory_space<vmem>> -> memref<125xi32, #tpu.memory_space<vmem>>
      %dma_start3A_71 = arith.constant 0 : i32
      %dma_start3A_72 = arith.constant 0 : i32
      %dma_start3A_73 = tpu.memref_slice %arg2[%dma_start3A_71, %dma_start3A_72] : memref<10000x64xf32, #tpu.memory_space<hbm>> -> memref<10000x64xf32, #tpu.memory_space<hbm>>
      tpu.enqueue_indirect_dma source(%dma_start3A_73 : memref<10000x64xf32, #tpu.memory_space<hbm>>) target(%arg11 : memref<125x64xf32, #tpu.memory_space<vmem>>) offsets(%dma_start3A_70 : memref<125xi32, #tpu.memory_space<vmem>>) semaphore(%arg20 : memref<!tpu.dma_semaphore, #tpu.memory_space<semaphore_mem>>)
      %dma_start3A_74 = arith.constant 0 : i32
      %dma_start3A_75 = tpu.memref_slice %arg9[%add3A_67, %dma_start3A_74] : memref<80x125xi32, #tpu.memory_space<vmem>> -> memref<1x125xi32, #tpu.memory_space<vmem>>
      %dma_start3A_76 = tpu.memref_squeeze %dma_start3A_75 : memref<1x125xi32, #tpu.memory_space<vmem>> -> memref<125xi32, #tpu.memory_space<vmem>>
      %dma_start3A_77 = arith.constant 0 : i32
      %dma_start3A_78 = arith.constant 0 : i32
      %dma_start3A_79 = tpu.memref_slice %arg3[%dma_start3A_77, %dma_start3A_78] : memref<10000x64xf32, #tpu.memory_space<hbm>> -> memref<10000x64xf32, #tpu.memory_space<hbm>>
      tpu.enqueue_indirect_dma source(%dma_start3A_79 : memref<10000x64xf32, #tpu.memory_space<hbm>>) target(%arg13 : memref<125x64xf32, #tpu.memory_space<vmem>>) offsets(%dma_start3A_76 : memref<125xi32, #tpu.memory_space<vmem>>) semaphore(%arg22 : memref<!tpu.dma_semaphore, #tpu.memory_space<semaphore_mem>>)
      %dma_wait3A_80 = arith.constant 0 : i32
      %dma_wait3A_81 = tpu.memref_slice %arg8[%add3A_65, %dma_wait3A_80] : memref<80x125xi32, #tpu.memory_space<vmem>> -> memref<1x125xi32, #tpu.memory_space<vmem>>
      %dma_wait3A_82 = tpu.memref_squeeze %dma_wait3A_81 : memref<1x125xi32, #tpu.memory_space<vmem>> -> memref<125xi32, #tpu.memory_space<vmem>>
      %dma_wait3A_83 = arith.constant 0 : i32
      %dma_wait3A_84 = arith.constant 0 : i32
      %dma_wait3A_85 = tpu.memref_slice %arg2[%dma_wait3A_83, %dma_wait3A_84] : memref<10000x64xf32, #tpu.memory_space<hbm>> -> memref<10000x64xf32, #tpu.memory_space<hbm>>
      tpu.wait_indirect_dma semaphore(%arg19 : memref<!tpu.dma_semaphore, #tpu.memory_space<semaphore_mem>>) src(%dma_wait3A_85 : memref<10000x64xf32, #tpu.memory_space<hbm>>) dst(%arg10 : memref<125x64xf32, #tpu.memory_space<vmem>>)
      %dma_wait3A_86 = arith.constant 0 : i32
      %dma_wait3A_87 = tpu.memref_slice %arg9[%add3A_65, %dma_wait3A_86] : memref<80x125xi32, #tpu.memory_space<vmem>> -> memref<1x125xi32, #tpu.memory_space<vmem>>
      %dma_wait3A_88 = tpu.memref_squeeze %dma_wait3A_87 : memref<1x125xi32, #tpu.memory_space<vmem>> -> memref<125xi32, #tpu.memory_space<vmem>>
      %dma_wait3A_89 = arith.constant 0 : i32
      %dma_wait3A_90 = arith.constant 0 : i32
      %dma_wait3A_91 = tpu.memref_slice %arg3[%dma_wait3A_89, %dma_wait3A_90] : memref<10000x64xf32, #tpu.memory_space<hbm>> -> memref<10000x64xf32, #tpu.memory_space<hbm>>
      tpu.wait_indirect_dma semaphore(%arg21 : memref<!tpu.dma_semaphore, #tpu.memory_space<semaphore_mem>>) src(%dma_wait3A_91 : memref<10000x64xf32, #tpu.memory_space<hbm>>) dst(%arg12 : memref<125x64xf32, #tpu.memory_space<vmem>>)
      %gt3A = arith.constant 0 : i32
      %gt3A_92 = arith.cmpi sgt, %scan3A_61, %gt3A : i32
      %convert_element_type3A_93 = arith.extui %gt3A_92 : i1 to i32
      %cond3A_94 = arith.constant 0 : i32
      %cond3A_95 = arith.cmpi ne, %convert_element_type3A_93, %cond3A_94 : i32
      scf.if %cond3A_95 {
        %dma_wait3A_139 = arith.constant 0 : i32
        %dma_wait3A_140 = tpu.memref_slice %arg9[%add3A_65, %dma_wait3A_139] : memref<80x125xi32, #tpu.memory_space<vmem>> -> memref<1x125xi32, #tpu.memory_space<vmem>>
        %dma_wait3A_141 = tpu.memref_squeeze %dma_wait3A_140 : memref<1x125xi32, #tpu.memory_space<vmem>> -> memref<125xi32, #tpu.memory_space<vmem>>
        %dma_wait3A_142 = arith.constant 0 : i32
        %dma_wait3A_143 = arith.constant 0 : i32
        %dma_wait3A_144 = tpu.memref_slice %arg18[%dma_wait3A_142, %dma_wait3A_143] : memref<10000x80xf32, #tpu.memory_space<vmem_shared>> -> memref<10000x80xf32, #tpu.memory_space<vmem_shared>>
        tpu.wait_indirect_dma semaphore(%arg23 : memref<!tpu.dma_semaphore, #tpu.memory_space<semaphore_mem>>) src(%arg14 : memref<125x80xf32, #tpu.memory_space<vmem>>) dst(%dma_wait3A_144 : memref<10000x80xf32, #tpu.memory_space<vmem_shared>>)
      } else {
      }
      %parallel_loop3A = arith.constant 0 : i32
      %parallel_loop3A_96 = arith.constant 125 : i32
      %parallel_loop3A_97 = arith.constant 1 : i32
      scf.for %parallel_loop3A_139 = %parallel_loop3A to %parallel_loop3A_96 step %parallel_loop3A_97  : i32 {
        %parallel_loop3A_140 = arith.index_cast %parallel_loop3A_139 : i32 to index
        %parallel_loop3A_141 = arith.constant 0 : index
        %parallel_loop3A_142 = tpu.vector_load %arg10[%parallel_loop3A_140, %parallel_loop3A_141] {strides = array<i32>} : memref<125x64xf32, #tpu.memory_space<vmem>>, vector<16xf32>,
        %parallel_loop3A_143 = arith.index_cast %parallel_loop3A_139 : i32 to index
        %parallel_loop3A_144 = arith.constant 16 : index
        %parallel_loop3A_145 = tpu.vector_load %arg10[%parallel_loop3A_143, %parallel_loop3A_144] {strides = array<i32>} : memref<125x64xf32, #tpu.memory_space<vmem>>, vector<16xf32>,
        %parallel_loop3A_146 = arith.index_cast %parallel_loop3A_139 : i32 to index
        %parallel_loop3A_147 = arith.constant 32 : index
        %parallel_loop3A_148 = tpu.vector_load %arg10[%parallel_loop3A_146, %parallel_loop3A_147] {strides = array<i32>} : memref<125x64xf32, #tpu.memory_space<vmem>>, vector<16xf32>,
        %parallel_loop3A_149 = arith.index_cast %parallel_loop3A_139 : i32 to index
        %parallel_loop3A_150 = arith.constant 48 : index
        %parallel_loop3A_151 = tpu.vector_load %arg10[%parallel_loop3A_149, %parallel_loop3A_150] {strides = array<i32>} : memref<125x64xf32, #tpu.memory_space<vmem>>, vector<16xf32>,
        %parallel_loop3A_152 = arith.index_cast %parallel_loop3A_139 : i32 to index
        %parallel_loop3A_153 = arith.constant 0 : index
        %parallel_loop3A_154 = tpu.vector_load %arg12[%parallel_loop3A_152, %parallel_loop3A_153] {strides = array<i32>} : memref<125x64xf32, #tpu.memory_space<vmem>>, vector<16xf32>,
        %parallel_loop3A_155 = arith.addf %parallel_loop3A_142, %parallel_loop3A_154 : vector<16xf32>
        %parallel_loop3A_156 = arith.constant 0.000000e+00 : f32
        %parallel_loop3A_157 = vector.broadcast %parallel_loop3A_156 : f32 to vector<16xf32>
        %parallel_loop3A_158 = arith.cmpf oge, %parallel_loop3A_155, %parallel_loop3A_157 : vector<16xf32>
        %parallel_loop3A_159 = arith.constant 2.000000e-01 : f32
        %parallel_loop3A_160 = vector.broadcast %parallel_loop3A_159 : f32 to vector<16xf32>
        %parallel_loop3A_161 = arith.mulf %parallel_loop3A_155, %parallel_loop3A_160 : vector<16xf32>
        %parallel_loop3A_162 = arith.select %parallel_loop3A_158, %parallel_loop3A_155, %parallel_loop3A_161 : vector<16xi1>, vector<16xf32>
        %parallel_loop3A_163 = arith.mulf %parallel_loop3A_162, %get3A_1 : vector<16xf32>
        %parallel_loop3A_164 = arith.index_cast %parallel_loop3A_139 : i32 to index
        %parallel_loop3A_165 = arith.constant 16 : index
        %parallel_loop3A_166 = tpu.vector_load %arg12[%parallel_loop3A_164, %parallel_loop3A_165] {strides = array<i32>} : memref<125x64xf32, #tpu.memory_space<vmem>>, vector<16xf32>,
        %parallel_loop3A_167 = arith.addf %parallel_loop3A_145, %parallel_loop3A_166 : vector<16xf32>
        %parallel_loop3A_168 = arith.constant 0.000000e+00 : f32
        %parallel_loop3A_169 = vector.broadcast %parallel_loop3A_168 : f32 to vector<16xf32>
        %parallel_loop3A_170 = arith.cmpf oge, %parallel_loop3A_167, %parallel_loop3A_169 : vector<16xf32>
        %parallel_loop3A_171 = arith.constant 2.000000e-01 : f32
        %parallel_loop3A_172 = vector.broadcast %parallel_loop3A_171 : f32 to vector<16xf32>
        %parallel_loop3A_173 = arith.mulf %parallel_loop3A_167, %parallel_loop3A_172 : vector<16xf32>
        %parallel_loop3A_174 = arith.select %parallel_loop3A_170, %parallel_loop3A_167, %parallel_loop3A_173 : vector<16xi1>, vector<16xf32>
        %parallel_loop3A_175 = arith.mulf %parallel_loop3A_174, %get3A_3 : vector<16xf32>
        %parallel_loop3A_176 = arith.addf %parallel_loop3A_163, %parallel_loop3A_175 : vector<16xf32>
        %parallel_loop3A_177 = arith.index_cast %parallel_loop3A_139 : i32 to index
        %parallel_loop3A_178 = arith.constant 32 : index
        %parallel_loop3A_179 = tpu.vector_load %arg12[%parallel_loop3A_177, %parallel_loop3A_178] {strides = array<i32>} : memref<125x64xf32, #tpu.memory_space<vmem>>, vector<16xf32>,
        %parallel_loop3A_180 = arith.addf %parallel_loop3A_148, %parallel_loop3A_179 : vector<16xf32>
        %parallel_loop3A_181 = arith.constant 0.000000e+00 : f32
        %parallel_loop3A_182 = vector.broadcast %parallel_loop3A_181 : f32 to vector<16xf32>
        %parallel_loop3A_183 = arith.cmpf oge, %parallel_loop3A_180, %parallel_loop3A_182 : vector<16xf32>
        %parallel_loop3A_184 = arith.constant 2.000000e-01 : f32
        %parallel_loop3A_185 = vector.broadcast %parallel_loop3A_184 : f32 to vector<16xf32>
        %parallel_loop3A_186 = arith.mulf %parallel_loop3A_180, %parallel_loop3A_185 : vector<16xf32>
        %parallel_loop3A_187 = arith.select %parallel_loop3A_183, %parallel_loop3A_180, %parallel_loop3A_186 : vector<16xi1>, vector<16xf32>
        %parallel_loop3A_188 = arith.mulf %parallel_loop3A_187, %get3A_5 : vector<16xf32>
        %parallel_loop3A_189 = arith.addf %parallel_loop3A_176, %parallel_loop3A_188 : vector<16xf32>
        %parallel_loop3A_190 = arith.index_cast %parallel_loop3A_139 : i32 to index
        %parallel_loop3A_191 = arith.constant 48 : index
        %parallel_loop3A_192 = tpu.vector_load %arg12[%parallel_loop3A_190, %parallel_loop3A_191] {strides = array<i32>} : memref<125x64xf32, #tpu.memory_space<vmem>>, vector<16xf32>,
        %parallel_loop3A_193 = arith.addf %parallel_loop3A_151, %parallel_loop3A_192 : vector<16xf32>
        %parallel_loop3A_194 = arith.constant 0.000000e+00 : f32
        %parallel_loop3A_195 = vector.broadcast %parallel_loop3A_194 : f32 to vector<16xf32>
        %parallel_loop3A_196 = arith.cmpf oge, %parallel_loop3A_193, %parallel_loop3A_195 : vector<16xf32>
        %parallel_loop3A_197 = arith.constant 2.000000e-01 : f32
        %parallel_loop3A_198 = vector.broadcast %parallel_loop3A_197 : f32 to vector<16xf32>
        %parallel_loop3A_199 = arith.mulf %parallel_loop3A_193, %parallel_loop3A_198 : vector<16xf32>
        %parallel_loop3A_200 = arith.select %parallel_loop3A_196, %parallel_loop3A_193, %parallel_loop3A_199 : vector<16xi1>, vector<16xf32>
        %parallel_loop3A_201 = arith.mulf %parallel_loop3A_200, %get3A_7 : vector<16xf32>
        %parallel_loop3A_202 = arith.addf %parallel_loop3A_189, %parallel_loop3A_201 : vector<16xf32>
        %parallel_loop3A_203 = arith.constant true
        %parallel_loop3A_204 = vector.broadcast %parallel_loop3A_203 : i1 to vector<16xi1>
        %parallel_loop3A_205 = tpu.scan <sum>, %parallel_loop3A_202 masked %parallel_loop3A_204 : vector<16xf32>, vector<16xi1> -> vector<16xf32>
        %parallel_loop3A_206 = vector.extract %parallel_loop3A_205[15] : f32 from vector<16xf32>
        %parallel_loop3A_207 = vector.broadcast %parallel_loop3A_206 : f32 to vector<16xf32>
        %parallel_loop3A_208 = math.exp %parallel_loop3A_207 : vector<16xf32>
        %parallel_loop3A_209 = arith.mulf %parallel_loop3A_208, %parallel_loop3A_142 : vector<16xf32>
        %parallel_loop3A_210 = arith.mulf %parallel_loop3A_208, %parallel_loop3A_145 : vector<16xf32>
        %parallel_loop3A_211 = arith.mulf %parallel_loop3A_208, %parallel_loop3A_148 : vector<16xf32>
        %parallel_loop3A_212 = arith.mulf %parallel_loop3A_208, %parallel_loop3A_151 : vector<16xf32>
        %parallel_loop3A_213 = arith.index_cast %parallel_loop3A_139 : i32 to index
        %parallel_loop3A_214 = arith.constant 0 : index
        %parallel_loop3A_215 = tpu.vector_load %arg14[%parallel_loop3A_213, %parallel_loop3A_214] {strides = array<i32>} : memref<125x80xf32, #tpu.memory_space<vmem>>, vector<16xf32>,
        tpu.vector_store %arg14[%parallel_loop3A_213, %parallel_loop3A_214], %parallel_loop3A_209 {strides = array<i32>} : memref<125x80xf32, #tpu.memory_space<vmem>>, vector<16xf32>,
        %parallel_loop3A_216 = arith.index_cast %parallel_loop3A_139 : i32 to index
        %parallel_loop3A_217 = arith.constant 16 : index
        %parallel_loop3A_218 = tpu.vector_load %arg14[%parallel_loop3A_216, %parallel_loop3A_217] {strides = array<i32>} : memref<125x80xf32, #tpu.memory_space<vmem>>, vector<16xf32>,
        tpu.vector_store %arg14[%parallel_loop3A_216, %parallel_loop3A_217], %parallel_loop3A_210 {strides = array<i32>} : memref<125x80xf32, #tpu.memory_space<vmem>>, vector<16xf32>,
        %parallel_loop3A_219 = arith.index_cast %parallel_loop3A_139 : i32 to index
        %parallel_loop3A_220 = arith.constant 32 : index
        %parallel_loop3A_221 = tpu.vector_load %arg14[%parallel_loop3A_219, %parallel_loop3A_220] {strides = array<i32>} : memref<125x80xf32, #tpu.memory_space<vmem>>, vector<16xf32>,
        tpu.vector_store %arg14[%parallel_loop3A_219, %parallel_loop3A_220], %parallel_loop3A_211 {strides = array<i32>} : memref<125x80xf32, #tpu.memory_space<vmem>>, vector<16xf32>,
        %parallel_loop3A_222 = arith.index_cast %parallel_loop3A_139 : i32 to index
        %parallel_loop3A_223 = arith.constant 48 : index
        %parallel_loop3A_224 = tpu.vector_load %arg14[%parallel_loop3A_222, %parallel_loop3A_223] {strides = array<i32>} : memref<125x80xf32, #tpu.memory_space<vmem>>, vector<16xf32>,
        tpu.vector_store %arg14[%parallel_loop3A_222, %parallel_loop3A_223], %parallel_loop3A_212 {strides = array<i32>} : memref<125x80xf32, #tpu.memory_space<vmem>>, vector<16xf32>,
        %parallel_loop3A_225 = arith.mulf %parallel_loop3A_208, %select_n3A : vector<16xf32>
        %parallel_loop3A_226 = arith.index_cast %parallel_loop3A_139 : i32 to index
        %parallel_loop3A_227 = arith.constant 64 : index
        %parallel_loop3A_228 = tpu.vector_load %arg14[%parallel_loop3A_226, %parallel_loop3A_227] {strides = array<i32>} : memref<125x80xf32, #tpu.memory_space<vmem>>, vector<16xf32>,
        tpu.vector_store %arg14[%parallel_loop3A_226, %parallel_loop3A_227], %parallel_loop3A_225 {strides = array<i32>} : memref<125x80xf32, #tpu.memory_space<vmem>>, vector<16xf32>,
      } {sc.loop_unroll_factor = 4 : i64, sc.parallel_access}
      %dma_start3A_98 = arith.constant 0 : i32
      %dma_start3A_99 = tpu.memref_slice %arg9[%add3A_65, %dma_start3A_98] : memref<80x125xi32, #tpu.memory_space<vmem>> -> memref<1x125xi32, #tpu.memory_space<vmem>>
      %dma_start3A_100 = tpu.memref_squeeze %dma_start3A_99 : memref<1x125xi32, #tpu.memory_space<vmem>> -> memref<125xi32, #tpu.memory_space<vmem>>
      %dma_start3A_101 = arith.constant 0 : i32
      %dma_start3A_102 = arith.constant 0 : i32
      %dma_start3A_103 = tpu.memref_slice %arg18[%dma_start3A_101, %dma_start3A_102] : memref<10000x80xf32, #tpu.memory_space<vmem_shared>> -> memref<10000x80xf32, #tpu.memory_space<vmem_shared>>
      tpu.enqueue_indirect_dma source(%arg14 : memref<125x80xf32, #tpu.memory_space<vmem>>) target(%dma_start3A_103 : memref<10000x80xf32, #tpu.memory_space<vmem_shared>>) offsets(%dma_start3A_100 : memref<125xi32, #tpu.memory_space<vmem>>) semaphore(%arg23 : memref<!tpu.dma_semaphore, #tpu.memory_space<semaphore_mem>>) {add = true}
      %add3A_104 = arith.constant 1 : i32
      %add3A_105 = arith.addi %mul3A_63, %add3A_104 : i32
      %dma_wait3A_106 = arith.constant 0 : i32
      %dma_wait3A_107 = tpu.memref_slice %arg8[%add3A_105, %dma_wait3A_106] : memref<80x125xi32, #tpu.memory_space<vmem>> -> memref<1x125xi32, #tpu.memory_space<vmem>>
      %dma_wait3A_108 = tpu.memref_squeeze %dma_wait3A_107 : memref<1x125xi32, #tpu.memory_space<vmem>> -> memref<125xi32, #tpu.memory_space<vmem>>
      %dma_wait3A_109 = arith.constant 0 : i32
      %dma_wait3A_110 = arith.constant 0 : i32
      %dma_wait3A_111 = tpu.memref_slice %arg2[%dma_wait3A_109, %dma_wait3A_110] : memref<10000x64xf32, #tpu.memory_space<hbm>> -> memref<10000x64xf32, #tpu.memory_space<hbm>>
      tpu.wait_indirect_dma semaphore(%arg20 : memref<!tpu.dma_semaphore, #tpu.memory_space<semaphore_mem>>) src(%dma_wait3A_111 : memref<10000x64xf32, #tpu.memory_space<hbm>>) dst(%arg11 : memref<125x64xf32, #tpu.memory_space<vmem>>)
      %dma_wait3A_112 = arith.constant 0 : i32
      %dma_wait3A_113 = tpu.memref_slice %arg9[%add3A_105, %dma_wait3A_112] : memref<80x125xi32, #tpu.memory_space<vmem>> -> memref<1x125xi32, #tpu.memory_space<vmem>>
      %dma_wait3A_114 = tpu.memref_squeeze %dma_wait3A_113 : memref<1x125xi32, #tpu.memory_space<vmem>> -> memref<125xi32, #tpu.memory_space<vmem>>
      %dma_wait3A_115 = arith.constant 0 : i32
      %dma_wait3A_116 = arith.constant 0 : i32
      %dma_wait3A_117 = tpu.memref_slice %arg3[%dma_wait3A_115, %dma_wait3A_116] : memref<10000x64xf32, #tpu.memory_space<hbm>> -> memref<10000x64xf32, #tpu.memory_space<hbm>>
      tpu.wait_indirect_dma semaphore(%arg22 : memref<!tpu.dma_semaphore, #tpu.memory_space<semaphore_mem>>) src(%dma_wait3A_117 : memref<10000x64xf32, #tpu.memory_space<hbm>>) dst(%arg13 : memref<125x64xf32, #tpu.memory_space<vmem>>)
      %gt3A_118 = arith.constant 0 : i32
      %gt3A_119 = arith.cmpi sgt, %scan3A_61, %gt3A_118 : i32
      %convert_element_type3A_120 = arith.extui %gt3A_119 : i1 to i32
      %cond3A_121 = arith.constant 0 : i32
      %cond3A_122 = arith.cmpi ne, %convert_element_type3A_120, %cond3A_121 : i32
      scf.if %cond3A_122 {
        %dma_wait3A_139 = arith.constant 0 : i32
        %dma_wait3A_140 = tpu.memref_slice %arg9[%add3A_105, %dma_wait3A_139] : memref<80x125xi32, #tpu.memory_space<vmem>> -> memref<1x125xi32, #tpu.memory_space<vmem>>
        %dma_wait3A_141 = tpu.memref_squeeze %dma_wait3A_140 : memref<1x125xi32, #tpu.memory_space<vmem>> -> memref<125xi32, #tpu.memory_space<vmem>>
        %dma_wait3A_142 = arith.constant 0 : i32
        %dma_wait3A_143 = arith.constant 0 : i32
        %dma_wait3A_144 = tpu.memref_slice %arg18[%dma_wait3A_142, %dma_wait3A_143] : memref<10000x80xf32, #tpu.memory_space<vmem_shared>> -> memref<10000x80xf32, #tpu.memory_space<vmem_shared>>
        tpu.wait_indirect_dma semaphore(%arg24 : memref<!tpu.dma_semaphore, #tpu.memory_space<semaphore_mem>>) src(%arg15 : memref<125x80xf32, #tpu.memory_space<vmem>>) dst(%dma_wait3A_144 : memref<10000x80xf32, #tpu.memory_space<vmem_shared>>)
      } else {
      }
      %parallel_loop3A_123 = arith.constant 0 : i32
      %parallel_loop3A_124 = arith.constant 125 : i32
      %parallel_loop3A_125 = arith.constant 1 : i32
      scf.for %parallel_loop3A_139 = %parallel_loop3A_123 to %parallel_loop3A_124 step %parallel_loop3A_125  : i32 {
        %parallel_loop3A_140 = arith.index_cast %parallel_loop3A_139 : i32 to index
        %parallel_loop3A_141 = arith.constant 0 : index
        %parallel_loop3A_142 = tpu.vector_load %arg11[%parallel_loop3A_140, %parallel_loop3A_141] {strides = array<i32>} : memref<125x64xf32, #tpu.memory_space<vmem>>, vector<16xf32>,
        %parallel_loop3A_143 = arith.index_cast %parallel_loop3A_139 : i32 to index
        %parallel_loop3A_144 = arith.constant 16 : index
        %parallel_loop3A_145 = tpu.vector_load %arg11[%parallel_loop3A_143, %parallel_loop3A_144] {strides = array<i32>} : memref<125x64xf32, #tpu.memory_space<vmem>>, vector<16xf32>,
        %parallel_loop3A_146 = arith.index_cast %parallel_loop3A_139 : i32 to index
        %parallel_loop3A_147 = arith.constant 32 : index
        %parallel_loop3A_148 = tpu.vector_load %arg11[%parallel_loop3A_146, %parallel_loop3A_147] {strides = array<i32>} : memref<125x64xf32, #tpu.memory_space<vmem>>, vector<16xf32>,
        %parallel_loop3A_149 = arith.index_cast %parallel_loop3A_139 : i32 to index
        %parallel_loop3A_150 = arith.constant 48 : index
        %parallel_loop3A_151 = tpu.vector_load %arg11[%parallel_loop3A_149, %parallel_loop3A_150] {strides = array<i32>} : memref<125x64xf32, #tpu.memory_space<vmem>>, vector<16xf32>,
        %parallel_loop3A_152 = arith.index_cast %parallel_loop3A_139 : i32 to index
        %parallel_loop3A_153 = arith.constant 0 : index
        %parallel_loop3A_154 = tpu.vector_load %arg13[%parallel_loop3A_152, %parallel_loop3A_153] {strides = array<i32>} : memref<125x64xf32, #tpu.memory_space<vmem>>, vector<16xf32>,
        %parallel_loop3A_155 = arith.addf %parallel_loop3A_142, %parallel_loop3A_154 : vector<16xf32>
        %parallel_loop3A_156 = arith.constant 0.000000e+00 : f32
        %parallel_loop3A_157 = vector.broadcast %parallel_loop3A_156 : f32 to vector<16xf32>
        %parallel_loop3A_158 = arith.cmpf oge, %parallel_loop3A_155, %parallel_loop3A_157 : vector<16xf32>
        %parallel_loop3A_159 = arith.constant 2.000000e-01 : f32
        %parallel_loop3A_160 = vector.broadcast %parallel_loop3A_159 : f32 to vector<16xf32>
        %parallel_loop3A_161 = arith.mulf %parallel_loop3A_155, %parallel_loop3A_160 : vector<16xf32>
        %parallel_loop3A_162 = arith.select %parallel_loop3A_158, %parallel_loop3A_155, %parallel_loop3A_161 : vector<16xi1>, vector<16xf32>
        %parallel_loop3A_163 = arith.mulf %parallel_loop3A_162, %get3A_1 : vector<16xf32>
        %parallel_loop3A_164 = arith.index_cast %parallel_loop3A_139 : i32 to index
        %parallel_loop3A_165 = arith.constant 16 : index
        %parallel_loop3A_166 = tpu.vector_load %arg13[%parallel_loop3A_164, %parallel_loop3A_165] {strides = array<i32>} : memref<125x64xf32, #tpu.memory_space<vmem>>, vector<16xf32>,
        %parallel_loop3A_167 = arith.addf %parallel_loop3A_145, %parallel_loop3A_166 : vector<16xf32>
        %parallel_loop3A_168 = arith.constant 0.000000e+00 : f32
        %parallel_loop3A_169 = vector.broadcast %parallel_loop3A_168 : f32 to vector<16xf32>
        %parallel_loop3A_170 = arith.cmpf oge, %parallel_loop3A_167, %parallel_loop3A_169 : vector<16xf32>
        %parallel_loop3A_171 = arith.constant 2.000000e-01 : f32
        %parallel_loop3A_172 = vector.broadcast %parallel_loop3A_171 : f32 to vector<16xf32>
        %parallel_loop3A_173 = arith.mulf %parallel_loop3A_167, %parallel_loop3A_172 : vector<16xf32>
        %parallel_loop3A_174 = arith.select %parallel_loop3A_170, %parallel_loop3A_167, %parallel_loop3A_173 : vector<16xi1>, vector<16xf32>
        %parallel_loop3A_175 = arith.mulf %parallel_loop3A_174, %get3A_3 : vector<16xf32>
        %parallel_loop3A_176 = arith.addf %parallel_loop3A_163, %parallel_loop3A_175 : vector<16xf32>
        %parallel_loop3A_177 = arith.index_cast %parallel_loop3A_139 : i32 to index
        %parallel_loop3A_178 = arith.constant 32 : index
        %parallel_loop3A_179 = tpu.vector_load %arg13[%parallel_loop3A_177, %parallel_loop3A_178] {strides = array<i32>} : memref<125x64xf32, #tpu.memory_space<vmem>>, vector<16xf32>,
        %parallel_loop3A_180 = arith.addf %parallel_loop3A_148, %parallel_loop3A_179 : vector<16xf32>
        %parallel_loop3A_181 = arith.constant 0.000000e+00 : f32
        %parallel_loop3A_182 = vector.broadcast %parallel_loop3A_181 : f32 to vector<16xf32>
        %parallel_loop3A_183 = arith.cmpf oge, %parallel_loop3A_180, %parallel_loop3A_182 : vector<16xf32>
        %parallel_loop3A_184 = arith.constant 2.000000e-01 : f32
        %parallel_loop3A_185 = vector.broadcast %parallel_loop3A_184 : f32 to vector<16xf32>
        %parallel_loop3A_186 = arith.mulf %parallel_loop3A_180, %parallel_loop3A_185 : vector<16xf32>
        %parallel_loop3A_187 = arith.select %parallel_loop3A_183, %parallel_loop3A_180, %parallel_loop3A_186 : vector<16xi1>, vector<16xf32>
        %parallel_loop3A_188 = arith.mulf %parallel_loop3A_187, %get3A_5 : vector<16xf32>
        %parallel_loop3A_189 = arith.addf %parallel_loop3A_176, %parallel_loop3A_188 : vector<16xf32>
        %parallel_loop3A_190 = arith.index_cast %parallel_loop3A_139 : i32 to index
        %parallel_loop3A_191 = arith.constant 48 : index
        %parallel_loop3A_192 = tpu.vector_load %arg13[%parallel_loop3A_190, %parallel_loop3A_191] {strides = array<i32>} : memref<125x64xf32, #tpu.memory_space<vmem>>, vector<16xf32>,
        %parallel_loop3A_193 = arith.addf %parallel_loop3A_151, %parallel_loop3A_192 : vector<16xf32>
        %parallel_loop3A_194 = arith.constant 0.000000e+00 : f32
        %parallel_loop3A_195 = vector.broadcast %parallel_loop3A_194 : f32 to vector<16xf32>
        %parallel_loop3A_196 = arith.cmpf oge, %parallel_loop3A_193, %parallel_loop3A_195 : vector<16xf32>
        %parallel_loop3A_197 = arith.constant 2.000000e-01 : f32
        %parallel_loop3A_198 = vector.broadcast %parallel_loop3A_197 : f32 to vector<16xf32>
        %parallel_loop3A_199 = arith.mulf %parallel_loop3A_193, %parallel_loop3A_198 : vector<16xf32>
        %parallel_loop3A_200 = arith.select %parallel_loop3A_196, %parallel_loop3A_193, %parallel_loop3A_199 : vector<16xi1>, vector<16xf32>
        %parallel_loop3A_201 = arith.mulf %parallel_loop3A_200, %get3A_7 : vector<16xf32>
        %parallel_loop3A_202 = arith.addf %parallel_loop3A_189, %parallel_loop3A_201 : vector<16xf32>
        %parallel_loop3A_203 = arith.constant true
        %parallel_loop3A_204 = vector.broadcast %parallel_loop3A_203 : i1 to vector<16xi1>
        %parallel_loop3A_205 = tpu.scan <sum>, %parallel_loop3A_202 masked %parallel_loop3A_204 : vector<16xf32>, vector<16xi1> -> vector<16xf32>
        %parallel_loop3A_206 = vector.extract %parallel_loop3A_205[15] : f32 from vector<16xf32>
        %parallel_loop3A_207 = vector.broadcast %parallel_loop3A_206 : f32 to vector<16xf32>
        %parallel_loop3A_208 = math.exp %parallel_loop3A_207 : vector<16xf32>
        %parallel_loop3A_209 = arith.mulf %parallel_loop3A_208, %parallel_loop3A_142 : vector<16xf32>
        %parallel_loop3A_210 = arith.mulf %parallel_loop3A_208, %parallel_loop3A_145 : vector<16xf32>
        %parallel_loop3A_211 = arith.mulf %parallel_loop3A_208, %parallel_loop3A_148 : vector<16xf32>
        %parallel_loop3A_212 = arith.mulf %parallel_loop3A_208, %parallel_loop3A_151 : vector<16xf32>
        %parallel_loop3A_213 = arith.index_cast %parallel_loop3A_139 : i32 to index
        %parallel_loop3A_214 = arith.constant 0 : index
        %parallel_loop3A_215 = tpu.vector_load %arg15[%parallel_loop3A_213, %parallel_loop3A_214] {strides = array<i32>} : memref<125x80xf32, #tpu.memory_space<vmem>>, vector<16xf32>,
        tpu.vector_store %arg15[%parallel_loop3A_213, %parallel_loop3A_214], %parallel_loop3A_209 {strides = array<i32>} : memref<125x80xf32, #tpu.memory_space<vmem>>, vector<16xf32>,
        %parallel_loop3A_216 = arith.index_cast %parallel_loop3A_139 : i32 to index
        %parallel_loop3A_217 = arith.constant 16 : index
        %parallel_loop3A_218 = tpu.vector_load %arg15[%parallel_loop3A_216, %parallel_loop3A_217] {strides = array<i32>} : memref<125x80xf32, #tpu.memory_space<vmem>>, vector<16xf32>,
        tpu.vector_store %arg15[%parallel_loop3A_216, %parallel_loop3A_217], %parallel_loop3A_210 {strides = array<i32>} : memref<125x80xf32, #tpu.memory_space<vmem>>, vector<16xf32>,
        %parallel_loop3A_219 = arith.index_cast %parallel_loop3A_139 : i32 to index
        %parallel_loop3A_220 = arith.constant 32 : index
        %parallel_loop3A_221 = tpu.vector_load %arg15[%parallel_loop3A_219, %parallel_loop3A_220] {strides = array<i32>} : memref<125x80xf32, #tpu.memory_space<vmem>>, vector<16xf32>,
        tpu.vector_store %arg15[%parallel_loop3A_219, %parallel_loop3A_220], %parallel_loop3A_211 {strides = array<i32>} : memref<125x80xf32, #tpu.memory_space<vmem>>, vector<16xf32>,
        %parallel_loop3A_222 = arith.index_cast %parallel_loop3A_139 : i32 to index
        %parallel_loop3A_223 = arith.constant 48 : index
        %parallel_loop3A_224 = tpu.vector_load %arg15[%parallel_loop3A_222, %parallel_loop3A_223] {strides = array<i32>} : memref<125x80xf32, #tpu.memory_space<vmem>>, vector<16xf32>,
        tpu.vector_store %arg15[%parallel_loop3A_222, %parallel_loop3A_223], %parallel_loop3A_212 {strides = array<i32>} : memref<125x80xf32, #tpu.memory_space<vmem>>, vector<16xf32>,
        %parallel_loop3A_225 = arith.mulf %parallel_loop3A_208, %select_n3A : vector<16xf32>
        %parallel_loop3A_226 = arith.index_cast %parallel_loop3A_139 : i32 to index
        %parallel_loop3A_227 = arith.constant 64 : index
        %parallel_loop3A_228 = tpu.vector_load %arg15[%parallel_loop3A_226, %parallel_loop3A_227] {strides = array<i32>} : memref<125x80xf32, #tpu.memory_space<vmem>>, vector<16xf32>,
        tpu.vector_store %arg15[%parallel_loop3A_226, %parallel_loop3A_227], %parallel_loop3A_225 {strides = array<i32>} : memref<125x80xf32, #tpu.memory_space<vmem>>, vector<16xf32>,
      } {sc.loop_unroll_factor = 4 : i64, sc.parallel_access}
      %dma_start3A_126 = arith.constant 0 : i32
      %dma_start3A_127 = tpu.memref_slice %arg9[%add3A_105, %dma_start3A_126] : memref<80x125xi32, #tpu.memory_space<vmem>> -> memref<1x125xi32, #tpu.memory_space<vmem>>
      %dma_start3A_128 = tpu.memref_squeeze %dma_start3A_127 : memref<1x125xi32, #tpu.memory_space<vmem>> -> memref<125xi32, #tpu.memory_space<vmem>>
      %dma_start3A_129 = arith.constant 0 : i32
      %dma_start3A_130 = arith.constant 0 : i32
      %dma_start3A_131 = tpu.memref_slice %arg18[%dma_start3A_129, %dma_start3A_130] : memref<10000x80xf32, #tpu.memory_space<vmem_shared>> -> memref<10000x80xf32, #tpu.memory_space<vmem_shared>>
      tpu.enqueue_indirect_dma source(%arg15 : memref<125x80xf32, #tpu.memory_space<vmem>>) target(%dma_start3A_131 : memref<10000x80xf32, #tpu.memory_space<vmem_shared>>) offsets(%dma_start3A_128 : memref<125xi32, #tpu.memory_space<vmem>>) semaphore(%arg24 : memref<!tpu.dma_semaphore, #tpu.memory_space<semaphore_mem>>) {add = true}
      %add3A_132 = arith.constant 1 : i32
      %add3A_133 = arith.addi %add3A_105, %add3A_132 : i32
      %lt3A_134 = arith.constant 80 : i32
      %lt3A_135 = arith.cmpi slt, %add3A_133, %lt3A_134 : i32
      %convert_element_type3A_136 = arith.extui %lt3A_135 : i1 to i32
      %cond3A_137 = arith.constant 0 : i32
      %cond3A_138 = arith.cmpi ne, %convert_element_type3A_136, %cond3A_137 : i32
      scf.if %cond3A_138 {
        %add3A_139 = arith.constant 1 : i32
        %add3A_140 = arith.addi %add3A_105, %add3A_139 : i32
        %dma_start3A_141 = arith.constant 0 : i32
        %dma_start3A_142 = tpu.memref_slice %arg8[%add3A_140, %dma_start3A_141] : memref<80x125xi32, #tpu.memory_space<vmem>> -> memref<1x125xi32, #tpu.memory_space<vmem>>
        %dma_start3A_143 = tpu.memref_squeeze %dma_start3A_142 : memref<1x125xi32, #tpu.memory_space<vmem>> -> memref<125xi32, #tpu.memory_space<vmem>>
        %dma_start3A_144 = arith.constant 0 : i32
        %dma_start3A_145 = arith.constant 0 : i32
        %dma_start3A_146 = tpu.memref_slice %arg2[%dma_start3A_144, %dma_start3A_145] : memref<10000x64xf32, #tpu.memory_space<hbm>> -> memref<10000x64xf32, #tpu.memory_space<hbm>>
        tpu.enqueue_indirect_dma source(%dma_start3A_146 : memref<10000x64xf32, #tpu.memory_space<hbm>>) target(%arg10 : memref<125x64xf32, #tpu.memory_space<vmem>>) offsets(%dma_start3A_143 : memref<125xi32, #tpu.memory_space<vmem>>) semaphore(%arg19 : memref<!tpu.dma_semaphore, #tpu.memory_space<semaphore_mem>>)
        %dma_start3A_147 = arith.constant 0 : i32
        %dma_start3A_148 = tpu.memref_slice %arg9[%add3A_140, %dma_start3A_147] : memref<80x125xi32, #tpu.memory_space<vmem>> -> memref<1x125xi32, #tpu.memory_space<vmem>>
        %dma_start3A_149 = tpu.memref_squeeze %dma_start3A_148 : memref<1x125xi32, #tpu.memory_space<vmem>> -> memref<125xi32, #tpu.memory_space<vmem>>
        %dma_start3A_150 = arith.constant 0 : i32
        %dma_start3A_151 = arith.constant 0 : i32
        %dma_start3A_152 = tpu.memref_slice %arg3[%dma_start3A_150, %dma_start3A_151] : memref<10000x64xf32, #tpu.memory_space<hbm>> -> memref<10000x64xf32, #tpu.memory_space<hbm>>
        tpu.enqueue_indirect_dma source(%dma_start3A_152 : memref<10000x64xf32, #tpu.memory_space<hbm>>) target(%arg12 : memref<125x64xf32, #tpu.memory_space<vmem>>) offsets(%dma_start3A_149 : memref<125xi32, #tpu.memory_space<vmem>>) semaphore(%arg21 : memref<!tpu.dma_semaphore, #tpu.memory_space<semaphore_mem>>)
      } else {
      }
    }
    %scan3A_41 = arith.constant 40 : i32
    %dma_wait3A = arith.constant 78 : i32
    %dma_wait3A_42 = arith.constant 0 : i32
    %dma_wait3A_43 = tpu.memref_slice %arg9[%dma_wait3A, %dma_wait3A_42] : memref<80x125xi32, #tpu.memory_space<vmem>> -> memref<1x125xi32, #tpu.memory_space<vmem>>
    %dma_wait3A_44 = tpu.memref_squeeze %dma_wait3A_43 : memref<1x125xi32, #tpu.memory_space<vmem>> -> memref<125xi32, #tpu.memory_space<vmem>>
    %dma_wait3A_45 = arith.constant 0 : i32
    %dma_wait3A_46 = arith.constant 0 : i32
    %dma_wait3A_47 = tpu.memref_slice %arg18[%dma_wait3A_45, %dma_wait3A_46] : memref<10000x80xf32, #tpu.memory_space<vmem_shared>> -> memref<10000x80xf32, #tpu.memory_space<vmem_shared>>
    tpu.wait_indirect_dma semaphore(%arg23 : memref<!tpu.dma_semaphore, #tpu.memory_space<semaphore_mem>>) src(%arg14 : memref<125x80xf32, #tpu.memory_space<vmem>>) dst(%dma_wait3A_47 : memref<10000x80xf32, #tpu.memory_space<vmem_shared>>)
    %dma_wait3A_48 = arith.constant 79 : i32
    %dma_wait3A_49 = arith.constant 0 : i32
    %dma_wait3A_50 = tpu.memref_slice %arg9[%dma_wait3A_48, %dma_wait3A_49] : memref<80x125xi32, #tpu.memory_space<vmem>> -> memref<1x125xi32, #tpu.memory_space<vmem>>
    %dma_wait3A_51 = tpu.memref_squeeze %dma_wait3A_50 : memref<1x125xi32, #tpu.memory_space<vmem>> -> memref<125xi32, #tpu.memory_space<vmem>>
    %dma_wait3A_52 = arith.constant 0 : i32
    %dma_wait3A_53 = arith.constant 0 : i32
    %dma_wait3A_54 = tpu.memref_slice %arg18[%dma_wait3A_52, %dma_wait3A_53] : memref<10000x80xf32, #tpu.memory_space<vmem_shared>> -> memref<10000x80xf32, #tpu.memory_space<vmem_shared>>
    tpu.wait_indirect_dma semaphore(%arg24 : memref<!tpu.dma_semaphore, #tpu.memory_space<semaphore_mem>>) src(%arg15 : memref<125x80xf32, #tpu.memory_space<vmem>>) dst(%dma_wait3A_54 : memref<10000x80xf32, #tpu.memory_space<vmem_shared>>)
    %barrier3A_55 = arith.constant 0 : index
    tpu.barrier barrier_id(%barrier3A_55)
    %lt3A_56 = arith.constant 10 : i32
    %lt3A_57 = arith.cmpi slt, %arg1, %lt3A_56 : i32
    %convert_element_type3A_58 = arith.extui %lt3A_57 : i1 to i32
    %cond3A_59 = arith.constant 0 : i32
    %cond3A_60 = arith.cmpi ne, %convert_element_type3A_58, %cond3A_59 : i32
    scf.if %cond3A_60 {
      "tpu.region"() ({
        %run_scoped3A = tpu.sem_alloc : memref<!tpu.dma_semaphore, #tpu.memory_space<semaphore_mem>>
        %dma_start3A_61 = arith.constant 0 : i32
        %dma_start3A_62 = tpu.memref_slice %arg7[%arg0, %mul3A_20, %dma_start3A_61] : memref<2x10000x80xf32, #tpu.memory_space<hbm>> -> memref<1x1000x80xf32, #tpu.memory_space<hbm>>
        %dma_start3A_63 = tpu.memref_squeeze %dma_start3A_62 : memref<1x1000x80xf32, #tpu.memory_space<hbm>> -> memref<1000x80xf32, #tpu.memory_space<hbm>>
        %dma_start3A_64 = arith.constant 0 : i32
        %dma_start3A_65 = tpu.memref_slice %arg18[%mul3A_20, %dma_start3A_64] : memref<10000x80xf32, #tpu.memory_space<vmem_shared>> -> memref<1000x80xf32, #tpu.memory_space<vmem_shared>>
        tpu.enqueue_dma source(%dma_start3A_65 : memref<1000x80xf32, #tpu.memory_space<vmem_shared>>) target(%dma_start3A_63 : memref<1000x80xf32, #tpu.memory_space<hbm>>) target_semaphore(%run_scoped3A : memref<!tpu.dma_semaphore, #tpu.memory_space<semaphore_mem>>)
        %dma_wait3A_66 = arith.constant 0 : i32
        %dma_wait3A_67 = tpu.memref_slice %arg7[%arg0, %mul3A_20, %dma_wait3A_66] : memref<2x10000x80xf32, #tpu.memory_space<hbm>> -> memref<1x1000x80xf32, #tpu.memory_space<hbm>>
        %dma_wait3A_68 = tpu.memref_squeeze %dma_wait3A_67 : memref<1x1000x80xf32, #tpu.memory_space<hbm>> -> memref<1000x80xf32, #tpu.memory_space<hbm>>
        %dma_wait3A_69 = arith.constant 0 : i32
        %dma_wait3A_70 = tpu.memref_slice %arg18[%mul3A_20, %dma_wait3A_69] : memref<10000x80xf32, #tpu.memory_space<vmem_shared>> -> memref<1000x80xf32, #tpu.memory_space<vmem_shared>>
        tpu.wait_dma2 semaphore(%run_scoped3A : memref<!tpu.dma_semaphore, #tpu.memory_space<semaphore_mem>>) src(%dma_wait3A_70 : memref<1000x80xf32, #tpu.memory_space<vmem_shared>>) dst(%dma_wait3A_68 : memref<1000x80xf32, #tpu.memory_space<hbm>>)
        tpu.yield
      }) : () -> ()
    } else {
    }
    return
  }
}

#map = affine_map<(d0, d1) -> (0, 0)>
#map1 = affine_map<(d0, d1) -> (0, 0, 0)>
#map2 = affine_map<(d0, d1) -> (0)>
module attributes {stable_mosaic.version = 14 : i64} {
  func.func @kern(%arg0: i32, %arg1: i32, %arg2: memref<10000x32xf32, #tpu.memory_space<hbm>>, %arg3: memref<10000x32xf32, #tpu.memory_space<hbm>>, %arg4: memref<32x40x250xi32, #tpu.memory_space<hbm>>, %arg5: memref<32x40x250xi32, #tpu.memory_space<hbm>>, %arg6: memref<16xf32, #tpu.memory_space<hbm>>, %arg7: memref<2x10000x32xf32, #tpu.memory_space<hbm>>, %arg8: memref<40x250xi32, #tpu.memory_space<vmem>>, %arg9: memref<40x250xi32, #tpu.memory_space<vmem>>, %arg10: memref<250x32xf32, #tpu.memory_space<vmem>>, %arg11: memref<250x32xf32, #tpu.memory_space<vmem>>, %arg12: memref<250x32xf32, #tpu.memory_space<vmem>>, %arg13: memref<250x32xf32, #tpu.memory_space<vmem>>, %arg14: memref<250x32xf32, #tpu.memory_space<vmem>>, %arg15: memref<250x32xf32, #tpu.memory_space<vmem>>, %arg16: memref<16xf32, #tpu.memory_space<vmem>>, %arg17: memref<8x32xf32, #tpu.memory_space<vmem>>, %arg18: memref<10000x32xf32, #tpu.memory_space<vmem_shared>>, %arg19: memref<!tpu.dma_semaphore, #tpu.memory_space<semaphore_mem>>, %arg20: memref<!tpu.dma_semaphore, #tpu.memory_space<semaphore_mem>>, %arg21: memref<!tpu.dma_semaphore, #tpu.memory_space<semaphore_mem>>, %arg22: memref<!tpu.dma_semaphore, #tpu.memory_space<semaphore_mem>>, %arg23: memref<!tpu.dma_semaphore, #tpu.memory_space<semaphore_mem>>, %arg24: memref<!tpu.dma_semaphore, #tpu.memory_space<semaphore_mem>>) attributes {dimension_semantics = [#tpu.dimension_semantics<core_parallel>, #tpu.dimension_semantics<subcore_parallel>], iteration_bounds = array<i64: 2, 16>, scalar_prefetch = 0 : i64, scratch_operands = 17 : i64, tpu.core_type = #tpu.core_type<sc_vector_subcore>, window_params = [{transform_indices = #map}, {transform_indices = #map}, {transform_indices = #map1}, {transform_indices = #map1}, {transform_indices = #map2}, {transform_indices = #map1}]} {
    %mul3A = arith.constant 2 : i32
    %mul3A_0 = arith.muli %arg1, %mul3A : i32
    %add3A = arith.addi %mul3A_0, %arg0 : i32
    "tpu.region"() ({
      %run_scoped3A = tpu.sem_alloc : memref<!tpu.dma_semaphore, #tpu.memory_space<semaphore_mem>>
      %dma_start3A_29 = arith.constant 0 : i32
      %dma_start3A_30 = arith.constant 0 : i32
      %dma_start3A_31 = tpu.memref_slice %arg4[%add3A, %dma_start3A_29, %dma_start3A_30] : memref<32x40x250xi32, #tpu.memory_space<hbm>> -> memref<1x40x250xi32, #tpu.memory_space<hbm>>
      %dma_start3A_32 = tpu.memref_squeeze %dma_start3A_31 : memref<1x40x250xi32, #tpu.memory_space<hbm>> -> memref<40x250xi32, #tpu.memory_space<hbm>>
      %dma_start3A_33 = arith.constant 0 : i32
      %dma_start3A_34 = arith.constant 0 : i32
      %dma_start3A_35 = tpu.memref_slice %arg4[%add3A, %dma_start3A_33, %dma_start3A_34] : memref<32x40x250xi32, #tpu.memory_space<hbm>> -> memref<1x40x250xi32, #tpu.memory_space<hbm>>
      %dma_start3A_36 = tpu.memref_squeeze %dma_start3A_35 : memref<1x40x250xi32, #tpu.memory_space<hbm>> -> memref<40x250xi32, #tpu.memory_space<hbm>>
      tpu.enqueue_dma source(%dma_start3A_36 : memref<40x250xi32, #tpu.memory_space<hbm>>) target(%arg8 : memref<40x250xi32, #tpu.memory_space<vmem>>) target_semaphore(%run_scoped3A : memref<!tpu.dma_semaphore, #tpu.memory_space<semaphore_mem>>)
      %dma_wait3A = arith.constant 0 : i32
      %dma_wait3A_37 = arith.constant 0 : i32
      %dma_wait3A_38 = tpu.memref_slice %arg4[%add3A, %dma_wait3A, %dma_wait3A_37] : memref<32x40x250xi32, #tpu.memory_space<hbm>> -> memref<1x40x250xi32, #tpu.memory_space<hbm>>
      %dma_wait3A_39 = tpu.memref_squeeze %dma_wait3A_38 : memref<1x40x250xi32, #tpu.memory_space<hbm>> -> memref<40x250xi32, #tpu.memory_space<hbm>>
      %dma_wait3A_40 = arith.constant 0 : i32
      %dma_wait3A_41 = arith.constant 0 : i32
      %dma_wait3A_42 = tpu.memref_slice %arg4[%add3A, %dma_wait3A_40, %dma_wait3A_41] : memref<32x40x250xi32, #tpu.memory_space<hbm>> -> memref<1x40x250xi32, #tpu.memory_space<hbm>>
      %dma_wait3A_43 = tpu.memref_squeeze %dma_wait3A_42 : memref<1x40x250xi32, #tpu.memory_space<hbm>> -> memref<40x250xi32, #tpu.memory_space<hbm>>
      tpu.wait_dma2 semaphore(%run_scoped3A : memref<!tpu.dma_semaphore, #tpu.memory_space<semaphore_mem>>) src(%dma_wait3A_43 : memref<40x250xi32, #tpu.memory_space<hbm>>) dst(%arg8 : memref<40x250xi32, #tpu.memory_space<vmem>>)
      tpu.yield
    }) : () -> ()
    "tpu.region"() ({
      %run_scoped3A = tpu.sem_alloc : memref<!tpu.dma_semaphore, #tpu.memory_space<semaphore_mem>>
      %dma_start3A_29 = arith.constant 0 : i32
      %dma_start3A_30 = arith.constant 0 : i32
      %dma_start3A_31 = tpu.memref_slice %arg5[%add3A, %dma_start3A_29, %dma_start3A_30] : memref<32x40x250xi32, #tpu.memory_space<hbm>> -> memref<1x40x250xi32, #tpu.memory_space<hbm>>
      %dma_start3A_32 = tpu.memref_squeeze %dma_start3A_31 : memref<1x40x250xi32, #tpu.memory_space<hbm>> -> memref<40x250xi32, #tpu.memory_space<hbm>>
      %dma_start3A_33 = arith.constant 0 : i32
      %dma_start3A_34 = arith.constant 0 : i32
      %dma_start3A_35 = tpu.memref_slice %arg5[%add3A, %dma_start3A_33, %dma_start3A_34] : memref<32x40x250xi32, #tpu.memory_space<hbm>> -> memref<1x40x250xi32, #tpu.memory_space<hbm>>
      %dma_start3A_36 = tpu.memref_squeeze %dma_start3A_35 : memref<1x40x250xi32, #tpu.memory_space<hbm>> -> memref<40x250xi32, #tpu.memory_space<hbm>>
      tpu.enqueue_dma source(%dma_start3A_36 : memref<40x250xi32, #tpu.memory_space<hbm>>) target(%arg9 : memref<40x250xi32, #tpu.memory_space<vmem>>) target_semaphore(%run_scoped3A : memref<!tpu.dma_semaphore, #tpu.memory_space<semaphore_mem>>)
      %dma_wait3A = arith.constant 0 : i32
      %dma_wait3A_37 = arith.constant 0 : i32
      %dma_wait3A_38 = tpu.memref_slice %arg5[%add3A, %dma_wait3A, %dma_wait3A_37] : memref<32x40x250xi32, #tpu.memory_space<hbm>> -> memref<1x40x250xi32, #tpu.memory_space<hbm>>
      %dma_wait3A_39 = tpu.memref_squeeze %dma_wait3A_38 : memref<1x40x250xi32, #tpu.memory_space<hbm>> -> memref<40x250xi32, #tpu.memory_space<hbm>>
      %dma_wait3A_40 = arith.constant 0 : i32
      %dma_wait3A_41 = arith.constant 0 : i32
      %dma_wait3A_42 = tpu.memref_slice %arg5[%add3A, %dma_wait3A_40, %dma_wait3A_41] : memref<32x40x250xi32, #tpu.memory_space<hbm>> -> memref<1x40x250xi32, #tpu.memory_space<hbm>>
      %dma_wait3A_43 = tpu.memref_squeeze %dma_wait3A_42 : memref<1x40x250xi32, #tpu.memory_space<hbm>> -> memref<40x250xi32, #tpu.memory_space<hbm>>
      tpu.wait_dma2 semaphore(%run_scoped3A : memref<!tpu.dma_semaphore, #tpu.memory_space<semaphore_mem>>) src(%dma_wait3A_43 : memref<40x250xi32, #tpu.memory_space<hbm>>) dst(%arg9 : memref<40x250xi32, #tpu.memory_space<vmem>>)
      tpu.yield
    }) : () -> ()
    %broadcast_in_dim3A = arith.constant 0.000000e+00 : f32
    %broadcast_in_dim3A_1 = vector.broadcast %broadcast_in_dim3A : f32 to vector<16xf32>
    %scan3A = arith.constant 0 : i32
    %scan3A_2 = arith.constant 0 : i32
    %scan3A_3 = arith.constant 8 : i32
    %scan3A_4 = arith.addi %scan3A_2, %scan3A_3 : i32
    %scan3A_5 = arith.constant 1 : i32
    scf.for %scan3A_29 = %scan3A_2 to %scan3A_4 step %scan3A_5  : i32 {
      %swap3A = arith.index_cast %scan3A_29 : i32 to index
      %swap3A_30 = arith.constant 0 : index
      %swap3A_31 = tpu.vector_load %arg17[%swap3A, %swap3A_30] {strides = array<i32>} : memref<8x32xf32, #tpu.memory_space<vmem>>, vector<16xf32>,
      tpu.vector_store %arg17[%swap3A, %swap3A_30], %broadcast_in_dim3A_1 {strides = array<i32>} : memref<8x32xf32, #tpu.memory_space<vmem>>, vector<16xf32>,
      %swap3A_32 = arith.index_cast %scan3A_29 : i32 to index
      %swap3A_33 = arith.constant 16 : index
      %swap3A_34 = tpu.vector_load %arg17[%swap3A_32, %swap3A_33] {strides = array<i32>} : memref<8x32xf32, #tpu.memory_space<vmem>>, vector<16xf32>,
      tpu.vector_store %arg17[%swap3A_32, %swap3A_33], %broadcast_in_dim3A_1 {strides = array<i32>} : memref<8x32xf32, #tpu.memory_space<vmem>>, vector<16xf32>,
    }
    %scan3A_6 = arith.constant 8 : i32
    %mul3A_7 = arith.constant 1000 : i32
    %mul3A_8 = arith.muli %arg1, %mul3A_7 : i32
    %lt3A = arith.constant 10 : i32
    %lt3A_9 = arith.cmpi slt, %arg1, %lt3A : i32
    %convert_element_type3A = arith.extui %lt3A_9 : i1 to i32
    %cond3A = arith.constant 0 : i32
    %cond3A_10 = arith.cmpi ne, %convert_element_type3A, %cond3A : i32
    scf.if %cond3A_10 {
      %scan3A_29 = arith.constant 0 : i32
      %scan3A_30 = arith.constant 0 : i32
      %scan3A_31 = arith.constant 125 : i32
      %scan3A_32 = arith.addi %scan3A_30, %scan3A_31 : i32
      %scan3A_33 = arith.constant 1 : i32
      scf.for %scan3A_35 = %scan3A_30 to %scan3A_32 step %scan3A_33  : i32 {
        %mul3A_36 = arith.constant 8 : i32
        %mul3A_37 = arith.muli %scan3A_35, %mul3A_36 : i32
        %add3A_38 = arith.addi %mul3A_8, %mul3A_37 : i32
        "tpu.region"() ({
          %run_scoped3A = tpu.sem_alloc : memref<!tpu.dma_semaphore, #tpu.memory_space<semaphore_mem>>
          %dma_start3A_39 = arith.constant 0 : i32
          %dma_start3A_40 = tpu.memref_slice %arg18[%add3A_38, %dma_start3A_39] : memref<10000x32xf32, #tpu.memory_space<vmem_shared>> -> memref<8x32xf32, #tpu.memory_space<vmem_shared>>
          %dma_start3A_41 = arith.constant 0 : i32
          %dma_start3A_42 = tpu.memref_slice %arg18[%add3A_38, %dma_start3A_41] : memref<10000x32xf32, #tpu.memory_space<vmem_shared>> -> memref<8x32xf32, #tpu.memory_space<vmem_shared>>
          tpu.enqueue_dma source(%arg17 : memref<8x32xf32, #tpu.memory_space<vmem>>) target(%dma_start3A_42 : memref<8x32xf32, #tpu.memory_space<vmem_shared>>) target_semaphore(%run_scoped3A : memref<!tpu.dma_semaphore, #tpu.memory_space<semaphore_mem>>)
          %dma_wait3A = arith.constant 0 : i32
          %dma_wait3A_43 = tpu.memref_slice %arg18[%add3A_38, %dma_wait3A] : memref<10000x32xf32, #tpu.memory_space<vmem_shared>> -> memref<8x32xf32, #tpu.memory_space<vmem_shared>>
          %dma_wait3A_44 = arith.constant 0 : i32
          %dma_wait3A_45 = tpu.memref_slice %arg18[%add3A_38, %dma_wait3A_44] : memref<10000x32xf32, #tpu.memory_space<vmem_shared>> -> memref<8x32xf32, #tpu.memory_space<vmem_shared>>
          tpu.wait_dma2 semaphore(%run_scoped3A : memref<!tpu.dma_semaphore, #tpu.memory_space<semaphore_mem>>) src(%arg17 : memref<8x32xf32, #tpu.memory_space<vmem>>) dst(%dma_wait3A_45 : memref<8x32xf32, #tpu.memory_space<vmem_shared>>)
          tpu.yield
        }) : () -> ()
      }
      %scan3A_34 = arith.constant 125 : i32
    } else {
    }
    %barrier3A = arith.constant 0 : index
    tpu.barrier barrier_id(%barrier3A)
    %dma_start3A = arith.constant 0 : i32
    %dma_start3A_11 = arith.constant 0 : i32
    %dma_start3A_12 = tpu.memref_slice %arg8[%dma_start3A, %dma_start3A_11] : memref<40x250xi32, #tpu.memory_space<vmem>> -> memref<1x250xi32, #tpu.memory_space<vmem>>
    %dma_start3A_13 = tpu.memref_squeeze %dma_start3A_12 : memref<1x250xi32, #tpu.memory_space<vmem>> -> memref<250xi32, #tpu.memory_space<vmem>>
    %dma_start3A_14 = arith.constant 0 : i32
    %dma_start3A_15 = arith.constant 0 : i32
    %dma_start3A_16 = tpu.memref_slice %arg2[%dma_start3A_14, %dma_start3A_15] : memref<10000x32xf32, #tpu.memory_space<hbm>> -> memref<10000x32xf32, #tpu.memory_space<hbm>>
    tpu.enqueue_indirect_dma source(%dma_start3A_16 : memref<10000x32xf32, #tpu.memory_space<hbm>>) target(%arg10 : memref<250x32xf32, #tpu.memory_space<vmem>>) offsets(%dma_start3A_13 : memref<250xi32, #tpu.memory_space<vmem>>) semaphore(%arg19 : memref<!tpu.dma_semaphore, #tpu.memory_space<semaphore_mem>>)
    %scan3A_17 = arith.constant 0 : i32
    %scan3A_18 = arith.constant 0 : i32
    %scan3A_19 = arith.constant 20 : i32
    %scan3A_20 = arith.addi %scan3A_18, %scan3A_19 : i32
    %scan3A_21 = arith.constant 1 : i32
    scf.for %scan3A_29 = %scan3A_18 to %scan3A_20 step %scan3A_21  : i32 {
      %mul3A_30 = arith.constant 2 : i32
      %mul3A_31 = arith.muli %mul3A_30, %scan3A_29 : i32
      %add3A_32 = arith.constant 1 : i32
      %add3A_33 = arith.addi %mul3A_31, %add3A_32 : i32
      %dma_start3A_34 = arith.constant 0 : i32
      %dma_start3A_35 = tpu.memref_slice %arg8[%add3A_33, %dma_start3A_34] : memref<40x250xi32, #tpu.memory_space<vmem>> -> memref<1x250xi32, #tpu.memory_space<vmem>>
      %dma_start3A_36 = tpu.memref_squeeze %dma_start3A_35 : memref<1x250xi32, #tpu.memory_space<vmem>> -> memref<250xi32, #tpu.memory_space<vmem>>
      %dma_start3A_37 = arith.constant 0 : i32
      %dma_start3A_38 = arith.constant 0 : i32
      %dma_start3A_39 = tpu.memref_slice %arg2[%dma_start3A_37, %dma_start3A_38] : memref<10000x32xf32, #tpu.memory_space<hbm>> -> memref<10000x32xf32, #tpu.memory_space<hbm>>
      tpu.enqueue_indirect_dma source(%dma_start3A_39 : memref<10000x32xf32, #tpu.memory_space<hbm>>) target(%arg11 : memref<250x32xf32, #tpu.memory_space<vmem>>) offsets(%dma_start3A_36 : memref<250xi32, #tpu.memory_space<vmem>>) semaphore(%arg20 : memref<!tpu.dma_semaphore, #tpu.memory_space<semaphore_mem>>)
      %dma_wait3A = arith.constant 0 : i32
      %dma_wait3A_40 = tpu.memref_slice %arg8[%mul3A_31, %dma_wait3A] : memref<40x250xi32, #tpu.memory_space<vmem>> -> memref<1x250xi32, #tpu.memory_space<vmem>>
      %dma_wait3A_41 = tpu.memref_squeeze %dma_wait3A_40 : memref<1x250xi32, #tpu.memory_space<vmem>> -> memref<250xi32, #tpu.memory_space<vmem>>
      %dma_wait3A_42 = arith.constant 0 : i32
      %dma_wait3A_43 = arith.constant 0 : i32
      %dma_wait3A_44 = tpu.memref_slice %arg2[%dma_wait3A_42, %dma_wait3A_43] : memref<10000x32xf32, #tpu.memory_space<hbm>> -> memref<10000x32xf32, #tpu.memory_space<hbm>>
      tpu.wait_indirect_dma semaphore(%arg19 : memref<!tpu.dma_semaphore, #tpu.memory_space<semaphore_mem>>) src(%dma_wait3A_44 : memref<10000x32xf32, #tpu.memory_space<hbm>>) dst(%arg10 : memref<250x32xf32, #tpu.memory_space<vmem>>)
      %dma_start3A_45 = arith.constant 0 : i32
      %dma_start3A_46 = tpu.memref_slice %arg9[%mul3A_31, %dma_start3A_45] : memref<40x250xi32, #tpu.memory_space<vmem>> -> memref<1x250xi32, #tpu.memory_space<vmem>>
      %dma_start3A_47 = tpu.memref_squeeze %dma_start3A_46 : memref<1x250xi32, #tpu.memory_space<vmem>> -> memref<250xi32, #tpu.memory_space<vmem>>
      %dma_start3A_48 = arith.constant 0 : i32
      %dma_start3A_49 = arith.constant 0 : i32
      %dma_start3A_50 = tpu.memref_slice %arg18[%dma_start3A_48, %dma_start3A_49] : memref<10000x32xf32, #tpu.memory_space<vmem_shared>> -> memref<10000x32xf32, #tpu.memory_space<vmem_shared>>
      tpu.enqueue_indirect_dma source(%arg10 : memref<250x32xf32, #tpu.memory_space<vmem>>) target(%dma_start3A_50 : memref<10000x32xf32, #tpu.memory_space<vmem_shared>>) offsets(%dma_start3A_47 : memref<250xi32, #tpu.memory_space<vmem>>) semaphore(%arg23 : memref<!tpu.dma_semaphore, #tpu.memory_space<semaphore_mem>>) {add = true}
      %dma_wait3A_51 = arith.constant 0 : i32
      %dma_wait3A_52 = tpu.memref_slice %arg9[%mul3A_31, %dma_wait3A_51] : memref<40x250xi32, #tpu.memory_space<vmem>> -> memref<1x250xi32, #tpu.memory_space<vmem>>
      %dma_wait3A_53 = tpu.memref_squeeze %dma_wait3A_52 : memref<1x250xi32, #tpu.memory_space<vmem>> -> memref<250xi32, #tpu.memory_space<vmem>>
      %dma_wait3A_54 = arith.constant 0 : i32
      %dma_wait3A_55 = arith.constant 0 : i32
      %dma_wait3A_56 = tpu.memref_slice %arg18[%dma_wait3A_54, %dma_wait3A_55] : memref<10000x32xf32, #tpu.memory_space<vmem_shared>> -> memref<10000x32xf32, #tpu.memory_space<vmem_shared>>
      tpu.wait_indirect_dma semaphore(%arg23 : memref<!tpu.dma_semaphore, #tpu.memory_space<semaphore_mem>>) src(%arg10 : memref<250x32xf32, #tpu.memory_space<vmem>>) dst(%dma_wait3A_56 : memref<10000x32xf32, #tpu.memory_space<vmem_shared>>)
      %add3A_57 = arith.constant 2 : i32
      %add3A_58 = arith.addi %mul3A_31, %add3A_57 : i32
      %lt3A_59 = arith.constant 40 : i32
      %lt3A_60 = arith.cmpi slt, %add3A_58, %lt3A_59 : i32
      %convert_element_type3A_61 = arith.extui %lt3A_60 : i1 to i32
      %cond3A_62 = arith.constant 0 : i32
      %cond3A_63 = arith.cmpi ne, %convert_element_type3A_61, %cond3A_62 : i32
      scf.if %cond3A_63 {
        %add3A_88 = arith.constant 2 : i32
        %add3A_89 = arith.addi %mul3A_31, %add3A_88 : i32
        %dma_start3A_90 = arith.constant 0 : i32
        %dma_start3A_91 = tpu.memref_slice %arg8[%add3A_89, %dma_start3A_90] : memref<40x250xi32, #tpu.memory_space<vmem>> -> memref<1x250xi32, #tpu.memory_space<vmem>>
        %dma_start3A_92 = tpu.memref_squeeze %dma_start3A_91 : memref<1x250xi32, #tpu.memory_space<vmem>> -> memref<250xi32, #tpu.memory_space<vmem>>
        %dma_start3A_93 = arith.constant 0 : i32
        %dma_start3A_94 = arith.constant 0 : i32
        %dma_start3A_95 = tpu.memref_slice %arg2[%dma_start3A_93, %dma_start3A_94] : memref<10000x32xf32, #tpu.memory_space<hbm>> -> memref<10000x32xf32, #tpu.memory_space<hbm>>
        tpu.enqueue_indirect_dma source(%dma_start3A_95 : memref<10000x32xf32, #tpu.memory_space<hbm>>) target(%arg10 : memref<250x32xf32, #tpu.memory_space<vmem>>) offsets(%dma_start3A_92 : memref<250xi32, #tpu.memory_space<vmem>>) semaphore(%arg19 : memref<!tpu.dma_semaphore, #tpu.memory_space<semaphore_mem>>)
      } else {
      }
      %add3A_64 = arith.constant 1 : i32
      %add3A_65 = arith.addi %mul3A_31, %add3A_64 : i32
      %dma_wait3A_66 = arith.constant 0 : i32
      %dma_wait3A_67 = tpu.memref_slice %arg8[%add3A_65, %dma_wait3A_66] : memref<40x250xi32, #tpu.memory_space<vmem>> -> memref<1x250xi32, #tpu.memory_space<vmem>>
      %dma_wait3A_68 = tpu.memref_squeeze %dma_wait3A_67 : memref<1x250xi32, #tpu.memory_space<vmem>> -> memref<250xi32, #tpu.memory_space<vmem>>
      %dma_wait3A_69 = arith.constant 0 : i32
      %dma_wait3A_70 = arith.constant 0 : i32
      %dma_wait3A_71 = tpu.memref_slice %arg2[%dma_wait3A_69, %dma_wait3A_70] : memref<10000x32xf32, #tpu.memory_space<hbm>> -> memref<10000x32xf32, #tpu.memory_space<hbm>>
      tpu.wait_indirect_dma semaphore(%arg20 : memref<!tpu.dma_semaphore, #tpu.memory_space<semaphore_mem>>) src(%dma_wait3A_71 : memref<10000x32xf32, #tpu.memory_space<hbm>>) dst(%arg11 : memref<250x32xf32, #tpu.memory_space<vmem>>)
      %add3A_72 = arith.constant 1 : i32
      %add3A_73 = arith.addi %mul3A_31, %add3A_72 : i32
      %dma_start3A_74 = arith.constant 0 : i32
      %dma_start3A_75 = tpu.memref_slice %arg9[%add3A_73, %dma_start3A_74] : memref<40x250xi32, #tpu.memory_space<vmem>> -> memref<1x250xi32, #tpu.memory_space<vmem>>
      %dma_start3A_76 = tpu.memref_squeeze %dma_start3A_75 : memref<1x250xi32, #tpu.memory_space<vmem>> -> memref<250xi32, #tpu.memory_space<vmem>>
      %dma_start3A_77 = arith.constant 0 : i32
      %dma_start3A_78 = arith.constant 0 : i32
      %dma_start3A_79 = tpu.memref_slice %arg18[%dma_start3A_77, %dma_start3A_78] : memref<10000x32xf32, #tpu.memory_space<vmem_shared>> -> memref<10000x32xf32, #tpu.memory_space<vmem_shared>>
      tpu.enqueue_indirect_dma source(%arg11 : memref<250x32xf32, #tpu.memory_space<vmem>>) target(%dma_start3A_79 : memref<10000x32xf32, #tpu.memory_space<vmem_shared>>) offsets(%dma_start3A_76 : memref<250xi32, #tpu.memory_space<vmem>>) semaphore(%arg24 : memref<!tpu.dma_semaphore, #tpu.memory_space<semaphore_mem>>) {add = true}
      %add3A_80 = arith.constant 1 : i32
      %add3A_81 = arith.addi %mul3A_31, %add3A_80 : i32
      %dma_wait3A_82 = arith.constant 0 : i32
      %dma_wait3A_83 = tpu.memref_slice %arg9[%add3A_81, %dma_wait3A_82] : memref<40x250xi32, #tpu.memory_space<vmem>> -> memref<1x250xi32, #tpu.memory_space<vmem>>
      %dma_wait3A_84 = tpu.memref_squeeze %dma_wait3A_83 : memref<1x250xi32, #tpu.memory_space<vmem>> -> memref<250xi32, #tpu.memory_space<vmem>>
      %dma_wait3A_85 = arith.constant 0 : i32
      %dma_wait3A_86 = arith.constant 0 : i32
      %dma_wait3A_87 = tpu.memref_slice %arg18[%dma_wait3A_85, %dma_wait3A_86] : memref<10000x32xf32, #tpu.memory_space<vmem_shared>> -> memref<10000x32xf32, #tpu.memory_space<vmem_shared>>
      tpu.wait_indirect_dma semaphore(%arg24 : memref<!tpu.dma_semaphore, #tpu.memory_space<semaphore_mem>>) src(%arg11 : memref<250x32xf32, #tpu.memory_space<vmem>>) dst(%dma_wait3A_87 : memref<10000x32xf32, #tpu.memory_space<vmem_shared>>)
    }
    %scan3A_22 = arith.constant 20 : i32
    %barrier3A_23 = arith.constant 0 : index
    tpu.barrier barrier_id(%barrier3A_23)
    %lt3A_24 = arith.constant 10 : i32
    %lt3A_25 = arith.cmpi slt, %arg1, %lt3A_24 : i32
    %convert_element_type3A_26 = arith.extui %lt3A_25 : i1 to i32
    %cond3A_27 = arith.constant 0 : i32
    %cond3A_28 = arith.cmpi ne, %convert_element_type3A_26, %cond3A_27 : i32
    scf.if %cond3A_28 {
      "tpu.region"() ({
        %run_scoped3A = tpu.sem_alloc : memref<!tpu.dma_semaphore, #tpu.memory_space<semaphore_mem>>
        %dma_start3A_29 = arith.constant 0 : i32
        %dma_start3A_30 = tpu.memref_slice %arg7[%arg0, %mul3A_8, %dma_start3A_29] : memref<2x10000x32xf32, #tpu.memory_space<hbm>> -> memref<1x1000x32xf32, #tpu.memory_space<hbm>>
        %dma_start3A_31 = tpu.memref_squeeze %dma_start3A_30 : memref<1x1000x32xf32, #tpu.memory_space<hbm>> -> memref<1000x32xf32, #tpu.memory_space<hbm>>
        %dma_start3A_32 = arith.constant 0 : i32
        %dma_start3A_33 = tpu.memref_slice %arg18[%mul3A_8, %dma_start3A_32] : memref<10000x32xf32, #tpu.memory_space<vmem_shared>> -> memref<1000x32xf32, #tpu.memory_space<vmem_shared>>
        tpu.enqueue_dma source(%dma_start3A_33 : memref<1000x32xf32, #tpu.memory_space<vmem_shared>>) target(%dma_start3A_31 : memref<1000x32xf32, #tpu.memory_space<hbm>>) target_semaphore(%run_scoped3A : memref<!tpu.dma_semaphore, #tpu.memory_space<semaphore_mem>>)
        %dma_wait3A = arith.constant 0 : i32
        %dma_wait3A_34 = tpu.memref_slice %arg7[%arg0, %mul3A_8, %dma_wait3A] : memref<2x10000x32xf32, #tpu.memory_space<hbm>> -> memref<1x1000x32xf32, #tpu.memory_space<hbm>>
        %dma_wait3A_35 = tpu.memref_squeeze %dma_wait3A_34 : memref<1x1000x32xf32, #tpu.memory_space<hbm>> -> memref<1000x32xf32, #tpu.memory_space<hbm>>
        %dma_wait3A_36 = arith.constant 0 : i32
        %dma_wait3A_37 = tpu.memref_slice %arg18[%mul3A_8, %dma_wait3A_36] : memref<10000x32xf32, #tpu.memory_space<vmem_shared>> -> memref<1000x32xf32, #tpu.memory_space<vmem_shared>>
        tpu.wait_dma2 semaphore(%run_scoped3A : memref<!tpu.dma_semaphore, #tpu.memory_space<semaphore_mem>>) src(%dma_wait3A_37 : memref<1000x32xf32, #tpu.memory_space<vmem_shared>>) dst(%dma_wait3A_35 : memref<1000x32xf32, #tpu.memory_space<hbm>>)
        tpu.yield
      }) : () -> ()
    } else {
    }
    return
  }
}

#map = affine_map<(d0, d1) -> (0, 0)>
#map1 = affine_map<(d0, d1) -> (0, 0, 0)>
#map2 = affine_map<(d0, d1) -> (0)>
module attributes {stable_mosaic.version = 14 : i64} {
  func.func @kern(%arg0: i32, %arg1: i32, %arg2: memref<10000x32xf32, #tpu.memory_space<hbm>>, %arg3: memref<10000x32xf32, #tpu.memory_space<hbm>>, %arg4: memref<32x40x250xi32, #tpu.memory_space<hbm>>, %arg5: memref<32x40x250xi32, #tpu.memory_space<hbm>>, %arg6: memref<32xf32, #tpu.memory_space<hbm>>, %arg7: memref<2x10000x32xf32, #tpu.memory_space<hbm>>, %arg8: memref<40x250xi32, #tpu.memory_space<vmem>>, %arg9: memref<40x250xi32, #tpu.memory_space<vmem>>, %arg10: memref<250x32xf32, #tpu.memory_space<vmem>>, %arg11: memref<250x32xf32, #tpu.memory_space<vmem>>, %arg12: memref<250x32xf32, #tpu.memory_space<vmem>>, %arg13: memref<250x32xf32, #tpu.memory_space<vmem>>, %arg14: memref<250x32xf32, #tpu.memory_space<vmem>>, %arg15: memref<250x32xf32, #tpu.memory_space<vmem>>, %arg16: memref<32xf32, #tpu.memory_space<vmem>>, %arg17: memref<8x32xf32, #tpu.memory_space<vmem>>, %arg18: memref<10000x32xf32, #tpu.memory_space<vmem_shared>>, %arg19: memref<!tpu.dma_semaphore, #tpu.memory_space<semaphore_mem>>, %arg20: memref<!tpu.dma_semaphore, #tpu.memory_space<semaphore_mem>>, %arg21: memref<!tpu.dma_semaphore, #tpu.memory_space<semaphore_mem>>, %arg22: memref<!tpu.dma_semaphore, #tpu.memory_space<semaphore_mem>>, %arg23: memref<!tpu.dma_semaphore, #tpu.memory_space<semaphore_mem>>, %arg24: memref<!tpu.dma_semaphore, #tpu.memory_space<semaphore_mem>>) attributes {dimension_semantics = [#tpu.dimension_semantics<core_parallel>, #tpu.dimension_semantics<subcore_parallel>], iteration_bounds = array<i64: 2, 16>, scalar_prefetch = 0 : i64, scratch_operands = 17 : i64, tpu.core_type = #tpu.core_type<sc_vector_subcore>, window_params = [{transform_indices = #map}, {transform_indices = #map}, {transform_indices = #map1}, {transform_indices = #map1}, {transform_indices = #map2}, {transform_indices = #map1}]} {
    %mul3A = arith.constant 2 : i32
    %mul3A_0 = arith.muli %arg1, %mul3A : i32
    %add3A = arith.addi %mul3A_0, %arg0 : i32
    "tpu.region"() ({
      %run_scoped3A = tpu.sem_alloc : memref<!tpu.dma_semaphore, #tpu.memory_space<semaphore_mem>>
      %dma_start3A_52 = arith.constant 0 : i32
      %dma_start3A_53 = arith.constant 0 : i32
      %dma_start3A_54 = tpu.memref_slice %arg4[%add3A, %dma_start3A_52, %dma_start3A_53] : memref<32x40x250xi32, #tpu.memory_space<hbm>> -> memref<1x40x250xi32, #tpu.memory_space<hbm>>
      %dma_start3A_55 = tpu.memref_squeeze %dma_start3A_54 : memref<1x40x250xi32, #tpu.memory_space<hbm>> -> memref<40x250xi32, #tpu.memory_space<hbm>>
      %dma_start3A_56 = arith.constant 0 : i32
      %dma_start3A_57 = arith.constant 0 : i32
      %dma_start3A_58 = tpu.memref_slice %arg4[%add3A, %dma_start3A_56, %dma_start3A_57] : memref<32x40x250xi32, #tpu.memory_space<hbm>> -> memref<1x40x250xi32, #tpu.memory_space<hbm>>
      %dma_start3A_59 = tpu.memref_squeeze %dma_start3A_58 : memref<1x40x250xi32, #tpu.memory_space<hbm>> -> memref<40x250xi32, #tpu.memory_space<hbm>>
      tpu.enqueue_dma source(%dma_start3A_59 : memref<40x250xi32, #tpu.memory_space<hbm>>) target(%arg8 : memref<40x250xi32, #tpu.memory_space<vmem>>) target_semaphore(%run_scoped3A : memref<!tpu.dma_semaphore, #tpu.memory_space<semaphore_mem>>)
      %dma_wait3A_60 = arith.constant 0 : i32
      %dma_wait3A_61 = arith.constant 0 : i32
      %dma_wait3A_62 = tpu.memref_slice %arg4[%add3A, %dma_wait3A_60, %dma_wait3A_61] : memref<32x40x250xi32, #tpu.memory_space<hbm>> -> memref<1x40x250xi32, #tpu.memory_space<hbm>>
      %dma_wait3A_63 = tpu.memref_squeeze %dma_wait3A_62 : memref<1x40x250xi32, #tpu.memory_space<hbm>> -> memref<40x250xi32, #tpu.memory_space<hbm>>
      %dma_wait3A_64 = arith.constant 0 : i32
      %dma_wait3A_65 = arith.constant 0 : i32
      %dma_wait3A_66 = tpu.memref_slice %arg4[%add3A, %dma_wait3A_64, %dma_wait3A_65] : memref<32x40x250xi32, #tpu.memory_space<hbm>> -> memref<1x40x250xi32, #tpu.memory_space<hbm>>
      %dma_wait3A_67 = tpu.memref_squeeze %dma_wait3A_66 : memref<1x40x250xi32, #tpu.memory_space<hbm>> -> memref<40x250xi32, #tpu.memory_space<hbm>>
      tpu.wait_dma2 semaphore(%run_scoped3A : memref<!tpu.dma_semaphore, #tpu.memory_space<semaphore_mem>>) src(%dma_wait3A_67 : memref<40x250xi32, #tpu.memory_space<hbm>>) dst(%arg8 : memref<40x250xi32, #tpu.memory_space<vmem>>)
      tpu.yield
    }) : () -> ()
    "tpu.region"() ({
      %run_scoped3A = tpu.sem_alloc : memref<!tpu.dma_semaphore, #tpu.memory_space<semaphore_mem>>
      %dma_start3A_52 = arith.constant 0 : i32
      %dma_start3A_53 = arith.constant 0 : i32
      %dma_start3A_54 = tpu.memref_slice %arg5[%add3A, %dma_start3A_52, %dma_start3A_53] : memref<32x40x250xi32, #tpu.memory_space<hbm>> -> memref<1x40x250xi32, #tpu.memory_space<hbm>>
      %dma_start3A_55 = tpu.memref_squeeze %dma_start3A_54 : memref<1x40x250xi32, #tpu.memory_space<hbm>> -> memref<40x250xi32, #tpu.memory_space<hbm>>
      %dma_start3A_56 = arith.constant 0 : i32
      %dma_start3A_57 = arith.constant 0 : i32
      %dma_start3A_58 = tpu.memref_slice %arg5[%add3A, %dma_start3A_56, %dma_start3A_57] : memref<32x40x250xi32, #tpu.memory_space<hbm>> -> memref<1x40x250xi32, #tpu.memory_space<hbm>>
      %dma_start3A_59 = tpu.memref_squeeze %dma_start3A_58 : memref<1x40x250xi32, #tpu.memory_space<hbm>> -> memref<40x250xi32, #tpu.memory_space<hbm>>
      tpu.enqueue_dma source(%dma_start3A_59 : memref<40x250xi32, #tpu.memory_space<hbm>>) target(%arg9 : memref<40x250xi32, #tpu.memory_space<vmem>>) target_semaphore(%run_scoped3A : memref<!tpu.dma_semaphore, #tpu.memory_space<semaphore_mem>>)
      %dma_wait3A_60 = arith.constant 0 : i32
      %dma_wait3A_61 = arith.constant 0 : i32
      %dma_wait3A_62 = tpu.memref_slice %arg5[%add3A, %dma_wait3A_60, %dma_wait3A_61] : memref<32x40x250xi32, #tpu.memory_space<hbm>> -> memref<1x40x250xi32, #tpu.memory_space<hbm>>
      %dma_wait3A_63 = tpu.memref_squeeze %dma_wait3A_62 : memref<1x40x250xi32, #tpu.memory_space<hbm>> -> memref<40x250xi32, #tpu.memory_space<hbm>>
      %dma_wait3A_64 = arith.constant 0 : i32
      %dma_wait3A_65 = arith.constant 0 : i32
      %dma_wait3A_66 = tpu.memref_slice %arg5[%add3A, %dma_wait3A_64, %dma_wait3A_65] : memref<32x40x250xi32, #tpu.memory_space<hbm>> -> memref<1x40x250xi32, #tpu.memory_space<hbm>>
      %dma_wait3A_67 = tpu.memref_squeeze %dma_wait3A_66 : memref<1x40x250xi32, #tpu.memory_space<hbm>> -> memref<40x250xi32, #tpu.memory_space<hbm>>
      tpu.wait_dma2 semaphore(%run_scoped3A : memref<!tpu.dma_semaphore, #tpu.memory_space<semaphore_mem>>) src(%dma_wait3A_67 : memref<40x250xi32, #tpu.memory_space<hbm>>) dst(%arg9 : memref<40x250xi32, #tpu.memory_space<vmem>>)
      tpu.yield
    }) : () -> ()
    "tpu.region"() ({
      %run_scoped3A = tpu.sem_alloc : memref<!tpu.dma_semaphore, #tpu.memory_space<semaphore_mem>>
      tpu.enqueue_dma source(%arg6 : memref<32xf32, #tpu.memory_space<hbm>>) target(%arg16 : memref<32xf32, #tpu.memory_space<vmem>>) target_semaphore(%run_scoped3A : memref<!tpu.dma_semaphore, #tpu.memory_space<semaphore_mem>>)
      tpu.wait_dma2 semaphore(%run_scoped3A : memref<!tpu.dma_semaphore, #tpu.memory_space<semaphore_mem>>) src(%arg6 : memref<32xf32, #tpu.memory_space<hbm>>) dst(%arg16 : memref<32xf32, #tpu.memory_space<vmem>>)
      tpu.yield
    }) : () -> ()
    %get3A = arith.constant 0 : index
    %get3A_1 = tpu.vector_load %arg16[%get3A] {strides = array<i32>} : memref<32xf32, #tpu.memory_space<vmem>>, vector<16xf32>,
    %get3A_2 = arith.constant 16 : index
    %get3A_3 = tpu.vector_load %arg16[%get3A_2] {strides = array<i32>} : memref<32xf32, #tpu.memory_space<vmem>>, vector<16xf32>,
    %broadcast_in_dim3A = arith.constant 0.000000e+00 : f32
    %broadcast_in_dim3A_4 = vector.broadcast %broadcast_in_dim3A : f32 to vector<16xf32>
    %scan3A = arith.constant 0 : i32
    %scan3A_5 = arith.constant 0 : i32
    %scan3A_6 = arith.constant 8 : i32
    %scan3A_7 = arith.addi %scan3A_5, %scan3A_6 : i32
    %scan3A_8 = arith.constant 1 : i32
    scf.for %scan3A_52 = %scan3A_5 to %scan3A_7 step %scan3A_8  : i32 {
      %swap3A = arith.index_cast %scan3A_52 : i32 to index
      %swap3A_53 = arith.constant 0 : index
      %swap3A_54 = tpu.vector_load %arg17[%swap3A, %swap3A_53] {strides = array<i32>} : memref<8x32xf32, #tpu.memory_space<vmem>>, vector<16xf32>,
      tpu.vector_store %arg17[%swap3A, %swap3A_53], %broadcast_in_dim3A_4 {strides = array<i32>} : memref<8x32xf32, #tpu.memory_space<vmem>>, vector<16xf32>,
      %swap3A_55 = arith.index_cast %scan3A_52 : i32 to index
      %swap3A_56 = arith.constant 16 : index
      %swap3A_57 = tpu.vector_load %arg17[%swap3A_55, %swap3A_56] {strides = array<i32>} : memref<8x32xf32, #tpu.memory_space<vmem>>, vector<16xf32>,
      tpu.vector_store %arg17[%swap3A_55, %swap3A_56], %broadcast_in_dim3A_4 {strides = array<i32>} : memref<8x32xf32, #tpu.memory_space<vmem>>, vector<16xf32>,
    }
    %scan3A_9 = arith.constant 8 : i32
    %mul3A_10 = arith.constant 1000 : i32
    %mul3A_11 = arith.muli %arg1, %mul3A_10 : i32
    %lt3A = arith.constant 10 : i32
    %lt3A_12 = arith.cmpi slt, %arg1, %lt3A : i32
    %convert_element_type3A = arith.extui %lt3A_12 : i1 to i32
    %cond3A = arith.constant 0 : i32
    %cond3A_13 = arith.cmpi ne, %convert_element_type3A, %cond3A : i32
    scf.if %cond3A_13 {
      %scan3A_52 = arith.constant 0 : i32
      %scan3A_53 = arith.constant 0 : i32
      %scan3A_54 = arith.constant 125 : i32
      %scan3A_55 = arith.addi %scan3A_53, %scan3A_54 : i32
      %scan3A_56 = arith.constant 1 : i32
      scf.for %scan3A_58 = %scan3A_53 to %scan3A_55 step %scan3A_56  : i32 {
        %mul3A_59 = arith.constant 8 : i32
        %mul3A_60 = arith.muli %scan3A_58, %mul3A_59 : i32
        %add3A_61 = arith.addi %mul3A_11, %mul3A_60 : i32
        "tpu.region"() ({
          %run_scoped3A = tpu.sem_alloc : memref<!tpu.dma_semaphore, #tpu.memory_space<semaphore_mem>>
          %dma_start3A_62 = arith.constant 0 : i32
          %dma_start3A_63 = tpu.memref_slice %arg18[%add3A_61, %dma_start3A_62] : memref<10000x32xf32, #tpu.memory_space<vmem_shared>> -> memref<8x32xf32, #tpu.memory_space<vmem_shared>>
          %dma_start3A_64 = arith.constant 0 : i32
          %dma_start3A_65 = tpu.memref_slice %arg18[%add3A_61, %dma_start3A_64] : memref<10000x32xf32, #tpu.memory_space<vmem_shared>> -> memref<8x32xf32, #tpu.memory_space<vmem_shared>>
          tpu.enqueue_dma source(%arg17 : memref<8x32xf32, #tpu.memory_space<vmem>>) target(%dma_start3A_65 : memref<8x32xf32, #tpu.memory_space<vmem_shared>>) target_semaphore(%run_scoped3A : memref<!tpu.dma_semaphore, #tpu.memory_space<semaphore_mem>>)
          %dma_wait3A_66 = arith.constant 0 : i32
          %dma_wait3A_67 = tpu.memref_slice %arg18[%add3A_61, %dma_wait3A_66] : memref<10000x32xf32, #tpu.memory_space<vmem_shared>> -> memref<8x32xf32, #tpu.memory_space<vmem_shared>>
          %dma_wait3A_68 = arith.constant 0 : i32
          %dma_wait3A_69 = tpu.memref_slice %arg18[%add3A_61, %dma_wait3A_68] : memref<10000x32xf32, #tpu.memory_space<vmem_shared>> -> memref<8x32xf32, #tpu.memory_space<vmem_shared>>
          tpu.wait_dma2 semaphore(%run_scoped3A : memref<!tpu.dma_semaphore, #tpu.memory_space<semaphore_mem>>) src(%arg17 : memref<8x32xf32, #tpu.memory_space<vmem>>) dst(%dma_wait3A_69 : memref<8x32xf32, #tpu.memory_space<vmem_shared>>)
          tpu.yield
        }) : () -> ()
      }
      %scan3A_57 = arith.constant 125 : i32
    } else {
    }
    %barrier3A = arith.constant 0 : index
    tpu.barrier barrier_id(%barrier3A)
    %dma_start3A = arith.constant 0 : i32
    %dma_start3A_14 = arith.constant 0 : i32
    %dma_start3A_15 = tpu.memref_slice %arg8[%dma_start3A, %dma_start3A_14] : memref<40x250xi32, #tpu.memory_space<vmem>> -> memref<1x250xi32, #tpu.memory_space<vmem>>
    %dma_start3A_16 = tpu.memref_squeeze %dma_start3A_15 : memref<1x250xi32, #tpu.memory_space<vmem>> -> memref<250xi32, #tpu.memory_space<vmem>>
    %dma_start3A_17 = arith.constant 0 : i32
    %dma_start3A_18 = arith.constant 0 : i32
    %dma_start3A_19 = tpu.memref_slice %arg2[%dma_start3A_17, %dma_start3A_18] : memref<10000x32xf32, #tpu.memory_space<hbm>> -> memref<10000x32xf32, #tpu.memory_space<hbm>>
    tpu.enqueue_indirect_dma source(%dma_start3A_19 : memref<10000x32xf32, #tpu.memory_space<hbm>>) target(%arg10 : memref<250x32xf32, #tpu.memory_space<vmem>>) offsets(%dma_start3A_16 : memref<250xi32, #tpu.memory_space<vmem>>) semaphore(%arg19 : memref<!tpu.dma_semaphore, #tpu.memory_space<semaphore_mem>>)
    %dma_start3A_20 = arith.constant 0 : i32
    %dma_start3A_21 = arith.constant 0 : i32
    %dma_start3A_22 = tpu.memref_slice %arg9[%dma_start3A_20, %dma_start3A_21] : memref<40x250xi32, #tpu.memory_space<vmem>> -> memref<1x250xi32, #tpu.memory_space<vmem>>
    %dma_start3A_23 = tpu.memref_squeeze %dma_start3A_22 : memref<1x250xi32, #tpu.memory_space<vmem>> -> memref<250xi32, #tpu.memory_space<vmem>>
    %dma_start3A_24 = arith.constant 0 : i32
    %dma_start3A_25 = arith.constant 0 : i32
    %dma_start3A_26 = tpu.memref_slice %arg3[%dma_start3A_24, %dma_start3A_25] : memref<10000x32xf32, #tpu.memory_space<hbm>> -> memref<10000x32xf32, #tpu.memory_space<hbm>>
    tpu.enqueue_indirect_dma source(%dma_start3A_26 : memref<10000x32xf32, #tpu.memory_space<hbm>>) target(%arg12 : memref<250x32xf32, #tpu.memory_space<vmem>>) offsets(%dma_start3A_23 : memref<250xi32, #tpu.memory_space<vmem>>) semaphore(%arg21 : memref<!tpu.dma_semaphore, #tpu.memory_space<semaphore_mem>>)
    %scan3A_27 = arith.constant 0 : i32
    %scan3A_28 = arith.constant 0 : i32
    %scan3A_29 = arith.constant 20 : i32
    %scan3A_30 = arith.addi %scan3A_28, %scan3A_29 : i32
    %scan3A_31 = arith.constant 1 : i32
    scf.for %scan3A_52 = %scan3A_28 to %scan3A_30 step %scan3A_31  : i32 {
      %mul3A_53 = arith.constant 2 : i32
      %mul3A_54 = arith.muli %mul3A_53, %scan3A_52 : i32
      %add3A_55 = arith.constant 0 : i32
      %add3A_56 = arith.addi %mul3A_54, %add3A_55 : i32
      %add3A_57 = arith.constant 1 : i32
      %add3A_58 = arith.addi %add3A_56, %add3A_57 : i32
      %dma_start3A_59 = arith.constant 0 : i32
      %dma_start3A_60 = tpu.memref_slice %arg8[%add3A_58, %dma_start3A_59] : memref<40x250xi32, #tpu.memory_space<vmem>> -> memref<1x250xi32, #tpu.memory_space<vmem>>
      %dma_start3A_61 = tpu.memref_squeeze %dma_start3A_60 : memref<1x250xi32, #tpu.memory_space<vmem>> -> memref<250xi32, #tpu.memory_space<vmem>>
      %dma_start3A_62 = arith.constant 0 : i32
      %dma_start3A_63 = arith.constant 0 : i32
      %dma_start3A_64 = tpu.memref_slice %arg2[%dma_start3A_62, %dma_start3A_63] : memref<10000x32xf32, #tpu.memory_space<hbm>> -> memref<10000x32xf32, #tpu.memory_space<hbm>>
      tpu.enqueue_indirect_dma source(%dma_start3A_64 : memref<10000x32xf32, #tpu.memory_space<hbm>>) target(%arg11 : memref<250x32xf32, #tpu.memory_space<vmem>>) offsets(%dma_start3A_61 : memref<250xi32, #tpu.memory_space<vmem>>) semaphore(%arg20 : memref<!tpu.dma_semaphore, #tpu.memory_space<semaphore_mem>>)
      %dma_start3A_65 = arith.constant 0 : i32
      %dma_start3A_66 = tpu.memref_slice %arg9[%add3A_58, %dma_start3A_65] : memref<40x250xi32, #tpu.memory_space<vmem>> -> memref<1x250xi32, #tpu.memory_space<vmem>>
      %dma_start3A_67 = tpu.memref_squeeze %dma_start3A_66 : memref<1x250xi32, #tpu.memory_space<vmem>> -> memref<250xi32, #tpu.memory_space<vmem>>
      %dma_start3A_68 = arith.constant 0 : i32
      %dma_start3A_69 = arith.constant 0 : i32
      %dma_start3A_70 = tpu.memref_slice %arg3[%dma_start3A_68, %dma_start3A_69] : memref<10000x32xf32, #tpu.memory_space<hbm>> -> memref<10000x32xf32, #tpu.memory_space<hbm>>
      tpu.enqueue_indirect_dma source(%dma_start3A_70 : memref<10000x32xf32, #tpu.memory_space<hbm>>) target(%arg13 : memref<250x32xf32, #tpu.memory_space<vmem>>) offsets(%dma_start3A_67 : memref<250xi32, #tpu.memory_space<vmem>>) semaphore(%arg22 : memref<!tpu.dma_semaphore, #tpu.memory_space<semaphore_mem>>)
      %dma_wait3A_71 = arith.constant 0 : i32
      %dma_wait3A_72 = tpu.memref_slice %arg8[%add3A_56, %dma_wait3A_71] : memref<40x250xi32, #tpu.memory_space<vmem>> -> memref<1x250xi32, #tpu.memory_space<vmem>>
      %dma_wait3A_73 = tpu.memref_squeeze %dma_wait3A_72 : memref<1x250xi32, #tpu.memory_space<vmem>> -> memref<250xi32, #tpu.memory_space<vmem>>
      %dma_wait3A_74 = arith.constant 0 : i32
      %dma_wait3A_75 = arith.constant 0 : i32
      %dma_wait3A_76 = tpu.memref_slice %arg2[%dma_wait3A_74, %dma_wait3A_75] : memref<10000x32xf32, #tpu.memory_space<hbm>> -> memref<10000x32xf32, #tpu.memory_space<hbm>>
      tpu.wait_indirect_dma semaphore(%arg19 : memref<!tpu.dma_semaphore, #tpu.memory_space<semaphore_mem>>) src(%dma_wait3A_76 : memref<10000x32xf32, #tpu.memory_space<hbm>>) dst(%arg10 : memref<250x32xf32, #tpu.memory_space<vmem>>)
      %dma_wait3A_77 = arith.constant 0 : i32
      %dma_wait3A_78 = tpu.memref_slice %arg9[%add3A_56, %dma_wait3A_77] : memref<40x250xi32, #tpu.memory_space<vmem>> -> memref<1x250xi32, #tpu.memory_space<vmem>>
      %dma_wait3A_79 = tpu.memref_squeeze %dma_wait3A_78 : memref<1x250xi32, #tpu.memory_space<vmem>> -> memref<250xi32, #tpu.memory_space<vmem>>
      %dma_wait3A_80 = arith.constant 0 : i32
      %dma_wait3A_81 = arith.constant 0 : i32
      %dma_wait3A_82 = tpu.memref_slice %arg3[%dma_wait3A_80, %dma_wait3A_81] : memref<10000x32xf32, #tpu.memory_space<hbm>> -> memref<10000x32xf32, #tpu.memory_space<hbm>>
      tpu.wait_indirect_dma semaphore(%arg21 : memref<!tpu.dma_semaphore, #tpu.memory_space<semaphore_mem>>) src(%dma_wait3A_82 : memref<10000x32xf32, #tpu.memory_space<hbm>>) dst(%arg12 : memref<250x32xf32, #tpu.memory_space<vmem>>)
      %gt3A = arith.constant 0 : i32
      %gt3A_83 = arith.cmpi sgt, %scan3A_52, %gt3A : i32
      %convert_element_type3A_84 = arith.extui %gt3A_83 : i1 to i32
      %cond3A_85 = arith.constant 0 : i32
      %cond3A_86 = arith.cmpi ne, %convert_element_type3A_84, %cond3A_85 : i32
      scf.if %cond3A_86 {
        %dma_wait3A_130 = arith.constant 0 : i32
        %dma_wait3A_131 = tpu.memref_slice %arg9[%add3A_56, %dma_wait3A_130] : memref<40x250xi32, #tpu.memory_space<vmem>> -> memref<1x250xi32, #tpu.memory_space<vmem>>
        %dma_wait3A_132 = tpu.memref_squeeze %dma_wait3A_131 : memref<1x250xi32, #tpu.memory_space<vmem>> -> memref<250xi32, #tpu.memory_space<vmem>>
        %dma_wait3A_133 = arith.constant 0 : i32
        %dma_wait3A_134 = arith.constant 0 : i32
        %dma_wait3A_135 = tpu.memref_slice %arg18[%dma_wait3A_133, %dma_wait3A_134] : memref<10000x32xf32, #tpu.memory_space<vmem_shared>> -> memref<10000x32xf32, #tpu.memory_space<vmem_shared>>
        tpu.wait_indirect_dma semaphore(%arg23 : memref<!tpu.dma_semaphore, #tpu.memory_space<semaphore_mem>>) src(%arg14 : memref<250x32xf32, #tpu.memory_space<vmem>>) dst(%dma_wait3A_135 : memref<10000x32xf32, #tpu.memory_space<vmem_shared>>)
      } else {
      }
      %parallel_loop3A = arith.constant 0 : i32
      %parallel_loop3A_87 = arith.constant 250 : i32
      %parallel_loop3A_88 = arith.constant 1 : i32
      scf.for %parallel_loop3A_130 = %parallel_loop3A to %parallel_loop3A_87 step %parallel_loop3A_88  : i32 {
        %parallel_loop3A_131 = arith.index_cast %parallel_loop3A_130 : i32 to index
        %parallel_loop3A_132 = arith.constant 0 : index
        %parallel_loop3A_133 = tpu.vector_load %arg10[%parallel_loop3A_131, %parallel_loop3A_132] {strides = array<i32>} : memref<250x32xf32, #tpu.memory_space<vmem>>, vector<16xf32>,
        %parallel_loop3A_134 = arith.index_cast %parallel_loop3A_130 : i32 to index
        %parallel_loop3A_135 = arith.constant 16 : index
        %parallel_loop3A_136 = tpu.vector_load %arg10[%parallel_loop3A_134, %parallel_loop3A_135] {strides = array<i32>} : memref<250x32xf32, #tpu.memory_space<vmem>>, vector<16xf32>,
        %parallel_loop3A_137 = arith.index_cast %parallel_loop3A_130 : i32 to index
        %parallel_loop3A_138 = arith.constant 0 : index
        %parallel_loop3A_139 = tpu.vector_load %arg12[%parallel_loop3A_137, %parallel_loop3A_138] {strides = array<i32>} : memref<250x32xf32, #tpu.memory_space<vmem>>, vector<16xf32>,
        %parallel_loop3A_140 = arith.addf %parallel_loop3A_133, %parallel_loop3A_139 : vector<16xf32>
        %parallel_loop3A_141 = arith.constant 0.000000e+00 : f32
        %parallel_loop3A_142 = vector.broadcast %parallel_loop3A_141 : f32 to vector<16xf32>
        %parallel_loop3A_143 = arith.cmpf oge, %parallel_loop3A_140, %parallel_loop3A_142 : vector<16xf32>
        %parallel_loop3A_144 = arith.constant 2.000000e-01 : f32
        %parallel_loop3A_145 = vector.broadcast %parallel_loop3A_144 : f32 to vector<16xf32>
        %parallel_loop3A_146 = arith.mulf %parallel_loop3A_140, %parallel_loop3A_145 : vector<16xf32>
        %parallel_loop3A_147 = arith.select %parallel_loop3A_143, %parallel_loop3A_140, %parallel_loop3A_146 : vector<16xi1>, vector<16xf32>
        %parallel_loop3A_148 = arith.mulf %parallel_loop3A_147, %get3A_1 : vector<16xf32>
        %parallel_loop3A_149 = arith.index_cast %parallel_loop3A_130 : i32 to index
        %parallel_loop3A_150 = arith.constant 16 : index
        %parallel_loop3A_151 = tpu.vector_load %arg12[%parallel_loop3A_149, %parallel_loop3A_150] {strides = array<i32>} : memref<250x32xf32, #tpu.memory_space<vmem>>, vector<16xf32>,
        %parallel_loop3A_152 = arith.addf %parallel_loop3A_136, %parallel_loop3A_151 : vector<16xf32>
        %parallel_loop3A_153 = arith.constant 0.000000e+00 : f32
        %parallel_loop3A_154 = vector.broadcast %parallel_loop3A_153 : f32 to vector<16xf32>
        %parallel_loop3A_155 = arith.cmpf oge, %parallel_loop3A_152, %parallel_loop3A_154 : vector<16xf32>
        %parallel_loop3A_156 = arith.constant 2.000000e-01 : f32
        %parallel_loop3A_157 = vector.broadcast %parallel_loop3A_156 : f32 to vector<16xf32>
        %parallel_loop3A_158 = arith.mulf %parallel_loop3A_152, %parallel_loop3A_157 : vector<16xf32>
        %parallel_loop3A_159 = arith.select %parallel_loop3A_155, %parallel_loop3A_152, %parallel_loop3A_158 : vector<16xi1>, vector<16xf32>
        %parallel_loop3A_160 = arith.mulf %parallel_loop3A_159, %get3A_3 : vector<16xf32>
        %parallel_loop3A_161 = arith.addf %parallel_loop3A_148, %parallel_loop3A_160 : vector<16xf32>
        %parallel_loop3A_162 = arith.constant true
        %parallel_loop3A_163 = vector.broadcast %parallel_loop3A_162 : i1 to vector<16xi1>
        %parallel_loop3A_164 = tpu.scan <sum>, %parallel_loop3A_161 masked %parallel_loop3A_163 : vector<16xf32>, vector<16xi1> -> vector<16xf32>
        %parallel_loop3A_165 = vector.extract %parallel_loop3A_164[15] : f32 from vector<16xf32>
        %parallel_loop3A_166 = vector.broadcast %parallel_loop3A_165 : f32 to vector<16xf32>
        %parallel_loop3A_167 = math.exp %parallel_loop3A_166 : vector<16xf32>
        %parallel_loop3A_168 = arith.mulf %parallel_loop3A_167, %parallel_loop3A_133 : vector<16xf32>
        %parallel_loop3A_169 = arith.mulf %parallel_loop3A_167, %parallel_loop3A_136 : vector<16xf32>
        %parallel_loop3A_170 = arith.index_cast %parallel_loop3A_130 : i32 to index
        %parallel_loop3A_171 = arith.constant 0 : index
        %parallel_loop3A_172 = tpu.vector_load %arg14[%parallel_loop3A_170, %parallel_loop3A_171] {strides = array<i32>} : memref<250x32xf32, #tpu.memory_space<vmem>>, vector<16xf32>,
        tpu.vector_store %arg14[%parallel_loop3A_170, %parallel_loop3A_171], %parallel_loop3A_168 {strides = array<i32>} : memref<250x32xf32, #tpu.memory_space<vmem>>, vector<16xf32>,
        %parallel_loop3A_173 = arith.index_cast %parallel_loop3A_130 : i32 to index
        %parallel_loop3A_174 = arith.constant 16 : index
        %parallel_loop3A_175 = tpu.vector_load %arg14[%parallel_loop3A_173, %parallel_loop3A_174] {strides = array<i32>} : memref<250x32xf32, #tpu.memory_space<vmem>>, vector<16xf32>,
        tpu.vector_store %arg14[%parallel_loop3A_173, %parallel_loop3A_174], %parallel_loop3A_169 {strides = array<i32>} : memref<250x32xf32, #tpu.memory_space<vmem>>, vector<16xf32>,
      } {sc.loop_unroll_factor = 4 : i64, sc.parallel_access}
      %dma_start3A_89 = arith.constant 0 : i32
      %dma_start3A_90 = tpu.memref_slice %arg9[%add3A_56, %dma_start3A_89] : memref<40x250xi32, #tpu.memory_space<vmem>> -> memref<1x250xi32, #tpu.memory_space<vmem>>
      %dma_start3A_91 = tpu.memref_squeeze %dma_start3A_90 : memref<1x250xi32, #tpu.memory_space<vmem>> -> memref<250xi32, #tpu.memory_space<vmem>>
      %dma_start3A_92 = arith.constant 0 : i32
      %dma_start3A_93 = arith.constant 0 : i32
      %dma_start3A_94 = tpu.memref_slice %arg18[%dma_start3A_92, %dma_start3A_93] : memref<10000x32xf32, #tpu.memory_space<vmem_shared>> -> memref<10000x32xf32, #tpu.memory_space<vmem_shared>>
      tpu.enqueue_indirect_dma source(%arg14 : memref<250x32xf32, #tpu.memory_space<vmem>>) target(%dma_start3A_94 : memref<10000x32xf32, #tpu.memory_space<vmem_shared>>) offsets(%dma_start3A_91 : memref<250xi32, #tpu.memory_space<vmem>>) semaphore(%arg23 : memref<!tpu.dma_semaphore, #tpu.memory_space<semaphore_mem>>) {add = true}
      %add3A_95 = arith.constant 1 : i32
      %add3A_96 = arith.addi %mul3A_54, %add3A_95 : i32
      %dma_wait3A_97 = arith.constant 0 : i32
      %dma_wait3A_98 = tpu.memref_slice %arg8[%add3A_96, %dma_wait3A_97] : memref<40x250xi32, #tpu.memory_space<vmem>> -> memref<1x250xi32, #tpu.memory_space<vmem>>
      %dma_wait3A_99 = tpu.memref_squeeze %dma_wait3A_98 : memref<1x250xi32, #tpu.memory_space<vmem>> -> memref<250xi32, #tpu.memory_space<vmem>>
      %dma_wait3A_100 = arith.constant 0 : i32
      %dma_wait3A_101 = arith.constant 0 : i32
      %dma_wait3A_102 = tpu.memref_slice %arg2[%dma_wait3A_100, %dma_wait3A_101] : memref<10000x32xf32, #tpu.memory_space<hbm>> -> memref<10000x32xf32, #tpu.memory_space<hbm>>
      tpu.wait_indirect_dma semaphore(%arg20 : memref<!tpu.dma_semaphore, #tpu.memory_space<semaphore_mem>>) src(%dma_wait3A_102 : memref<10000x32xf32, #tpu.memory_space<hbm>>) dst(%arg11 : memref<250x32xf32, #tpu.memory_space<vmem>>)
      %dma_wait3A_103 = arith.constant 0 : i32
      %dma_wait3A_104 = tpu.memref_slice %arg9[%add3A_96, %dma_wait3A_103] : memref<40x250xi32, #tpu.memory_space<vmem>> -> memref<1x250xi32, #tpu.memory_space<vmem>>
      %dma_wait3A_105 = tpu.memref_squeeze %dma_wait3A_104 : memref<1x250xi32, #tpu.memory_space<vmem>> -> memref<250xi32, #tpu.memory_space<vmem>>
      %dma_wait3A_106 = arith.constant 0 : i32
      %dma_wait3A_107 = arith.constant 0 : i32
      %dma_wait3A_108 = tpu.memref_slice %arg3[%dma_wait3A_106, %dma_wait3A_107] : memref<10000x32xf32, #tpu.memory_space<hbm>> -> memref<10000x32xf32, #tpu.memory_space<hbm>>
      tpu.wait_indirect_dma semaphore(%arg22 : memref<!tpu.dma_semaphore, #tpu.memory_space<semaphore_mem>>) src(%dma_wait3A_108 : memref<10000x32xf32, #tpu.memory_space<hbm>>) dst(%arg13 : memref<250x32xf32, #tpu.memory_space<vmem>>)
      %gt3A_109 = arith.constant 0 : i32
      %gt3A_110 = arith.cmpi sgt, %scan3A_52, %gt3A_109 : i32
      %convert_element_type3A_111 = arith.extui %gt3A_110 : i1 to i32
      %cond3A_112 = arith.constant 0 : i32
      %cond3A_113 = arith.cmpi ne, %convert_element_type3A_111, %cond3A_112 : i32
      scf.if %cond3A_113 {
        %dma_wait3A_130 = arith.constant 0 : i32
        %dma_wait3A_131 = tpu.memref_slice %arg9[%add3A_96, %dma_wait3A_130] : memref<40x250xi32, #tpu.memory_space<vmem>> -> memref<1x250xi32, #tpu.memory_space<vmem>>
        %dma_wait3A_132 = tpu.memref_squeeze %dma_wait3A_131 : memref<1x250xi32, #tpu.memory_space<vmem>> -> memref<250xi32, #tpu.memory_space<vmem>>
        %dma_wait3A_133 = arith.constant 0 : i32
        %dma_wait3A_134 = arith.constant 0 : i32
        %dma_wait3A_135 = tpu.memref_slice %arg18[%dma_wait3A_133, %dma_wait3A_134] : memref<10000x32xf32, #tpu.memory_space<vmem_shared>> -> memref<10000x32xf32, #tpu.memory_space<vmem_shared>>
        tpu.wait_indirect_dma semaphore(%arg24 : memref<!tpu.dma_semaphore, #tpu.memory_space<semaphore_mem>>) src(%arg15 : memref<250x32xf32, #tpu.memory_space<vmem>>) dst(%dma_wait3A_135 : memref<10000x32xf32, #tpu.memory_space<vmem_shared>>)
      } else {
      }
      %parallel_loop3A_114 = arith.constant 0 : i32
      %parallel_loop3A_115 = arith.constant 250 : i32
      %parallel_loop3A_116 = arith.constant 1 : i32
      scf.for %parallel_loop3A_130 = %parallel_loop3A_114 to %parallel_loop3A_115 step %parallel_loop3A_116  : i32 {
        %parallel_loop3A_131 = arith.index_cast %parallel_loop3A_130 : i32 to index
        %parallel_loop3A_132 = arith.constant 0 : index
        %parallel_loop3A_133 = tpu.vector_load %arg11[%parallel_loop3A_131, %parallel_loop3A_132] {strides = array<i32>} : memref<250x32xf32, #tpu.memory_space<vmem>>, vector<16xf32>,
        %parallel_loop3A_134 = arith.index_cast %parallel_loop3A_130 : i32 to index
        %parallel_loop3A_135 = arith.constant 16 : index
        %parallel_loop3A_136 = tpu.vector_load %arg11[%parallel_loop3A_134, %parallel_loop3A_135] {strides = array<i32>} : memref<250x32xf32, #tpu.memory_space<vmem>>, vector<16xf32>,
        %parallel_loop3A_137 = arith.index_cast %parallel_loop3A_130 : i32 to index
        %parallel_loop3A_138 = arith.constant 0 : index
        %parallel_loop3A_139 = tpu.vector_load %arg13[%parallel_loop3A_137, %parallel_loop3A_138] {strides = array<i32>} : memref<250x32xf32, #tpu.memory_space<vmem>>, vector<16xf32>,
        %parallel_loop3A_140 = arith.addf %parallel_loop3A_133, %parallel_loop3A_139 : vector<16xf32>
        %parallel_loop3A_141 = arith.constant 0.000000e+00 : f32
        %parallel_loop3A_142 = vector.broadcast %parallel_loop3A_141 : f32 to vector<16xf32>
        %parallel_loop3A_143 = arith.cmpf oge, %parallel_loop3A_140, %parallel_loop3A_142 : vector<16xf32>
        %parallel_loop3A_144 = arith.constant 2.000000e-01 : f32
        %parallel_loop3A_145 = vector.broadcast %parallel_loop3A_144 : f32 to vector<16xf32>
        %parallel_loop3A_146 = arith.mulf %parallel_loop3A_140, %parallel_loop3A_145 : vector<16xf32>
        %parallel_loop3A_147 = arith.select %parallel_loop3A_143, %parallel_loop3A_140, %parallel_loop3A_146 : vector<16xi1>, vector<16xf32>
        %parallel_loop3A_148 = arith.mulf %parallel_loop3A_147, %get3A_1 : vector<16xf32>
        %parallel_loop3A_149 = arith.index_cast %parallel_loop3A_130 : i32 to index
        %parallel_loop3A_150 = arith.constant 16 : index
        %parallel_loop3A_151 = tpu.vector_load %arg13[%parallel_loop3A_149, %parallel_loop3A_150] {strides = array<i32>} : memref<250x32xf32, #tpu.memory_space<vmem>>, vector<16xf32>,
        %parallel_loop3A_152 = arith.addf %parallel_loop3A_136, %parallel_loop3A_151 : vector<16xf32>
        %parallel_loop3A_153 = arith.constant 0.000000e+00 : f32
        %parallel_loop3A_154 = vector.broadcast %parallel_loop3A_153 : f32 to vector<16xf32>
        %parallel_loop3A_155 = arith.cmpf oge, %parallel_loop3A_152, %parallel_loop3A_154 : vector<16xf32>
        %parallel_loop3A_156 = arith.constant 2.000000e-01 : f32
        %parallel_loop3A_157 = vector.broadcast %parallel_loop3A_156 : f32 to vector<16xf32>
        %parallel_loop3A_158 = arith.mulf %parallel_loop3A_152, %parallel_loop3A_157 : vector<16xf32>
        %parallel_loop3A_159 = arith.select %parallel_loop3A_155, %parallel_loop3A_152, %parallel_loop3A_158 : vector<16xi1>, vector<16xf32>
        %parallel_loop3A_160 = arith.mulf %parallel_loop3A_159, %get3A_3 : vector<16xf32>
        %parallel_loop3A_161 = arith.addf %parallel_loop3A_148, %parallel_loop3A_160 : vector<16xf32>
        %parallel_loop3A_162 = arith.constant true
        %parallel_loop3A_163 = vector.broadcast %parallel_loop3A_162 : i1 to vector<16xi1>
        %parallel_loop3A_164 = tpu.scan <sum>, %parallel_loop3A_161 masked %parallel_loop3A_163 : vector<16xf32>, vector<16xi1> -> vector<16xf32>
        %parallel_loop3A_165 = vector.extract %parallel_loop3A_164[15] : f32 from vector<16xf32>
        %parallel_loop3A_166 = vector.broadcast %parallel_loop3A_165 : f32 to vector<16xf32>
        %parallel_loop3A_167 = math.exp %parallel_loop3A_166 : vector<16xf32>
        %parallel_loop3A_168 = arith.mulf %parallel_loop3A_167, %parallel_loop3A_133 : vector<16xf32>
        %parallel_loop3A_169 = arith.mulf %parallel_loop3A_167, %parallel_loop3A_136 : vector<16xf32>
        %parallel_loop3A_170 = arith.index_cast %parallel_loop3A_130 : i32 to index
        %parallel_loop3A_171 = arith.constant 0 : index
        %parallel_loop3A_172 = tpu.vector_load %arg15[%parallel_loop3A_170, %parallel_loop3A_171] {strides = array<i32>} : memref<250x32xf32, #tpu.memory_space<vmem>>, vector<16xf32>,
        tpu.vector_store %arg15[%parallel_loop3A_170, %parallel_loop3A_171], %parallel_loop3A_168 {strides = array<i32>} : memref<250x32xf32, #tpu.memory_space<vmem>>, vector<16xf32>,
        %parallel_loop3A_173 = arith.index_cast %parallel_loop3A_130 : i32 to index
        %parallel_loop3A_174 = arith.constant 16 : index
        %parallel_loop3A_175 = tpu.vector_load %arg15[%parallel_loop3A_173, %parallel_loop3A_174] {strides = array<i32>} : memref<250x32xf32, #tpu.memory_space<vmem>>, vector<16xf32>,
        tpu.vector_store %arg15[%parallel_loop3A_173, %parallel_loop3A_174], %parallel_loop3A_169 {strides = array<i32>} : memref<250x32xf32, #tpu.memory_space<vmem>>, vector<16xf32>,
      } {sc.loop_unroll_factor = 4 : i64, sc.parallel_access}
      %dma_start3A_117 = arith.constant 0 : i32
      %dma_start3A_118 = tpu.memref_slice %arg9[%add3A_96, %dma_start3A_117] : memref<40x250xi32, #tpu.memory_space<vmem>> -> memref<1x250xi32, #tpu.memory_space<vmem>>
      %dma_start3A_119 = tpu.memref_squeeze %dma_start3A_118 : memref<1x250xi32, #tpu.memory_space<vmem>> -> memref<250xi32, #tpu.memory_space<vmem>>
      %dma_start3A_120 = arith.constant 0 : i32
      %dma_start3A_121 = arith.constant 0 : i32
      %dma_start3A_122 = tpu.memref_slice %arg18[%dma_start3A_120, %dma_start3A_121] : memref<10000x32xf32, #tpu.memory_space<vmem_shared>> -> memref<10000x32xf32, #tpu.memory_space<vmem_shared>>
      tpu.enqueue_indirect_dma source(%arg15 : memref<250x32xf32, #tpu.memory_space<vmem>>) target(%dma_start3A_122 : memref<10000x32xf32, #tpu.memory_space<vmem_shared>>) offsets(%dma_start3A_119 : memref<250xi32, #tpu.memory_space<vmem>>) semaphore(%arg24 : memref<!tpu.dma_semaphore, #tpu.memory_space<semaphore_mem>>) {add = true}
      %add3A_123 = arith.constant 1 : i32
      %add3A_124 = arith.addi %add3A_96, %add3A_123 : i32
      %lt3A_125 = arith.constant 40 : i32
      %lt3A_126 = arith.cmpi slt, %add3A_124, %lt3A_125 : i32
      %convert_element_type3A_127 = arith.extui %lt3A_126 : i1 to i32
      %cond3A_128 = arith.constant 0 : i32
      %cond3A_129 = arith.cmpi ne, %convert_element_type3A_127, %cond3A_128 : i32
      scf.if %cond3A_129 {
        %add3A_130 = arith.constant 1 : i32
        %add3A_131 = arith.addi %add3A_96, %add3A_130 : i32
        %dma_start3A_132 = arith.constant 0 : i32
        %dma_start3A_133 = tpu.memref_slice %arg8[%add3A_131, %dma_start3A_132] : memref<40x250xi32, #tpu.memory_space<vmem>> -> memref<1x250xi32, #tpu.memory_space<vmem>>
        %dma_start3A_134 = tpu.memref_squeeze %dma_start3A_133 : memref<1x250xi32, #tpu.memory_space<vmem>> -> memref<250xi32, #tpu.memory_space<vmem>>
        %dma_start3A_135 = arith.constant 0 : i32
        %dma_start3A_136 = arith.constant 0 : i32
        %dma_start3A_137 = tpu.memref_slice %arg2[%dma_start3A_135, %dma_start3A_136] : memref<10000x32xf32, #tpu.memory_space<hbm>> -> memref<10000x32xf32, #tpu.memory_space<hbm>>
        tpu.enqueue_indirect_dma source(%dma_start3A_137 : memref<10000x32xf32, #tpu.memory_space<hbm>>) target(%arg10 : memref<250x32xf32, #tpu.memory_space<vmem>>) offsets(%dma_start3A_134 : memref<250xi32, #tpu.memory_space<vmem>>) semaphore(%arg19 : memref<!tpu.dma_semaphore, #tpu.memory_space<semaphore_mem>>)
        %dma_start3A_138 = arith.constant 0 : i32
        %dma_start3A_139 = tpu.memref_slice %arg9[%add3A_131, %dma_start3A_138] : memref<40x250xi32, #tpu.memory_space<vmem>> -> memref<1x250xi32, #tpu.memory_space<vmem>>
        %dma_start3A_140 = tpu.memref_squeeze %dma_start3A_139 : memref<1x250xi32, #tpu.memory_space<vmem>> -> memref<250xi32, #tpu.memory_space<vmem>>
        %dma_start3A_141 = arith.constant 0 : i32
        %dma_start3A_142 = arith.constant 0 : i32
        %dma_start3A_143 = tpu.memref_slice %arg3[%dma_start3A_141, %dma_start3A_142] : memref<10000x32xf32, #tpu.memory_space<hbm>> -> memref<10000x32xf32, #tpu.memory_space<hbm>>
        tpu.enqueue_indirect_dma source(%dma_start3A_143 : memref<10000x32xf32, #tpu.memory_space<hbm>>) target(%arg12 : memref<250x32xf32, #tpu.memory_space<vmem>>) offsets(%dma_start3A_140 : memref<250xi32, #tpu.memory_space<vmem>>) semaphore(%arg21 : memref<!tpu.dma_semaphore, #tpu.memory_space<semaphore_mem>>)
      } else {
      }
    }
    %scan3A_32 = arith.constant 20 : i32
    %dma_wait3A = arith.constant 38 : i32
    %dma_wait3A_33 = arith.constant 0 : i32
    %dma_wait3A_34 = tpu.memref_slice %arg9[%dma_wait3A, %dma_wait3A_33] : memref<40x250xi32, #tpu.memory_space<vmem>> -> memref<1x250xi32, #tpu.memory_space<vmem>>
    %dma_wait3A_35 = tpu.memref_squeeze %dma_wait3A_34 : memref<1x250xi32, #tpu.memory_space<vmem>> -> memref<250xi32, #tpu.memory_space<vmem>>
    %dma_wait3A_36 = arith.constant 0 : i32
    %dma_wait3A_37 = arith.constant 0 : i32
    %dma_wait3A_38 = tpu.memref_slice %arg18[%dma_wait3A_36, %dma_wait3A_37] : memref<10000x32xf32, #tpu.memory_space<vmem_shared>> -> memref<10000x32xf32, #tpu.memory_space<vmem_shared>>
    tpu.wait_indirect_dma semaphore(%arg23 : memref<!tpu.dma_semaphore, #tpu.memory_space<semaphore_mem>>) src(%arg14 : memref<250x32xf32, #tpu.memory_space<vmem>>) dst(%dma_wait3A_38 : memref<10000x32xf32, #tpu.memory_space<vmem_shared>>)
    %dma_wait3A_39 = arith.constant 39 : i32
    %dma_wait3A_40 = arith.constant 0 : i32
    %dma_wait3A_41 = tpu.memref_slice %arg9[%dma_wait3A_39, %dma_wait3A_40] : memref<40x250xi32, #tpu.memory_space<vmem>> -> memref<1x250xi32, #tpu.memory_space<vmem>>
    %dma_wait3A_42 = tpu.memref_squeeze %dma_wait3A_41 : memref<1x250xi32, #tpu.memory_space<vmem>> -> memref<250xi32, #tpu.memory_space<vmem>>
    %dma_wait3A_43 = arith.constant 0 : i32
    %dma_wait3A_44 = arith.constant 0 : i32
    %dma_wait3A_45 = tpu.memref_slice %arg18[%dma_wait3A_43, %dma_wait3A_44] : memref<10000x32xf32, #tpu.memory_space<vmem_shared>> -> memref<10000x32xf32, #tpu.memory_space<vmem_shared>>
    tpu.wait_indirect_dma semaphore(%arg24 : memref<!tpu.dma_semaphore, #tpu.memory_space<semaphore_mem>>) src(%arg15 : memref<250x32xf32, #tpu.memory_space<vmem>>) dst(%dma_wait3A_45 : memref<10000x32xf32, #tpu.memory_space<vmem_shared>>)
    %barrier3A_46 = arith.constant 0 : index
    tpu.barrier barrier_id(%barrier3A_46)
    %lt3A_47 = arith.constant 10 : i32
    %lt3A_48 = arith.cmpi slt, %arg1, %lt3A_47 : i32
    %convert_element_type3A_49 = arith.extui %lt3A_48 : i1 to i32
    %cond3A_50 = arith.constant 0 : i32
    %cond3A_51 = arith.cmpi ne, %convert_element_type3A_49, %cond3A_50 : i32
    scf.if %cond3A_51 {
      "tpu.region"() ({
        %run_scoped3A = tpu.sem_alloc : memref<!tpu.dma_semaphore, #tpu.memory_space<semaphore_mem>>
        %dma_start3A_52 = arith.constant 0 : i32
        %dma_start3A_53 = tpu.memref_slice %arg7[%arg0, %mul3A_11, %dma_start3A_52] : memref<2x10000x32xf32, #tpu.memory_space<hbm>> -> memref<1x1000x32xf32, #tpu.memory_space<hbm>>
        %dma_start3A_54 = tpu.memref_squeeze %dma_start3A_53 : memref<1x1000x32xf32, #tpu.memory_space<hbm>> -> memref<1000x32xf32, #tpu.memory_space<hbm>>
        %dma_start3A_55 = arith.constant 0 : i32
        %dma_start3A_56 = tpu.memref_slice %arg18[%mul3A_11, %dma_start3A_55] : memref<10000x32xf32, #tpu.memory_space<vmem_shared>> -> memref<1000x32xf32, #tpu.memory_space<vmem_shared>>
        tpu.enqueue_dma source(%dma_start3A_56 : memref<1000x32xf32, #tpu.memory_space<vmem_shared>>) target(%dma_start3A_54 : memref<1000x32xf32, #tpu.memory_space<hbm>>) target_semaphore(%run_scoped3A : memref<!tpu.dma_semaphore, #tpu.memory_space<semaphore_mem>>)
        %dma_wait3A_57 = arith.constant 0 : i32
        %dma_wait3A_58 = tpu.memref_slice %arg7[%arg0, %mul3A_11, %dma_wait3A_57] : memref<2x10000x32xf32, #tpu.memory_space<hbm>> -> memref<1x1000x32xf32, #tpu.memory_space<hbm>>
        %dma_wait3A_59 = tpu.memref_squeeze %dma_wait3A_58 : memref<1x1000x32xf32, #tpu.memory_space<hbm>> -> memref<1000x32xf32, #tpu.memory_space<hbm>>
        %dma_wait3A_60 = arith.constant 0 : i32
        %dma_wait3A_61 = tpu.memref_slice %arg18[%mul3A_11, %dma_wait3A_60] : memref<10000x32xf32, #tpu.memory_space<vmem_shared>> -> memref<1000x32xf32, #tpu.memory_space<vmem_shared>>
        tpu.wait_dma2 semaphore(%run_scoped3A : memref<!tpu.dma_semaphore, #tpu.memory_space<semaphore_mem>>) src(%dma_wait3A_61 : memref<1000x32xf32, #tpu.memory_space<vmem_shared>>) dst(%dma_wait3A_59 : memref<1000x32xf32, #tpu.memory_space<hbm>>)
        tpu.yield
      }) : () -> ()
    } else {
    }
    return
  }
}

module attributes {stable_mosaic.version = 14 : i64} {
  func.func @_mm_split_kernel(%arg0: i32, %arg1: memref<2000x128xf32, #tpu.memory_space<vmem>>, %arg2: memref<128x128xf32, #tpu.memory_space<vmem>>, %arg3: memref<2000x64xf32, #tpu.memory_space<vmem>>, %arg4: memref<2000x64xf32, #tpu.memory_space<vmem>>) attributes {dimension_semantics = [#tpu.dimension_semantics<arbitrary>], iteration_bounds = array<i64: 5>, scalar_prefetch = 0 : i64, scratch_operands = 0 : i64, tpu.core_type = #tpu.core_type<tc>, window_params = [{transform_indices = @transform_0, window_bounds = array<i64: 2000, 128>}, {pipeline_mode = #tpu.pipeline_mode<synchronous>, transform_indices = @transform_1, window_bounds = array<i64: 128, 128>}, {transform_indices = @transform_2, window_bounds = array<i64: 2000, 64>}, {transform_indices = @transform_3, window_bounds = array<i64: 2000, 64>}]} {
    %get3A = arith.constant 0 : index
    %get3A_0 = arith.constant 0 : index
    %get3A_1 = vector.load %arg1[%get3A, %get3A_0] : memref<2000x128xf32, #tpu.memory_space<vmem>>, vector<2000x128xf32>
    %get3A_2 = arith.constant 0 : index
    %get3A_3 = arith.constant 0 : index
    %get3A_4 = vector.load %arg2[%get3A_2, %get3A_3] : memref<128x128xf32, #tpu.memory_space<vmem>>, vector<128x128xf32>
    %dot_general3A = arith.constant dense<0.000000e+00> : vector<2000x128xf32>
    %dot_general3A_5 = tpu.matmul %get3A_1, %get3A_4, %dot_general3A {dimension_numbers = #tpu.dot_dimension_numbers<[1], [0], [0], [1], [0, 0, 1, 1], [], []>, transpose_lhs_hint = false} : vector<2000x128xf32>, vector<128x128xf32>, vector<2000x128xf32> -> vector<2000x128xf32>
    %slice3A = vector.extract_strided_slice %dot_general3A_5 {offsets = [0, 0], sizes = [2000, 64], strides = [1, 1]} : vector<2000x128xf32> to vector<2000x64xf32>
    %swap3A = arith.constant 0 : index
    %swap3A_6 = arith.constant 0 : index
    %swap3A_7 = vector.load %arg3[%swap3A, %swap3A_6] : memref<2000x64xf32, #tpu.memory_space<vmem>>, vector<2000x64xf32>
    tpu.vector_store %arg3[%swap3A, %swap3A_6], %slice3A {strides = array<i32>} : memref<2000x64xf32, #tpu.memory_space<vmem>>, vector<2000x64xf32>,
    %slice3A_8 = vector.extract_strided_slice %dot_general3A_5 {offsets = [0, 64], sizes = [2000, 64], strides = [1, 1]} : vector<2000x128xf32> to vector<2000x64xf32>
    %swap3A_9 = arith.constant 0 : index
    %swap3A_10 = arith.constant 0 : index
    %swap3A_11 = vector.load %arg4[%swap3A_9, %swap3A_10] : memref<2000x64xf32, #tpu.memory_space<vmem>>, vector<2000x64xf32>
    tpu.vector_store %arg4[%swap3A_9, %swap3A_10], %slice3A_8 {strides = array<i32>} : memref<2000x64xf32, #tpu.memory_space<vmem>>, vector<2000x64xf32>,
    return
  }
  func.func @transform_0(%arg0: i32) -> (i32, i32) {
    %c0_i32 = arith.constant 0 : i32
    %c0_i32_0 = arith.constant 0 : i32
    return %arg0, %c0_i32 : i32, i32
  }
  func.func @transform_1(%arg0: i32) -> (i32, i32) {
    %c0_i32 = arith.constant 0 : i32
    %c0_i32_0 = arith.constant 0 : i32
    %c0_i32_1 = arith.constant 0 : i32
    return %c0_i32, %c0_i32_0 : i32, i32
  }
  func.func @transform_2(%arg0: i32) -> (i32, i32) {
    %c0_i32 = arith.constant 0 : i32
    %c0_i32_0 = arith.constant 0 : i32
    return %arg0, %c0_i32 : i32, i32
  }
  func.func @transform_3(%arg0: i32) -> (i32, i32) {
    %c0_i32 = arith.constant 0 : i32
    %c0_i32_0 = arith.constant 0 : i32
    return %arg0, %c0_i32 : i32, i32
  }
}

module attributes {stable_mosaic.version = 14 : i64} {
  func.func @_layer1_epilogue_kernel(%arg0: i32, %arg1: memref<2x2000x80xf32, #tpu.memory_space<vmem>>, %arg2: memref<2000x64xf32, #tpu.memory_space<vmem>>, %arg3: memref<2000x64xf32, #tpu.memory_space<vmem>>, %arg4: memref<1x192xf32, #tpu.memory_space<vmem>>, %arg5: memref<64x60xf32, #tpu.memory_space<vmem>>, %arg6: memref<2000x32xf32, #tpu.memory_space<vmem>>, %arg7: memref<2000x32xf32, #tpu.memory_space<vmem>>) attributes {dimension_semantics = [#tpu.dimension_semantics<arbitrary>], iteration_bounds = array<i64: 5>, scalar_prefetch = 0 : i64, scratch_operands = 0 : i64, tpu.core_type = #tpu.core_type<tc>, window_params = [{transform_indices = @transform_0, window_bounds = array<i64: 2, 2000, 80>}, {transform_indices = @transform_1, window_bounds = array<i64: 2000, 64>}, {transform_indices = @transform_2, window_bounds = array<i64: 2000, 64>}, {pipeline_mode = #tpu.pipeline_mode<synchronous>, transform_indices = @transform_3, window_bounds = array<i64: 1, 192>}, {pipeline_mode = #tpu.pipeline_mode<synchronous>, transform_indices = @transform_4, window_bounds = array<i64: 64, 60>}, {transform_indices = @transform_5, window_bounds = array<i64: 2000, 32>}, {transform_indices = @transform_6, window_bounds = array<i64: 2000, 32>}]} {
    %get3A = arith.constant 0 : index
    %get3A_0 = arith.constant 0 : index
    %get3A_1 = vector.load %arg2[%get3A, %get3A_0] : memref<2000x64xf32, #tpu.memory_space<vmem>>, vector<2000x64xf32>
    %get3A_2 = arith.constant 0 : index
    %get3A_3 = arith.constant 0 : index
    %get3A_4 = vector.load %arg3[%get3A_2, %get3A_3] : memref<2000x64xf32, #tpu.memory_space<vmem>>, vector<2000x64xf32>
    %get3A_5 = arith.constant 0 : index
    %get3A_6 = arith.constant 0 : index
    %get3A_7 = vector.load %arg4[%get3A_5, %get3A_6] : memref<1x192xf32, #tpu.memory_space<vmem>>, vector<1x64xf32>
    %get3A_8 = arith.constant 0 : index
    %get3A_9 = arith.constant 64 : index
    %get3A_10 = vector.load %arg4[%get3A_8, %get3A_9] : memref<1x192xf32, #tpu.memory_space<vmem>>, vector<1x64xf32>
    %add3A = arith.addf %get3A_1, %get3A_4 : vector<2000x64xf32>
    %ge3A = arith.constant 0.000000e+00 : f32
    %ge3A_11 = vector.broadcast %ge3A : f32 to vector<2000x64xf32>
    %ge3A_12 = arith.cmpf oge, %add3A, %ge3A_11 : vector<2000x64xf32>
    %mul3A = arith.constant 2.000000e-01 : f32
    %mul3A_13 = vector.broadcast %mul3A : f32 to vector<2000x64xf32>
    %mul3A_14 = arith.mulf %add3A, %mul3A_13 : vector<2000x64xf32>
    %select_n3A = arith.select %ge3A_12, %add3A, %mul3A_14 : vector<2000x64xi1>, vector<2000x64xf32>
    %mul3A_15 = vector.broadcast %get3A_7 : vector<1x64xf32> to vector<2000x64xf32>
    %mul3A_16 = arith.mulf %select_n3A, %mul3A_15 : vector<2000x64xf32>
    %reduce_sum3A = arith.constant dense<0.000000e+00> : vector<2000xf32>
    %reduce_sum3A_17 = vector.multi_reduction <add>, %mul3A_16, %reduce_sum3A [1] : vector<2000x64xf32> to vector<2000xf32>
    %broadcast_in_dim3A = vector.shape_cast %reduce_sum3A_17 : vector<2000xf32> to vector<2000x1xf32>
    %exp3A = math.exp %broadcast_in_dim3A : vector<2000x1xf32>
    %get3A_18 = arith.constant 0 : index
    %get3A_19 = arith.constant 0 : index
    %get3A_20 = arith.constant 0 : index
    %get3A_21 = vector.load %arg1[%get3A_18, %get3A_19, %get3A_20] : memref<2x2000x80xf32, #tpu.memory_space<vmem>>, vector<1x2000x80xf32>
    %get3A_22 = vector.shape_cast %get3A_21 : vector<1x2000x80xf32> to vector<2000x80xf32>
    %get3A_23 = arith.constant 1 : index
    %get3A_24 = arith.constant 0 : index
    %get3A_25 = arith.constant 0 : index
    %get3A_26 = vector.load %arg1[%get3A_23, %get3A_24, %get3A_25] : memref<2x2000x80xf32, #tpu.memory_space<vmem>>, vector<1x2000x80xf32>
    %get3A_27 = vector.shape_cast %get3A_26 : vector<1x2000x80xf32> to vector<2000x80xf32>
    %add3A_28 = arith.addf %get3A_22, %get3A_27 : vector<2000x80xf32>
    %slice3A = vector.extract_strided_slice %add3A_28 {offsets = [0, 0], sizes = [2000, 64], strides = [1, 1]} : vector<2000x80xf32> to vector<2000x64xf32>
    %mul3A_29 = vector.broadcast %exp3A : vector<2000x1xf32> to vector<2000x64xf32>
    %mul3A_30 = arith.mulf %mul3A_29, %get3A_1 : vector<2000x64xf32>
    %add3A_31 = arith.addf %slice3A, %mul3A_30 : vector<2000x64xf32>
    %slice3A_32 = vector.extract_strided_slice %add3A_28 {offsets = [0, 64], sizes = [2000, 1], strides = [1, 1]} : vector<2000x80xf32> to vector<2000x1xf32>
    %add3A_33 = arith.addf %slice3A_32, %exp3A : vector<2000x1xf32>
    %add3A_34 = arith.constant 1.000000e-16 : f32
    %add3A_35 = vector.broadcast %add3A_34 : f32 to vector<2000x1xf32>
    %add3A_36 = arith.addf %add3A_33, %add3A_35 : vector<2000x1xf32>
    %div3A = vector.broadcast %add3A_36 : vector<2000x1xf32> to vector<2000x64xf32>
    %div3A_37 = arith.divf %add3A_31, %div3A : vector<2000x64xf32>
    %add3A_38 = vector.broadcast %get3A_10 : vector<1x64xf32> to vector<2000x64xf32>
    %add3A_39 = arith.addf %div3A_37, %add3A_38 : vector<2000x64xf32>
    %gt3A = arith.constant 0.000000e+00 : f32
    %gt3A_40 = vector.broadcast %gt3A : f32 to vector<2000x64xf32>
    %gt3A_41 = arith.cmpf ogt, %add3A_39, %gt3A_40 : vector<2000x64xf32>
    %exp3A_42 = math.exp %add3A_39 : vector<2000x64xf32>
    %sub3A = arith.constant 1.000000e+00 : f32
    %sub3A_43 = vector.broadcast %sub3A : f32 to vector<2000x64xf32>
    %sub3A_44 = arith.subf %exp3A_42, %sub3A_43 : vector<2000x64xf32>
    %select_n3A_45 = arith.select %gt3A_41, %add3A_39, %sub3A_44 : vector<2000x64xi1>, vector<2000x64xf32>
    %get3A_46 = arith.constant 0 : index
    %get3A_47 = arith.constant 0 : index
    %get3A_48 = vector.load %arg5[%get3A_46, %get3A_47] : memref<64x60xf32, #tpu.memory_space<vmem>>, vector<64x60xf32>
    %dot_general3A = arith.constant dense<0.000000e+00> : vector<2000x60xf32>
    %dot_general3A_49 = tpu.matmul %select_n3A_45, %get3A_48, %dot_general3A {dimension_numbers = #tpu.dot_dimension_numbers<[1], [0], [0], [1], [0, 0, 1, 1], [], []>, transpose_lhs_hint = false} : vector<2000x64xf32>, vector<64x60xf32>, vector<2000x60xf32> -> vector<2000x60xf32>
    %broadcast_in_dim3A_50 = arith.constant 1.000000e+00 : f32
    %broadcast_in_dim3A_51 = vector.broadcast %broadcast_in_dim3A_50 : f32 to vector<2000x1xf32>
    %broadcast_in_dim3A_52 = arith.constant 0.000000e+00 : f32
    %broadcast_in_dim3A_53 = vector.broadcast %broadcast_in_dim3A_52 : f32 to vector<2000x1xf32>
    %slice3A_54 = vector.extract_strided_slice %dot_general3A_49 {offsets = [0, 0], sizes = [2000, 30], strides = [1, 1]} : vector<2000x60xf32> to vector<2000x30xf32>
    %concatenate3A = tpu.concatenate %slice3A_54, %broadcast_in_dim3A_51, %broadcast_in_dim3A_53 in 1 : vector<2000x30xf32>, vector<2000x1xf32>, vector<2000x1xf32> -> vector<2000x32xf32>
    %swap3A = arith.constant 0 : index
    %swap3A_55 = arith.constant 0 : index
    %swap3A_56 = vector.load %arg6[%swap3A, %swap3A_55] : memref<2000x32xf32, #tpu.memory_space<vmem>>, vector<2000x32xf32>
    tpu.vector_store %arg6[%swap3A, %swap3A_55], %concatenate3A {strides = array<i32>} : memref<2000x32xf32, #tpu.memory_space<vmem>>, vector<2000x32xf32>,
    %slice3A_57 = vector.extract_strided_slice %dot_general3A_49 {offsets = [0, 30], sizes = [2000, 30], strides = [1, 1]} : vector<2000x60xf32> to vector<2000x30xf32>
    %concatenate3A_58 = tpu.concatenate %slice3A_57, %broadcast_in_dim3A_53, %broadcast_in_dim3A_53 in 1 : vector<2000x30xf32>, vector<2000x1xf32>, vector<2000x1xf32> -> vector<2000x32xf32>
    %swap3A_59 = arith.constant 0 : index
    %swap3A_60 = arith.constant 0 : index
    %swap3A_61 = vector.load %arg7[%swap3A_59, %swap3A_60] : memref<2000x32xf32, #tpu.memory_space<vmem>>, vector<2000x32xf32>
    tpu.vector_store %arg7[%swap3A_59, %swap3A_60], %concatenate3A_58 {strides = array<i32>} : memref<2000x32xf32, #tpu.memory_space<vmem>>, vector<2000x32xf32>,
    return
  }
  func.func @transform_0(%arg0: i32) -> (i32, i32, i32) {
    %c0_i32 = arith.constant 0 : i32
    %c0_i32_0 = arith.constant 0 : i32
    %c0_i32_1 = arith.constant 0 : i32
    return %c0_i32, %arg0, %c0_i32_0 : i32, i32, i32
  }
  func.func @transform_1(%arg0: i32) -> (i32, i32) {
    %c0_i32 = arith.constant 0 : i32
    %c0_i32_0 = arith.constant 0 : i32
    return %arg0, %c0_i32 : i32, i32
  }
  func.func @transform_2(%arg0: i32) -> (i32, i32) {
    %c0_i32 = arith.constant 0 : i32
    %c0_i32_0 = arith.constant 0 : i32
    return %arg0, %c0_i32 : i32, i32
  }
  func.func @transform_3(%arg0: i32) -> (i32, i32) {
    %c0_i32 = arith.constant 0 : i32
    %c0_i32_0 = arith.constant 0 : i32
    %c0_i32_1 = arith.constant 0 : i32
    return %c0_i32, %c0_i32_0 : i32, i32
  }
  func.func @transform_4(%arg0: i32) -> (i32, i32) {
    %c0_i32 = arith.constant 0 : i32
    %c0_i32_0 = arith.constant 0 : i32
    %c0_i32_1 = arith.constant 0 : i32
    return %c0_i32, %c0_i32_0 : i32, i32
  }
  func.func @transform_5(%arg0: i32) -> (i32, i32) {
    %c0_i32 = arith.constant 0 : i32
    %c0_i32_0 = arith.constant 0 : i32
    return %arg0, %c0_i32 : i32, i32
  }
  func.func @transform_6(%arg0: i32) -> (i32, i32) {
    %c0_i32 = arith.constant 0 : i32
    %c0_i32_0 = arith.constant 0 : i32
    return %arg0, %c0_i32 : i32, i32
  }
}

module attributes {stable_mosaic.version = 14 : i64} {
  func.func @_layer2_epilogue_kernel(%arg0: i32, %arg1: memref<2x2000x32xf32, #tpu.memory_space<vmem>>, %arg2: memref<2000x32xf32, #tpu.memory_space<vmem>>, %arg3: memref<2000x32xf32, #tpu.memory_space<vmem>>, %arg4: memref<1x192xf32, #tpu.memory_space<vmem>>, %arg5: memref<2000x30xf32, #tpu.memory_space<vmem>>, %arg6: memref<2000x32xf32, #tpu.memory_space<vmem>>) attributes {dimension_semantics = [#tpu.dimension_semantics<arbitrary>], iteration_bounds = array<i64: 5>, scalar_prefetch = 0 : i64, scratch_operands = 0 : i64, tpu.core_type = #tpu.core_type<tc>, window_params = [{transform_indices = @transform_0, window_bounds = array<i64: 2, 2000, 32>}, {transform_indices = @transform_1, window_bounds = array<i64: 2000, 32>}, {transform_indices = @transform_2, window_bounds = array<i64: 2000, 32>}, {pipeline_mode = #tpu.pipeline_mode<synchronous>, transform_indices = @transform_3, window_bounds = array<i64: 1, 192>}, {transform_indices = @transform_4, window_bounds = array<i64: 2000, 30>}, {transform_indices = @transform_5, window_bounds = array<i64: 2000, 32>}]} {
    %get3A = arith.constant 0 : index
    %get3A_0 = arith.constant 0 : index
    %get3A_1 = vector.load %arg2[%get3A, %get3A_0] : memref<2000x32xf32, #tpu.memory_space<vmem>>, vector<2000x32xf32>
    %get3A_2 = arith.constant 0 : index
    %get3A_3 = arith.constant 0 : index
    %get3A_4 = vector.load %arg3[%get3A_2, %get3A_3] : memref<2000x32xf32, #tpu.memory_space<vmem>>, vector<2000x32xf32>
    %get3A_5 = arith.constant 0 : index
    %get3A_6 = arith.constant 128 : index
    %get3A_7 = vector.load %arg4[%get3A_5, %get3A_6] : memref<1x192xf32, #tpu.memory_space<vmem>>, vector<1x32xf32>
    %get3A_8 = arith.constant 0 : index
    %get3A_9 = arith.constant 160 : index
    %get3A_10 = vector.load %arg4[%get3A_8, %get3A_9] : memref<1x192xf32, #tpu.memory_space<vmem>>, vector<1x30xf32>
    %add3A = arith.addf %get3A_1, %get3A_4 : vector<2000x32xf32>
    %ge3A = arith.constant 0.000000e+00 : f32
    %ge3A_11 = vector.broadcast %ge3A : f32 to vector<2000x32xf32>
    %ge3A_12 = arith.cmpf oge, %add3A, %ge3A_11 : vector<2000x32xf32>
    %mul3A = arith.constant 2.000000e-01 : f32
    %mul3A_13 = vector.broadcast %mul3A : f32 to vector<2000x32xf32>
    %mul3A_14 = arith.mulf %add3A, %mul3A_13 : vector<2000x32xf32>
    %select_n3A = arith.select %ge3A_12, %add3A, %mul3A_14 : vector<2000x32xi1>, vector<2000x32xf32>
    %mul3A_15 = vector.broadcast %get3A_7 : vector<1x32xf32> to vector<2000x32xf32>
    %mul3A_16 = arith.mulf %select_n3A, %mul3A_15 : vector<2000x32xf32>
    %reduce_sum3A = arith.constant dense<0.000000e+00> : vector<2000xf32>
    %reduce_sum3A_17 = vector.multi_reduction <add>, %mul3A_16, %reduce_sum3A [1] : vector<2000x32xf32> to vector<2000xf32>
    %broadcast_in_dim3A = vector.shape_cast %reduce_sum3A_17 : vector<2000xf32> to vector<2000x1xf32>
    %exp3A = math.exp %broadcast_in_dim3A : vector<2000x1xf32>
    %get3A_18 = arith.constant 0 : index
    %get3A_19 = arith.constant 0 : index
    %get3A_20 = arith.constant 0 : index
    %get3A_21 = vector.load %arg1[%get3A_18, %get3A_19, %get3A_20] : memref<2x2000x32xf32, #tpu.memory_space<vmem>>, vector<1x2000x32xf32>
    %get3A_22 = vector.shape_cast %get3A_21 : vector<1x2000x32xf32> to vector<2000x32xf32>
    %get3A_23 = arith.constant 1 : index
    %get3A_24 = arith.constant 0 : index
    %get3A_25 = arith.constant 0 : index
    %get3A_26 = vector.load %arg1[%get3A_23, %get3A_24, %get3A_25] : memref<2x2000x32xf32, #tpu.memory_space<vmem>>, vector<1x2000x32xf32>
    %get3A_27 = vector.shape_cast %get3A_26 : vector<1x2000x32xf32> to vector<2000x32xf32>
    %add3A_28 = arith.addf %get3A_22, %get3A_27 : vector<2000x32xf32>
    %slice3A = vector.extract_strided_slice %add3A_28 {offsets = [0, 0], sizes = [2000, 30], strides = [1, 1]} : vector<2000x32xf32> to vector<2000x30xf32>
    %slice3A_29 = vector.extract_strided_slice %get3A_1 {offsets = [0, 0], sizes = [2000, 30], strides = [1, 1]} : vector<2000x32xf32> to vector<2000x30xf32>
    %mul3A_30 = vector.broadcast %exp3A : vector<2000x1xf32> to vector<2000x30xf32>
    %mul3A_31 = arith.mulf %mul3A_30, %slice3A_29 : vector<2000x30xf32>
    %add3A_32 = arith.addf %slice3A, %mul3A_31 : vector<2000x30xf32>
    %slice3A_33 = vector.extract_strided_slice %add3A_28 {offsets = [0, 30], sizes = [2000, 1], strides = [1, 1]} : vector<2000x32xf32> to vector<2000x1xf32>
    %add3A_34 = arith.addf %slice3A_33, %exp3A : vector<2000x1xf32>
    %add3A_35 = arith.constant 1.000000e-16 : f32
    %add3A_36 = vector.broadcast %add3A_35 : f32 to vector<2000x1xf32>
    %add3A_37 = arith.addf %add3A_34, %add3A_36 : vector<2000x1xf32>
    %div3A = vector.broadcast %add3A_37 : vector<2000x1xf32> to vector<2000x30xf32>
    %div3A_38 = arith.divf %add3A_32, %div3A : vector<2000x30xf32>
    %add3A_39 = vector.broadcast %get3A_10 : vector<1x30xf32> to vector<2000x30xf32>
    %add3A_40 = arith.addf %div3A_38, %add3A_39 : vector<2000x30xf32>
    %reduce_max3A = arith.constant dense<0xFF800000> : vector<2000xf32>
    %reduce_max3A_41 = vector.multi_reduction <maximumf>, %add3A_40, %reduce_max3A [1] : vector<2000x30xf32> to vector<2000xf32>
    %broadcast_in_dim3A_42 = vector.shape_cast %reduce_max3A_41 : vector<2000xf32> to vector<2000x1xf32>
    %sub3A = vector.broadcast %broadcast_in_dim3A_42 : vector<2000x1xf32> to vector<2000x30xf32>
    %sub3A_43 = arith.subf %add3A_40, %sub3A : vector<2000x30xf32>
    %exp3A_44 = math.exp %sub3A_43 : vector<2000x30xf32>
    %reduce_sum3A_45 = arith.constant dense<0.000000e+00> : vector<2000xf32>
    %reduce_sum3A_46 = vector.multi_reduction <add>, %exp3A_44, %reduce_sum3A_45 [1] : vector<2000x30xf32> to vector<2000xf32>
    %broadcast_in_dim3A_47 = vector.shape_cast %reduce_sum3A_46 : vector<2000xf32> to vector<2000x1xf32>
    %div3A_48 = vector.broadcast %broadcast_in_dim3A_47 : vector<2000x1xf32> to vector<2000x30xf32>
    %div3A_49 = arith.divf %exp3A_44, %div3A_48 : vector<2000x30xf32>
    %swap3A = arith.constant 0 : index
    %swap3A_50 = arith.constant 0 : index
    %swap3A_51 = vector.load %arg5[%swap3A, %swap3A_50] : memref<2000x30xf32, #tpu.memory_space<vmem>>, vector<2000x30xf32>
    tpu.vector_store %arg5[%swap3A, %swap3A_50], %div3A_49 {strides = array<i32>} : memref<2000x30xf32, #tpu.memory_space<vmem>>, vector<2000x30xf32>,
    %broadcast_in_dim3A_52 = arith.constant 0.000000e+00 : f32
    %broadcast_in_dim3A_53 = vector.broadcast %broadcast_in_dim3A_52 : f32 to vector<2000x2xf32>
    %concatenate3A = tpu.concatenate %div3A_49, %broadcast_in_dim3A_53 in 1 : vector<2000x30xf32>, vector<2000x2xf32> -> vector<2000x32xf32>
    %swap3A_54 = arith.constant 0 : index
    %swap3A_55 = arith.constant 0 : index
    %swap3A_56 = vector.load %arg6[%swap3A_54, %swap3A_55] : memref<2000x32xf32, #tpu.memory_space<vmem>>, vector<2000x32xf32>
    tpu.vector_store %arg6[%swap3A_54, %swap3A_55], %concatenate3A {strides = array<i32>} : memref<2000x32xf32, #tpu.memory_space<vmem>>, vector<2000x32xf32>,
    return
  }
  func.func @transform_0(%arg0: i32) -> (i32, i32, i32) {
    %c0_i32 = arith.constant 0 : i32
    %c0_i32_0 = arith.constant 0 : i32
    %c0_i32_1 = arith.constant 0 : i32
    return %c0_i32, %arg0, %c0_i32_0 : i32, i32, i32
  }
  func.func @transform_1(%arg0: i32) -> (i32, i32) {
    %c0_i32 = arith.constant 0 : i32
    %c0_i32_0 = arith.constant 0 : i32
    return %arg0, %c0_i32 : i32, i32
  }
  func.func @transform_2(%arg0: i32) -> (i32, i32) {
    %c0_i32 = arith.constant 0 : i32
    %c0_i32_0 = arith.constant 0 : i32
    return %arg0, %c0_i32 : i32, i32
  }
  func.func @transform_3(%arg0: i32) -> (i32, i32) {
    %c0_i32 = arith.constant 0 : i32
    %c0_i32_0 = arith.constant 0 : i32
    %c0_i32_1 = arith.constant 0 : i32
    return %c0_i32, %c0_i32_0 : i32, i32
  }
  func.func @transform_4(%arg0: i32) -> (i32, i32) {
    %c0_i32 = arith.constant 0 : i32
    %c0_i32_0 = arith.constant 0 : i32
    return %arg0, %c0_i32 : i32, i32
  }
  func.func @transform_5(%arg0: i32) -> (i32, i32) {
    %c0_i32 = arith.constant 0 : i32
    %c0_i32_0 = arith.constant 0 : i32
    return %arg0, %c0_i32 : i32, i32
  }
}

module attributes {stable_mosaic.version = 14 : i64} {
  func.func @_blur_kernel(%arg0: i32, %arg1: memref<2000x30xf32, #tpu.memory_space<vmem>>, %arg2: memref<2x2000x32xf32, #tpu.memory_space<vmem>>, %arg3: memref<30x128xf32, #tpu.memory_space<vmem>>, %arg4: memref<1x192xf32, #tpu.memory_space<smem>>, %arg5: memref<2000x128xf32, #tpu.memory_space<vmem>>) attributes {dimension_semantics = [#tpu.dimension_semantics<arbitrary>], iteration_bounds = array<i64: 5>, scalar_prefetch = 0 : i64, scratch_operands = 0 : i64, tpu.core_type = #tpu.core_type<tc>, window_params = [{transform_indices = @transform_0, window_bounds = array<i64: 2000, 30>}, {transform_indices = @transform_1, window_bounds = array<i64: 2, 2000, 32>}, {pipeline_mode = #tpu.pipeline_mode<synchronous>, transform_indices = @transform_2, window_bounds = array<i64: 30, 128>}, {transform_indices = @transform_3, window_bounds = array<i64: 1, 192>}, {transform_indices = @transform_4, window_bounds = array<i64: 2000, 128>}]} {
    %get3A = arith.constant 0 : index
    %get3A_0 = arith.constant 0 : index
    %get3A_1 = arith.constant 0 : index
    %get3A_2 = vector.load %arg2[%get3A, %get3A_0, %get3A_1] : memref<2x2000x32xf32, #tpu.memory_space<vmem>>, vector<1x2000x32xf32>
    %get3A_3 = vector.shape_cast %get3A_2 : vector<1x2000x32xf32> to vector<2000x32xf32>
    %slice3A = vector.extract_strided_slice %get3A_3 {offsets = [0, 0], sizes = [2000, 30], strides = [1, 1]} : vector<2000x32xf32> to vector<2000x30xf32>
    %get3A_4 = arith.constant 1 : index
    %get3A_5 = arith.constant 0 : index
    %get3A_6 = arith.constant 0 : index
    %get3A_7 = vector.load %arg2[%get3A_4, %get3A_5, %get3A_6] : memref<2x2000x32xf32, #tpu.memory_space<vmem>>, vector<1x2000x32xf32>
    %get3A_8 = vector.shape_cast %get3A_7 : vector<1x2000x32xf32> to vector<2000x32xf32>
    %slice3A_9 = vector.extract_strided_slice %get3A_8 {offsets = [0, 0], sizes = [2000, 30], strides = [1, 1]} : vector<2000x32xf32> to vector<2000x30xf32>
    %add3A = arith.addf %slice3A, %slice3A_9 : vector<2000x30xf32>
    %get3A_10 = arith.constant 0 : index
    %get3A_11 = arith.constant 0 : index
    %get3A_12 = vector.load %arg1[%get3A_10, %get3A_11] : memref<2000x30xf32, #tpu.memory_space<vmem>>, vector<2000x30xf32>
    %get3A_13 = arith.constant 0 : index
    %get3A_14 = arith.constant 190 : index
    %get3A_15 = memref.load %arg4[%get3A_13, %get3A_14] : memref<1x192xf32, #tpu.memory_space<smem>>
    %mul3A = vector.broadcast %get3A_15 : f32 to vector<2000x30xf32>
    %mul3A_16 = arith.mulf %mul3A, %add3A : vector<2000x30xf32>
    %add3A_17 = arith.addf %get3A_12, %mul3A_16 : vector<2000x30xf32>
    %get3A_18 = arith.constant 0 : index
    %get3A_19 = arith.constant 0 : index
    %get3A_20 = vector.load %arg3[%get3A_18, %get3A_19] : memref<30x128xf32, #tpu.memory_space<vmem>>, vector<30x128xf32>
    %max3A = arith.constant 0.000000e+00 : f32
    %max3A_21 = vector.broadcast %max3A : f32 to vector<30x128xf32>
    %max3A_22 = arith.maximumf %get3A_20, %max3A_21 : vector<30x128xf32>
    %dot_general3A = arith.constant dense<0.000000e+00> : vector<2000x128xf32>
    %dot_general3A_23 = tpu.matmul %add3A_17, %max3A_22, %dot_general3A {dimension_numbers = #tpu.dot_dimension_numbers<[1], [0], [0], [1], [0, 0, 1, 1], [], []>, transpose_lhs_hint = false} : vector<2000x30xf32>, vector<30x128xf32>, vector<2000x128xf32> -> vector<2000x128xf32>
    %swap3A = arith.constant 0 : index
    %swap3A_24 = arith.constant 0 : index
    %swap3A_25 = vector.load %arg5[%swap3A, %swap3A_24] : memref<2000x128xf32, #tpu.memory_space<vmem>>, vector<2000x128xf32>
    tpu.vector_store %arg5[%swap3A, %swap3A_24], %dot_general3A_23 {strides = array<i32>} : memref<2000x128xf32, #tpu.memory_space<vmem>>, vector<2000x128xf32>,
    return
  }
  func.func @transform_0(%arg0: i32) -> (i32, i32) {
    %c0_i32 = arith.constant 0 : i32
    %c0_i32_0 = arith.constant 0 : i32
    return %arg0, %c0_i32 : i32, i32
  }
  func.func @transform_1(%arg0: i32) -> (i32, i32, i32) {
    %c0_i32 = arith.constant 0 : i32
    %c0_i32_0 = arith.constant 0 : i32
    %c0_i32_1 = arith.constant 0 : i32
    return %c0_i32, %arg0, %c0_i32_0 : i32, i32, i32
  }
  func.func @transform_2(%arg0: i32) -> (i32, i32) {
    %c0_i32 = arith.constant 0 : i32
    %c0_i32_0 = arith.constant 0 : i32
    %c0_i32_1 = arith.constant 0 : i32
    return %c0_i32, %c0_i32_0 : i32, i32
  }
  func.func @transform_3(%arg0: i32) -> (i32, i32) {
    %c0_i32 = arith.constant 0 : i32
    %c0_i32_0 = arith.constant 0 : i32
    %c0_i32_1 = arith.constant 0 : i32
    return %c0_i32, %c0_i32_0 : i32, i32
  }
  func.func @transform_4(%arg0: i32) -> (i32, i32) {
    %c0_i32 = arith.constant 0 : i32
    %c0_i32_0 = arith.constant 0 : i32
    return %arg0, %c0_i32 : i32, i32
  }
}

</mosaic_0001>

<sc_bundles>
// kernel: kernel.12.cloned.1.call-start
scs
__scs_entry_jumppad:
0x0: {  	(pc) =	sbr.rel $0x88, $3  }
0x1: {  	(tag) =	ssettag $0x0;
	lr =	simm.s32 $0x1  }
0x2: {  	[smem:$0x3F94] =	sst lr;
	_ =	strace $0xD0000000  }
0x3: {  	_ = 	snop  }
0x4: {  	_ = 	snop  }
0x5: {  	_ = 	snop  }
0x6: {  	_ = 	snop  }
0x7: {  	_ = 	snop  }
__scs_overlays_trampoline_lowered:
0x8: {  	[smem:$0x3FA3] =	sst s0  }
0x9: {  	[smem:$0x3FA4] =	sst s1  }
0xa: {  	[smem:$0x3FA5] =	sst s2  }
0xb: {  	[smem:$0x3FA6] =	sst s3  }
0xc: {  	[smem:$0x3FA7] =	sst s4  }
0xd: {  	[smem:$0x3FA8] =	sst s5  }
0xe: {  	[smem:$0x3FA9] =	sst s6  }
0xf: {  	[smem:$0x3FAA] =	sst s7  }
0x10: {  	[smem:$0x3FAB] =	sst s8  }
0x11: {  	[smem:$0x3FAC] =	sst s9;
	s0 =	simm.s32 @!p0 $0x0  }
0x12: {  	s1 =	sld [smem:$0x3F92];
	s0 =	simm.s32 @p0 $0x1  }
0x13: {  	[smem:$0x3FAD] =	sst s0;
	s0 =	simm.s32 @!p1 $0x0  }
0x14: {  	s2 =	sld [smem:$0x3F91];
	s0 =	simm.s32 @p1 $0x1  }
0x15: {  	[smem:$0x3FAE] =	sst s0;
	s0 =	simm.s32 @!p2 $0x0  }
0x16: {  	s3 =	sld [smem:$0x3FDB];
	s0 =	simm.s32 @p2 $0x1  }
0x17: {  	s4 =	simm.s32 $0x1BF5;
	[smem:$0x3FB0] =	sst s0  }
0x18: {  	s0 =	sld [smem:$0x3F93];
	_ =	swait.ge [sflag:s4], $0x0  }
0x19: {  	s7 =	sld [smem:$0x3F94]  }
0x1a: {  	s8 =	sadd.s32 $0xFFFFE003, lr  }
0x1b: {  	s9 =	sadd.s32 $0xFFFFFEF7, lr;
	s5 =	simm.s32 $0xFFFFFFFF;
	p2 =	slt.u32 s8, $0xFFFFF086  }
0x1c: {  	p1 =	slt.u32 s9, $0xF7A;
	s5 =	simm.s32 @!p2 $0x0  }
0x1d: {  	s5 =	simm.s32 @p1 $0x1;
	p0 =	seq.s32 s7, s2  }
0x1e: {  	s7 =	smul.u32 @!p0 $0xF7A, s2;
	p2 =	seq.s32 @!p0 s5, $0x0  }
0x1f: {  	s9 =	smul.u32 $0xF7A, s1;
	s8 =	simm.s32 @!p0 $0x1BF5;
	p2 =	por !p2, p0  }
0x20: {  	[sflag:s8] =	ssyncset.s32 @!p0 $0xFFFFF086;
	s6 =	sadd.s32 @!p0 s3, s7;
	s7 =	simm.s32 @!p0 $0x108  }
0x21: {  	s3 =	sadd.s32 s3, s9;
	s6 =	sadd.s32 @!p0 $0x88, s6;
	s7 =	simm.s32 @p2 $0x1082  }
0x22: {  	[simem:s7], [sflag:s8] =	dma.local @!p0 [hbm:s6], $0xF7A  }
0x23: {  	s9 =	sor.u32 $0xD0000000, s2;
	s6 =	simm.s32 $0x108;
	_ =	swait.ge @!p0 [sflag:s8], $0x0  }
0x24: {  	s3 =	sadd.s32 $0x88, s3;
	s6 =	simm.s32 @!p1 $0x1082;
	[sflag:s4] =	ssyncset.s32 $0xFFFFF086  }
0x25: {  	[simem:s6], [sflag:s4] =	dma.local [hbm:s3], $0xF7A  }
0x26: {  	[smem:$0x3F94] =	sst s1;
	(tag) =	ssettag s2;
	_ =	strace s9  }
0x27: {  	s1 =	sld [smem:$0x3FA4]  }
0x28: {  	s2 =	sld [smem:$0x3FA5]  }
0x29: {  	s4 =	sld [smem:$0x3FA7]  }
0x2a: {  	p0 =	seq.s32 s5, $0x0;
	s5 =	sld [smem:$0x3FA8]  }
0x2b: {  	s6 =	sld [smem:$0x3FA9]  }
0x2c: {  	s7 =	sld [smem:$0x3FAA]  }
0x2d: {  	s3 =	simm.s32 $0x108;
	s8 =	sld [smem:$0x3FAB]  }
0x2e: {  	s3 =	simm.s32 @!p0 $0x1082;
	s9 =	sld [smem:$0x3FAC]  }
0x2f: {  	lr =	sadd.s32 s0, s3;
	s0 =	sld [smem:$0x3FA3]  }
0x30: {  	s3 =	sld [smem:$0x3FA6]  }
0x31: {  	[smem:$0x3FAF] =	sst s10  }
0x32: {  	s10 =	sld [smem:$0x3FAD];
	_ =	sdelay $0x3  }
0x33: {  	p0 =	seq.s32 s10, $0x1;
	s10 =	sld [smem:$0x3FAF];
	_ =	sdelay $0x3  }
0x34: {  	[smem:$0x3FAF] =	sst s10  }
0x35: {  	s10 =	sld [smem:$0x3FAE];
	_ =	sdelay $0x3  }
0x36: {  	p1 =	seq.s32 s10, $0x1;
	s10 =	sld [smem:$0x3FAF];
	_ =	sdelay $0x3  }
0x37: {  	[smem:$0x3FAF] =	sst s10  }
0x38: {  	s10 =	sld [smem:$0x3FB0]  }
0x39: {  	_ = 	snop;
	(pc) =	sbr.ind lr, $3  }
0x3a: {  	_ = 	snop  }
0x3b: {  	_ = 	snop  }
0x3c: {  	p2 =	seq.s32 s10, $0x1;
	s10 =	sld [smem:$0x3FAF]  }
0x3d: {  	_ =	shalt  }
0x3e: {  	_ =	shalt  }
0x3f: {  	_ =	shalt  }
0x40: {  	_ =	shalt  }
0x41: {  	_ =	shalt  }
0x42: {  	_ =	shalt  }
0x43: {  	_ =	shalt  }
0x44: {  	_ =	shalt  }
0x45: {  	_ =	shalt  }
0x46: {  	_ =	shalt  }
0x47: {  	_ =	shalt  }
0x48: {  	_ =	shalt  }
0x49: {  	_ =	shalt  }
0x4a: {  	_ =	shalt  }
0x4b: {  	_ =	shalt  }
0x4c: {  	_ =	shalt  }
0x4d: {  	_ =	shalt  }
0x4e: {  	_ =	shalt  }
0x4f: {  	_ =	shalt  }
0x50: {  	_ =	shalt  }
0x51: {  	_ =	shalt  }
0x52: {  	_ =	shalt  }
0x53: {  	_ =	shalt  }
0x54: {  	_ =	shalt  }
0x55: {  	_ =	shalt  }
0x56: {  	_ =	shalt  }
0x57: {  	_ =	shalt  }
0x58: {  	_ =	shalt  }
0x59: {  	_ =	shalt  }
0x5a: {  	_ =	shalt  }
0x5b: {  	_ =	shalt  }
0x5c: {  	_ =	shalt  }
0x5d: {  	_ =	shalt  }
0x5e: {  	_ =	shalt  }
0x5f: {  	_ =	shalt  }
0x60: {  	_ =	shalt  }
0x61: {  	_ =	shalt  }
0x62: {  	_ =	shalt  }
0x63: {  	_ =	shalt  }
0x64: {  	_ =	shalt  }
0x65: {  	_ =	shalt  }
0x66: {  	_ =	shalt  }
0x67: {  	_ =	shalt  }
0x68: {  	_ =	shalt  }
0x69: {  	_ =	shalt  }
0x6a: {  	_ =	shalt  }
0x6b: {  	_ =	shalt  }
0x6c: {  	_ =	shalt  }
0x6d: {  	_ =	shalt  }
0x6e: {  	_ =	shalt  }
0x6f: {  	_ =	shalt  }
0x70: {  	_ =	shalt  }
0x71: {  	_ =	shalt  }
0x72: {  	_ =	shalt  }
0x73: {  	_ =	shalt  }
0x74: {  	_ =	shalt  }
0x75: {  	_ =	shalt  }
0x76: {  	_ =	shalt  }
0x77: {  	_ =	shalt  }
0x78: {  	_ =	shalt  }
0x79: {  	_ =	shalt  }
0x7a: {  	_ =	shalt  }
0x7b: {  	_ =	shalt  }
0x7c: {  	_ =	shalt  }
0x7d: {  	_ =	shalt  }
0x7e: {  	_ =	shalt  }
0x7f: {  	_ =	shalt  }
0x80: {  	_ =	shalt  }
0x81: {  	_ =	shalt  }
0x82: {  	_ =	shalt  }
0x83: {  	_ =	shalt  }
0x84: {  	_ =	shalt  }
0x85: {  	_ =	shalt  }
0x86: {  	_ =	shalt  }
0x87: {  	_ =	shalt  }
.Lfunc_end0:
.L_simem_size_0:
called_computation.1_lowered:
.L_overlay_start_0:
0x88: {  	s2 =	sld [smem:$0x3FD9]  }
0x89: {  	s3 =	sld [smem:$0x3FFE];
	_ =	sdelay $0x1  }
0x8a: {  	s1 =	srdreg.scid  }
0x8b: {  	s0 =	sand.u32 $0x1, s1  }
0x8c: {  	s14 =	sshll.u32 s0, $0xA;
	s2 =	sadd.s32 s3, s2  }
0x8d: {  	s2 =	sadd.s32 s2, s14  }
0x8e: {  	[smem:$0x3FBB] =	sst s2  }
0x8f: {  	_ = 	snop  }
0x90: {  	s2 =	sld [smem:$0x3FD0];
	_ =	sdelay $0x2  }
0x91: {  	s15 =	simm.s32 $0xA;
	s4 =	simm.s32 $0x10  }
0x92: {  	[smem:s4], [sflag:s15] =	dma.local [hbm:s2], $0x1  }
0x93: {  	_ =	swait.eq [sflag:s15], $0x1  }
0x94: {  	[sflag:s15] =	ssyncset.done $0x0  }
0x95: {  	[sflag:s15] =	ssyncadd.s32 $0xFFFFFFFF  }
0x96: {  	s16 =	sld [smem:$0x10];
	(tm) =	ssettm $0x1  }
0x97: {  	s17 =	sld [smem:$0x3FFB];
	_ =	sdelay $0x3  }
0x98: {  	_ =	strace s17  }
0x99: {  	s3 =	sld [smem:$0x3FFC];
	_ =	sdelay $0x3  }
0x9a: {  	_ =	strace s3  }
0x9b: {  	s3 =	sld [smem:$0x3FFD];
	_ =	sdelay $0x3  }
0x9c: {  	_ =	strace s3  }
0x9d: {  	_ =	strace $0x8FFFFFFF  }
0x9e: {  	s18 =	sld [smem:$0x3FDB];
	_ =	sdelay $0x1  }
0x9f: {  	s19 =	simm.s32 $_scs_section_size  }
0xa0: {  	s5 =	simm.s32 $_size__tile_overlayer_lowered;
	s6 =	simm.s32 $_tile_overlayer_lowered  }
0xa1: {  	s22 =	simm.s32 $0x1BFF;
	s21 =	sshll.u32 s6, $0x1;
	s3 =	sadd.s32 s19, s18  }
0xa2: {  	s7 =	simm.s32 $0x0;
	s20 =	sshll.u32 s5, $0x1;
	s5 =	sadd.s32 s21, s3  }
0xa3: {  	[timem:s7], [sflag:s22] =	dma.local [hbm:s5], s20  }
0xa4: {  	_ =	swait.ge [sflag:s22], s20  }
0xa5: {  	s4 =	ssub.s32 $0x0, s20;
	[sflag:s22] =	ssyncset.done $0x0  }
0xa6: {  	[sflag:s22] =	ssyncadd.s32 s4;
	_ =	sdelay $0x1  }
0xa7: {  	s23 =	simm.s32 $0x1B8B  }
0xa8: {  	_ =	swait.ge [sflag:s23], $0x1  }
0xa9: {  	[sflag:s23] =	ssyncset.done $0x0  }
0xaa: {  	s25 =	simm.s32 $0x1B8E;
	s24 =	sld [smem:$0x3FFE];
	[sflag:s23] =	ssyncadd.s32 $0xFFFFFFFF  }
0xab: {  	s26 =	simm.s32 $execute0_lowered;
	[smem:$0x3FD2] =	sst s25  }
0xac: {  	s5 =	sshll.u32 s26, $0x1;
	_ =	strace $0x80000049;
	[dreg:$0x1] =	wrdreg $0xFFFFFFFF  }
0xad: {  	s28 =	simm.s32 $_size_execute0_lowered;
	s3 =	sadd.s32 s3, s5;
	[dreg:$0x0] =	wrdreg $0x0  }
0xae: {  	s5 =	sshll.u32 s28, $0x1;
	[dreg:$0x2] =	wrdreg s3  }
0xaf: {  	[dreg:$0x3] =	wrdreg s5  }
0xb0: {  	[dreg:$0x4] =	wrdreg $0xC0  }
0xb1: {  	_ =	task [dreg:s7], $0x5FFFF  }
0xb2: {  	[dreg:$0x1] =	wrdreg $0xFFFFFFFF  }
0xb3: {  	[dreg:$0x0] =	wrdreg $0x60  }
0xb4: {  	[dreg:$0x2] =	wrdreg s16  }
0xb5: {  	[dreg:$0x3] =	wrdreg s24  }
0xb6: {  	[dreg:$0x4] =	wrdreg $0x10CA00  }
0xb7: {  	[dreg:$0x5] =	wrdreg $0x9  }
0xb8: {  	_ =	task.clear_ibuf [dreg:s7], $0x6FFFF;
	_ =	strace $0x90000049  }
0xb9: {  	s29 =	simm.s32 $0x9;
	_ =	strace $0x8000004B  }
0xba: {  	_ =	swait.ge [sflag:s29], $0x1  }
0xbb: {  	[sflag:s29] =	ssyncadd.s32 $0xFFFFFFFF  }
0xbc: {  	_ =	strace $0x9000004B  }
0xbd: {  	_ =	sfence  }
0xbe: {  	s30 =	sld [smem:$0x0];
	_ =	sdelay $0x2  }
0xbf: {  	s31 =	sshll.u32 s1, $0xD;
	s1 =	sshrl.u32 s1, $0x2  }
0xc0: {  	s3 =	sand.u32 $0x4000, s31;
	s1 =	sadd.s32 s1, s30  }
0xc1: {  	s0 =	sor.u32 s3, s0;
	s1 =	sshll.u32 s1, $0x11  }
0xc2: {  	s0 =	sor.u32 s1, s0  }
0xc3: {  	s0 =	sadd.s32 $0x8F2B, s0  }
0xc4: {  	[sflag:s0] =	ssyncadd.remote.s32 $0x1  }
0xc5: {  	_ =	sfence.sel $0xFFFF  }
0xc6: {  	[dreg:$0x0] =	wrdreg $0xFFFFFFFF;
	(pc) =	sbr.abs _section_cstart, $3  }
0xc7: {  	[dreg:$0x1] =	wrdreg $0xFFFFFFFF  }
0xc8: {  	_ =	task.clear_ibuf [dreg:s7], $0x2FFFF;
	_ =	strace $0x9FFFFFFF  }
0xc9: {  	(tm) =	ssettm $0x7FFFFFFF  }
tec
execute0_lowered:
.L_overlay_start_1:
0x0: {  	(tag) =	ssettag $0x1  }
0x1: {  	s1 =	rddreg [dreg:$0x0]  }
0x2: {  	s0 =	srdreg.scid;
	s6 =	rddreg [dreg:$0x1]  }
0x3: {  	s11 =	stileid.u32;
	s3 =	rddreg [dreg:$0x2]  }
0x4: {  	s4 =	simm.s32 $0x0;
	s15 =	simm.s32 $0x10BA0;
	s16 =	simm.s32 $0xFA  }
0x5: {  	s17 =	simm.s32 $0x5000;
	s18 =	simm.s32 $0x8E80;
	s19 =	simm.s32 $0x6F40  }
0x6: {  	s20 =	simm.s32 $0xADC0;
	s21 =	simm.s32 $0x1;
	s22 =	simm.s32 $0x3  }
0x7: {  	s23 =	simm.s32 $0xCD00;
	s28 =	simm.s32 $0xEC40;
	s29 =	simm.s32 $0x5  }
0x8: {  	s30 =	simm.s32 $0x6;
	s31 =	simm.s32 $0x0;
	s0 =	sand.u32 $0x1, s0  }
0x9: {  	s2 =	sshll.u32 s11, $0x1;
	[smem:$0x7FF] =	sst s4;
	s8 =	smul.u32 $0x7D00, s11  }
0xa: {  	s5 =	sadd.s32 $0x2800, s6;
	s10 =	smul.u32 $0x1F400, s11;
	s12 =	sadd.s32 $0x6F000, s6  }
0xb: {  	p0 =	sgt.u32 s11, $0x9;
	s2 =	sor.u32 s0, s2;
	s7 =	smul.u32 $0x4E200, s0  }
0xc: {  	_ =	strace $0x8000004A;
	s0 =	ssub.s32 $0x2, s0;
	[dreg:$0x4] =	wrdreg s12  }
0xd: {  	s12 =	simm.s32 $0x7;
	s2 =	smul.u32 $0x500, s2;
	s9 =	sshrl.u32 s0, $0x1  }
0xe: {  	s25 =	sshrl.u32 s10, $0x2;
	s7 =	sadd.s32 s8, s7;
	s0 =	ssub.s32 s0, s9  }
0xf: {  	s2 =	sadd.s32 s2, s6;
	s7 =	sshrl.u32 s7, $0x3;
	s0 =	smax.u32 s0, $0x1  }
.Ltmp0:
0x10: {  	s24 =	sadd.s32 $0x65000, s2;
	[dreg:$0x8] =	wrdreg s0;
	(pc) =	sbr.rel .LBB2_1-.Ltmp0, $4  }
0x11: {  	s6 =	sadd.s32 s7, s6;
	s2 =	sadd.s32 $0x5B000, s2;
	[dreg:$0x5] =	wrdreg s24  }
0x12: {  	s9 =	sadd.s32 s25, s3;
	[dreg:$0x6] =	wrdreg s2;
	s26 =	sadd.s32 $0x33800, s6  }
0x13: {  	s2 =	sadd.s32 s8, s3;
	s6 =	simm.s32 $0x2800;
	s24 =	simm.s32 $0x2  }
0x14: {  	v0 =	vimm.f32 $0.0e+00;
	[dreg:$0x7] =	wrdreg s26;
	s25 =	sshrl.u32 @!p0 s2, $0x3;
	s26 =	simm.s32 $0x4  }
.LBB2_16:
0x15: {  	_ =	swait.ge [sflag:s29], $0x1F40  }
0x16: {  	[sflag:s29] =	ssyncset.done $0x0  }
0x17: {  	[sflag:s29] =	ssyncadd.s32 $0xFFFFE0C0  }
0x18: {  	_ =	swait.ge [sflag:s30], $0x1F40  }
0x19: {  	[sflag:s30] =	ssyncset.done $0x0  }
0x1a: {  	s0 =	stileid.u32;
	[sflag:s30] =	ssyncadd.s32 $0xFFFFE0C0  }
0x1b: {  	s0 =	sshll.u32 @!p0 s0, $0x6;
	[bflag:$0x0] =	sbarrier.arrive $0xFFFF  }
0x1c: {  	s0 =	sor.u32 @!p0 $0x1C07, s0;
	s2 =	rddreg [dreg:$0x7]  }
0x1d: {  	[hbm:s2], [sflag:s0] =	dma.local @!p0 [spmem:s25], $0xFA0  }
0x1e: {  	s0 =	simm.s32 @!p0 $0x7  }
0x1f: {  	_ =	swait.ge @!p0 [sflag:s0], $0xFA0  }
0x20: {  	s31 =	sadd.s32 $0x1, s31;
	s14 =	rddreg [dreg:$0x8]  }
0x21: {  	p1 =	sne.s32 s31, s14  }
.Ltmp1:
0x22: {  	_ = 	snop;
	(pc) =	sbr.rel @!p1 .LBB2_17-.Ltmp1, $3  }
0x23: {  	_ =	sdelay $0x1  }
0x24: {  	[sflag:s0] =	ssyncset.done @!p0 $0x0  }
0x25: {  	s6 =	simm.s32 $0x2800;
	[sflag:s0] =	ssyncadd.s32 @!p0 $0xFFFFF060  }
.LBB2_1:
0x26: {  	s0 =	rddreg [dreg:$0x5]  }
0x27: {  	[tilespmem:s4], [sflag:$0x7] =	stream.linear.gather [hbm4b:s0+s4], $0x2800, $0x38;
	[tilespmem:$0x15AC0] =	vst v63  }
0x28: {  	_ =	swait.ge [sflag:s12], $0x2800  }
0x29: {  	[sflag:s12] =	ssyncset.done $0x0  }
0x2a: {  	s13 =	rddreg [dreg:$0x6];
	[sflag:s12] =	ssyncadd.s32 $0xFFFFD800  }
0x2b: {  	[tilespmem:s6], [sflag:$0x7] =	stream.linear.gather [hbm4b:s13+s4], $0x2800, $0x38;
	[tilespmem:$0x15AC0] =	vst v63  }
0x2c: {  	_ =	swait.ge [sflag:s12], $0x2800  }
0x2d: {  	[sflag:s12] =	ssyncset.done $0x0  }
0x2e: {  	s2 =	simm.s32 $0x10B80;
	s14 =	rddreg [dreg:$0x4];
	[sflag:s12] =	ssyncadd.s32 $0xFFFFD800  }
0x2f: {  	[tilespmem:s2], [sflag:$0x7] =	stream.linear.gather [hbm4b:s14+s4], $0x20, $0x38;
	[tilespmem:$0x15AC0] =	vst v63  }
0x30: {  	_ =	swait.ge [sflag:s12], $0x20  }
0x31: {  	[sflag:s12] =	ssyncset.done $0x0  }
0x32: {  	[sflag:s12] =	ssyncadd.s32 $0xFFFFFFE0  }
0x33: {  	[tilespmem:$0x10BA0] =	vst v0  }
0x34: {  	[tilespmem:$0x10BB0] =	vst v0  }
0x35: {  	[tilespmem:$0x10BC0] =	vst v0  }
0x36: {  	[tilespmem:$0x10BD0] =	vst v0  }
0x37: {  	[tilespmem:$0x10BE0] =	vst v0  }
0x38: {  	[tilespmem:$0x10BF0] =	vst v0  }
0x39: {  	[tilespmem:$0x10C00] =	vst v0  }
0x3a: {  	[tilespmem:$0x10C10] =	vst v0  }
0x3b: {  	[tilespmem:$0x10C20] =	vst v0  }
0x3c: {  	[tilespmem:$0x10C30] =	vst v0  }
0x3d: {  	[tilespmem:$0x10C40] =	vst v0  }
.Ltmp2:
0x3e: {  	[tilespmem:$0x10C50] =	vst v0;
	v1 =	vld [tilespmem:$0x10B80];
	(pc) =	sbr.rel @p0 .LBB2_5-.Ltmp2, $4  }
0x3f: {  	[tilespmem:$0x10C60] =	vst v0  }
0x40: {  	[tilespmem:$0x10C70] =	vst v0  }
0x41: {  	[tilespmem:$0x10C80] =	vst v0  }
0x42: {  	v2 =	vld [tilespmem:$0x10B90];
	[tilespmem:$0x10C90] =	vst v0  }
0x43: {  	s0 =	sshra.s32 s4, $0x2  }
0x44: {  	s0 =	sadd.s32 s0, s9  }
0x45: {  	[spmem:s0] =	stream.linear.scatter [tilespmem:s15], [sflag:$0x7], $0x100, $0x38;
	[tilespmem:$0x15AC0] =	vst v63  }
0x46: {  	s0 =	sadd.s32 $0x400, s4;
	_ =	swait.ge [sflag:s12], $0x100  }
.LBB2_3:
0x47: {  	s2 =	sshra.s32 s0, $0x2;
	[sflag:s12] =	ssyncset.done $0x0;
	p1 =	sne.s32 s0, $0x1F000  }
.Ltmp3:
0x48: {  	s2 =	sadd.s32 s2, s9;
	[sflag:s12] =	ssyncadd.s32 $0xFFFFFF00;
	(pc) =	sbr.rel @p1 .LBB2_3-.Ltmp3, $3  }
0x49: {  	[spmem:s2] =	stream.linear.scatter [tilespmem:s15], [sflag:$0x7], $0x100, $0x38;
	[tilespmem:$0x15AC0] =	vst v63  }
0x4a: {  	s0 =	sadd.s32 $0x400, s0;
	_ =	sdelay $0x1  }
0x4b: {  	_ =	swait.ge [sflag:s12], $0x100  }
0x4c: {  	[sflag:s12] =	ssyncset.done $0x0  }
0x4d: {  	[sflag:s12] =	ssyncadd.s32 $0xFFFFFF00  }
.LBB2_5:
0x4e: {  	[bflag:$0x0] =	sbarrier.arrive $0xFFFF;
	s2 =	simm.s32 $0x0  }
0x4f: {  	[tilespmem:s17], [sflag:$0x1] =	stream.indirect.gather [hbm4b:s1+s16], $0x20, s2, s16, $0xb8;
	[tilespmem:$0x15AC0] =	vst v63  }
0x50: {  	_ = 	snop  }
0x51: {  	[tilespmem:s18], [sflag:$0x3] =	stream.indirect.gather [hbm4b:s5+s16], $0x20, s6, s16, $0xb8;
	[tilespmem:$0x15AC0] =	vst v63  }
.LBB2_6:
0x52: {  	s14 =	sshll.u32 s2, $0x9  }
0x53: {  	s0 =	sor.u32 $0x100, s14  }
0x54: {  	[tilespmem:s19], [sflag:$0x2] =	stream.indirect.gather [hbm4b:s1+s16], $0x20, s0, s16, $0xb8;
	[tilespmem:$0x15AC0] =	vst v63  }
0x55: {  	s0 =	sadd.s32 $0x2900, s14  }
0x56: {  	[tilespmem:s20], [sflag:$0x4] =	stream.indirect.gather [hbm4b:s5+s16], $0x20, s0, s16, $0xb8;
	[tilespmem:$0x15AC0] =	vst v63  }
0x57: {  	_ =	swait.ge [sflag:s21], $0x1F40  }
0x58: {  	[sflag:s21] =	ssyncset.done $0x0  }
0x59: {  	[sflag:s21] =	ssyncadd.s32 $0xFFFFE0C0  }
0x5a: {  	_ =	swait.ge [sflag:s22], $0x1F40  }
0x5b: {  	p1 =	seq.s32 s2, $0x0;
	[sflag:s22] =	ssyncset.done $0x0  }
0x5c: {  	s6 =	simm.s32 @!p1 $0x5;
	[sflag:s22] =	ssyncadd.s32 $0xFFFFE0C0  }
0x5d: {  	_ =	swait.ge @!p1 [sflag:s6], $0x1F40  }
0x5e: {  	[sflag:s6] =	ssyncset.done @!p1 $0x0  }
0x5f: {  	s13 =	simm.s32 $0x8EC0;
	[sflag:s6] =	ssyncadd.s32 @!p1 $0xFFFFE0C0  }
0x60: {  	v7 =	vld [tilespmem:s13+$0xFFFFFFC0]  }
0x61: {  	v3 =	vld [tilespmem:s13+$0x0]  }
0x62: {  	v4 =	vld [tilespmem:s13+$0x20]  }
0x63: {  	s7 =	simm.s32 $0x5040;
	v6 =	vld [tilespmem:s13+$0x30]  }
0x64: {  	v9 =	vld [tilespmem:s7+$0x20]  }
0x65: {  	v5 =	vld [tilespmem:s7+$0x30]  }
0x66: {  	v8 =	vld [tilespmem:s7+$0x0]  }
0x67: {  	v11 =	vld [tilespmem:s7+$0xFFFFFFC0]  }
0x68: {  	v14 =	vld [tilespmem:s13+$0x10]  }
0x69: {  	v12 =	vld [tilespmem:s7+$0x10]  }
0x6a: {  	v10 =	vld [tilespmem:s13+$0xFFFFFFD0]  }
0x6b: {  	v13 =	vld [tilespmem:s13+$0xFFFFFFE0]  }
0x6c: {  	s8 =	simm.s32 $0x8F40;
	v15 =	vld [tilespmem:s13+$0xFFFFFFF0];
	v16 =	vadd.f32 v4, v9  }
0x6d: {  	v22 =	vld [tilespmem:s8+$0xFFFFFFC0];
	v17 =	vadd.f32 v6, v5;
	v18 =	vadd.f32 v3, v8  }
0x6e: {  	v6 =	vld [tilespmem:s7+$0xFFFFFFD0];
	v21 =	vadd.f32 v7, v11;
	v14 =	vadd.f32 v14, v12;
	v19 =	vmul.f32 $2.000000030e-01, v16  }
0x6f: {  	v4 =	vld [tilespmem:s7+$0xFFFFFFE0];
	vm0 =	vge.f32 v16, $0.0e+00;
	vm1 =	vge.f32 v17, $0.0e+00;
	v20 =	vmul.f32 $2.000000030e-01, v17  }
0x70: {  	v23 =	vld [tilespmem:s8+$0xFFFFFFD0];
	vm12 =	vge.f32 v18, $0.0e+00;
	vm13 =	vge.f32 v14, $0.0e+00;
	v7 =	vsel vm0, v16, v19  }
0x71: {  	v25 =	vld [tilespmem:s8+$0x30];
	v16 =	vmul.f32 $2.000000030e-01, v18;
	v17 =	vsel vm1, v17, v20;
	v20 =	vmul.f32 $2.000000030e-01, v21  }
0x72: {  	v3 =	vld [tilespmem:s7+$0xFFFFFFF0];
	vm14 =	vge.f32 v21, $0.0e+00;
	v19 =	vmul.f32 $2.000000030e-01, v14;
	v7 =	vmul.f32 v7, v1  }
0x73: {  	s10 =	simm.s32 $0x50C0;
	v17 =	vmul.f32 v17, v2;
	v10 =	vadd.f32 v10, v6;
	v16 =	vsel vm12, v18, v16;
	v18 =	vld [tilespmem:s8+$0x20]  }
0x74: {  	v27 =	vadd.f32 v13, v4;
	v14 =	vsel vm13, v14, v19;
	v19 =	vld [tilespmem:s10+$0x30];
	v16 =	vmul.f32 v16, v1  }
0x75: {  	v17 =	vadd.f32 v17, v7;
	v26 =	vmul.f32 $2.000000030e-01, v10;
	v14 =	vmul.f32 v14, v2;
	v7 =	vld [tilespmem:s10+$0x20]  }
0x76: {  	v13 =	vsel vm14, v21, v20;
	v20 =	vld [tilespmem:s8+$0x0];
	vm15 =	vge.f32 v10, $0.0e+00;
	v21 =	vmul.f32 $2.000000030e-01, v27  }
0x77: {  	v10 =	vsel vm15, v10, v26;
	v14 =	vadd.f32 v14, v16;
	v16 =	vmul.f32 v13, v1;
	v13 =	vld [tilespmem:s10+$0x0]  }
0x78: {  	vm4 =	vge.f32 v27, $0.0e+00;
	(xrf2) =	vadd.scan.msk.f32 $0xffff, v17;
	v26 =	vadd.f32 v15, v3;
	v17 =	vmul.f32 v10, v2;
	v10 =	vld [tilespmem:s10+$0xFFFFFFC0]  }
0x79: {  	v24 =	vld [tilespmem:s8+$0xFFFFFFE0];
	v15 =	vsel vm4, v27, v21;
	v21 =	vadd.f32 v25, v19  }
0x7a: {  	v28 =	vld [tilespmem:s8+$0x10];
	(xrf2) =	vadd.scan.msk.f32 $0xffff, v14;
	v29 =	vmul.f32 $2.000000030e-01, v26;
	v25 =	vmul.f32 v15, v1;
	v18 =	vadd.f32 v18, v7  }
0x7b: {  	vm9 =	vge.f32 v26, $0.0e+00;
	v14 =	vadd.f32 v17, v16;
	v17 =	vld [tilespmem:s10+$0x10];
	vm6 =	vge.f32 v21, $0.0e+00  }
0x7c: {  	v16 =	vld [tilespmem:s10+$0xFFFFFFD0];
	v31 =	vmul.f32 $2.000000030e-01, v21;
	v27 =	vmul.f32 $2.000000030e-01, v18;
	v20 =	vadd.f32 v20, v13  }
0x7d: {  	s11 =	simm.s32 $0x8FC0;
	v30 =	vld [tilespmem:s8+$0xFFFFFFF0];
	v26 =	vsel vm9, v26, v29;
	vm5 =	vge.f32 v18, $0.0e+00;
	(xrf2) =	vadd.scan.msk.f32 $0xffff, v14;
	v22 =	vadd.f32 v22, v10  }
0x7e: {  	v35 =	vld [tilespmem:s11+$0xFFFFFFC0];
	v21 =	vsel vm6, v21, v31;
	v18 =	vsel vm5, v18, v27;
	v27 =	vmul.f32 $2.000000030e-01, v20  }
0x7f: {  	v37 =	vld [tilespmem:s11+$0xFFFFFFD0];
	vm7 =	vge.f32 v20, $0.0e+00;
	v21 =	vmul.f32 v21, v2;
	v31 =	vmul.f32 $2.000000030e-01, v22  }
0x80: {  	v34 =	vld [tilespmem:s11+$0x0];
	v18 =	vmul.f32 v18, v1;
	v28 =	vadd.f32 v28, v17;
	vm8 =	vge.f32 v22, $0.0e+00  }
0x81: {  	v38 =	vld [tilespmem:s11+$0x20];
	v23 =	vadd.f32 v23, v16;
	v20 =	vsel vm7, v20, v27;
	v22 =	vsel vm8, v22, v31  }
0x82: {  	v15 =	vld [tilespmem:s10+$0xFFFFFFE0];
	v31 =	vmul.f32 v20, v1;
	v20 =	vmul.f32 $2.000000030e-01, v28;
	v21 =	vadd.f32 v21, v18  }
0x83: {  	v39 =	vld [tilespmem:s11+$0x30];
	v26 =	vmul.f32 v26, v2;
	v32, _, _ =	vpop (xrf2);
	vm10 =	vge.f32 v28, $0.0e+00  }
0x84: {  	v40 =	vld [tilespmem:s11+$0xFFFFFFF0];
	v36 =	vmul.f32 $2.000000030e-01, v23;
	v33, _, _ =	vpop (xrf2);
	v20 =	vsel vm10, v28, v20;
	(xrf2) =	vadd.scan.msk.f32 $0xffff, v21  }
0x85: {  	s13 =	simm.s32 $0x5140;
	v14 =	vld [tilespmem:s10+$0xFFFFFFF0];
	v26 =	vadd.f32 v26, v25;
	vm11 =	vge.f32 v23, $0.0e+00;
	v32 =	vmul.f32 $1.442695020e+00, v32  }
0x86: {  	v25 =	vld [tilespmem:s13+$0x0];
	v22 =	vmul.f32 v22, v1;
	v23 =	vsel vm11, v23, v36;
	v33 =	vmul.f32 $1.442695020e+00, v33  }
0x87: {  	v24 =	vadd.f32 v24, v15;
	v21 =	vld [tilespmem:s13+$0x20];
	v56 =	vmul.f32 v20, v2;
	v23 =	vmul.f32 v23, v2;
	v20, _, _ =	vpop (xrf2)  }
0x88: {  	v27 =	vld [tilespmem:s11+$0xFFFFFFE0];
	v28 =	vbroadcast v33, $0xF;
	(xrf2) =	vadd.scan.msk.f32 $0xffff, v26;
	v57 =	vmul.f32 $1.442695020e+00, v20  }
0x89: {  	vm12 =	vge.f32 v24, $0.0e+00;
	v18 =	vld [tilespmem:s13+$0xFFFFFFE0];
	v32 =	vbroadcast v32, $0xF  }
0x8a: {  	v42 =	vadd.f32 v23, v22;
	v22 =	vld [tilespmem:s13+$0xFFFFFFC0];
	(erf) = vpow2.f32 v28;
	v28 =	vbroadcast v57, $0xF  }
0x8b: {  	v44 =	vadd.f32 v34, v25;
	v26 =	vmul.f32 $2.000000030e-01, v24;
	v20 =	vld [tilespmem:s13+$0x30];
	(erf) = vpow2.f32 v32  }
0x8c: {  	v41 =	vadd.f32 v56, v31;
	v23 =	vld [tilespmem:s13+$0xFFFFFFF0];
	v58 =	vadd.f32 v38, v21;
	(erf) = vpow2.f32 v28  }
0x8d: {  	v43 =	vld [tilespmem:s11+$0x10];
	v29 =	vadd.f32 v30, v14;
	vm2 =	vge.f32 v44, $0.0e+00;
	v45 =	vmul.f32 $2.000000030e-01, v44  }
0x8e: {  	v27 =	vadd.f32 v27, v18;
	v24 =	vsel vm12, v24, v26;
	v26 =	vld [tilespmem:s13+$0xFFFFFFD0];
	v60 =	vmul.f32 $2.000000030e-01, v58;
	v61, _, _ =	vpop (xrf2);
	(xrf2) =	vadd.scan.msk.f32 $0xffff, v41  }
0x8f: {  	v33 =	vmul.f32 $2.000000030e-01, v29;
	v30 =	vmul.f32 v24, v1;
	v24 =	vld [tilespmem:s13+$0x10];
	vm13 =	vge.f32 v58, $0.0e+00  }
0x90: {  	v35 =	vadd.f32 v35, v22;
	v59 =	vadd.f32 v39, v20;
	v32 =	vsel vm13, v58, v60  }
0x91: {  	v28 =	vmul.f32 $2.000000030e-01, v27;
	v34 =	vadd.f32 v40, v23;
	v36 =	vmul.f32 v32, v1;
	(xrf2) =	vadd.scan.msk.f32 $0xffff, v42  }
0x92: {  	v62 =	vmul.f32 $2.000000030e-01, v35;
	vm15 =	vge.f32 v35, $0.0e+00;
	v39 =	vmul.f32 $2.000000030e-01, v59;
	v63, _, _ =	vpop (xrf2)  }
0x93: {  	v37 =	vadd.f32 v37, v26;
	vm14 =	vge.f32 v59, $0.0e+00;
	v40 =	vmul.f32 $1.442695020e+00, v61;
	v31 =	vpop (erf)  }
0x94: {  	s6 =	simm.s32 $0xCDC0;
	s7 =	simm.s32 $0xCD40;
	s8 =	simm.s32 $0x8;
	v38 =	vsel vm15, v35, v62;
	v46 =	vsel vm14, v59, v39;
	v39 =	vadd.f32 v43, v24;
	v32 =	vpop (erf)  }
0x95: {  	s10 =	simm.s32 $0x51C0;
	s11 =	simm.s32 $0x9040;
	s13 =	simm.s32 $0xCDC0;
	v43 =	vsel vm2, v44, v45;
	v41 =	vmul.f32 v46, v2;
	v42 =	vmul.f32 $1.442695020e+00, v63;
	v35 =	vpop (erf)  }
.LBB2_7:
0x96: {  	v43 =	vmul.f32 v43, v1;
	vm0 =	vge.f32 v29, $0.0e+00;
	v40 =	vbroadcast v40, $0xF;
	v45 =	vmovc v8;
	v8 =	vmovc v13  }
0x97: {  	v44 =	vld [tilespmem:s11+$0xFFFFFFC0];
	s8 =	sadd.s32 $0x4, s8;
	s13 =	sadd.s32 $0x80, s13;
	v13 =	vmovc v25;
	v46 =	vmovc v3;
	v3 =	vmov v14;
	v14 =	vmov v23;
	v47 =	vmov v11  }
0x98: {  	vm1 =	vge.f32 v39, $0.0e+00;
	v23 =	vmul.f32 $2.000000030e-01, v39;
	v48 =	vld [tilespmem:s11+$0xFFFFFFD0];
	p2 =	slt.u32 s8, $0xF4;
	v11, _, _ =	vpop (xrf2);
	v25 =	vbroadcast v42, $0xF  }
0x99: {  	v49 =	vmul.f32 $2.000000030e-01, v37;
	v29 =	vsel vm0, v29, v33;
	v42 =	vld [tilespmem:s11+$0xFFFFFFE0];
	v33 =	vmul.f32 $1.442695020e+00, v11;
	v11 =	vmovc v10;
	v10 =	vmovc v22  }
0x9a: {  	vm0 =	vge.f32 v37, $0.0e+00;
	v22 =	vsel vm1, v39, v23;
	v39 =	vmovc v6;
	v6 =	vmovc v16;
	v50 =	vld [tilespmem:s11+$0x0];
	(erf) = vpow2.f32 v25  }
0x9b: {  	v23 =	vsel vm0, v37, v49;
	v22 =	vmul.f32 v22, v2;
	v25 =	vmul.f32 v29, v2;
	v51 =	vld [tilespmem:s11+$0x20];
	v37, _, _ =	vpop (xrf2)  }
0x9c: {  	v38 =	vmul.f32 v38, v1;
	v36 =	vadd.f32 v41, v36;
	v16 =	vmovc v26;
	v33 =	vbroadcast v33, $0xF;
	v29 =	vmovc v34;
	v49 =	vld [tilespmem:s11+$0x30]  }
0x9d: {  	v23 =	vmul.f32 v23, v2;
	v26 =	vadd.f32 v22, v43;
	v22 =	vmul.f32 v31, v12;
	v12 =	vmovc v17;
	v34 =	vld [tilespmem:s11+$0xFFFFFFF0]  }
0x9e: {  	v30 =	vadd.f32 v25, v30;
	v17 =	vmovc v24;
	v41 =	vld [tilespmem:s10+$0xFFFFFFE0];
	(xrf2) =	vadd.scan.msk.f32 $0xffff, v36;
	v36 =	vmul.f32 $1.442695020e+00, v37;
	(erf) = vpow2.f32 v33  }
0x9f: {  	v38 =	vadd.f32 v23, v38;
	v23 =	vmul.f32 v31, v45;
	v37 =	vld [tilespmem:s10+$0x20];
	[tilespmem:s7+$0x10] =	vst v22;
	v22 =	vmul.f32 v32, v9  }
0xa0: {  	vm0 =	vge.f32 v27, $0.0e+00;
	v9 =	vmovc v7;
	v7 =	vmovc v21;
	v43 =	vld [tilespmem:s10+$0x30];
	v24 =	vbroadcast v36, $0xF;
	(erf) = vpow2.f32 v40  }
0xa1: {  	v33 =	vmul.f32 $2.000000030e-01, v29;
	v21 =	vmul.f32 v32, v5;
	v5 =	vmovc v19;
	v25 =	vld [tilespmem:s10+$0x0];
	(xrf2) =	vadd.scan.msk.f32 $0xffff, v30;
	[tilespmem:s7+$0x0] =	vst v23  }
0xa2: {  	v31 =	vmul.f32 v35, v47;
	v32 =	vsel vm0, v27, v28;
	v28 =	vmul.f32 v35, v39;
	v23 =	vld [tilespmem:s10+$0xFFFFFFF0];
	[tilespmem:s7+$0x20] =	vst v22  }
0xa3: {  	v30 =	vmul.f32 v32, v1;
	v22 =	vld [tilespmem:s10+$0xFFFFFFC0];
	v27 =	vadd.f32 v42, v41;
	(erf) = vpow2.f32 v24;
	[tilespmem:s7+$0x30] =	vst v21;
	v19 =	vpop (erf)  }
0xa4: {  	v35 =	vld [tilespmem:s11+$0x10];
	v32 =	vadd.f32 v51, v37;
	(xrf2) =	vadd.scan.msk.f32 $0xffff, v26;
	[tilespmem:s7+$0xFFFFFFD0] =	vst v28;
	v40 =	vmul.f32 v19, v4;
	v4 =	vmovc v15  }
0xa5: {  	v19 =	vmul.f32 v19, v46;
	v15 =	vmovc v18;
	v28 =	vmul.f32 $2.000000030e-01, v27;
	v24 =	vld [tilespmem:s10+$0x10];
	v39 =	vadd.f32 v49, v43;
	[tilespmem:s7+$0xFFFFFFC0] =	vst v31  }
0xa6: {  	v18 =	vmovc v41;
	v21 =	vmovc v37;
	v26 =	vld [tilespmem:s10+$0xFFFFFFD0];
	v42 =	vadd.f32 v50, v25;
	vm0 =	vge.f32 v32, $0.0e+00;
	v36 =	vmul.f32 $2.000000030e-01, v32;
	[tilespmem:s7+$0xFFFFFFE0] =	vst v40  }
0xa7: {  	v34 =	vadd.f32 v34, v23;
	vm1 =	vge.f32 v39, $0.0e+00;
	v37 =	vmul.f32 $2.000000030e-01, v39;
	(xrf2) =	vadd.scan.msk.f32 $0xffff, v38;
	v31 =	vpop (erf)  }
.Ltmp4:
0xa8: {  	v38 =	vadd.f32 v44, v22;
	vm2 =	vge.f32 v42, $0.0e+00;
	v45 =	vsel vm0, v32, v36;
	v40, _, _ =	vpop (xrf2);
	[tilespmem:s7+$0xFFFFFFF0] =	vst v19;
	s7 =	smov.u32 s6;
	s6 =	smov.u32 s13;
	(pc) =	sbr.rel @p2 .LBB2_7-.Ltmp4, $4  }
0xa9: {  	v41 =	vmul.f32 $2.000000030e-01, v42;
	v36 =	vmul.f32 v45, v1;
	v44 =	vsel vm1, v39, v37;
	v32 =	vpop (erf)  }
0xaa: {  	v19 =	vmovc v20;
	v20 =	vmovc v43;
	v40 =	vmul.f32 $1.442695020e+00, v40;
	v45 =	vmul.f32 $2.000000030e-01, v38;
	v39 =	vadd.f32 v35, v24  }
0xab: {  	vm0 =	vge.f32 v38, $0.0e+00;
	v43 =	vsel vm2, v42, v41;
	v37 =	vadd.f32 v48, v26;
	v35, _, _ =	vpop (xrf2)  }
0xac: {  	s11 =	sadd.s32 $0x80, s11;
	s10 =	sadd.s32 $0x80, s10;
	v41 =	vmul.f32 v44, v2;
	v38 =	vsel vm0, v38, v45;
	v42 =	vmul.f32 $1.442695020e+00, v35;
	v35 =	vpop (erf)  }
0xad: {  	vm0 =	vge.f32 v29, $0.0e+00  }
0xae: {  	v44 =	vmul.f32 $2.000000030e-01, v39;
	v29 =	vsel vm0, v29, v33  }
0xaf: {  	vm13 =	vge.f32 v39, $0.0e+00;
	v29 =	vmul.f32 v29, v2  }
0xb0: {  	v53 =	vmul.f32 v43, v1;
	v36 =	vadd.f32 v41, v36;
	v39 =	vsel vm13, v39, v44  }
0xb1: {  	v55 =	vmul.f32 $2.000000030e-01, v37;
	v39 =	vmul.f32 v39, v2;
	v29 =	vadd.f32 v29, v30  }
0xb2: {  	vm14 =	vge.f32 v37, $0.0e+00;
	v58 =	vmul.f32 v38, v1;
	v60 =	vmul.f32 $2.000000030e-01, v34;
	v54, _, _ =	vpop (xrf2);
	(xrf2) =	vadd.scan.msk.f32 $0xffff, v36  }
0xb3: {  	vm15 =	vge.f32 v27, $0.0e+00;
	vm1 =	vge.f32 v34, $0.0e+00;
	v33 =	vadd.f32 v39, v53;
	(xrf2) =	vadd.scan.msk.f32 $0xffff, v29  }
0xb4: {  	v56 =	vbroadcast v42, $0xF;
	v27 =	vsel vm15, v27, v28;
	v57 =	vsel vm14, v37, v55  }
0xb5: {  	v41 =	vmul.f32 $1.442695020e+00, v54;
	v61 =	vsel vm1, v34, v60;
	v59 =	vmul.f32 v57, v2;
	(xrf2) =	vadd.scan.msk.f32 $0xffff, v33  }
0xb6: {  	v27 =	vmul.f32 v27, v1;
	v28 =	vmul.f32 v61, v2  }
0xb7: {  	(erf) = vpow2.f32 v56;
	v36 =	vbroadcast v41, $0xF;
	v29 =	vadd.f32 v59, v58  }
0xb8: {  	v27 =	vadd.f32 v28, v27  }
0xb9: {  	(erf) = vpow2.f32 v36;
	(xrf2) =	vadd.scan.msk.f32 $0xffff, v29  }
0xba: {  	v62 =	vbroadcast v40, $0xF;
	v12 =	vmul.f32 v31, v12;
	v63, _, _ =	vpop (xrf2);
	(xrf2) =	vadd.scan.msk.f32 $0xffff, v27  }
0xbb: {  	v8 =	vmul.f32 v31, v8;
	v37 =	vmul.f32 $1.442695020e+00, v63  }
0xbc: {  	v9 =	vmul.f32 v32, v9;
	v5 =	vmul.f32 v32, v5;
	v38, _, _ =	vpop (xrf2)  }
0xbd: {  	v28 =	vbroadcast v37, $0xF;
	(erf) = vpow2.f32 v62;
	v39, _, _ =	vpop (xrf2)  }
0xbe: {  	v11 =	vmul.f32 v35, v11;
	v29 =	vmul.f32 $1.442695020e+00, v39  }
0xbf: {  	v6 =	vmul.f32 v35, v6;
	(erf) = vpow2.f32 v28;
	v40, _, _ =	vpop (xrf2)  }
0xc0: {  	[tilespmem:s7+$0x10] =	vst v12;
	v41 =	vpop (erf);
	v28 =	vmul.f32 $1.442695020e+00, v40;
	v29 =	vbroadcast v29, $0xF  }
0xc1: {  	[tilespmem:s7+$0x0] =	vst v8;
	v4 =	vmul.f32 v41, v4;
	v42 =	vmul.f32 $1.442695020e+00, v38  }
0xc2: {  	[tilespmem:s7+$0x20] =	vst v9;
	v46 =	vpop (erf);
	v44 =	vbroadcast v28, $0xF;
	(erf) = vpow2.f32 v29  }
0xc3: {  	[tilespmem:s7+$0x30] =	vst v5;
	v3 =	vmul.f32 v41, v3;
	v8 =	vbroadcast v42, $0xF;
	v43, _, _ =	vpop (xrf2)  }
0xc4: {  	[tilespmem:s7+$0xFFFFFFD0] =	vst v6;
	v45 =	vmul.f32 $1.442695020e+00, v43;
	v48, _, _ =	vpop (xrf2);
	(erf) = vpow2.f32 v44  }
0xc5: {  	[tilespmem:s7+$0xFFFFFFC0] =	vst v11;
	v47 =	vmul.f32 v46, v17;
	v50 =	vmul.f32 $1.442695020e+00, v48  }
0xc6: {  	[tilespmem:s7+$0xFFFFFFE0] =	vst v4;
	v49 =	vpop (erf);
	v5 =	vbroadcast v45, $0xF;
	(erf) = vpow2.f32 v8  }
0xc7: {  	[tilespmem:s7+$0xFFFFFFF0] =	vst v3;
	v3 =	vmul.f32 v46, v13;
	v51 =	vmul.f32 v49, v7  }
0xc8: {  	[tilespmem:s6+$0x10] =	vst v47;
	v52 =	vbroadcast v50, $0xF;
	(erf) = vpow2.f32 v5  }
0xc9: {  	v53 =	vpop (erf);
	[tilespmem:s6+$0x0] =	vst v3;
	v3 =	vmul.f32 v49, v19  }
0xca: {  	v54 =	vmul.f32 v53, v16;
	[tilespmem:s6+$0x20] =	vst v51;
	(erf) = vpow2.f32 v52  }
0xcb: {  	v56 =	vmul.f32 v53, v10;
	[tilespmem:s6+$0x30] =	vst v3;
	v55 =	vpop (erf)  }
0xcc: {  	[tilespmem:s6+$0xFFFFFFD0] =	vst v54;
	v3 =	vmul.f32 v55, v15  }
0xcd: {  	[tilespmem:s6+$0xFFFFFFC0] =	vst v56;
	v57 =	vmul.f32 v55, v14;
	v58 =	vpop (erf)  }
0xce: {  	v5 =	vmul.f32 v58, v25;
	[tilespmem:s6+$0xFFFFFFE0] =	vst v3  }
0xcf: {  	s13 =	sadd.s32 $0x80, s13;
	v59 =	vpop (erf);
	v3 =	vmul.f32 v58, v24;
	[tilespmem:s6+$0xFFFFFFF0] =	vst v57  }
0xd0: {  	v4 =	vmul.f32 v59, v20;
	[tilespmem:s13+$0x0] =	vst v5  }
0xd1: {  	v60 =	vpop (erf);
	[tilespmem:s13+$0x10] =	vst v3;
	v3 =	vmul.f32 v59, v21  }
0xd2: {  	v61 =	vmul.f32 v60, v26;
	[tilespmem:s13+$0x30] =	vst v4  }
0xd3: {  	v62 =	vpop (erf);
	[tilespmem:s13+$0x20] =	vst v3;
	v3 =	vmul.f32 v60, v22  }
0xd4: {  	v63 =	vmul.f32 v62, v18;
	[tilespmem:s13+$0xFFFFFFD0] =	vst v61  }
0xd5: {  	[tilespmem:s13+$0xFFFFFFC0] =	vst v3;
	v3 =	vmul.f32 v62, v23  }
0xd6: {  	[tilespmem:s13+$0xFFFFFFE0] =	vst v63  }
0xd7: {  	s6 =	simm.s32 $0x0;
	[tilespmem:s13+$0xFFFFFFF0] =	vst v3  }
.LBB2_9:
0xd8: {  	s7 =	sshra.s32 s6, $0x2  }
0xd9: {  	v3 =	vld [tilespmem:s7+$0x6F00]  }
0xda: {  	v4 =	vld [tilespmem:s7+$0x6F10]  }
0xdb: {  	v5 =	vld [tilespmem:s7+$0xAD80]  }
0xdc: {  	v6 =	vld [tilespmem:s7+$0xAD90];
	_ =	sdelay $0x4  }
0xdd: {  	v5 =	vadd.f32 v5, v3;
	v6 =	vadd.f32 v6, v4;
	_ =	sdelay $0x1  }
0xde: {  	v7 =	vmul.f32 $2.000000030e-01, v5;
	v8 =	vmul.f32 $2.000000030e-01, v6  }
0xdf: {  	vm0 =	vge.f32 v5, $0.0e+00;
	vm1 =	vge.f32 v6, $0.0e+00  }
0xe0: {  	v5 =	vsel vm0, v5, v7;
	v6 =	vsel vm1, v6, v8  }
0xe1: {  	v5 =	vmul.f32 v5, v1;
	v6 =	vmul.f32 v6, v2;
	_ =	sdelay $0x1  }
0xe2: {  	v5 =	vadd.f32 v6, v5;
	_ =	sdelay $0x1  }
0xe3: {  	(xrf2) =	vadd.scan.msk.f32 $0xffff, v5;
	_ =	sdelay $0x9  }
0xe4: {  	v5, _, _ =	vpop (xrf2)  }
0xe5: {  	v5 =	vmul.f32 $1.442695020e+00, v5;
	_ =	sdelay $0x1  }
0xe6: {  	v5 =	vbroadcast v5, $0xF;
	_ =	sdelay $0x1  }
0xe7: {  	(erf) = vpow2.f32 v5;
	_ =	sdelay $0x7  }
0xe8: {  	p2 =	sne.s32 s6, $0x80  }
.Ltmp5:
0xe9: {  	v5 =	vpop (erf);
	(pc) =	sbr.rel @p2 .LBB2_9-.Ltmp5, $4  }
0xea: {  	v3 =	vmul.f32 v5, v3  }
0xeb: {  	v4 =	vmul.f32 v5, v4  }
0xec: {  	[tilespmem:s7+$0xEC00] =	vst v3  }
0xed: {  	s6 =	sadd.s32 $0x80, s6;
	[tilespmem:s7+$0xEC10] =	vst v4  }
0xee: {  	s6 =	sand.u32 $0x3FFFFE00, s14  }
0xef: {  	s6 =	sadd.s32 $0x2800, s6  }
0xf0: {  	[spmem:s3] =	stream.indirect.scatter.add.f32 [tilespmem:s23], [sflag:$0x5], $0x20, s6, s16, $0xb8;
	[tilespmem:$0x15AC0] =	vst v63  }
0xf1: {  	_ =	swait.ge [sflag:s24], $0x1F40  }
0xf2: {  	[sflag:s24] =	ssyncset.done $0x0  }
0xf3: {  	[sflag:s24] =	ssyncadd.s32 $0xFFFFE0C0  }
0xf4: {  	_ =	swait.ge [sflag:s26], $0x1F40  }
0xf5: {  	[sflag:s26] =	ssyncset.done $0x0  }
0xf6: {  	s6 =	simm.s32 @!p1 $0x6;
	[sflag:s26] =	ssyncadd.s32 $0xFFFFE0C0  }
0xf7: {  	_ =	swait.ge @!p1 [sflag:s6], $0x1F40  }
0xf8: {  	[sflag:s6] =	ssyncset.done @!p1 $0x0  }
0xf9: {  	s13 =	simm.s32 $0xAE00;
	[sflag:s6] =	ssyncadd.s32 @!p1 $0xFFFFE0C0  }
0xfa: {  	v7 =	vld [tilespmem:s13+$0xFFFFFFC0]  }
0xfb: {  	v3 =	vld [tilespmem:s13+$0x0]  }
0xfc: {  	v4 =	vld [tilespmem:s13+$0x20]  }
0xfd: {  	s7 =	simm.s32 $0x6F80;
	v6 =	vld [tilespmem:s13+$0x30]  }
0xfe: {  	v9 =	vld [tilespmem:s7+$0x20]  }
0xff: {  	v5 =	vld [tilespmem:s7+$0x30]  }
0x100: {  	v8 =	vld [tilespmem:s7+$0x0]  }
0x101: {  	v11 =	vld [tilespmem:s7+$0xFFFFFFC0]  }
0x102: {  	v14 =	vld [tilespmem:s13+$0x10]  }
0x103: {  	v12 =	vld [tilespmem:s7+$0x10]  }
0x104: {  	v10 =	vld [tilespmem:s13+$0xFFFFFFD0]  }
0x105: {  	v13 =	vld [tilespmem:s13+$0xFFFFFFE0]  }
0x106: {  	s8 =	simm.s32 $0xAE80;
	v15 =	vld [tilespmem:s13+$0xFFFFFFF0];
	v16 =	vadd.f32 v4, v9  }
0x107: {  	v22 =	vld [tilespmem:s8+$0xFFFFFFC0];
	v17 =	vadd.f32 v6, v5;
	v18 =	vadd.f32 v3, v8  }
0x108: {  	v6 =	vld [tilespmem:s7+$0xFFFFFFD0];
	v21 =	vadd.f32 v7, v11;
	v14 =	vadd.f32 v14, v12;
	v19 =	vmul.f32 $2.000000030e-01, v16  }
0x109: {  	v4 =	vld [tilespmem:s7+$0xFFFFFFE0];
	vm0 =	vge.f32 v16, $0.0e+00;
	vm1 =	vge.f32 v17, $0.0e+00;
	v20 =	vmul.f32 $2.000000030e-01, v17  }
0x10a: {  	v23 =	vld [tilespmem:s8+$0xFFFFFFD0];
	vm12 =	vge.f32 v18, $0.0e+00;
	vm13 =	vge.f32 v14, $0.0e+00;
	v7 =	vsel vm0, v16, v19  }
0x10b: {  	v25 =	vld [tilespmem:s8+$0x30];
	v16 =	vmul.f32 $2.000000030e-01, v18;
	v17 =	vsel vm1, v17, v20;
	v20 =	vmul.f32 $2.000000030e-01, v21  }
0x10c: {  	v3 =	vld [tilespmem:s7+$0xFFFFFFF0];
	vm14 =	vge.f32 v21, $0.0e+00;
	v19 =	vmul.f32 $2.000000030e-01, v14;
	v7 =	vmul.f32 v7, v1  }
0x10d: {  	s10 =	simm.s32 $0x7000;
	v17 =	vmul.f32 v17, v2;
	v10 =	vadd.f32 v10, v6;
	v16 =	vsel vm12, v18, v16;
	v18 =	vld [tilespmem:s8+$0x20]  }
0x10e: {  	v27 =	vadd.f32 v13, v4;
	v14 =	vsel vm13, v14, v19;
	v19 =	vld [tilespmem:s10+$0x30];
	v16 =	vmul.f32 v16, v1  }
0x10f: {  	v17 =	vadd.f32 v17, v7;
	v26 =	vmul.f32 $2.000000030e-01, v10;
	v14 =	vmul.f32 v14, v2;
	v7 =	vld [tilespmem:s10+$0x20]  }
0x110: {  	v13 =	vsel vm14, v21, v20;
	v20 =	vld [tilespmem:s8+$0x0];
	vm15 =	vge.f32 v10, $0.0e+00;
	v21 =	vmul.f32 $2.000000030e-01, v27  }
0x111: {  	v10 =	vsel vm15, v10, v26;
	v14 =	vadd.f32 v14, v16;
	v16 =	vmul.f32 v13, v1;
	v13 =	vld [tilespmem:s10+$0x0]  }
0x112: {  	vm4 =	vge.f32 v27, $0.0e+00;
	(xrf2) =	vadd.scan.msk.f32 $0xffff, v17;
	v26 =	vadd.f32 v15, v3;
	v17 =	vmul.f32 v10, v2;
	v10 =	vld [tilespmem:s10+$0xFFFFFFC0]  }
0x113: {  	v24 =	vld [tilespmem:s8+$0xFFFFFFE0];
	v15 =	vsel vm4, v27, v21;
	v21 =	vadd.f32 v25, v19  }
0x114: {  	v28 =	vld [tilespmem:s8+$0x10];
	(xrf2) =	vadd.scan.msk.f32 $0xffff, v14;
	v29 =	vmul.f32 $2.000000030e-01, v26;
	v25 =	vmul.f32 v15, v1;
	v18 =	vadd.f32 v18, v7  }
0x115: {  	vm9 =	vge.f32 v26, $0.0e+00;
	v14 =	vadd.f32 v17, v16;
	v17 =	vld [tilespmem:s10+$0x10];
	vm6 =	vge.f32 v21, $0.0e+00  }
0x116: {  	v16 =	vld [tilespmem:s10+$0xFFFFFFD0];
	v31 =	vmul.f32 $2.000000030e-01, v21;
	v27 =	vmul.f32 $2.000000030e-01, v18;
	v20 =	vadd.f32 v20, v13  }
0x117: {  	s11 =	simm.s32 $0xAF00;
	v30 =	vld [tilespmem:s8+$0xFFFFFFF0];
	v26 =	vsel vm9, v26, v29;
	vm5 =	vge.f32 v18, $0.0e+00;
	(xrf2) =	vadd.scan.msk.f32 $0xffff, v14;
	v22 =	vadd.f32 v22, v10  }
0x118: {  	v35 =	vld [tilespmem:s11+$0xFFFFFFC0];
	v21 =	vsel vm6, v21, v31;
	v18 =	vsel vm5, v18, v27;
	v27 =	vmul.f32 $2.000000030e-01, v20  }
0x119: {  	v37 =	vld [tilespmem:s11+$0xFFFFFFD0];
	vm7 =	vge.f32 v20, $0.0e+00;
	v21 =	vmul.f32 v21, v2;
	v31 =	vmul.f32 $2.000000030e-01, v22  }
0x11a: {  	v34 =	vld [tilespmem:s11+$0x0];
	v18 =	vmul.f32 v18, v1;
	v28 =	vadd.f32 v28, v17;
	vm8 =	vge.f32 v22, $0.0e+00  }
0x11b: {  	v38 =	vld [tilespmem:s11+$0x20];
	v23 =	vadd.f32 v23, v16;
	v20 =	vsel vm7, v20, v27;
	v22 =	vsel vm8, v22, v31  }
0x11c: {  	v15 =	vld [tilespmem:s10+$0xFFFFFFE0];
	v31 =	vmul.f32 v20, v1;
	v20 =	vmul.f32 $2.000000030e-01, v28;
	v21 =	vadd.f32 v21, v18  }
0x11d: {  	v39 =	vld [tilespmem:s11+$0x30];
	v26 =	vmul.f32 v26, v2;
	v32, _, _ =	vpop (xrf2);
	vm10 =	vge.f32 v28, $0.0e+00  }
0x11e: {  	v40 =	vld [tilespmem:s11+$0xFFFFFFF0];
	v36 =	vmul.f32 $2.000000030e-01, v23;
	v33, _, _ =	vpop (xrf2);
	v20 =	vsel vm10, v28, v20;
	(xrf2) =	vadd.scan.msk.f32 $0xffff, v21  }
0x11f: {  	s13 =	simm.s32 $0x7080;
	v14 =	vld [tilespmem:s10+$0xFFFFFFF0];
	v26 =	vadd.f32 v26, v25;
	vm11 =	vge.f32 v23, $0.0e+00;
	v32 =	vmul.f32 $1.442695020e+00, v32  }
0x120: {  	v25 =	vld [tilespmem:s13+$0x0];
	v22 =	vmul.f32 v22, v1;
	v23 =	vsel vm11, v23, v36;
	v33 =	vmul.f32 $1.442695020e+00, v33  }
0x121: {  	v24 =	vadd.f32 v24, v15;
	v21 =	vld [tilespmem:s13+$0x20];
	v56 =	vmul.f32 v20, v2;
	v23 =	vmul.f32 v23, v2;
	v20, _, _ =	vpop (xrf2)  }
0x122: {  	v27 =	vld [tilespmem:s11+$0xFFFFFFE0];
	v28 =	vbroadcast v33, $0xF;
	(xrf2) =	vadd.scan.msk.f32 $0xffff, v26;
	v57 =	vmul.f32 $1.442695020e+00, v20  }
0x123: {  	vm12 =	vge.f32 v24, $0.0e+00;
	v18 =	vld [tilespmem:s13+$0xFFFFFFE0];
	v32 =	vbroadcast v32, $0xF  }
0x124: {  	v42 =	vadd.f32 v23, v22;
	v22 =	vld [tilespmem:s13+$0xFFFFFFC0];
	(erf) = vpow2.f32 v28;
	v28 =	vbroadcast v57, $0xF  }
0x125: {  	v44 =	vadd.f32 v34, v25;
	v26 =	vmul.f32 $2.000000030e-01, v24;
	v20 =	vld [tilespmem:s13+$0x30];
	(erf) = vpow2.f32 v32  }
0x126: {  	v41 =	vadd.f32 v56, v31;
	v23 =	vld [tilespmem:s13+$0xFFFFFFF0];
	v58 =	vadd.f32 v38, v21;
	(erf) = vpow2.f32 v28  }
0x127: {  	v43 =	vld [tilespmem:s11+$0x10];
	v29 =	vadd.f32 v30, v14;
	vm2 =	vge.f32 v44, $0.0e+00;
	v45 =	vmul.f32 $2.000000030e-01, v44  }
0x128: {  	v27 =	vadd.f32 v27, v18;
	v24 =	vsel vm12, v24, v26;
	v26 =	vld [tilespmem:s13+$0xFFFFFFD0];
	v60 =	vmul.f32 $2.000000030e-01, v58;
	v61, _, _ =	vpop (xrf2);
	(xrf2) =	vadd.scan.msk.f32 $0xffff, v41  }
0x129: {  	v33 =	vmul.f32 $2.000000030e-01, v29;
	v30 =	vmul.f32 v24, v1;
	v24 =	vld [tilespmem:s13+$0x10];
	vm13 =	vge.f32 v58, $0.0e+00  }
0x12a: {  	v35 =	vadd.f32 v35, v22;
	v59 =	vadd.f32 v39, v20;
	v32 =	vsel vm13, v58, v60  }
0x12b: {  	v28 =	vmul.f32 $2.000000030e-01, v27;
	v34 =	vadd.f32 v40, v23;
	v36 =	vmul.f32 v32, v1;
	(xrf2) =	vadd.scan.msk.f32 $0xffff, v42  }
0x12c: {  	v62 =	vmul.f32 $2.000000030e-01, v35;
	vm15 =	vge.f32 v35, $0.0e+00;
	v39 =	vmul.f32 $2.000000030e-01, v59;
	v63, _, _ =	vpop (xrf2)  }
0x12d: {  	v37 =	vadd.f32 v37, v26;
	vm14 =	vge.f32 v59, $0.0e+00;
	v40 =	vmul.f32 $1.442695020e+00, v61;
	v31 =	vpop (erf)  }
0x12e: {  	s6 =	simm.s32 $0xED00;
	s7 =	simm.s32 $0xEC80;
	s8 =	simm.s32 $0x8;
	v38 =	vsel vm15, v35, v62;
	v46 =	vsel vm14, v59, v39;
	v39 =	vadd.f32 v43, v24;
	v32 =	vpop (erf)  }
0x12f: {  	s10 =	simm.s32 $0x7100;
	s11 =	simm.s32 $0xAF80;
	s13 =	simm.s32 $0xED00;
	v43 =	vsel vm2, v44, v45;
	v41 =	vmul.f32 v46, v2;
	v42 =	vmul.f32 $1.442695020e+00, v63;
	v35 =	vpop (erf)  }
.LBB2_11:
0x130: {  	v43 =	vmul.f32 v43, v1;
	vm0 =	vge.f32 v29, $0.0e+00;
	v40 =	vbroadcast v40, $0xF;
	v45 =	vmovc v8;
	v8 =	vmovc v13  }
0x131: {  	v44 =	vld [tilespmem:s11+$0xFFFFFFC0];
	s8 =	sadd.s32 $0x4, s8;
	s13 =	sadd.s32 $0x80, s13;
	v13 =	vmovc v25;
	v46 =	vmovc v3;
	v3 =	vmov v14;
	v14 =	vmov v23;
	v47 =	vmov v11  }
0x132: {  	vm1 =	vge.f32 v39, $0.0e+00;
	v23 =	vmul.f32 $2.000000030e-01, v39;
	v48 =	vld [tilespmem:s11+$0xFFFFFFD0];
	p1 =	slt.u32 s8, $0xF4;
	v11, _, _ =	vpop (xrf2);
	v25 =	vbroadcast v42, $0xF  }
0x133: {  	v49 =	vmul.f32 $2.000000030e-01, v37;
	v29 =	vsel vm0, v29, v33;
	v42 =	vld [tilespmem:s11+$0xFFFFFFE0];
	v33 =	vmul.f32 $1.442695020e+00, v11;
	v11 =	vmovc v10;
	v10 =	vmovc v22  }
0x134: {  	vm0 =	vge.f32 v37, $0.0e+00;
	v22 =	vsel vm1, v39, v23;
	v39 =	vmovc v6;
	v6 =	vmovc v16;
	v50 =	vld [tilespmem:s11+$0x0];
	(erf) = vpow2.f32 v25  }
0x135: {  	v23 =	vsel vm0, v37, v49;
	v22 =	vmul.f32 v22, v2;
	v25 =	vmul.f32 v29, v2;
	v51 =	vld [tilespmem:s11+$0x20];
	v37, _, _ =	vpop (xrf2)  }
0x136: {  	v38 =	vmul.f32 v38, v1;
	v36 =	vadd.f32 v41, v36;
	v16 =	vmovc v26;
	v33 =	vbroadcast v33, $0xF;
	v29 =	vmovc v34;
	v49 =	vld [tilespmem:s11+$0x30]  }
0x137: {  	v23 =	vmul.f32 v23, v2;
	v26 =	vadd.f32 v22, v43;
	v22 =	vmul.f32 v31, v12;
	v12 =	vmovc v17;
	v34 =	vld [tilespmem:s11+$0xFFFFFFF0]  }
0x138: {  	v30 =	vadd.f32 v25, v30;
	v17 =	vmovc v24;
	v41 =	vld [tilespmem:s10+$0xFFFFFFE0];
	(xrf2) =	vadd.scan.msk.f32 $0xffff, v36;
	v36 =	vmul.f32 $1.442695020e+00, v37;
	(erf) = vpow2.f32 v33  }
0x139: {  	v38 =	vadd.f32 v23, v38;
	v23 =	vmul.f32 v31, v45;
	v37 =	vld [tilespmem:s10+$0x20];
	[tilespmem:s7+$0x10] =	vst v22;
	v22 =	vmul.f32 v32, v9  }
0x13a: {  	vm0 =	vge.f32 v27, $0.0e+00;
	v9 =	vmovc v7;
	v7 =	vmovc v21;
	v43 =	vld [tilespmem:s10+$0x30];
	v24 =	vbroadcast v36, $0xF;
	(erf) = vpow2.f32 v40  }
0x13b: {  	v33 =	vmul.f32 $2.000000030e-01, v29;
	v21 =	vmul.f32 v32, v5;
	v5 =	vmovc v19;
	v25 =	vld [tilespmem:s10+$0x0];
	(xrf2) =	vadd.scan.msk.f32 $0xffff, v30;
	[tilespmem:s7+$0x0] =	vst v23  }
0x13c: {  	v31 =	vmul.f32 v35, v47;
	v32 =	vsel vm0, v27, v28;
	v28 =	vmul.f32 v35, v39;
	v23 =	vld [tilespmem:s10+$0xFFFFFFF0];
	[tilespmem:s7+$0x20] =	vst v22  }
0x13d: {  	v30 =	vmul.f32 v32, v1;
	v22 =	vld [tilespmem:s10+$0xFFFFFFC0];
	v27 =	vadd.f32 v42, v41;
	(erf) = vpow2.f32 v24;
	[tilespmem:s7+$0x30] =	vst v21;
	v19 =	vpop (erf)  }
0x13e: {  	v35 =	vld [tilespmem:s11+$0x10];
	v32 =	vadd.f32 v51, v37;
	(xrf2) =	vadd.scan.msk.f32 $0xffff, v26;
	[tilespmem:s7+$0xFFFFFFD0] =	vst v28;
	v40 =	vmul.f32 v19, v4;
	v4 =	vmovc v15  }
0x13f: {  	v19 =	vmul.f32 v19, v46;
	v15 =	vmovc v18;
	v28 =	vmul.f32 $2.000000030e-01, v27;
	v24 =	vld [tilespmem:s10+$0x10];
	v39 =	vadd.f32 v49, v43;
	[tilespmem:s7+$0xFFFFFFC0] =	vst v31  }
0x140: {  	v18 =	vmovc v41;
	v21 =	vmovc v37;
	v26 =	vld [tilespmem:s10+$0xFFFFFFD0];
	v42 =	vadd.f32 v50, v25;
	vm0 =	vge.f32 v32, $0.0e+00;
	v36 =	vmul.f32 $2.000000030e-01, v32;
	[tilespmem:s7+$0xFFFFFFE0] =	vst v40  }
0x141: {  	v34 =	vadd.f32 v34, v23;
	vm1 =	vge.f32 v39, $0.0e+00;
	v37 =	vmul.f32 $2.000000030e-01, v39;
	(xrf2) =	vadd.scan.msk.f32 $0xffff, v38;
	v31 =	vpop (erf)  }
.Ltmp6:
0x142: {  	v38 =	vadd.f32 v44, v22;
	vm2 =	vge.f32 v42, $0.0e+00;
	v45 =	vsel vm0, v32, v36;
	v40, _, _ =	vpop (xrf2);
	[tilespmem:s7+$0xFFFFFFF0] =	vst v19;
	s7 =	smov.u32 s6;
	s6 =	smov.u32 s13;
	(pc) =	sbr.rel @p1 .LBB2_11-.Ltmp6, $4  }
0x143: {  	v41 =	vmul.f32 $2.000000030e-01, v42;
	v36 =	vmul.f32 v45, v1;
	v44 =	vsel vm1, v39, v37;
	v32 =	vpop (erf)  }
0x144: {  	v19 =	vmovc v20;
	v20 =	vmovc v43;
	v40 =	vmul.f32 $1.442695020e+00, v40;
	v45 =	vmul.f32 $2.000000030e-01, v38;
	v39 =	vadd.f32 v35, v24  }
0x145: {  	vm0 =	vge.f32 v38, $0.0e+00;
	v43 =	vsel vm2, v42, v41;
	v37 =	vadd.f32 v48, v26;
	v35, _, _ =	vpop (xrf2)  }
0x146: {  	s11 =	sadd.s32 $0x80, s11;
	s10 =	sadd.s32 $0x80, s10;
	v41 =	vmul.f32 v44, v2;
	v38 =	vsel vm0, v38, v45;
	v42 =	vmul.f32 $1.442695020e+00, v35;
	v35 =	vpop (erf)  }
0x147: {  	vm0 =	vge.f32 v29, $0.0e+00  }
0x148: {  	v44 =	vmul.f32 $2.000000030e-01, v39;
	v29 =	vsel vm0, v29, v33  }
0x149: {  	vm13 =	vge.f32 v39, $0.0e+00;
	v29 =	vmul.f32 v29, v2  }
0x14a: {  	v53 =	vmul.f32 v43, v1;
	v36 =	vadd.f32 v41, v36;
	v39 =	vsel vm13, v39, v44  }
0x14b: {  	v55 =	vmul.f32 $2.000000030e-01, v37;
	v39 =	vmul.f32 v39, v2;
	v29 =	vadd.f32 v29, v30  }
0x14c: {  	vm14 =	vge.f32 v37, $0.0e+00;
	v58 =	vmul.f32 v38, v1;
	v60 =	vmul.f32 $2.000000030e-01, v34;
	v54, _, _ =	vpop (xrf2);
	(xrf2) =	vadd.scan.msk.f32 $0xffff, v36  }
0x14d: {  	vm15 =	vge.f32 v27, $0.0e+00;
	vm1 =	vge.f32 v34, $0.0e+00;
	v33 =	vadd.f32 v39, v53;
	(xrf2) =	vadd.scan.msk.f32 $0xffff, v29  }
0x14e: {  	v56 =	vbroadcast v42, $0xF;
	v27 =	vsel vm15, v27, v28;
	v57 =	vsel vm14, v37, v55  }
0x14f: {  	v41 =	vmul.f32 $1.442695020e+00, v54;
	v61 =	vsel vm1, v34, v60;
	v59 =	vmul.f32 v57, v2;
	(xrf2) =	vadd.scan.msk.f32 $0xffff, v33  }
0x150: {  	v27 =	vmul.f32 v27, v1;
	v28 =	vmul.f32 v61, v2  }
0x151: {  	(erf) = vpow2.f32 v56;
	v36 =	vbroadcast v41, $0xF;
	v29 =	vadd.f32 v59, v58  }
0x152: {  	v27 =	vadd.f32 v28, v27  }
0x153: {  	(erf) = vpow2.f32 v36;
	(xrf2) =	vadd.scan.msk.f32 $0xffff, v29  }
0x154: {  	v62 =	vbroadcast v40, $0xF;
	v12 =	vmul.f32 v31, v12;
	v63, _, _ =	vpop (xrf2);
	(xrf2) =	vadd.scan.msk.f32 $0xffff, v27  }
0x155: {  	v8 =	vmul.f32 v31, v8;
	v37 =	vmul.f32 $1.442695020e+00, v63  }
0x156: {  	v9 =	vmul.f32 v32, v9;
	v5 =	vmul.f32 v32, v5;
	v38, _, _ =	vpop (xrf2)  }
0x157: {  	v28 =	vbroadcast v37, $0xF;
	(erf) = vpow2.f32 v62;
	v39, _, _ =	vpop (xrf2)  }
0x158: {  	v11 =	vmul.f32 v35, v11;
	v29 =	vmul.f32 $1.442695020e+00, v39  }
0x159: {  	v6 =	vmul.f32 v35, v6;
	(erf) = vpow2.f32 v28;
	v40, _, _ =	vpop (xrf2)  }
0x15a: {  	[tilespmem:s7+$0x10] =	vst v12;
	v41 =	vpop (erf);
	v28 =	vmul.f32 $1.442695020e+00, v40;
	v29 =	vbroadcast v29, $0xF  }
0x15b: {  	[tilespmem:s7+$0x0] =	vst v8;
	v4 =	vmul.f32 v41, v4;
	v42 =	vmul.f32 $1.442695020e+00, v38  }
0x15c: {  	[tilespmem:s7+$0x20] =	vst v9;
	v46 =	vpop (erf);
	v44 =	vbroadcast v28, $0xF;
	(erf) = vpow2.f32 v29  }
0x15d: {  	[tilespmem:s7+$0x30] =	vst v5;
	v3 =	vmul.f32 v41, v3;
	v8 =	vbroadcast v42, $0xF;
	v43, _, _ =	vpop (xrf2)  }
0x15e: {  	[tilespmem:s7+$0xFFFFFFD0] =	vst v6;
	v45 =	vmul.f32 $1.442695020e+00, v43;
	v48, _, _ =	vpop (xrf2);
	(erf) = vpow2.f32 v44  }
0x15f: {  	[tilespmem:s7+$0xFFFFFFC0] =	vst v11;
	v47 =	vmul.f32 v46, v17;
	v50 =	vmul.f32 $1.442695020e+00, v48  }
0x160: {  	[tilespmem:s7+$0xFFFFFFE0] =	vst v4;
	v49 =	vpop (erf);
	v5 =	vbroadcast v45, $0xF;
	(erf) = vpow2.f32 v8  }
0x161: {  	[tilespmem:s7+$0xFFFFFFF0] =	vst v3;
	v3 =	vmul.f32 v46, v13;
	v51 =	vmul.f32 v49, v7  }
0x162: {  	[tilespmem:s6+$0x10] =	vst v47;
	v52 =	vbroadcast v50, $0xF;
	(erf) = vpow2.f32 v5  }
0x163: {  	v53 =	vpop (erf);
	[tilespmem:s6+$0x0] =	vst v3;
	v3 =	vmul.f32 v49, v19  }
0x164: {  	v54 =	vmul.f32 v53, v16;
	[tilespmem:s6+$0x20] =	vst v51;
	(erf) = vpow2.f32 v52  }
0x165: {  	v56 =	vmul.f32 v53, v10;
	[tilespmem:s6+$0x30] =	vst v3;
	v55 =	vpop (erf)  }
0x166: {  	[tilespmem:s6+$0xFFFFFFD0] =	vst v54;
	v3 =	vmul.f32 v55, v15  }
0x167: {  	[tilespmem:s6+$0xFFFFFFC0] =	vst v56;
	v57 =	vmul.f32 v55, v14;
	v58 =	vpop (erf)  }
0x168: {  	v5 =	vmul.f32 v58, v25;
	[tilespmem:s6+$0xFFFFFFE0] =	vst v3  }
0x169: {  	s13 =	sadd.s32 $0x80, s13;
	v59 =	vpop (erf);
	v3 =	vmul.f32 v58, v24;
	[tilespmem:s6+$0xFFFFFFF0] =	vst v57  }
0x16a: {  	v4 =	vmul.f32 v59, v20;
	[tilespmem:s13+$0x0] =	vst v5  }
0x16b: {  	v60 =	vpop (erf);
	[tilespmem:s13+$0x10] =	vst v3;
	v3 =	vmul.f32 v59, v21  }
0x16c: {  	v61 =	vmul.f32 v60, v26;
	[tilespmem:s13+$0x30] =	vst v4  }
0x16d: {  	v62 =	vpop (erf);
	[tilespmem:s13+$0x20] =	vst v3;
	v3 =	vmul.f32 v60, v22  }
0x16e: {  	v63 =	vmul.f32 v62, v18;
	[tilespmem:s13+$0xFFFFFFD0] =	vst v61  }
0x16f: {  	[tilespmem:s13+$0xFFFFFFC0] =	vst v3;
	v3 =	vmul.f32 v62, v23  }
0x170: {  	[tilespmem:s13+$0xFFFFFFE0] =	vst v63  }
0x171: {  	s6 =	simm.s32 $0x0;
	[tilespmem:s13+$0xFFFFFFF0] =	vst v3  }
.LBB2_13:
0x172: {  	s7 =	sshra.s32 s6, $0x2  }
0x173: {  	v3 =	vld [tilespmem:s7+$0x8E40]  }
0x174: {  	v4 =	vld [tilespmem:s7+$0x8E50]  }
0x175: {  	v5 =	vld [tilespmem:s7+$0xCCC0]  }
0x176: {  	v6 =	vld [tilespmem:s7+$0xCCD0];
	_ =	sdelay $0x4  }
0x177: {  	v5 =	vadd.f32 v5, v3;
	v6 =	vadd.f32 v6, v4;
	_ =	sdelay $0x1  }
0x178: {  	v7 =	vmul.f32 $2.000000030e-01, v5;
	v8 =	vmul.f32 $2.000000030e-01, v6  }
0x179: {  	vm0 =	vge.f32 v5, $0.0e+00;
	vm1 =	vge.f32 v6, $0.0e+00  }
0x17a: {  	v5 =	vsel vm0, v5, v7;
	v6 =	vsel vm1, v6, v8  }
0x17b: {  	v5 =	vmul.f32 v5, v1;
	v6 =	vmul.f32 v6, v2;
	_ =	sdelay $0x1  }
0x17c: {  	v5 =	vadd.f32 v6, v5;
	_ =	sdelay $0x1  }
0x17d: {  	(xrf2) =	vadd.scan.msk.f32 $0xffff, v5;
	_ =	sdelay $0x9  }
0x17e: {  	v5, _, _ =	vpop (xrf2)  }
0x17f: {  	v5 =	vmul.f32 $1.442695020e+00, v5;
	_ =	sdelay $0x1  }
0x180: {  	v5 =	vbroadcast v5, $0xF;
	_ =	sdelay $0x1  }
0x181: {  	(erf) = vpow2.f32 v5;
	_ =	sdelay $0x7  }
0x182: {  	p1 =	sne.s32 s6, $0x80  }
.Ltmp7:
0x183: {  	v5 =	vpop (erf);
	(pc) =	sbr.rel @p1 .LBB2_13-.Ltmp7, $4  }
0x184: {  	v3 =	vmul.f32 v5, v3  }
0x185: {  	v4 =	vmul.f32 v5, v4  }
0x186: {  	[tilespmem:s7+$0x10B40] =	vst v3  }
0x187: {  	s6 =	sadd.s32 $0x80, s6;
	[tilespmem:s7+$0x10B50] =	vst v4  }
0x188: {  	p1 =	seq.s32 s2, $0x13  }
.Ltmp8:
0x189: {  	_ = 	snop;
	(pc) =	sbr.rel @p1 .LBB2_16-.Ltmp8, $2  }
0x18a: {  	_ =	sdelay $0x2  }
0x18b: {  	[spmem:s3] =	stream.indirect.scatter.add.f32 [tilespmem:s28], [sflag:$0x6], $0x20, s0, s16, $0xb8;
	[tilespmem:$0x15AC0] =	vst v63  }
.Ltmp9:
0x18c: {  	(pc) =	sbr.rel .LBB2_6-.Ltmp9, $4  }
0x18d: {  	s0 =	sadd.s32 $0x200, s14  }
0x18e: {  	[tilespmem:s17], [sflag:$0x1] =	stream.indirect.gather [hbm4b:s1+s16], $0x20, s0, s16, $0xb8;
	[tilespmem:$0x15AC0] =	vst v63  }
0x18f: {  	s14 =	sadd.s32 $0x2A00, s14;
	s2 =	sadd.s32 $0x1, s2  }
0x190: {  	[tilespmem:s18], [sflag:$0x3] =	stream.indirect.gather [hbm4b:s5+s16], $0x20, s14, s16, $0xb8;
	[tilespmem:$0x15AC0] =	vst v63  }
.LBB2_17:
0x191: {  	_ =	sfence.sel $0x180000  }
0x192: {  	[bflag:$0x0] =	sbarrier.arrive $0xFFFF  }
0x193: {  	_ =	strace $0x9000004A  }
0x194: {  	s0 =	stileid.u32;
	[bflag:$0x2] =	sbarrier.arrive $0xFFFF  }
0x195: {  	p0 =	sne.s32 s0, $0x0;
	s0 =	rddreg [dreg:$0x3]  }
0x196: {  	s0 =	sadd.s32 @!p0 $0x100000, s0  }
0x197: {  	[sflag:s0] =	ssyncadd.tile.s32 @!p0 $0x1;
	_ =	shalt  }
.Lfunc_end2:
_tile_overlayer_lowered:
.L_overlay_start_2:
0x198: {  	(tag) =	ssettag $0x2  }
0x199: {  	s0 =	rddreg [dreg:$0x0];
	s2 =	stileid.u32  }
0x19a: {  	s1 =	rddreg [dreg:$0x1];
	p0 =	sne.s32 s2, $0x0  }
0x19b: {  	s3 =	rddreg [dreg:$0x2];
	[bflag:$0x3] =	sbarrier.arrive $0xFFFF;
	s2 =	simm.s32 @!p0 $0x1C07  }
0x19c: {  	[timem:s3], [sflag:s2] =	dma.local @!p0 [hbm:s0], s1  }
0x19d: {  	s0 =	simm.s32 @!p0 $0x7  }
0x19e: {  	_ =	swait.ge @!p0 [sflag:s0], s1  }
0x19f: {  	s1 =	ssub.s32 @!p0 $0x0, s1;
	[sflag:s0] =	ssyncset.done @!p0 $0x0  }
0x1a0: {  	[sflag:s0] =	ssyncadd.s32 @!p0 s1  }
0x1a1: {  	[bflag:$0x3] =	sbarrier.arrive $0xFFFF  }
0x1a2: {  	_ =	shalt  }

// kernel: kernel.15.cloned.1.call-start
scs
__scs_entry_jumppad:
0x0: {  	(pc) =	sbr.rel $0x88, $3  }
0x1: {  	(tag) =	ssettag $0x0;
	lr =	simm.s32 $0x1  }
0x2: {  	[smem:$0x3F94] =	sst lr;
	_ =	strace $0xD0000000  }
0x3: {  	_ = 	snop  }
0x4: {  	_ = 	snop  }
0x5: {  	_ = 	snop  }
0x6: {  	_ = 	snop  }
0x7: {  	_ = 	snop  }
__scs_overlays_trampoline_lowered:
0x8: {  	[smem:$0x3FA3] =	sst s0  }
0x9: {  	[smem:$0x3FA4] =	sst s1  }
0xa: {  	[smem:$0x3FA5] =	sst s2  }
0xb: {  	[smem:$0x3FA6] =	sst s3  }
0xc: {  	[smem:$0x3FA7] =	sst s4  }
0xd: {  	[smem:$0x3FA8] =	sst s5  }
0xe: {  	[smem:$0x3FA9] =	sst s6  }
0xf: {  	[smem:$0x3FAA] =	sst s7  }
0x10: {  	[smem:$0x3FAB] =	sst s8  }
0x11: {  	[smem:$0x3FAC] =	sst s9;
	s0 =	simm.s32 @!p0 $0x0  }
0x12: {  	s1 =	sld [smem:$0x3F92];
	s0 =	simm.s32 @p0 $0x1  }
0x13: {  	[smem:$0x3FAD] =	sst s0;
	s0 =	simm.s32 @!p1 $0x0  }
0x14: {  	s2 =	sld [smem:$0x3F91];
	s0 =	simm.s32 @p1 $0x1  }
0x15: {  	[smem:$0x3FAE] =	sst s0;
	s0 =	simm.s32 @!p2 $0x0  }
0x16: {  	s3 =	sld [smem:$0x3FDB];
	s0 =	simm.s32 @p2 $0x1  }
0x17: {  	s4 =	simm.s32 $0x1BF5;
	[smem:$0x3FB0] =	sst s0  }
0x18: {  	s0 =	sld [smem:$0x3F93];
	_ =	swait.ge [sflag:s4], $0x0  }
0x19: {  	s7 =	sld [smem:$0x3F94]  }
0x1a: {  	s8 =	sadd.s32 $0xFFFFE003, lr  }
0x1b: {  	s9 =	sadd.s32 $0xFFFFFEF7, lr;
	s5 =	simm.s32 $0xFFFFFFFF;
	p2 =	slt.u32 s8, $0xFFFFF086  }
0x1c: {  	p1 =	slt.u32 s9, $0xF7A;
	s5 =	simm.s32 @!p2 $0x0  }
0x1d: {  	s5 =	simm.s32 @p1 $0x1;
	p0 =	seq.s32 s7, s2  }
0x1e: {  	s7 =	smul.u32 @!p0 $0xF7A, s2;
	p2 =	seq.s32 @!p0 s5, $0x0  }
0x1f: {  	s9 =	smul.u32 $0xF7A, s1;
	s8 =	simm.s32 @!p0 $0x1BF5;
	p2 =	por !p2, p0  }
0x20: {  	[sflag:s8] =	ssyncset.s32 @!p0 $0xFFFFF086;
	s6 =	sadd.s32 @!p0 s3, s7;
	s7 =	simm.s32 @!p0 $0x108  }
0x21: {  	s3 =	sadd.s32 s3, s9;
	s6 =	sadd.s32 @!p0 $0x88, s6;
	s7 =	simm.s32 @p2 $0x1082  }
0x22: {  	[simem:s7], [sflag:s8] =	dma.local @!p0 [hbm:s6], $0xF7A  }
0x23: {  	s9 =	sor.u32 $0xD0000000, s2;
	s6 =	simm.s32 $0x108;
	_ =	swait.ge @!p0 [sflag:s8], $0x0  }
0x24: {  	s3 =	sadd.s32 $0x88, s3;
	s6 =	simm.s32 @!p1 $0x1082;
	[sflag:s4] =	ssyncset.s32 $0xFFFFF086  }
0x25: {  	[simem:s6], [sflag:s4] =	dma.local [hbm:s3], $0xF7A  }
0x26: {  	[smem:$0x3F94] =	sst s1;
	(tag) =	ssettag s2;
	_ =	strace s9  }
0x27: {  	s1 =	sld [smem:$0x3FA4]  }
0x28: {  	s2 =	sld [smem:$0x3FA5]  }
0x29: {  	s4 =	sld [smem:$0x3FA7]  }
0x2a: {  	p0 =	seq.s32 s5, $0x0;
	s5 =	sld [smem:$0x3FA8]  }
0x2b: {  	s6 =	sld [smem:$0x3FA9]  }
0x2c: {  	s7 =	sld [smem:$0x3FAA]  }
0x2d: {  	s3 =	simm.s32 $0x108;
	s8 =	sld [smem:$0x3FAB]  }
0x2e: {  	s3 =	simm.s32 @!p0 $0x1082;
	s9 =	sld [smem:$0x3FAC]  }
0x2f: {  	lr =	sadd.s32 s0, s3;
	s0 =	sld [smem:$0x3FA3]  }
0x30: {  	s3 =	sld [smem:$0x3FA6]  }
0x31: {  	[smem:$0x3FAF] =	sst s10  }
0x32: {  	s10 =	sld [smem:$0x3FAD];
	_ =	sdelay $0x3  }
0x33: {  	p0 =	seq.s32 s10, $0x1;
	s10 =	sld [smem:$0x3FAF];
	_ =	sdelay $0x3  }
0x34: {  	[smem:$0x3FAF] =	sst s10  }
0x35: {  	s10 =	sld [smem:$0x3FAE];
	_ =	sdelay $0x3  }
0x36: {  	p1 =	seq.s32 s10, $0x1;
	s10 =	sld [smem:$0x3FAF];
	_ =	sdelay $0x3  }
0x37: {  	[smem:$0x3FAF] =	sst s10  }
0x38: {  	s10 =	sld [smem:$0x3FB0]  }
0x39: {  	_ = 	snop;
	(pc) =	sbr.ind lr, $3  }
0x3a: {  	_ = 	snop  }
0x3b: {  	_ = 	snop  }
0x3c: {  	p2 =	seq.s32 s10, $0x1;
	s10 =	sld [smem:$0x3FAF]  }
0x3d: {  	_ =	shalt  }
0x3e: {  	_ =	shalt  }
0x3f: {  	_ =	shalt  }
0x40: {  	_ =	shalt  }
0x41: {  	_ =	shalt  }
0x42: {  	_ =	shalt  }
0x43: {  	_ =	shalt  }
0x44: {  	_ =	shalt  }
0x45: {  	_ =	shalt  }
0x46: {  	_ =	shalt  }
0x47: {  	_ =	shalt  }
0x48: {  	_ =	shalt  }
0x49: {  	_ =	shalt  }
0x4a: {  	_ =	shalt  }
0x4b: {  	_ =	shalt  }
0x4c: {  	_ =	shalt  }
0x4d: {  	_ =	shalt  }
0x4e: {  	_ =	shalt  }
0x4f: {  	_ =	shalt  }
0x50: {  	_ =	shalt  }
0x51: {  	_ =	shalt  }
0x52: {  	_ =	shalt  }
0x53: {  	_ =	shalt  }
0x54: {  	_ =	shalt  }
0x55: {  	_ =	shalt  }
0x56: {  	_ =	shalt  }
0x57: {  	_ =	shalt  }
0x58: {  	_ =	shalt  }
0x59: {  	_ =	shalt  }
0x5a: {  	_ =	shalt  }
0x5b: {  	_ =	shalt  }
0x5c: {  	_ =	shalt  }
0x5d: {  	_ =	shalt  }
0x5e: {  	_ =	shalt  }
0x5f: {  	_ =	shalt  }
0x60: {  	_ =	shalt  }
0x61: {  	_ =	shalt  }
0x62: {  	_ =	shalt  }
0x63: {  	_ =	shalt  }
0x64: {  	_ =	shalt  }
0x65: {  	_ =	shalt  }
0x66: {  	_ =	shalt  }
0x67: {  	_ =	shalt  }
0x68: {  	_ =	shalt  }
0x69: {  	_ =	shalt  }
0x6a: {  	_ =	shalt  }
0x6b: {  	_ =	shalt  }
0x6c: {  	_ =	shalt  }
0x6d: {  	_ =	shalt  }
0x6e: {  	_ =	shalt  }
0x6f: {  	_ =	shalt  }
0x70: {  	_ =	shalt  }
0x71: {  	_ =	shalt  }
0x72: {  	_ =	shalt  }
0x73: {  	_ =	shalt  }
0x74: {  	_ =	shalt  }
0x75: {  	_ =	shalt  }
0x76: {  	_ =	shalt  }
0x77: {  	_ =	shalt  }
0x78: {  	_ =	shalt  }
0x79: {  	_ =	shalt  }
0x7a: {  	_ =	shalt  }
0x7b: {  	_ =	shalt  }
0x7c: {  	_ =	shalt  }
0x7d: {  	_ =	shalt  }
0x7e: {  	_ =	shalt  }
0x7f: {  	_ =	shalt  }
0x80: {  	_ =	shalt  }
0x81: {  	_ =	shalt  }
0x82: {  	_ =	shalt  }
0x83: {  	_ =	shalt  }
0x84: {  	_ =	shalt  }
0x85: {  	_ =	shalt  }
0x86: {  	_ =	shalt  }
0x87: {  	_ =	shalt  }
.Lfunc_end0:
.L_simem_size_0:
called_computation.2_lowered:
.L_overlay_start_0:
0x88: {  	s2 =	sld [smem:$0x3FD9]  }
0x89: {  	s3 =	sld [smem:$0x3FFE];
	_ =	sdelay $0x1  }
0x8a: {  	s1 =	srdreg.scid  }
0x8b: {  	s0 =	sand.u32 $0x1, s1  }
0x8c: {  	s14 =	sshll.u32 s0, $0xA;
	s2 =	sadd.s32 s3, s2  }
0x8d: {  	s2 =	sadd.s32 s2, s14  }
0x8e: {  	[smem:$0x3FBB] =	sst s2  }
0x8f: {  	_ = 	snop  }
0x90: {  	s2 =	sld [smem:$0x3FD0];
	_ =	sdelay $0x2  }
0x91: {  	s15 =	simm.s32 $0xA;
	s4 =	simm.s32 $0x10  }
0x92: {  	[smem:s4], [sflag:s15] =	dma.local [hbm:s2], $0x1  }
0x93: {  	_ =	swait.eq [sflag:s15], $0x1  }
0x94: {  	[sflag:s15] =	ssyncset.done $0x0  }
0x95: {  	[sflag:s15] =	ssyncadd.s32 $0xFFFFFFFF  }
0x96: {  	s16 =	sld [smem:$0x11];
	(tm) =	ssettm $0x1  }
0x97: {  	s17 =	sld [smem:$0x3FFB];
	_ =	sdelay $0x3  }
0x98: {  	_ =	strace s17  }
0x99: {  	s3 =	sld [smem:$0x3FFC];
	_ =	sdelay $0x3  }
0x9a: {  	_ =	strace s3  }
0x9b: {  	s3 =	sld [smem:$0x3FFD];
	_ =	sdelay $0x3  }
0x9c: {  	_ =	strace s3  }
0x9d: {  	_ =	strace $0x8FFFFFFF  }
0x9e: {  	s18 =	sld [smem:$0x3FDB];
	_ =	sdelay $0x1  }
0x9f: {  	s19 =	simm.s32 $_scs_section_size  }
0xa0: {  	s5 =	simm.s32 $_size__tile_overlayer_lowered;
	s6 =	simm.s32 $_tile_overlayer_lowered  }
0xa1: {  	s22 =	simm.s32 $0x1BFF;
	s21 =	sshll.u32 s6, $0x1;
	s3 =	sadd.s32 s19, s18  }
0xa2: {  	s7 =	simm.s32 $0x0;
	s20 =	sshll.u32 s5, $0x1;
	s5 =	sadd.s32 s21, s3  }
0xa3: {  	[timem:s7], [sflag:s22] =	dma.local [hbm:s5], s20  }
0xa4: {  	_ =	swait.ge [sflag:s22], s20  }
0xa5: {  	s4 =	ssub.s32 $0x0, s20;
	[sflag:s22] =	ssyncset.done $0x0  }
0xa6: {  	[sflag:s22] =	ssyncadd.s32 s4;
	_ =	sdelay $0x1  }
0xa7: {  	s23 =	simm.s32 $0x1B8B  }
0xa8: {  	_ =	swait.ge [sflag:s23], $0x1  }
0xa9: {  	[sflag:s23] =	ssyncset.done $0x0  }
0xaa: {  	s25 =	simm.s32 $0x1B8E;
	s24 =	sld [smem:$0x3FFE];
	[sflag:s23] =	ssyncadd.s32 $0xFFFFFFFF  }
0xab: {  	s26 =	simm.s32 $execute0_lowered;
	[smem:$0x3FD2] =	sst s25  }
0xac: {  	s5 =	sshll.u32 s26, $0x1;
	_ =	strace $0x8000004C;
	[dreg:$0x1] =	wrdreg $0xFFFFFFFF  }
0xad: {  	s28 =	simm.s32 $_size_execute0_lowered;
	s3 =	sadd.s32 s3, s5;
	[dreg:$0x0] =	wrdreg $0x0  }
0xae: {  	s5 =	sshll.u32 s28, $0x1;
	[dreg:$0x2] =	wrdreg s3  }
0xaf: {  	[dreg:$0x3] =	wrdreg s5  }
0xb0: {  	[dreg:$0x4] =	wrdreg $0xC0  }
0xb1: {  	_ =	task [dreg:s7], $0x5FFFF  }
0xb2: {  	[dreg:$0x1] =	wrdreg $0xFFFFFFFF  }
0xb3: {  	[dreg:$0x0] =	wrdreg $0x60  }
0xb4: {  	[dreg:$0x2] =	wrdreg s24  }
0xb5: {  	[dreg:$0x3] =	wrdreg s16  }
0xb6: {  	[dreg:$0x4] =	wrdreg $0x8F800  }
0xb7: {  	[dreg:$0x5] =	wrdreg $0x9  }
0xb8: {  	_ =	task.clear_ibuf [dreg:s7], $0x6FFFF;
	_ =	strace $0x9000004C  }
0xb9: {  	s29 =	simm.s32 $0x9;
	_ =	strace $0x8000004E  }
0xba: {  	_ =	swait.ge [sflag:s29], $0x1  }
0xbb: {  	[sflag:s29] =	ssyncadd.s32 $0xFFFFFFFF  }
0xbc: {  	_ =	strace $0x9000004E  }
0xbd: {  	_ =	sfence  }
0xbe: {  	s30 =	sld [smem:$0x0];
	_ =	sdelay $0x2  }
0xbf: {  	s31 =	sshll.u32 s1, $0xD;
	s1 =	sshrl.u32 s1, $0x2  }
0xc0: {  	s3 =	sand.u32 $0x4000, s31;
	s1 =	sadd.s32 s1, s30  }
0xc1: {  	s0 =	sor.u32 s3, s0;
	s1 =	sshll.u32 s1, $0x11  }
0xc2: {  	s0 =	sor.u32 s1, s0  }
0xc3: {  	s0 =	sadd.s32 $0x8F2B, s0  }
0xc4: {  	[sflag:s0] =	ssyncadd.remote.s32 $0x1  }
0xc5: {  	_ =	sfence.sel $0xFFFF  }
0xc6: {  	[dreg:$0x0] =	wrdreg $0xFFFFFFFF;
	(pc) =	sbr.abs _section_cstart, $3  }
0xc7: {  	[dreg:$0x1] =	wrdreg $0xFFFFFFFF  }
0xc8: {  	_ =	task.clear_ibuf [dreg:s7], $0x2FFFF;
	_ =	strace $0x9FFFFFFF  }
0xc9: {  	(tm) =	ssettm $0x7FFFFFFF  }
tec
execute0_lowered:
.L_overlay_start_1:
0x0: {  	(tag) =	ssettag $0x1  }
0x1: {  	s5 =	rddreg [dreg:$0x0]  }
0x2: {  	s1 =	srdreg.scid;
	s8 =	rddreg [dreg:$0x1]  }
0x3: {  	s0 =	stileid.u32;
	s2 =	rddreg [dreg:$0x2];
	s3 =	simm.s32 $0x0  }
0x4: {  	s13 =	simm.s32 $0xFA;
	s14 =	simm.s32 $0x5000;
	s15 =	simm.s32 $0x6F40  }
0x5: {  	s16 =	simm.s32 $0x1;
	s17 =	simm.s32 $0x3;
	s18 =	simm.s32 $0x2  }
0x6: {  	s19 =	simm.s32 $0x4;
	s20 =	simm.s32 $0x2700;
	s21 =	simm.s32 $0x4E00  }
0x7: {  	s22 =	simm.s32 $0x4F00;
	s25 =	simm.s32 $0x0;
	s4 =	sand.u32 $0x1, s1  }
0x8: {  	s31 =	sshll.u32 s0, $0x1;
	s7 =	smul.u32 $0x1F400, s0;
	[smem:$0x7FF] =	sst s3  }
0x9: {  	s12 =	smul.u32 $0x7D00, s0;
	p0 =	sgt.u32 s0, $0x9;
	s1 =	sor.u32 s4, s31  }
0xa: {  	s9 =	ssub.s32 $0x2, s4;
	s10 =	smul.u32 $0x4E200, s4;
	s4 =	sadd.s32 $0x51200, s5  }
0xb: {  	s23 =	sshll.u32 @!p0 s0, $0x6;
	s6 =	smul.u32 $0x500, s1;
	s1 =	rddreg [dreg:$0x3]  }
0xc: {  	_ =	strace $0x8000004D;
	s11 =	sshrl.u32 s9, $0x1;
	s7 =	sshrl.u32 s7, $0x2  }
0xd: {  	s24 =	sadd.s32 s12, s2;
	s23 =	sor.u32 @!p0 $0x1C05, s23;
	s9 =	ssub.s32 s9, s11  }
0xe: {  	s10 =	sadd.s32 s12, s10;
	s7 =	sadd.s32 s7, s2;
	s11 =	simm.s32 $0x2800  }
0xf: {  	s12 =	simm.s32 $0x8E80;
	s24 =	sshrl.u32 @!p0 s24, $0x3;
	s6 =	sadd.s32 s6, s5  }
0x10: {  	s10 =	sshrl.u32 s10, $0x3;
	s9 =	smax.u32 s9, $0x1;
	s5 =	sadd.s32 $0x6F200, s6  }
0x11: {  	v0 =	vimm.f32 $0.0e+00;
	s6 =	sadd.s32 $0x47200, s6;
	s8 =	sadd.s32 s8, s10;
	s10 =	simm.s32 $0x5  }
.LBB2_1:
0x12: {  	[tilespmem:s3], [sflag:$0x5] =	stream.linear.gather [hbm4b:s5+s3], $0x2800, $0x38;
	[tilespmem:$0xDDA0] =	vst v63  }
0x13: {  	_ =	swait.ge [sflag:s10], $0x2800  }
0x14: {  	[sflag:s10] =	ssyncset.done $0x0  }
0x15: {  	[sflag:s10] =	ssyncadd.s32 $0xFFFFD800  }
0x16: {  	[tilespmem:s11], [sflag:$0x5] =	stream.linear.gather [hbm4b:s6+s3], $0x2800, $0x38;
	[tilespmem:$0xDDA0] =	vst v63  }
0x17: {  	_ =	swait.ge [sflag:s10], $0x2800  }
0x18: {  	[sflag:s10] =	ssyncset.done $0x0  }
0x19: {  	[sflag:s10] =	ssyncadd.s32 $0xFFFFD800  }
0x1a: {  	[tilespmem:$0x8E80] =	vst v0  }
0x1b: {  	[tilespmem:$0x8E90] =	vst v0  }
0x1c: {  	[tilespmem:$0x8EA0] =	vst v0  }
0x1d: {  	[tilespmem:$0x8EB0] =	vst v0  }
0x1e: {  	[tilespmem:$0x8EC0] =	vst v0  }
0x1f: {  	[tilespmem:$0x8ED0] =	vst v0  }
0x20: {  	[tilespmem:$0x8EE0] =	vst v0  }
0x21: {  	[tilespmem:$0x8EF0] =	vst v0  }
0x22: {  	[tilespmem:$0x8F00] =	vst v0  }
0x23: {  	[tilespmem:$0x8F10] =	vst v0  }
0x24: {  	[tilespmem:$0x8F20] =	vst v0  }
.Ltmp0:
0x25: {  	[tilespmem:$0x8F30] =	vst v0;
	(pc) =	sbr.rel @p0 .LBB2_5-.Ltmp0, $4  }
0x26: {  	[tilespmem:$0x8F40] =	vst v0  }
0x27: {  	[tilespmem:$0x8F50] =	vst v0  }
0x28: {  	[tilespmem:$0x8F60] =	vst v0  }
0x29: {  	[tilespmem:$0x8F70] =	vst v0  }
0x2a: {  	s26 =	sshra.s32 s3, $0x2  }
0x2b: {  	s26 =	sadd.s32 s26, s7  }
0x2c: {  	[spmem:s26] =	stream.linear.scatter [tilespmem:s12], [sflag:$0x5], $0x100, $0x38;
	[tilespmem:$0xDDA0] =	vst v63  }
0x2d: {  	s26 =	sadd.s32 $0x400, s3;
	_ =	swait.ge [sflag:s10], $0x100  }
.LBB2_3:
0x2e: {  	s28 =	sshra.s32 s26, $0x2;
	[sflag:s10] =	ssyncset.done $0x0;
	p1 =	sne.s32 s26, $0x1F000  }
.Ltmp1:
0x2f: {  	s28 =	sadd.s32 s28, s7;
	[sflag:s10] =	ssyncadd.s32 $0xFFFFFF00;
	(pc) =	sbr.rel @p1 .LBB2_3-.Ltmp1, $3  }
0x30: {  	[spmem:s28] =	stream.linear.scatter [tilespmem:s12], [sflag:$0x5], $0x100, $0x38;
	[tilespmem:$0xDDA0] =	vst v63  }
0x31: {  	s26 =	sadd.s32 $0x400, s26;
	_ =	sdelay $0x1  }
0x32: {  	_ =	swait.ge [sflag:s10], $0x100  }
0x33: {  	[sflag:s10] =	ssyncset.done $0x0  }
0x34: {  	[sflag:s10] =	ssyncadd.s32 $0xFFFFFF00  }
.LBB2_5:
0x35: {  	[bflag:$0x0] =	sbarrier.arrive $0xFFFF;
	s26 =	simm.s32 $0x0  }
0x36: {  	[tilespmem:s14], [sflag:$0x1] =	stream.indirect.gather [hbm4b:s4+s13], $0x20, s26, s13, $0xb8;
	[tilespmem:$0xDDA0] =	vst v63  }
0x37: {  	s31 =	simm.s32 $0x100  }
0x38: {  	[tilespmem:s15], [sflag:$0x2] =	stream.indirect.gather [hbm4b:s4+s13], $0x20, s31, s13, $0xb8;
	[tilespmem:$0xDDA0] =	vst v63  }
0x39: {  	_ =	swait.ge [sflag:s16], $0x1F40  }
0x3a: {  	[sflag:s16] =	ssyncset.done $0x0  }
0x3b: {  	s29 =	simm.s32 $0x2800;
	[sflag:s16] =	ssyncadd.s32 $0xFFFFE0C0  }
0x3c: {  	[spmem:s2] =	stream.indirect.scatter.add.f32 [tilespmem:s14], [sflag:$0x3], $0x20, s29, s13, $0xb8;
	[tilespmem:$0xDDA0] =	vst v63  }
0x3d: {  	_ =	swait.ge [sflag:s17], $0x1F40  }
0x3e: {  	[sflag:s17] =	ssyncset.done $0x0  }
0x3f: {  	s30 =	simm.s32 $0x200;
	[sflag:s17] =	ssyncadd.s32 $0xFFFFE0C0  }
0x40: {  	[tilespmem:s14], [sflag:$0x1] =	stream.indirect.gather [hbm4b:s4+s13], $0x20, s30, s13, $0xb8;
	[tilespmem:$0xDDA0] =	vst v63  }
0x41: {  	_ =	swait.ge [sflag:s18], $0x1F40  }
0x42: {  	[sflag:s18] =	ssyncset.done $0x0  }
0x43: {  	s31 =	simm.s32 $0x2900;
	[sflag:s18] =	ssyncadd.s32 $0xFFFFE0C0  }
0x44: {  	[spmem:s2] =	stream.indirect.scatter.add.f32 [tilespmem:s15], [sflag:$0x4], $0x20, s31, s13, $0xb8;
	[tilespmem:$0xDDA0] =	vst v63  }
0x45: {  	_ =	swait.ge [sflag:s19], $0x1F40  }
0x46: {  	s28 =	simm.s32 $0x1000;
	s26 =	simm.s32 $0x200;
	[sflag:s19] =	ssyncset.done $0x0  }
.LBB2_6:
0x47: {  	s29 =	sadd.s32 $0x100, s26  }
0x48: {  	[sflag:s19] =	ssyncadd.s32 $0xFFFFE0C0;
	s30 =	smov.u32 s28;
	s31 =	sadd.s32 $0x800, s28  }
0x49: {  	[tilespmem:s15], [sflag:$0x2] =	stream.indirect.gather [hbm4b:s4+s13], $0x20, s29, s13, $0xb8;
	[tilespmem:$0xDDA0] =	vst v63  }
0x4a: {  	p1 =	sne.s32 s28, $0x9000;
	_ =	swait.ge [sflag:s16], $0x1F40  }
0x4b: {  	[sflag:s16] =	ssyncset.done $0x0  }
0x4c: {  	s28 =	sadd.s32 $0x2800, s26;
	[sflag:s16] =	ssyncadd.s32 $0xFFFFE0C0  }
0x4d: {  	[spmem:s2] =	stream.indirect.scatter.add.f32 [tilespmem:s14], [sflag:$0x3], $0x20, s28, s13, $0xb8;
	[tilespmem:$0xDDA0] =	vst v63  }
0x4e: {  	_ =	swait.ge [sflag:s17], $0x1F40  }
0x4f: {  	[sflag:s17] =	ssyncset.done $0x0  }
0x50: {  	s28 =	sadd.s32 $0x200, s26;
	[sflag:s17] =	ssyncadd.s32 $0xFFFFE0C0  }
0x51: {  	[tilespmem:s14], [sflag:$0x1] =	stream.indirect.gather [hbm4b:s4+s13], $0x20, s28, s13, $0xb8;
	[tilespmem:$0xDDA0] =	vst v63  }
0x52: {  	_ =	swait.ge [sflag:s18], $0x1F40  }
.Ltmp2:
0x53: {  	[sflag:s18] =	ssyncset.done $0x0;
	(pc) =	sbr.rel @p1 .LBB2_6-.Ltmp2, $4  }
0x54: {  	s26 =	sadd.s32 $0x2900, s26;
	[sflag:s18] =	ssyncadd.s32 $0xFFFFE0C0  }
0x55: {  	[spmem:s2] =	stream.indirect.scatter.add.f32 [tilespmem:s15], [sflag:$0x4], $0x20, s26, s13, $0xb8;
	[tilespmem:$0xDDA0] =	vst v63  }
0x56: {  	_ =	swait.ge [sflag:s19], $0x1F40  }
0x57: {  	s28 =	smov.u32 s31;
	s26 =	sshra.s32 s30, $0x2;
	[sflag:s19] =	ssyncset.done $0x0  }
0x58: {  	s28 =	sadd.s32 $0x100, s26;
	[sflag:s19] =	ssyncadd.s32 $0xFFFFE0C0  }
0x59: {  	[tilespmem:s15], [sflag:$0x2] =	stream.indirect.gather [hbm4b:s4+s13], $0x20, s28, s13, $0xb8;
	[tilespmem:$0xDDA0] =	vst v63  }
0x5a: {  	_ =	swait.ge [sflag:s16], $0x1F40  }
0x5b: {  	[sflag:s16] =	ssyncset.done $0x0  }
0x5c: {  	s29 =	sadd.s32 $0x2800, s26;
	[sflag:s16] =	ssyncadd.s32 $0xFFFFE0C0  }
0x5d: {  	[spmem:s2] =	stream.indirect.scatter.add.f32 [tilespmem:s14], [sflag:$0x3], $0x20, s29, s13, $0xb8;
	[tilespmem:$0xDDA0] =	vst v63  }
0x5e: {  	_ =	swait.ge [sflag:s17], $0x1F40  }
0x5f: {  	[sflag:s17] =	ssyncset.done $0x0  }
0x60: {  	s30 =	sadd.s32 $0x200, s26;
	[sflag:s17] =	ssyncadd.s32 $0xFFFFE0C0  }
0x61: {  	[tilespmem:s14], [sflag:$0x1] =	stream.indirect.gather [hbm4b:s4+s13], $0x20, s30, s13, $0xb8;
	[tilespmem:$0xDDA0] =	vst v63  }
0x62: {  	_ =	swait.ge [sflag:s18], $0x1F40  }
0x63: {  	[sflag:s18] =	ssyncset.done $0x0  }
0x64: {  	s31 =	sadd.s32 $0x2900, s26;
	[sflag:s18] =	ssyncadd.s32 $0xFFFFE0C0  }
0x65: {  	[spmem:s2] =	stream.indirect.scatter.add.f32 [tilespmem:s15], [sflag:$0x4], $0x20, s31, s13, $0xb8;
	[tilespmem:$0xDDA0] =	vst v63  }
0x66: {  	_ =	swait.ge [sflag:s19], $0x1F40  }
0x67: {  	[sflag:s19] =	ssyncset.done $0x0  }
0x68: {  	[sflag:s19] =	ssyncadd.s32 $0xFFFFE0C0  }
0x69: {  	[tilespmem:s15], [sflag:$0x2] =	stream.indirect.gather [hbm4b:s4+s13], $0x20, s20, s13, $0xb8;
	[tilespmem:$0xDDA0] =	vst v63  }
0x6a: {  	_ =	swait.ge [sflag:s16], $0x1F40  }
0x6b: {  	[sflag:s16] =	ssyncset.done $0x0  }
0x6c: {  	[sflag:s16] =	ssyncadd.s32 $0xFFFFE0C0  }
0x6d: {  	[spmem:s2] =	stream.indirect.scatter.add.f32 [tilespmem:s14], [sflag:$0x3], $0x20, s21, s13, $0xb8;
	[tilespmem:$0xDDA0] =	vst v63  }
0x6e: {  	_ =	swait.ge [sflag:s17], $0x1F40  }
0x6f: {  	[sflag:s17] =	ssyncset.done $0x0  }
0x70: {  	[sflag:s17] =	ssyncadd.s32 $0xFFFFE0C0  }
0x71: {  	_ =	swait.ge [sflag:s18], $0x1F40  }
0x72: {  	[sflag:s18] =	ssyncset.done $0x0  }
0x73: {  	[sflag:s18] =	ssyncadd.s32 $0xFFFFE0C0  }
0x74: {  	[spmem:s2] =	stream.indirect.scatter.add.f32 [tilespmem:s15], [sflag:$0x4], $0x20, s22, s13, $0xb8;
	[tilespmem:$0xDDA0] =	vst v63  }
0x75: {  	_ =	swait.ge [sflag:s19], $0x1F40  }
0x76: {  	s25 =	sadd.s32 $0x1, s25;
	[sflag:s19] =	ssyncset.done $0x0  }
0x77: {  	p1 =	sne.s32 s25, s9;
	[sflag:s19] =	ssyncadd.s32 $0xFFFFE0C0  }
.Ltmp3:
0x78: {  	s26 =	simm.s32 @!p0 $0x5;
	[bflag:$0x0] =	sbarrier.arrive $0xFFFF;
	(pc) =	sbr.rel @p1 .LBB2_1-.Ltmp3, $4  }
0x79: {  	[hbm:s8], [sflag:s23] =	dma.local @!p0 [spmem:s24], $0xFA0  }
0x7a: {  	_ =	swait.ge @!p0 [sflag:s26], $0xFA0  }
0x7b: {  	[sflag:s26] =	ssyncset.done @!p0 $0x0  }
0x7c: {  	[sflag:s26] =	ssyncadd.s32 @!p0 $0xFFFFF060  }
0x7d: {  	_ =	sfence.sel $0x180000  }
0x7e: {  	[bflag:$0x0] =	sbarrier.arrive $0xFFFF  }
0x7f: {  	p0 =	sne.s32 s0, $0x0;
	_ =	strace $0x9000004D  }
0x80: {  	s0 =	sadd.s32 @!p0 $0x100000, s1;
	[bflag:$0x2] =	sbarrier.arrive $0xFFFF  }
0x81: {  	[sflag:s0] =	ssyncadd.tile.s32 @!p0 $0x1;
	_ =	shalt  }
.Lfunc_end2:
_tile_overlayer_lowered:
.L_overlay_start_2:
0x82: {  	(tag) =	ssettag $0x2  }
0x83: {  	s0 =	rddreg [dreg:$0x0];
	s2 =	stileid.u32  }
0x84: {  	s1 =	rddreg [dreg:$0x1];
	p0 =	sne.s32 s2, $0x0  }
0x85: {  	s3 =	rddreg [dreg:$0x2];
	[bflag:$0x3] =	sbarrier.arrive $0xFFFF;
	s2 =	simm.s32 @!p0 $0x1C05  }
0x86: {  	[timem:s3], [sflag:s2] =	dma.local @!p0 [hbm:s0], s1  }
0x87: {  	s0 =	simm.s32 @!p0 $0x5  }
0x88: {  	_ =	swait.ge @!p0 [sflag:s0], s1  }
0x89: {  	s1 =	ssub.s32 @!p0 $0x0, s1;
	[sflag:s0] =	ssyncset.done @!p0 $0x0  }
0x8a: {  	[sflag:s0] =	ssyncadd.s32 @!p0 s1  }
0x8b: {  	[bflag:$0x3] =	sbarrier.arrive $0xFFFF  }
0x8c: {  	_ =	shalt  }

// kernel: kernel.9.cloned.1.call-start
scs
__scs_entry_jumppad:
0x0: {  	(pc) =	sbr.rel $0x88, $3  }
0x1: {  	(tag) =	ssettag $0x0;
	lr =	simm.s32 $0x1  }
0x2: {  	[smem:$0x3F94] =	sst lr;
	_ =	strace $0xD0000000  }
0x3: {  	_ = 	snop  }
0x4: {  	_ = 	snop  }
0x5: {  	_ = 	snop  }
0x6: {  	_ = 	snop  }
0x7: {  	_ = 	snop  }
__scs_overlays_trampoline_lowered:
0x8: {  	[smem:$0x3FA3] =	sst s0  }
0x9: {  	[smem:$0x3FA4] =	sst s1  }
0xa: {  	[smem:$0x3FA5] =	sst s2  }
0xb: {  	[smem:$0x3FA6] =	sst s3  }
0xc: {  	[smem:$0x3FA7] =	sst s4  }
0xd: {  	[smem:$0x3FA8] =	sst s5  }
0xe: {  	[smem:$0x3FA9] =	sst s6  }
0xf: {  	[smem:$0x3FAA] =	sst s7  }
0x10: {  	[smem:$0x3FAB] =	sst s8  }
0x11: {  	[smem:$0x3FAC] =	sst s9;
	s0 =	simm.s32 @!p0 $0x0  }
0x12: {  	s1 =	sld [smem:$0x3F92];
	s0 =	simm.s32 @p0 $0x1  }
0x13: {  	[smem:$0x3FAD] =	sst s0;
	s0 =	simm.s32 @!p1 $0x0  }
0x14: {  	s2 =	sld [smem:$0x3F91];
	s0 =	simm.s32 @p1 $0x1  }
0x15: {  	[smem:$0x3FAE] =	sst s0;
	s0 =	simm.s32 @!p2 $0x0  }
0x16: {  	s3 =	sld [smem:$0x3FDB];
	s0 =	simm.s32 @p2 $0x1  }
0x17: {  	s4 =	simm.s32 $0x1BF5;
	[smem:$0x3FB0] =	sst s0  }
0x18: {  	s0 =	sld [smem:$0x3F93];
	_ =	swait.ge [sflag:s4], $0x0  }
0x19: {  	s7 =	sld [smem:$0x3F94]  }
0x1a: {  	s8 =	sadd.s32 $0xFFFFE003, lr  }
0x1b: {  	s9 =	sadd.s32 $0xFFFFFEF7, lr;
	s5 =	simm.s32 $0xFFFFFFFF;
	p2 =	slt.u32 s8, $0xFFFFF086  }
0x1c: {  	p1 =	slt.u32 s9, $0xF7A;
	s5 =	simm.s32 @!p2 $0x0  }
0x1d: {  	s5 =	simm.s32 @p1 $0x1;
	p0 =	seq.s32 s7, s2  }
0x1e: {  	s7 =	smul.u32 @!p0 $0xF7A, s2;
	p2 =	seq.s32 @!p0 s5, $0x0  }
0x1f: {  	s9 =	smul.u32 $0xF7A, s1;
	s8 =	simm.s32 @!p0 $0x1BF5;
	p2 =	por !p2, p0  }
0x20: {  	[sflag:s8] =	ssyncset.s32 @!p0 $0xFFFFF086;
	s6 =	sadd.s32 @!p0 s3, s7;
	s7 =	simm.s32 @!p0 $0x108  }
0x21: {  	s3 =	sadd.s32 s3, s9;
	s6 =	sadd.s32 @!p0 $0x88, s6;
	s7 =	simm.s32 @p2 $0x1082  }
0x22: {  	[simem:s7], [sflag:s8] =	dma.local @!p0 [hbm:s6], $0xF7A  }
0x23: {  	s9 =	sor.u32 $0xD0000000, s2;
	s6 =	simm.s32 $0x108;
	_ =	swait.ge @!p0 [sflag:s8], $0x0  }
0x24: {  	s3 =	sadd.s32 $0x88, s3;
	s6 =	simm.s32 @!p1 $0x1082;
	[sflag:s4] =	ssyncset.s32 $0xFFFFF086  }
0x25: {  	[simem:s6], [sflag:s4] =	dma.local [hbm:s3], $0xF7A  }
0x26: {  	[smem:$0x3F94] =	sst s1;
	(tag) =	ssettag s2;
	_ =	strace s9  }
0x27: {  	s1 =	sld [smem:$0x3FA4]  }
0x28: {  	s2 =	sld [smem:$0x3FA5]  }
0x29: {  	s4 =	sld [smem:$0x3FA7]  }
0x2a: {  	p0 =	seq.s32 s5, $0x0;
	s5 =	sld [smem:$0x3FA8]  }
0x2b: {  	s6 =	sld [smem:$0x3FA9]  }
0x2c: {  	s7 =	sld [smem:$0x3FAA]  }
0x2d: {  	s3 =	simm.s32 $0x108;
	s8 =	sld [smem:$0x3FAB]  }
0x2e: {  	s3 =	simm.s32 @!p0 $0x1082;
	s9 =	sld [smem:$0x3FAC]  }
0x2f: {  	lr =	sadd.s32 s0, s3;
	s0 =	sld [smem:$0x3FA3]  }
0x30: {  	s3 =	sld [smem:$0x3FA6]  }
0x31: {  	[smem:$0x3FAF] =	sst s10  }
0x32: {  	s10 =	sld [smem:$0x3FAD];
	_ =	sdelay $0x3  }
0x33: {  	p0 =	seq.s32 s10, $0x1;
	s10 =	sld [smem:$0x3FAF];
	_ =	sdelay $0x3  }
0x34: {  	[smem:$0x3FAF] =	sst s10  }
0x35: {  	s10 =	sld [smem:$0x3FAE];
	_ =	sdelay $0x3  }
0x36: {  	p1 =	seq.s32 s10, $0x1;
	s10 =	sld [smem:$0x3FAF];
	_ =	sdelay $0x3  }
0x37: {  	[smem:$0x3FAF] =	sst s10  }
0x38: {  	s10 =	sld [smem:$0x3FB0]  }
0x39: {  	_ = 	snop;
	(pc) =	sbr.ind lr, $3  }
0x3a: {  	_ = 	snop  }
0x3b: {  	_ = 	snop  }
0x3c: {  	p2 =	seq.s32 s10, $0x1;
	s10 =	sld [smem:$0x3FAF]  }
0x3d: {  	_ =	shalt  }
0x3e: {  	_ =	shalt  }
0x3f: {  	_ =	shalt  }
0x40: {  	_ =	shalt  }
0x41: {  	_ =	shalt  }
0x42: {  	_ =	shalt  }
0x43: {  	_ =	shalt  }
0x44: {  	_ =	shalt  }
0x45: {  	_ =	shalt  }
0x46: {  	_ =	shalt  }
0x47: {  	_ =	shalt  }
0x48: {  	_ =	shalt  }
0x49: {  	_ =	shalt  }
0x4a: {  	_ =	shalt  }
0x4b: {  	_ =	shalt  }
0x4c: {  	_ =	shalt  }
0x4d: {  	_ =	shalt  }
0x4e: {  	_ =	shalt  }
0x4f: {  	_ =	shalt  }
0x50: {  	_ =	shalt  }
0x51: {  	_ =	shalt  }
0x52: {  	_ =	shalt  }
0x53: {  	_ =	shalt  }
0x54: {  	_ =	shalt  }
0x55: {  	_ =	shalt  }
0x56: {  	_ =	shalt  }
0x57: {  	_ =	shalt  }
0x58: {  	_ =	shalt  }
0x59: {  	_ =	shalt  }
0x5a: {  	_ =	shalt  }
0x5b: {  	_ =	shalt  }
0x5c: {  	_ =	shalt  }
0x5d: {  	_ =	shalt  }
0x5e: {  	_ =	shalt  }
0x5f: {  	_ =	shalt  }
0x60: {  	_ =	shalt  }
0x61: {  	_ =	shalt  }
0x62: {  	_ =	shalt  }
0x63: {  	_ =	shalt  }
0x64: {  	_ =	shalt  }
0x65: {  	_ =	shalt  }
0x66: {  	_ =	shalt  }
0x67: {  	_ =	shalt  }
0x68: {  	_ =	shalt  }
0x69: {  	_ =	shalt  }
0x6a: {  	_ =	shalt  }
0x6b: {  	_ =	shalt  }
0x6c: {  	_ =	shalt  }
0x6d: {  	_ =	shalt  }
0x6e: {  	_ =	shalt  }
0x6f: {  	_ =	shalt  }
0x70: {  	_ =	shalt  }
0x71: {  	_ =	shalt  }
0x72: {  	_ =	shalt  }
0x73: {  	_ =	shalt  }
0x74: {  	_ =	shalt  }
0x75: {  	_ =	shalt  }
0x76: {  	_ =	shalt  }
0x77: {  	_ =	shalt  }
0x78: {  	_ =	shalt  }
0x79: {  	_ =	shalt  }
0x7a: {  	_ =	shalt  }
0x7b: {  	_ =	shalt  }
0x7c: {  	_ =	shalt  }
0x7d: {  	_ =	shalt  }
0x7e: {  	_ =	shalt  }
0x7f: {  	_ =	shalt  }
0x80: {  	_ =	shalt  }
0x81: {  	_ =	shalt  }
0x82: {  	_ =	shalt  }
0x83: {  	_ =	shalt  }
0x84: {  	_ =	shalt  }
0x85: {  	_ =	shalt  }
0x86: {  	_ =	shalt  }
0x87: {  	_ =	shalt  }
.Lfunc_end0:
.L_simem_size_0:
called_computation_lowered:
.L_overlay_start_0:
0x88: {  	s2 =	sld [smem:$0x3FD9]  }
0x89: {  	s3 =	sld [smem:$0x3FFE];
	_ =	sdelay $0x1  }
0x8a: {  	s1 =	srdreg.scid  }
0x8b: {  	s0 =	sand.u32 $0x1, s1  }
0x8c: {  	s14 =	sshll.u32 s0, $0xA;
	s2 =	sadd.s32 s3, s2  }
0x8d: {  	s2 =	sadd.s32 s2, s14  }
0x8e: {  	[smem:$0x3FBB] =	sst s2  }
0x8f: {  	_ = 	snop  }
0x90: {  	s2 =	sld [smem:$0x3FD0];
	_ =	sdelay $0x2  }
0x91: {  	s4 =	simm.s32 $0xA;
	s5 =	simm.s32 $0x10;
	s15 =	sld [smem:$0x3FC4]  }
0x92: {  	[smem:s5], [sflag:s4] =	dma.local [hbm:s2], $0x1  }
0x93: {  	_ =	swait.eq [sflag:s4], $0x1  }
0x94: {  	[sflag:s4] =	ssyncset.done $0x0  }
0x95: {  	[sflag:s4] =	ssyncadd.s32 $0xFFFFFFFF  }
0x96: {  	s16 =	sld [smem:$0x11];
	(tm) =	ssettm $0x1  }
0x97: {  	s17 =	sld [smem:$0x3FFB];
	_ =	sdelay $0x3  }
0x98: {  	_ =	strace s17  }
0x99: {  	s4 =	sld [smem:$0x3FFC];
	_ =	sdelay $0x3  }
0x9a: {  	_ =	strace s4  }
0x9b: {  	s4 =	sld [smem:$0x3FFD];
	_ =	sdelay $0x3  }
0x9c: {  	_ =	strace s4  }
0x9d: {  	_ =	strace $0x8FFFFFFF  }
0x9e: {  	s18 =	sld [smem:$0x3FDB];
	_ =	sdelay $0x1  }
0x9f: {  	s19 =	simm.s32 $_scs_section_size  }
0xa0: {  	s6 =	simm.s32 $_size__tile_overlayer_lowered;
	s7 =	simm.s32 $_tile_overlayer_lowered  }
0xa1: {  	s22 =	simm.s32 $0x1BFF;
	s21 =	sshll.u32 s7, $0x1;
	s4 =	sadd.s32 s19, s18  }
0xa2: {  	s8 =	simm.s32 $0x0;
	s20 =	sshll.u32 s6, $0x1;
	s6 =	sadd.s32 s21, s4  }
0xa3: {  	[timem:s8], [sflag:s22] =	dma.local [hbm:s6], s20  }
0xa4: {  	_ =	swait.ge [sflag:s22], s20  }
0xa5: {  	s5 =	ssub.s32 $0x0, s20;
	[sflag:s22] =	ssyncset.done $0x0  }
0xa6: {  	[sflag:s22] =	ssyncadd.s32 s5;
	_ =	sdelay $0x1  }
0xa7: {  	s23 =	simm.s32 $0x1B8B  }
0xa8: {  	_ =	swait.ge [sflag:s23], $0x1  }
0xa9: {  	[sflag:s23] =	ssyncset.done $0x0  }
0xaa: {  	s25 =	simm.s32 $0x1B8E;
	s24 =	sld [smem:$0x3FFE];
	[sflag:s23] =	ssyncadd.s32 $0xFFFFFFFF  }
0xab: {  	s26 =	simm.s32 $execute0_lowered;
	[smem:$0x3FD2] =	sst s25  }
0xac: {  	s6 =	sshll.u32 s26, $0x1;
	_ =	strace $0x80000046;
	[dreg:$0x1] =	wrdreg $0xFFFFFFFF  }
0xad: {  	s28 =	simm.s32 $_size_execute0_lowered;
	s4 =	sadd.s32 s4, s6;
	[dreg:$0x0] =	wrdreg $0x0  }
0xae: {  	s6 =	sshll.u32 s28, $0x1;
	[dreg:$0x2] =	wrdreg s4  }
0xaf: {  	[dreg:$0x3] =	wrdreg s6  }
0xb0: {  	[dreg:$0x4] =	wrdreg $0xC0  }
0xb1: {  	_ =	task [dreg:s8], $0x5FFFF  }
0xb2: {  	[dreg:$0x1] =	wrdreg $0xFFFFFFFF  }
0xb3: {  	[dreg:$0x0] =	wrdreg $0x60  }
0xb4: {  	[dreg:$0x2] =	wrdreg s16  }
0xb5: {  	[dreg:$0x3] =	wrdreg s24  }
0xb6: {  	[dreg:$0x4] =	wrdreg s15  }
0xb7: {  	[dreg:$0x5] =	wrdreg $0x11DE00  }
0xb8: {  	[dreg:$0x6] =	wrdreg $0x9  }
0xb9: {  	_ =	task.clear_ibuf [dreg:s8], $0x7FFFF;
	_ =	strace $0x90000046  }
0xba: {  	s29 =	simm.s32 $0x9;
	_ =	strace $0x80000048  }
0xbb: {  	_ =	swait.ge [sflag:s29], $0x1  }
0xbc: {  	[sflag:s29] =	ssyncadd.s32 $0xFFFFFFFF  }
0xbd: {  	_ =	strace $0x90000048  }
0xbe: {  	_ =	sfence  }
0xbf: {  	s30 =	sld [smem:$0x0];
	_ =	sdelay $0x2  }
0xc0: {  	s31 =	sshll.u32 s1, $0xD;
	s1 =	sshrl.u32 s1, $0x2  }
0xc1: {  	s3 =	sand.u32 $0x4000, s31;
	s1 =	sadd.s32 s1, s30  }
0xc2: {  	s0 =	sor.u32 s3, s0;
	s1 =	sshll.u32 s1, $0x11  }
0xc3: {  	s0 =	sor.u32 s1, s0  }
0xc4: {  	s0 =	sadd.s32 $0x8F2B, s0  }
0xc5: {  	[sflag:s0] =	ssyncadd.remote.s32 $0x1  }
0xc6: {  	_ =	sfence.sel $0xFFFF  }
0xc7: {  	[dreg:$0x0] =	wrdreg $0xFFFFFFFF;
	(pc) =	sbr.abs _section_cstart, $3  }
0xc8: {  	[dreg:$0x1] =	wrdreg $0xFFFFFFFF  }
0xc9: {  	_ =	task.clear_ibuf [dreg:s8], $0x2FFFF;
	_ =	strace $0x9FFFFFFF  }
0xca: {  	(tm) =	ssettm $0x7FFFFFFF  }
0xcb: {  	_ =	shalt  }
tec
execute0_lowered:
.L_overlay_start_1:
0x0: {  	(tag) =	ssettag $0x1  }
0x1: {  	s1 =	rddreg [dreg:$0x0]  }
0x2: {  	s0 =	rddreg [dreg:$0x1]  }
0x3: {  	s4 =	rddreg [dreg:$0x3]  }
0x4: {  	s2 =	srdreg.scid;
	s10 =	stileid.u32;
	s5 =	simm.s32 $0x0  }
0x5: {  	s12 =	simm.s32 $0x7;
	s15 =	simm.s32 $0x11B60;
	s16 =	simm.s32 $0x7D  }
0x6: {  	s17 =	simm.s32 $0x5000;
	s18 =	simm.s32 $0x8E80;
	s19 =	simm.s32 $0x6F40  }
0x7: {  	s20 =	simm.s32 $0xADC0;
	s21 =	simm.s32 $0x1;
	s22 =	simm.s32 $0x3  }
0x8: {  	s23 =	simm.s32 $0xCD00;
	s28 =	simm.s32 $0xF410;
	s29 =	simm.s32 $0x5  }
0x9: {  	s30 =	simm.s32 $0x6;
	s31 =	simm.s32 $0x0;
	s2 =	sand.u32 $0x1, s2  }
0xa: {  	s3 =	sshll.u32 s10, $0x1;
	[smem:$0x7FF] =	sst s5;
	s8 =	smul.u32 $0x13880, s10  }
0xb: {  	s6 =	sadd.s32 $0x2800, s0;
	s24 =	smul.u32 $0x4E200, s10;
	p0 =	sgt.u32 s10, $0x9  }
0xc: {  	s7 =	smul.u32 $0xC3500, s2;
	s3 =	sor.u32 s2, s3;
	s2 =	ssub.s32 $0x2, s2  }
0xd: {  	_ =	strace $0x80000047;
	s3 =	smul.u32 $0x500, s3;
	s9 =	sshrl.u32 s2, $0x1  }
0xe: {  	s26 =	sshrl.u32 s24, $0x2;
	s24 =	simm.s32 $0x2;
	s7 =	sadd.s32 s8, s7  }
0xf: {  	s2 =	ssub.s32 s2, s9;
	s11 =	sadd.s32 s26, s4;
	s3 =	sadd.s32 s3, s0  }
.Ltmp0:
0x10: {  	s7 =	sshrl.u32 s7, $0x3;
	s2 =	smax.u32 s2, $0x1;
	(pc) =	sbr.rel .LBB2_1-.Ltmp0, $4  }
0x11: {  	s0 =	sadd.s32 s7, s0;
	s25 =	sadd.s32 $0x20200, s3;
	[dreg:$0x8] =	wrdreg s2  }
0x12: {  	s26 =	simm.s32 $0x4;
	[dreg:$0x5] =	wrdreg s25;
	s0 =	sadd.s32 $0x2A200, s0  }
0x13: {  	v0 =	vimm.f32 $0.0e+00;
	vm0 =	vcmask $0x300;
	s3 =	sadd.s32 $0x16200, s3;
	[dreg:$0x7] =	wrdreg s0;
	s0 =	sadd.s32 s8, s4  }
0x14: {  	v1 =	vsel vm0, $0x3F800000, v0;
	[dreg:$0x6] =	wrdreg s3;
	s3 =	simm.s32 $0x2800;
	s25 =	sshrl.u32 @!p0 s0, $0x3  }
.LBB2_12:
0x15: {  	_ =	swait.ge [sflag:s29], $0x2710  }
0x16: {  	[sflag:s29] =	ssyncset.done $0x0  }
0x17: {  	[sflag:s29] =	ssyncadd.s32 $0xFFFFD8F0  }
0x18: {  	_ =	swait.ge [sflag:s30], $0x2710  }
0x19: {  	[sflag:s30] =	ssyncset.done $0x0  }
0x1a: {  	s0 =	stileid.u32;
	[sflag:s30] =	ssyncadd.s32 $0xFFFFD8F0  }
0x1b: {  	s0 =	sshll.u32 @!p0 s0, $0x6;
	[bflag:$0x0] =	sbarrier.arrive $0xFFFF  }
0x1c: {  	s0 =	sor.u32 @!p0 $0x1C07, s0;
	s2 =	rddreg [dreg:$0x7]  }
0x1d: {  	[hbm:s2], [sflag:s0] =	dma.local @!p0 [spmem:s25], $0x2710  }
0x1e: {  	s0 =	simm.s32 @!p0 $0x7  }
0x1f: {  	_ =	swait.ge @!p0 [sflag:s0], $0x2710  }
0x20: {  	s31 =	sadd.s32 $0x1, s31;
	s14 =	rddreg [dreg:$0x8]  }
0x21: {  	p1 =	sne.s32 s31, s14  }
.Ltmp1:
0x22: {  	_ = 	snop;
	(pc) =	sbr.rel @!p1 .LBB2_13-.Ltmp1, $3  }
0x23: {  	_ =	sdelay $0x1  }
0x24: {  	[sflag:s0] =	ssyncset.done @!p0 $0x0  }
0x25: {  	s3 =	simm.s32 $0x2800;
	[sflag:s0] =	ssyncadd.s32 @!p0 $0xFFFFD8F0  }
.LBB2_1:
0x26: {  	s0 =	rddreg [dreg:$0x5]  }
0x27: {  	[tilespmem:s5], [sflag:$0x7] =	stream.linear.gather [hbm4b:s0+s5], $0x2800, $0x38;
	[tilespmem:$0x1E130] =	vst v63  }
0x28: {  	_ =	swait.ge [sflag:s12], $0x2800  }
0x29: {  	[sflag:s12] =	ssyncset.done $0x0  }
0x2a: {  	s13 =	rddreg [dreg:$0x6];
	[sflag:s12] =	ssyncadd.s32 $0xFFFFD800  }
0x2b: {  	[tilespmem:s3], [sflag:$0x7] =	stream.linear.gather [hbm4b:s13+s5], $0x2800, $0x38;
	[tilespmem:$0x1E130] =	vst v63  }
0x2c: {  	_ =	swait.ge [sflag:s12], $0x2800  }
0x2d: {  	[sflag:s12] =	ssyncset.done $0x0  }
0x2e: {  	[sflag:s12] =	ssyncadd.s32 $0xFFFFD800  }
0x2f: {  	s2 =	simm.s32 $0x11B20;
	s14 =	rddreg [dreg:$0x2]  }
0x30: {  	[tilespmem:s2], [sflag:$0x7] =	stream.linear.gather [hbm4b:s14+s5], $0x40, $0x38;
	[tilespmem:$0x1E130] =	vst v63  }
0x31: {  	_ =	swait.ge [sflag:s12], $0x40  }
0x32: {  	[sflag:s12] =	ssyncset.done $0x0  }
0x33: {  	v0 =	vimm.f32 $0.0e+00;
	[sflag:s12] =	ssyncadd.s32 $0xFFFFFFC0  }
0x34: {  	[tilespmem:$0x11B60] =	vst v0  }
0x35: {  	[tilespmem:$0x11B70] =	vst v0  }
0x36: {  	[tilespmem:$0x11B80] =	vst v0  }
0x37: {  	[tilespmem:$0x11B90] =	vst v0  }
0x38: {  	[tilespmem:$0x11BA0] =	vst v0  }
0x39: {  	[tilespmem:$0x11BB0] =	vst v0  }
0x3a: {  	[tilespmem:$0x11BC0] =	vst v0  }
0x3b: {  	[tilespmem:$0x11BD0] =	vst v0  }
0x3c: {  	[tilespmem:$0x11BE0] =	vst v0  }
0x3d: {  	[tilespmem:$0x11BF0] =	vst v0  }
0x3e: {  	[tilespmem:$0x11C00] =	vst v0  }
0x3f: {  	[tilespmem:$0x11C10] =	vst v0  }
0x40: {  	[tilespmem:$0x11C20] =	vst v0  }
0x41: {  	[tilespmem:$0x11C30] =	vst v0  }
0x42: {  	[tilespmem:$0x11C40] =	vst v0  }
0x43: {  	[tilespmem:$0x11C50] =	vst v0  }
0x44: {  	[tilespmem:$0x11C60] =	vst v0  }
0x45: {  	[tilespmem:$0x11C70] =	vst v0  }
0x46: {  	[tilespmem:$0x11C80] =	vst v0  }
0x47: {  	[tilespmem:$0x11C90] =	vst v0  }
0x48: {  	[tilespmem:$0x11CA0] =	vst v0  }
0x49: {  	[tilespmem:$0x11CB0] =	vst v0  }
0x4a: {  	[tilespmem:$0x11CC0] =	vst v0  }
0x4b: {  	[tilespmem:$0x11CD0] =	vst v0  }
0x4c: {  	[tilespmem:$0x11CE0] =	vst v0  }
0x4d: {  	[tilespmem:$0x11CF0] =	vst v0  }
0x4e: {  	[tilespmem:$0x11D00] =	vst v0  }
0x4f: {  	[tilespmem:$0x11D10] =	vst v0  }
0x50: {  	[tilespmem:$0x11D20] =	vst v0  }
0x51: {  	[tilespmem:$0x11D30] =	vst v0  }
0x52: {  	[tilespmem:$0x11D40] =	vst v0  }
0x53: {  	[tilespmem:$0x11D50] =	vst v0  }
0x54: {  	[tilespmem:$0x11D60] =	vst v0  }
0x55: {  	[tilespmem:$0x11D70] =	vst v0  }
0x56: {  	[tilespmem:$0x11D80] =	vst v0  }
.Ltmp2:
0x57: {  	[tilespmem:$0x11D90] =	vst v0;
	(pc) =	sbr.rel @p0 .LBB2_5-.Ltmp2, $4  }
0x58: {  	v2 =	vld [tilespmem:$0x11B20];
	[tilespmem:$0x11DA0] =	vst v0  }
0x59: {  	v3 =	vld [tilespmem:$0x11B30];
	[tilespmem:$0x11DB0] =	vst v0  }
0x5a: {  	v4 =	vld [tilespmem:$0x11B40];
	[tilespmem:$0x11DC0] =	vst v0  }
0x5b: {  	v5 =	vld [tilespmem:$0x11B50];
	[tilespmem:$0x11DD0] =	vst v0  }
0x5c: {  	s0 =	sshra.s32 s5, $0x2  }
0x5d: {  	s0 =	sadd.s32 s0, s11  }
0x5e: {  	[spmem:s0] =	stream.linear.scatter [tilespmem:s15], [sflag:$0x7], $0x280, $0x38;
	[tilespmem:$0x1E130] =	vst v63  }
0x5f: {  	s0 =	sadd.s32 $0xA00, s5;
	_ =	swait.ge [sflag:s12], $0x280  }
.LBB2_3:
0x60: {  	s2 =	sshra.s32 s0, $0x2;
	[sflag:s12] =	ssyncset.done $0x0;
	p1 =	sne.s32 s0, $0x4D800  }
.Ltmp3:
0x61: {  	s2 =	sadd.s32 s2, s11;
	[sflag:s12] =	ssyncadd.s32 $0xFFFFFD80;
	(pc) =	sbr.rel @p1 .LBB2_3-.Ltmp3, $3  }
0x62: {  	[spmem:s2] =	stream.linear.scatter [tilespmem:s15], [sflag:$0x7], $0x280, $0x38;
	[tilespmem:$0x1E130] =	vst v63  }
0x63: {  	s0 =	sadd.s32 $0xA00, s0;
	_ =	sdelay $0x1  }
0x64: {  	_ =	swait.ge [sflag:s12], $0x280  }
0x65: {  	[sflag:s12] =	ssyncset.done $0x0  }
0x66: {  	[sflag:s12] =	ssyncadd.s32 $0xFFFFFD80  }
.LBB2_5:
0x67: {  	[bflag:$0x0] =	sbarrier.arrive $0xFFFF;
	s0 =	simm.s32 $0x0  }
0x68: {  	[tilespmem:s17], [sflag:$0x1] =	stream.indirect.gather [hbm4b:s1+s16], $0x40, s0, s16, $0xb8;
	[tilespmem:$0x1E130] =	vst v63  }
0x69: {  	_ = 	snop  }
0x6a: {  	[tilespmem:s18], [sflag:$0x3] =	stream.indirect.gather [hbm4b:s6+s16], $0x40, s3, s16, $0xb8;
	[tilespmem:$0x1E130] =	vst v63  }
.LBB2_6:
0x6b: {  	s3 =	sshll.u32 s0, $0x8  }
0x6c: {  	s2 =	sor.u32 $0x80, s3  }
0x6d: {  	[tilespmem:s19], [sflag:$0x2] =	stream.indirect.gather [hbm4b:s1+s16], $0x40, s2, s16, $0xb8;
	[tilespmem:$0x1E130] =	vst v63  }
0x6e: {  	s14 =	sadd.s32 $0x2880, s3  }
0x6f: {  	[tilespmem:s20], [sflag:$0x4] =	stream.indirect.gather [hbm4b:s6+s16], $0x40, s14, s16, $0xb8;
	[tilespmem:$0x1E130] =	vst v63  }
0x70: {  	_ =	swait.ge [sflag:s21], $0x1F40  }
0x71: {  	[sflag:s21] =	ssyncset.done $0x0  }
0x72: {  	[sflag:s21] =	ssyncadd.s32 $0xFFFFE0C0  }
0x73: {  	_ =	swait.ge [sflag:s22], $0x1F40  }
0x74: {  	p1 =	seq.s32 s0, $0x0;
	[sflag:s22] =	ssyncset.done $0x0  }
0x75: {  	s2 =	simm.s32 @!p1 $0x5;
	[sflag:s22] =	ssyncadd.s32 $0xFFFFE0C0  }
0x76: {  	_ =	swait.ge @!p1 [sflag:s2], $0x2710  }
0x77: {  	[sflag:s2] =	ssyncset.done @!p1 $0x0  }
0x78: {  	s7 =	simm.s32 $0x5080;
	[sflag:s2] =	ssyncadd.s32 @!p1 $0xFFFFD8F0  }
0x79: {  	v11 =	vld [tilespmem:s7+$0x70]  }
0x7a: {  	s13 =	simm.s32 $0x8F00;
	v13 =	vld [tilespmem:s7+$0x50]  }
0x7b: {  	v7 =	vld [tilespmem:s13+$0x50]  }
0x7c: {  	v14 =	vld [tilespmem:s7+$0x40]  }
0x7d: {  	v6 =	vld [tilespmem:s13+$0x40]  }
0x7e: {  	v12 =	vld [tilespmem:s7+$0x60]  }
0x7f: {  	v0 =	vld [tilespmem:s7+$0xFFFFFFC0]  }
0x80: {  	v8 =	vld [tilespmem:s13+$0x60];
	v7 =	vadd.f32 v7, v13  }
0x81: {  	v9 =	vld [tilespmem:s13+$0x70]  }
0x82: {  	v37 =	vld [tilespmem:s7+$0xFFFFFF90];
	v15 =	vmul.f32 $2.000000030e-01, v7  }
0x83: {  	v16 =	vld [tilespmem:s13+$0xFFFFFF80];
	vm1 =	vge.f32 v7, $0.0e+00  }
0x84: {  	v6 =	vadd.f32 v6, v14;
	v7 =	vsel vm1, v7, v15;
	v15 =	vld [tilespmem:s13+$0xFFFFFF90];
	[tilespmem:$0x1FFE0] =	vst v0  }
0x85: {  	v20 =	vld [tilespmem:s7+$0xFFFFFFD0]  }
0x86: {  	v8 =	vadd.f32 v8, v12;
	v10 =	vmul.f32 $2.000000030e-01, v6  }
0x87: {  	vm0 =	vge.f32 v6, $0.0e+00  }
0x88: {  	v9 =	vadd.f32 v9, v11;
	v6 =	vsel vm0, v6, v10;
	v10 =	vmul.f32 $2.000000030e-01, v8  }
0x89: {  	vm7 =	vge.f32 v8, $0.0e+00;
	v6 =	vmul.f32 v6, v2;
	v7 =	vmul.f32 v7, v3  }
0x8a: {  	v8 =	vsel vm7, v8, v10;
	v10 =	vmul.f32 $2.000000030e-01, v9;
	[tilespmem:$0x1FFF0] =	vst v20  }
0x8b: {  	vm8 =	vge.f32 v9, $0.0e+00;
	v6 =	vadd.f32 v7, v6;
	v7 =	vmul.f32 v8, v4;
	v8 =	vld [tilespmem:s13+$0xFFFFFFC0]  }
0x8c: {  	v9 =	vsel vm8, v9, v10;
	v10 =	vld [tilespmem:s13+$0xFFFFFFD0]  }
0x8d: {  	v17 =	vadd.f32 v7, v6;
	v9 =	vmul.f32 v9, v5;
	v6 =	vld [tilespmem:s7+$0x0]  }
0x8e: {  	v7 =	vld [tilespmem:s7+$0x10]  }
0x8f: {  	v9 =	vadd.f32 v9, v17;
	v17 =	vld [tilespmem:s13+$0x0]  }
0x90: {  	v19 =	vld [tilespmem:s13+$0x10]  }
0x91: {  	v38 =	vld [tilespmem:s7+$0xFFFFFF80];
	(xrf2) =	vadd.scan.msk.f32 $0xffff, v9  }
0x92: {  	v15 =	vadd.f32 v15, v37  }
0x93: {  	v9 =	vadd.f32 v10, v20  }
0x94: {  	vm9 =	vge.f32 v15, $0.0e+00;
	v47 =	vld [tilespmem:s7+$0xFFFFFFA0];
	v18 =	vadd.f32 v8, v0  }
0x95: {  	v46 =	vld [tilespmem:s7+$0xFFFFFFB0];
	v8 =	vmul.f32 $2.000000030e-01, v15;
	v17 =	vadd.f32 v17, v6;
	v21 =	vmul.f32 $2.000000030e-01, v9  }
0x96: {  	v23 =	vld [tilespmem:s13+$0xFFFFFFB0];
	v19 =	vadd.f32 v19, v7;
	v16 =	vadd.f32 v16, v38;
	vm11 =	vge.f32 v9, $0.0e+00  }
0x97: {  	v8 =	vsel vm9, v15, v8;
	v15 =	vld [tilespmem:s13+$0xFFFFFFA0];
	v9 =	vsel vm11, v9, v21;
	v21 =	vmul.f32 $2.000000030e-01, v17  }
0x98: {  	v26 =	vld [tilespmem:s13+$0x20];
	v10 =	vmul.f32 $2.000000030e-01, v18;
	vm10 =	vge.f32 v18, $0.0e+00;
	v25 =	vmul.f32 $2.000000030e-01, v16  }
0x99: {  	vm12 =	vge.f32 v17, $0.0e+00;
	vm2 =	vge.f32 v16, $0.0e+00;
	v20 =	vmul.f32 v8, v3;
	v8 =	vld [tilespmem:s7+$0xFFFFFFE0]  }
0x9a: {  	v24 =	vmul.f32 $2.000000030e-01, v19;
	v10 =	vsel vm10, v18, v10;
	v18 =	vld [tilespmem:s13+$0xFFFFFFE0];
	v16 =	vsel vm2, v16, v25  }
0x9b: {  	v22 =	vmul.f32 v9, v3;
	v9 =	vld [tilespmem:s7+$0x20];
	v16 =	vmul.f32 v16, v2;
	v17 =	vsel vm12, v17, v21;
	v21, _, _ =	vpop (xrf2)  }
0x9c: {  	v15 =	vadd.f32 v15, v47;
	v27 =	vmul.f32 v17, v2;
	v17 =	vld [tilespmem:s7+$0x30];
	v21 =	vmul.f32 $1.442695020e+00, v21  }
0x9d: {  	v23 =	vadd.f32 v23, v46;
	vm13 =	vge.f32 v19, $0.0e+00;
	v16 =	vadd.f32 v20, v16;
	v20 =	vld [tilespmem:s13+$0x30]  }
0x9e: {  	v19 =	vsel vm13, v19, v24;
	v24 =	vmul.f32 $2.000000030e-01, v15;
	v21 =	vbroadcast v21, $0xF  }
0x9f: {  	vm15 =	vge.f32 v23, $0.0e+00;
	v10 =	vmul.f32 v10, v2;
	vm14 =	vge.f32 v15, $0.0e+00  }
0xa0: {  	v25 =	vld [tilespmem:s13+$0xFFFFFFF0];
	v15 =	vsel vm14, v15, v24;
	v24 =	vmul.f32 $2.000000030e-01, v23;
	(erf) = vpow2.f32 v21  }
0xa1: {  	v22 =	vadd.f32 v22, v10;
	v10 =	vld [tilespmem:s7+$0xFFFFFFF0];
	v15 =	vmul.f32 v15, v4;
	v21 =	vadd.f32 v26, v9  }
0xa2: {  	v18 =	vadd.f32 v18, v8;
	v20 =	vadd.f32 v20, v17;
	v23 =	vsel vm15, v23, v24  }
0xa3: {  	v15 =	vadd.f32 v15, v16;
	v16 =	vmul.f32 v23, v5;
	v23 =	vmul.f32 $2.000000030e-01, v21  }
0xa4: {  	s8 =	simm.s32 $0x5180;
	vm5 =	vge.f32 v21, $0.0e+00  }
0xa5: {  	v36 =	vld [tilespmem:s8+$0x70];
	v28 =	vmul.f32 $2.000000030e-01, v18;
	v21 =	vsel vm5, v21, v23;
	v23 =	vmul.f32 $2.000000030e-01, v20  }
0xa6: {  	v35 =	vld [tilespmem:s8+$0x40];
	vm4 =	vge.f32 v18, $0.0e+00;
	v24 =	vadd.f32 v25, v10  }
0xa7: {  	v39 =	vld [tilespmem:s8+$0x50];
	v18 =	vsel vm4, v18, v28  }
0xa8: {  	s9 =	simm.s32 $0x9000;
	v40 =	vld [tilespmem:s8+$0x60];
	vm7 =	vge.f32 v20, $0.0e+00;
	v25 =	vmul.f32 $2.000000030e-01, v24;
	vm6 =	vge.f32 v24, $0.0e+00  }
0xa9: {  	v15 =	vadd.f32 v16, v15;
	v16 =	vmul.f32 v18, v4;
	v18 =	vld [tilespmem:s9+$0x40];
	v20 =	vsel vm7, v20, v23;
	v23 =	vpop (erf)  }
0xaa: {  	v24 =	vsel vm6, v24, v25;
	v25 =	vld [tilespmem:s9+$0x50];
	v0 =	vmul.f32 v23, v14  }
0xab: {  	(xrf2) =	vadd.scan.msk.f32 $0xffff, v15;
	v15 =	vadd.f32 v16, v22;
	v22 =	vld [tilespmem:s9+$0x60]  }
0xac: {  	v16 =	vmul.f32 v24, v5;
	v24 =	vld [tilespmem:s9+$0x70];
	[tilespmem:$0x1FFA0] =	vst v0;
	v0 =	vmul.f32 v23, v13  }
0xad: {  	v19 =	vmul.f32 v19, v3  }
0xae: {  	v16 =	vadd.f32 v16, v15;
	v15 =	vld [tilespmem:s8+$0xFFFFFF90];
	[tilespmem:$0x1FFB0] =	vst v0;
	v0 =	vmul.f32 v23, v12  }
0xaf: {  	v19 =	vadd.f32 v19, v27;
	v21 =	vmul.f32 v21, v4  }
0xb0: {  	(xrf2) =	vadd.scan.msk.f32 $0xffff, v16;
	v16 =	vld [tilespmem:s9+$0xFFFFFF80];
	[tilespmem:$0x1FFC0] =	vst v0;
	v0 =	vmul.f32 v23, v11  }
0xb1: {  	v20 =	vmul.f32 v20, v5;
	v19 =	vadd.f32 v21, v19;
	v14 =	vadd.f32 v25, v39  }
0xb2: {  	v13 =	vadd.f32 v18, v35;
	[tilespmem:$0x1FFD0] =	vst v0  }
0xb3: {  	v18 =	vadd.f32 v20, v19;
	v21 =	vmul.f32 $2.000000030e-01, v14;
	v19 =	vld [tilespmem:s9+$0xFFFFFF90]  }
0xb4: {  	v48 =	vmul.f32 v1, v23;
	v22 =	vadd.f32 v22, v40;
	v20 =	vmul.f32 $2.000000030e-01, v13;
	v11 =	vld [tilespmem:s8+$0xFFFFFFC0]  }
0xb5: {  	vm9 =	vge.f32 v14, $0.0e+00;
	(xrf2) =	vadd.scan.msk.f32 $0xffff, v18;
	vm8 =	vge.f32 v13, $0.0e+00;
	v18 =	vadd.f32 v24, v36;
	v12 =	vld [tilespmem:s8+$0xFFFFFFD0]  }
0xb6: {  	v14 =	vsel vm9, v14, v21;
	v13 =	vsel vm8, v13, v20;
	v20 =	vmul.f32 $2.000000030e-01, v22;
	v23 =	vld [tilespmem:s9+$0xFFFFFFC0]  }
0xb7: {  	vm10 =	vge.f32 v22, $0.0e+00;
	v26 =	vmul.f32 v14, v3;
	v21, _, _ =	vpop (xrf2);
	v25 =	vmul.f32 v13, v2;
	v24 =	vld [tilespmem:s9+$0xFFFFFFD0]  }
0xb8: {  	v30 =	vmul.f32 $1.442695020e+00, v21;
	v21 =	vmul.f32 $2.000000030e-01, v18;
	v20 =	vsel vm10, v22, v20;
	v13 =	vld [tilespmem:s8+$0x0]  }
0xb9: {  	vm11 =	vge.f32 v18, $0.0e+00;
	v14 =	vld [tilespmem:s8+$0x10];
	v22 =	vadd.f32 v26, v25;
	v20 =	vmul.f32 v20, v4  }
0xba: {  	v26 =	vld [tilespmem:s9+$0x0];
	v18 =	vsel vm11, v18, v21  }
0xbb: {  	v21 =	vld [tilespmem:s8+$0xFFFFFF80];
	v18 =	vmul.f32 v18, v5;
	v22 =	vadd.f32 v20, v22  }
0xbc: {  	v27 =	vld [tilespmem:s9+$0x10]  }
0xbd: {  	v22 =	vadd.f32 v18, v22  }
0xbe: {  	v20, _, _ =	vpop (xrf2);
	v19 =	vadd.f32 v19, v15;
	v23 =	vadd.f32 v23, v11  }
0xbf: {  	v49 =	vld [tilespmem:s9+$0x20];
	v24 =	vadd.f32 v24, v12;
	v31 =	vmul.f32 $1.442695020e+00, v20;
	v29, _, _ =	vpop (xrf2);
	v26 =	vadd.f32 v26, v13  }
0xc0: {  	v43 =	vmul.f32 $1.442695020e+00, v29;
	v29 =	vadd.f32 v16, v21;
	v16 =	vld [tilespmem:s8+$0x20];
	v25 =	vmul.f32 $2.000000030e-01, v19  }
0xc1: {  	v53 =	vld [tilespmem:s9+$0xFFFFFFB0];
	v27 =	vadd.f32 v27, v14;
	vm12 =	vge.f32 v19, $0.0e+00;
	vm13 =	vge.f32 v23, $0.0e+00  }
0xc2: {  	v20 =	vld [tilespmem:s8+$0xFFFFFFA0];
	vm14 =	vge.f32 v24, $0.0e+00;
	v32 =	vmul.f32 $2.000000030e-01, v24;
	v19 =	vsel vm12, v19, v25  }
0xc3: {  	vm15 =	vge.f32 v26, $0.0e+00;
	v25 =	vmul.f32 $2.000000030e-01, v23;
	v28 =	vmul.f32 v19, v3;
	v19 =	vld [tilespmem:s9+$0xFFFFFFA0]  }
0xc4: {  	v18 =	vld [tilespmem:s8+$0xFFFFFFE0];
	v63 =	vmul.f32 $2.000000030e-01, v26;
	vm4 =	vge.f32 v27, $0.0e+00;
	v50 =	vmul.f32 $2.000000030e-01, v27  }
0xc5: {  	(xrf2) =	vadd.scan.msk.f32 $0xffff, v22;
	v24 =	vsel vm14, v24, v32;
	v23 =	vsel vm13, v23, v25;
	v25 =	vld [tilespmem:s8+$0xFFFFFFB0];
	v49 =	vadd.f32 v49, v16  }
0xc6: {  	vm5 =	vge.f32 v29, $0.0e+00;
	v24 =	vmul.f32 v24, v3;
	v22 =	vmul.f32 v23, v2;
	v23 =	vld [tilespmem:s9+$0xFFFFFFE0]  }
0xc7: {  	v51 =	vmul.f32 $2.000000030e-01, v29;
	vm8 =	vge.f32 v49, $0.0e+00;
	v59 =	vmul.f32 $2.000000030e-01, v49  }
0xc8: {  	s2 =	simm.s32 $0x9100;
	v41 =	vld [tilespmem:s9+$0xFFFFFFF0];
	v22 =	vadd.f32 v24, v22;
	v24 =	vsel vm4, v27, v50;
	v52 =	vadd.f32 v19, v20  }
0xc9: {  	v57 =	vld [tilespmem:s2+$0x40];
	v19 =	vsel vm15, v26, v63;
	v26 =	vsel vm5, v29, v51;
	v24 =	vmul.f32 v24, v3  }
0xca: {  	v29 =	vld [tilespmem:s8+$0xFFFFFFF0];
	v49 =	vsel vm8, v49, v59;
	v26 =	vmul.f32 v26, v2;
	v42 =	vmul.f32 v19, v2  }
0xcb: {  	v59 =	vld [tilespmem:s2+$0x50];
	v45 =	vadd.f32 v53, v25;
	v49 =	vmul.f32 v49, v4;
	v23 =	vadd.f32 v23, v18  }
0xcc: {  	v19 =	vld [tilespmem:s8+$0x30];
	v27 =	vmul.f32 $2.000000030e-01, v52;
	vm6 =	vge.f32 v52, $0.0e+00;
	v54 =	vadd.f32 v28, v26  }
0xcd: {  	s10 =	simm.s32 $0x5280;
	v28 =	vld [tilespmem:s9+$0x30];
	v50 =	vadd.f32 v24, v42;
	v55 =	vmul.f32 $2.000000030e-01, v45;
	vm9 =	vge.f32 v45, $0.0e+00  }
0xce: {  	v24 =	vld [tilespmem:s10+$0x70];
	v44 =	vmul.f32 $2.000000030e-01, v23;
	v27 =	vsel vm6, v52, v27;
	vm7 =	vge.f32 v23, $0.0e+00  }
0xcf: {  	v26, _, _ =	vpop (xrf2);
	v32 =	vadd.f32 v41, v29;
	v61 =	vmul.f32 v27, v4;
	v27 =	vld [tilespmem:s10+$0x50];
	v62 =	vsel vm9, v45, v55  }
0xd0: {  	v49 =	vadd.f32 v49, v50;
	v50 =	vld [tilespmem:s2+$0x70];
	v23 =	vsel vm7, v23, v44;
	v60 =	vmul.f32 $1.442695020e+00, v26  }
0xd1: {  	v26 =	vld [tilespmem:s10+$0x40];
	v41 =	vmul.f32 v62, v5;
	v23 =	vmul.f32 v23, v4  }
0xd2: {  	v58 =	vmul.f32 $2.000000030e-01, v32;
	vm10 =	vge.f32 v32, $0.0e+00;
	v56 =	vadd.f32 v28, v19;
	v28 =	vld [tilespmem:s10+$0x60]  }
0xd3: {  	v53 =	vadd.f32 v61, v54;
	v51 =	vbroadcast v60, $0xF;
	v54 =	vadd.f32 v23, v22;
	v22 =	vld [tilespmem:s2+$0x60]  }
0xd4: {  	v30 =	vbroadcast v30, $0xF;
	v23 =	vsel vm10, v32, v58  }
0xd5: {  	v53 =	vadd.f32 v41, v53;
	(erf) = vpow2.f32 v51;
	v63 =	vmul.f32 $2.000000030e-01, v56  }
0xd6: {  	vm11 =	vge.f32 v56, $0.0e+00;
	v45 =	vadd.f32 v59, v27;
	v44 =	vadd.f32 v57, v26  }
0xd7: {  	v52 =	vmul.f32 v23, v5;
	v50 =	vadd.f32 v50, v24;
	v42 =	vsel vm11, v56, v63  }
0xd8: {  	v59 =	vmul.f32 $2.000000030e-01, v45;
	v41 =	vmul.f32 $2.000000030e-01, v44;
	v60 =	vadd.f32 v22, v28  }
0xd9: {  	vm13 =	vge.f32 v45, $0.0e+00;
	v51 =	vmul.f32 v42, v5;
	vm12 =	vge.f32 v44, $0.0e+00  }
0xda: {  	v58 =	vld [tilespmem:s2+$0xFFFFFF90];
	v42 =	vsel vm13, v45, v59;
	v32 =	vsel vm12, v44, v41;
	v44 =	vmul.f32 $2.000000030e-01, v60  }
0xdb: {  	v23 =	vld [tilespmem:s10+$0xFFFFFF90];
	v55 =	vmul.f32 v42, v3;
	v61 =	vmul.f32 v32, v2;
	vm14 =	vge.f32 v60, $0.0e+00  }
0xdc: {  	(erf) = vpow2.f32 v30;
	v30 =	vld [tilespmem:s10+$0xFFFFFFD0];
	v45 =	vmul.f32 $2.000000030e-01, v50;
	v56 =	vsel vm14, v60, v44  }
0xdd: {  	(xrf2) =	vadd.scan.msk.f32 $0xffff, v53;
	v53 =	vld [tilespmem:s2+$0x10];
	vm15 =	vge.f32 v50, $0.0e+00;
	v55 =	vadd.f32 v55, v61;
	v56 =	vmul.f32 v56, v4  }
0xde: {  	v22 =	vld [tilespmem:s10+$0xFFFFFFC0];
	v50 =	vsel vm15, v50, v45  }
0xdf: {  	v52 =	vadd.f32 v52, v54;
	v59 =	vld [tilespmem:s2+$0xFFFFFFC0];
	v50 =	vmul.f32 v50, v5;
	v55 =	vadd.f32 v56, v55  }
0xe0: {  	v54 =	vld [tilespmem:s2+$0xFFFFFFD0];
	v49 =	vadd.f32 v51, v49  }
0xe1: {  	v31 =	vbroadcast v31, $0xF;
	(xrf2) =	vadd.scan.msk.f32 $0xffff, v52;
	v45 =	vadd.f32 v58, v23;
	v58 =	vld [tilespmem:s2+$0xFFFFFFA0];
	v61 =	vpop (erf);
	v63 =	vadd.f32 v50, v55  }
0xe2: {  	(xrf2) =	vadd.scan.msk.f32 $0xffff, v49;
	v50 =	vmul.f32 v61, v36;
	v36 =	vld [tilespmem:s10+$0xFFFFFFA0]  }
0xe3: {  	(erf) = vpow2.f32 v31;
	v31 =	vld [tilespmem:s10+$0x10];
	(xrf2) =	vadd.scan.msk.f32 $0xffff, v63  }
0xe4: {  	v62 =	vld [tilespmem:s2+$0x0];
	v49 =	vmul.f32 v61, v40;
	v40 =	vadd.f32 v59, v22  }
0xe5: {  	v32 =	vld [tilespmem:s10+$0x0];
	v54 =	vadd.f32 v54, v30;
	v33 =	vmul.f32 $2.000000030e-01, v45;
	v51 =	vmul.f32 v61, v35;
	v55 =	vpop (erf)  }
0xe6: {  	v57 =	vld [tilespmem:s2+$0xFFFFFF80];
	vm4 =	vge.f32 v45, $0.0e+00;
	v34 =	vmul.f32 $2.000000030e-01, v40;
	v56 =	vmul.f32 v55, v38  }
0xe7: {  	v35 =	vld [tilespmem:s10+$0xFFFFFF80];
	v38 =	vsel vm4, v45, v33;
	v45 =	vmul.f32 $2.000000030e-01, v54;
	v58 =	vadd.f32 v58, v36  }
0xe8: {  	v52 =	vmul.f32 v61, v39;
	v39 =	vadd.f32 v53, v31;
	vm5 =	vge.f32 v40, $0.0e+00  }
0xe9: {  	v59 =	vmul.f32 v55, v37;
	v37 =	vsel vm5, v40, v34;
	v34 =	vmul.f32 $2.000000030e-01, v58  }
0xea: {  	vm6 =	vge.f32 v54, $0.0e+00;
	v62 =	vadd.f32 v62, v32;
	v42, _, _ =	vpop (xrf2)  }
0xeb: {  	v63 =	vmul.f32 $2.000000030e-01, v39;
	v54 =	vsel vm6, v54, v45;
	v45, _, _ =	vpop (xrf2)  }
0xec: {  	v53 =	vadd.f32 v57, v35;
	v57 =	vmul.f32 $2.000000030e-01, v62;
	vm10 =	vge.f32 v58, $0.0e+00;
	v44, _, _ =	vpop (xrf2)  }
0xed: {  	vm7 =	vge.f32 v62, $0.0e+00;
	vm8 =	vge.f32 v39, $0.0e+00;
	v58 =	vsel vm10, v58, v34;
	v34, _, _ =	vpop (xrf2)  }
0xee: {  	s13 =	simm.s32 $0xCDA0;
	v57 =	vsel vm7, v62, v57;
	v62 =	vsel vm8, v39, v63;
	v63 =	vmul.f32 $1.442695020e+00, v34  }
0xef: {  	[tilespmem:s13+$0x90] =	vst v48  }
0xf0: {  	v48 =	vmul.f32 v62, v3;
	v62 =	vbroadcast v63, $0xF;
	v63 =	vld [tilespmem:$0x1FFA0];
	_ =	sdelay $0x4  }
0xf1: {  	[tilespmem:s13+$0x50] =	vst v63  }
0xf2: {  	v63 =	vld [tilespmem:$0x1FFB0];
	_ =	sdelay $0x1  }
0xf3: {  	v43 =	vbroadcast v43, $0xF;
	_ =	sdelay $0x1  }
0xf4: {  	(erf) = vpow2.f32 v43;
	v43 =	vld [tilespmem:s10+$0xFFFFFFE0]  }
0xf5: {  	v33 =	vld [tilespmem:s2+$0xFFFFFFE0];
	[tilespmem:s13+$0x60] =	vst v63  }
0xf6: {  	(erf) = vpow2.f32 v62;
	v62 =	vld [tilespmem:$0x1FFC0]  }
0xf7: {  	v41 =	vld [tilespmem:s2+$0xFFFFFFB0]  }
0xf8: {  	v39 =	vld [tilespmem:s10+$0xFFFFFFB0];
	_ =	sdelay $0x1  }
0xf9: {  	v60 =	vmul.f32 v1, v61;
	v0 =	vmul.f32 $2.000000030e-01, v53;
	v61 =	vadd.f32 v33, v43  }
0xfa: {  	s8 =	simm.s32 $0xCEE0;
	vm9 =	vge.f32 v53, $0.0e+00;
	[tilespmem:s13+$0x70] =	vst v62  }
0xfb: {  	v47 =	vmul.f32 v55, v47;
	v0 =	vsel vm9, v53, v0;
	v53 =	vmul.f32 $2.000000030e-01, v61;
	v62 =	vld [tilespmem:$0x1FFD0];
	[tilespmem:s8+$0x90] =	vst v60  }
0xfc: {  	v46 =	vmul.f32 v55, v46;
	vm11 =	vge.f32 v61, $0.0e+00;
	v41 =	vadd.f32 v41, v39;
	[tilespmem:s13+$0xFFFFFF60] =	vst v56  }
0xfd: {  	v40 =	vld [tilespmem:s10+$0x20];
	v0 =	vmul.f32 v0, v2;
	v53 =	vsel vm11, v61, v53;
	v61 =	vmul.f32 v38, v3;
	[tilespmem:s13+$0xFFFFFF70] =	vst v59  }
0xfe: {  	v33 =	vld [tilespmem:s2+$0x20];
	v60 =	vmul.f32 $2.000000030e-01, v41;
	[tilespmem:s13+$0xFFFFFF80] =	vst v47  }
0xff: {  	v58 =	vmul.f32 v58, v4;
	v38 =	vld [tilespmem:s10+$0xFFFFFFF0];
	vm13 =	vge.f32 v41, $0.0e+00;
	v0 =	vadd.f32 v61, v0;
	[tilespmem:s13+$0xFFFFFF90] =	vst v46  }
0x100: {  	v37 =	vmul.f32 v37, v2;
	v54 =	vmul.f32 v54, v3;
	v34 =	vld [tilespmem:s2+$0xFFFFFFF0];
	[tilespmem:s8+$0x50] =	vst v51;
	v41 =	vsel vm13, v41, v60  }
0x101: {  	v0 =	vadd.f32 v58, v0;
	[tilespmem:s8+$0x60] =	vst v52;
	v41 =	vmul.f32 v41, v5  }
0x102: {  	v54 =	vadd.f32 v54, v37;
	v37 =	vld [tilespmem:s10+$0x30];
	[tilespmem:s8+$0x70] =	vst v49  }
0x103: {  	v61 =	vld [tilespmem:s2+$0x30];
	[tilespmem:s8+$0x80] =	vst v50;
	v0 =	vadd.f32 v41, v0  }
0x104: {  	v57 =	vmul.f32 v57, v2;
	v33 =	vadd.f32 v33, v40;
	[tilespmem:s13+$0x80] =	vst v62  }
0x105: {  	v42 =	vmul.f32 $1.442695020e+00, v42;
	v34 =	vadd.f32 v34, v38;
	(xrf2) =	vadd.scan.msk.f32 $0xffff, v0;
	v0 =	vld [tilespmem:$0x1FFE0]  }
0x106: {  	v48 =	vadd.f32 v48, v57;
	v45 =	vmul.f32 $1.442695020e+00, v45;
	v57 =	vmul.f32 $2.000000030e-01, v33  }
0x107: {  	v44 =	vmul.f32 $1.442695020e+00, v44;
	vm12 =	vge.f32 v33, $0.0e+00;
	v63 =	vmul.f32 $2.000000030e-01, v34  }
0x108: {  	v33 =	vsel vm12, v33, v57;
	vm14 =	vge.f32 v34, $0.0e+00;
	v62 =	vadd.f32 v61, v37  }
0x109: {  	v33 =	vmul.f32 v33, v4;
	v34 =	vsel vm14, v34, v63;
	v63 =	vbroadcast v42, $0xF;
	v42 =	vpop (erf)  }
0x10a: {  	v60 =	vmul.f32 $2.000000030e-01, v62;
	v49 =	vmul.f32 v42, v0;
	v0 =	vld [tilespmem:$0x1FFF0]  }
0x10b: {  	v53 =	vmul.f32 v53, v4;
	v33 =	vadd.f32 v33, v48;
	vm15 =	vge.f32 v62, $0.0e+00  }
0x10c: {  	v48 =	vbroadcast v45, $0xF;
	v34 =	vmul.f32 v34, v5;
	v61 =	vsel vm15, v62, v60  }
0x10d: {  	v53 =	vadd.f32 v53, v54;
	(erf) = vpow2.f32 v63;
	v62 =	vmul.f32 v61, v5  }
0x10e: {  	v46 =	vbroadcast v44, $0xF;
	v50 =	vmul.f32 v1, v55  }
0x10f: {  	s7 =	simm.s32 $0xCEE0;
	s9 =	simm.s32 $0x8;
	s10 =	simm.s32 $0x5380;
	v47 =	vadd.f32 v34, v53;
	v41 =	vpop (erf);
	v45 =	vadd.f32 v62, v33;
	v34 =	vmul.f32 v42, v0  }
.LBB2_7:
0x110: {  	v0 =	vld [tilespmem:s10+$0x70];
	v44 =	vpop (erf);
	(erf) = vpow2.f32 v48;
	[tilespmem:s13+$0xFFFFFFA0] =	vst v50;
	v48 =	vmul.f32 v42, v8;
	v33 =	vmov v30  }
0x111: {  	v8 =	vmovc v18;
	v30 =	vld [tilespmem:s10+$0x40];
	v50 =	vmul.f32 v1, v44;
	(xrf2) =	vadd.scan.msk.f32 $0xffff, v47;
	(erf) = vpow2.f32 v46;
	[tilespmem:s13+$0xFFFFFFB0] =	vst v49  }
0x112: {  	s2 =	sadd.s32 $0x100, s2;
	s8 =	sadd.s32 $0x140, s8;
	v18 =	vmovc v43;
	v47 =	vmul.f32 v42, v10;
	v10 =	vmov v29;
	v46 =	vld [tilespmem:s10+$0x50];
	[tilespmem:s13+$0xFFFFFFC0] =	vst v34;
	v34 =	vmul.f32 v1, v42  }
0x113: {  	v43 =	vmul.f32 v41, v7;
	v42 =	vmul.f32 v41, v6;
	v6 =	vmovc v13;
	v13 =	vmov v32;
	v29 =	vld [tilespmem:s2+$0x40];
	[tilespmem:s8+$0x90] =	vst v50  }
0x114: {  	s9 =	sadd.s32 $0x4, s9;
	v17 =	vmul.f32 v41, v17;
	v7 =	vmovc v14;
	v32 =	vld [tilespmem:s2+$0x50];
	(xrf2) =	vadd.scan.msk.f32 $0xffff, v45;
	[tilespmem:s13+$0xFFFFFFD0] =	vst v48;
	v48 =	vmul.f32 v41, v9  }
0x115: {  	v14 =	vmovc v31;
	p2 =	slt.u32 s9, $0x78;
	v50 =	vmul.f32 v44, v26;
	v9 =	vmov v16;
	v49 =	vld [tilespmem:s10+$0x60];
	[tilespmem:s13+$0xFFFFFFE0] =	vst v47;
	v47 =	vmul.f32 v1, v41  }
0x116: {  	v51 =	vmul.f32 v44, v27;
	v52 =	vmul.f32 v44, v28;
	v16 =	vmovc v40;
	v31 =	vld [tilespmem:s2+$0x60];
	[tilespmem:s13+$0xFFFFFFF0] =	vst v34;
	v26 =	vmov v30  }
0x117: {  	v53 =	vmul.f32 v44, v24;
	v24 =	vmov v0;
	v40 =	vld [tilespmem:s2+$0x70];
	v34 =	vpop (erf);
	[tilespmem:s13+$0x0] =	vst v42;
	v27 =	vmov v46  }
0x118: {  	v0, _, _ =	vpop (xrf2);
	v21 =	vmul.f32 v34, v21;
	v30 =	vmul.f32 v34, v15;
	[tilespmem:s13+$0x10] =	vst v43;
	v15 =	vmov v23;
	v23 =	vld [tilespmem:s10+$0xFFFFFF90]  }
0x119: {  	v29 =	vadd.f32 v29, v26;
	v46 =	vld [tilespmem:s2+$0xFFFFFF80];
	v32 =	vadd.f32 v32, v27;
	v45 =	vmul.f32 $1.442695020e+00, v0;
	v42 =	vpop (erf);
	[tilespmem:s13+$0x20] =	vst v48  }
0x11a: {  	v54 =	vmul.f32 v34, v20;
	v55 =	vmul.f32 v34, v25;
	v0 =	vld [tilespmem:s2+$0xFFFFFF90];
	[tilespmem:s7+$0xFFFFFF60] =	vst v21;
	v41 =	vpop (erf);
	v28 =	vmov v49  }
0x11b: {  	v43 =	vmul.f32 $2.000000030e-01, v29;
	v44 =	vld [tilespmem:s10+$0xFFFFFFC0];
	v48 =	vmul.f32 $2.000000030e-01, v32;
	v31 =	vadd.f32 v31, v28;
	v49, _, _ =	vpop (xrf2);
	[tilespmem:s7+$0xFFFFFF70] =	vst v30  }
0x11c: {  	v20 =	vmovc v36;
	vm0 =	vge.f32 v29, $0.0e+00;
	vm1 =	vge.f32 v32, $0.0e+00;
	v30 =	vld [tilespmem:s10+$0xFFFFFFD0];
	v40 =	vadd.f32 v40, v24;
	[tilespmem:s7+$0xFFFFFF80] =	vst v54;
	v21 =	vmovc v35  }
0x11d: {  	v25 =	vmovc v39;
	v56 =	vsel vm0, v29, v43;
	v35 =	vld [tilespmem:s2+$0xFFFFFFC0];
	v32 =	vsel vm1, v32, v48;
	v36 =	vmul.f32 $2.000000030e-01, v31;
	[tilespmem:s7+$0xFFFFFF90] =	vst v55  }
0x11e: {  	v43 =	vmul.f32 v56, v2;
	vm0 =	vge.f32 v31, $0.0e+00;
	v39 =	vld [tilespmem:s2+$0xFFFFFFD0];
	v48 =	vmul.f32 v32, v3;
	v54, _, _ =	vpop (xrf2);
	[tilespmem:s13+$0x30] =	vst v17  }
0x11f: {  	v29 =	vmovc v38;
	v0 =	vadd.f32 v0, v23;
	v32 =	vld [tilespmem:s10+$0x0];
	v55 =	vsel vm0, v31, v36;
	v36 =	vmul.f32 $2.000000030e-01, v40;
	[tilespmem:s13+$0x40] =	vst v47;
	s13 =	smov.u32 s7;
	s7 =	smov.u32 s8  }
0x120: {  	v17 =	vmovc v19;
	vm0 =	vge.f32 v40, $0.0e+00;
	v31 =	vld [tilespmem:s10+$0x10];
	v38 =	vadd.f32 v48, v43;
	v43 =	vmul.f32 v55, v4;
	[tilespmem:s8+$0x50] =	vst v50  }
0x121: {  	v19 =	vmovc v37;
	vm1 =	vge.f32 v0, $0.0e+00;
	v47 =	vmul.f32 $2.000000030e-01, v0;
	v48 =	vld [tilespmem:s2+$0x0];
	v36 =	vsel vm0, v40, v36;
	[tilespmem:s8+$0x60] =	vst v51  }
0x122: {  	v37 =	vadd.f32 v35, v44;
	v40 =	vld [tilespmem:s2+$0x10];
	v38 =	vadd.f32 v43, v38;
	v43 =	vmul.f32 v36, v5;
	[tilespmem:s8+$0x70] =	vst v52  }
0x123: {  	v35 =	vld [tilespmem:s10+$0xFFFFFF80];
	v0 =	vsel vm1, v0, v47;
	v39 =	vadd.f32 v39, v30;
	v47 =	vmul.f32 $1.442695020e+00, v49;
	[tilespmem:s8+$0x80] =	vst v53  }
0x124: {  	v36 =	vld [tilespmem:s10+$0xFFFFFFA0];
	vm0 =	vge.f32 v37, $0.0e+00;
	v49 =	vmul.f32 $2.000000030e-01, v37;
	v38 =	vadd.f32 v43, v38  }
0x125: {  	v0 =	vmul.f32 v0, v3;
	v50 =	vld [tilespmem:s2+$0xFFFFFFA0];
	vm1 =	vge.f32 v39, $0.0e+00;
	v51 =	vmul.f32 $2.000000030e-01, v39  }
0x126: {  	v43 =	vld [tilespmem:s10+$0xFFFFFFE0];
	v37 =	vsel vm0, v37, v49;
	v48 =	vadd.f32 v48, v32;
	(xrf2) =	vadd.scan.msk.f32 $0xffff, v38;
	v49 =	vmul.f32 $1.442695020e+00, v54  }
0x127: {  	v37 =	vmul.f32 v37, v2;
	v38 =	vsel vm1, v39, v51;
	v51 =	vld [tilespmem:s2+$0xFFFFFFE0];
	v52 =	vadd.f32 v40, v31  }
0x128: {  	v46 =	vadd.f32 v46, v35;
	v40 =	vld [tilespmem:s10+$0x20];
	vm0 =	vge.f32 v48, $0.0e+00;
	v53 =	vmul.f32 $2.000000030e-01, v48  }
0x129: {  	v38 =	vmul.f32 v38, v3;
	vm1 =	vge.f32 v52, $0.0e+00;
	v54 =	vmul.f32 $2.000000030e-01, v52;
	v55 =	vld [tilespmem:s2+$0x20]  }
0x12a: {  	v39 =	vld [tilespmem:s10+$0xFFFFFFB0];
	vm2 =	vge.f32 v46, $0.0e+00;
	v56 =	vmul.f32 $2.000000030e-01, v46;
	v50 =	vadd.f32 v50, v36  }
0x12b: {  	v58 =	vadd.f32 v38, v37;
	v37 =	vsel vm0, v48, v53;
	v57 =	vld [tilespmem:s2+$0xFFFFFFB0];
	v48 =	vsel vm1, v52, v54  }
0x12c: {  	v46 =	vsel vm2, v46, v56;
	v52 =	vmul.f32 $2.000000030e-01, v50;
	v38 =	vld [tilespmem:s10+$0xFFFFFFF0];
	v51 =	vadd.f32 v51, v43  }
0x12d: {  	v54 =	vmul.f32 v37, v2;
	vm0 =	vge.f32 v50, $0.0e+00;
	v46 =	vmul.f32 v46, v2;
	v53 =	vld [tilespmem:s2+$0xFFFFFFF0]  }
0x12e: {  	v48 =	vmul.f32 v48, v3;
	v56 =	vmul.f32 $2.000000030e-01, v51;
	v37 =	vld [tilespmem:s10+$0x30];
	v55 =	vadd.f32 v55, v40  }
0x12f: {  	v0 =	vadd.f32 v0, v46;
	v46 =	vsel vm0, v50, v52;
	vm0 =	vge.f32 v51, $0.0e+00;
	v50 =	vld [tilespmem:s2+$0x30]  }
0x130: {  	v52 =	vadd.f32 v57, v39;
	vm1 =	vge.f32 v55, $0.0e+00;
	v57 =	vmul.f32 $2.000000030e-01, v55;
	v59, _, _ =	vpop (xrf2)  }
0x131: {  	v48 =	vadd.f32 v48, v54;
	v51 =	vsel vm0, v51, v56;
	v54 =	vmul.f32 $1.442695020e+00, v59  }
0x132: {  	v56 =	vmul.f32 $2.000000030e-01, v52;
	v53 =	vadd.f32 v53, v38;
	v55 =	vsel vm1, v55, v57  }
0x133: {  	v46 =	vmul.f32 v46, v4;
	vm0 =	vge.f32 v52, $0.0e+00;
	v54 =	vbroadcast v54, $0xF  }
0x134: {  	v51 =	vmul.f32 v51, v4;
	v57 =	vmul.f32 $2.000000030e-01, v53;
	v50 =	vadd.f32 v50, v37  }
0x135: {  	v55 =	vmul.f32 v55, v4;
	vm1 =	vge.f32 v53, $0.0e+00;
	(erf) = vpow2.f32 v54  }
0x136: {  	v52 =	vsel vm0, v52, v56;
	vm0 =	vge.f32 v50, $0.0e+00;
	v54 =	vmul.f32 $2.000000030e-01, v50  }
0x137: {  	v0 =	vadd.f32 v46, v0;
	v46 =	vadd.f32 v51, v58;
	v51 =	vsel vm1, v53, v57  }
0x138: {  	v52 =	vmul.f32 v52, v5;
	v53 =	vadd.f32 v55, v48;
	v48 =	vsel vm0, v50, v54  }
.Ltmp4:
0x139: {  	v50 =	vmul.f32 v51, v5;
	v51 =	vmul.f32 v48, v5;
	(pc) =	sbr.rel @p2 .LBB2_7-.Ltmp4, $4  }
0x13a: {  	v0 =	vadd.f32 v52, v0;
	v52 =	vbroadcast v45, $0xF;
	v48 =	vbroadcast v47, $0xF  }
0x13b: {  	v47 =	vadd.f32 v50, v46;
	v46 =	vbroadcast v49, $0xF;
	v45 =	vadd.f32 v51, v53  }
0x13c: {  	v50 =	vmul.f32 v1, v34;
	(xrf2) =	vadd.scan.msk.f32 $0xffff, v0;
	(erf) = vpow2.f32 v52  }
0x13d: {  	s10 =	sadd.s32 $0x100, s10;
	v49 =	vmul.f32 v42, v11;
	v34 =	vmul.f32 v42, v12;
	v11 =	vmovc v22;
	v22 =	vmovc v44;
	v12 =	vmov v33  }
0x13e: {  	[tilespmem:s13+$0xFFFFFFA0] =	vst v50  }
0x13f: {  	v8 =	vmul.f32 v42, v8;
	[tilespmem:s13+$0xFFFFFFB0] =	vst v49  }
0x140: {  	v10 =	vmul.f32 v42, v10;
	[tilespmem:s13+$0xFFFFFFC0] =	vst v34  }
0x141: {  	v55 =	vmul.f32 v1, v42;
	[tilespmem:s13+$0xFFFFFFD0] =	vst v8  }
0x142: {  	v6 =	vmul.f32 v41, v6;
	[tilespmem:s13+$0xFFFFFFE0] =	vst v10  }
0x143: {  	v0 =	vpop (erf);
	v7 =	vmul.f32 v41, v7;
	[tilespmem:s13+$0xFFFFFFF0] =	vst v55  }
0x144: {  	v33 =	vmul.f32 v1, v0;
	[tilespmem:s13+$0x0] =	vst v6  }
0x145: {  	s2 =	sadd.s32 $0x140, s8;
	v8 =	vmul.f32 v41, v9;
	[tilespmem:s13+$0x10] =	vst v7;
	v9 =	vpop (erf)  }
0x146: {  	[tilespmem:s2+$0x90] =	vst v33;
	v6 =	vmul.f32 v9, v21  }
0x147: {  	(xrf2) =	vadd.scan.msk.f32 $0xffff, v47;
	[tilespmem:s13+$0x20] =	vst v8;
	(erf) = vpow2.f32 v48;
	v7 =	vmul.f32 v9, v15  }
0x148: {  	v8 =	vmul.f32 v9, v20;
	[tilespmem:s7+$0xFFFFFF60] =	vst v6  }
0x149: {  	v6 =	vmul.f32 v9, v25;
	[tilespmem:s7+$0xFFFFFF70] =	vst v7  }
0x14a: {  	v10, _, _ =	vpop (xrf2);
	v7 =	vmul.f32 v41, v17;
	[tilespmem:s7+$0xFFFFFF80] =	vst v8  }
0x14b: {  	v10 =	vmul.f32 $1.442695020e+00, v10;
	v8 =	vmul.f32 v1, v41;
	[tilespmem:s7+$0xFFFFFF90] =	vst v6  }
0x14c: {  	(xrf2) =	vadd.scan.msk.f32 $0xffff, v45;
	(erf) = vpow2.f32 v46;
	v6 =	vmul.f32 v0, v26;
	[tilespmem:s13+$0x30] =	vst v7  }
0x14d: {  	v7 =	vmul.f32 v0, v27;
	[tilespmem:s13+$0x40] =	vst v8;
	v8 =	vbroadcast v10, $0xF  }
0x14e: {  	v10 =	vmul.f32 v0, v28;
	[tilespmem:s2+$0x50] =	vst v6  }
0x14f: {  	v0 =	vmul.f32 v0, v24;
	[tilespmem:s2+$0x60] =	vst v7;
	(erf) = vpow2.f32 v8  }
0x150: {  	[tilespmem:s2+$0x70] =	vst v10;
	v7 =	vmul.f32 v1, v9;
	v6 =	vpop (erf)  }
0x151: {  	[tilespmem:s2+$0x80] =	vst v0;
	v8, _, _ =	vpop (xrf2);
	v0 =	vmul.f32 v6, v11;
	v9 =	vmul.f32 v6, v12  }
0x152: {  	[tilespmem:s7+$0xFFFFFFA0] =	vst v7;
	v8 =	vmul.f32 $1.442695020e+00, v8;
	v7 =	vmul.f32 v6, v18  }
0x153: {  	[tilespmem:s7+$0xFFFFFFB0] =	vst v0  }
0x154: {  	v0 =	vbroadcast v8, $0xF;
	v8 =	vmul.f32 v6, v29;
	[tilespmem:s7+$0xFFFFFFC0] =	vst v9  }
0x155: {  	v6 =	vmul.f32 v1, v6;
	[tilespmem:s7+$0xFFFFFFD0] =	vst v7;
	v9 =	vpop (erf)  }
0x156: {  	v7, _, _ =	vpop (xrf2);
	(erf) = vpow2.f32 v0;
	[tilespmem:s7+$0xFFFFFFE0] =	vst v8;
	v0 =	vmul.f32 v9, v13  }
0x157: {  	[tilespmem:s7+$0xFFFFFFF0] =	vst v6;
	v7 =	vmul.f32 $1.442695020e+00, v7;
	v8 =	vmul.f32 v9, v14  }
0x158: {  	v6 =	vmul.f32 v9, v16;
	v10 =	vpop (erf);
	[tilespmem:s7+$0x0] =	vst v0  }
0x159: {  	v0 =	vbroadcast v7, $0xF;
	v7 =	vmul.f32 v10, v35;
	[tilespmem:s7+$0x10] =	vst v8  }
0x15a: {  	v8 =	vmul.f32 v10, v23;
	[tilespmem:s7+$0x20] =	vst v6  }
0x15b: {  	v6 =	vmul.f32 v10, v39;
	(erf) = vpow2.f32 v0;
	[tilespmem:s2+$0xFFFFFF60] =	vst v7  }
0x15c: {  	v0 =	vmul.f32 v10, v36;
	[tilespmem:s2+$0xFFFFFF70] =	vst v8  }
0x15d: {  	v7 =	vmul.f32 v9, v19;
	[tilespmem:s2+$0xFFFFFF90] =	vst v6  }
0x15e: {  	[tilespmem:s2+$0xFFFFFF80] =	vst v0;
	v0 =	vmul.f32 v1, v9  }
0x15f: {  	[tilespmem:s7+$0x30] =	vst v7;
	v7 =	vmul.f32 v1, v10;
	v6 =	vpop (erf)  }
0x160: {  	[tilespmem:s7+$0x40] =	vst v0;
	v0 =	vmul.f32 v6, v22;
	v8 =	vmul.f32 v6, v30  }
0x161: {  	[tilespmem:s2+$0xFFFFFFA0] =	vst v7  }
0x162: {  	v7 =	vmul.f32 v6, v43;
	[tilespmem:s2+$0xFFFFFFB0] =	vst v0  }
0x163: {  	v0 =	vmul.f32 v6, v38;
	[tilespmem:s2+$0xFFFFFFC0] =	vst v8  }
0x164: {  	v6 =	vmul.f32 v1, v6;
	[tilespmem:s2+$0xFFFFFFD0] =	vst v7;
	v8 =	vpop (erf)  }
0x165: {  	[tilespmem:s2+$0xFFFFFFE0] =	vst v0;
	v7 =	vmul.f32 v8, v32  }
0x166: {  	[tilespmem:s2+$0xFFFFFFF0] =	vst v6;
	v0 =	vmul.f32 v8, v31  }
0x167: {  	v6 =	vmul.f32 v8, v40;
	[tilespmem:s2+$0x0] =	vst v7  }
0x168: {  	v7 =	vmul.f32 v8, v37;
	[tilespmem:s2+$0x10] =	vst v0  }
0x169: {  	v0 =	vmul.f32 v1, v8;
	[tilespmem:s2+$0x20] =	vst v6  }
0x16a: {  	[tilespmem:s2+$0x30] =	vst v7  }
0x16b: {  	[tilespmem:s2+$0x40] =	vst v0  }
0x16c: {  	v0 =	vld [tilespmem:$0x6F00]  }
0x16d: {  	v6 =	vld [tilespmem:$0x6F10]  }
0x16e: {  	v7 =	vld [tilespmem:$0xAD80]  }
0x16f: {  	v8 =	vld [tilespmem:$0xAD90]  }
0x170: {  	v9 =	vld [tilespmem:$0x6F20]  }
0x171: {  	v10 =	vld [tilespmem:$0xADA0]  }
0x172: {  	v11 =	vld [tilespmem:$0x6F30]  }
0x173: {  	v12 =	vld [tilespmem:$0xADB0];
	_ =	sdelay $0x1  }
0x174: {  	v7 =	vadd.f32 v7, v0;
	v8 =	vadd.f32 v8, v6;
	_ =	sdelay $0x1  }
0x175: {  	v10 =	vadd.f32 v10, v9;
	v13 =	vmul.f32 $2.000000030e-01, v7;
	v14 =	vmul.f32 $2.000000030e-01, v8  }
0x176: {  	v12 =	vadd.f32 v12, v11;
	vm0 =	vge.f32 v7, $0.0e+00;
	vm15 =	vge.f32 v8, $0.0e+00  }
0x177: {  	v7 =	vsel vm0, v7, v13;
	v8 =	vsel vm15, v8, v14;
	v13 =	vmul.f32 $2.000000030e-01, v10  }
0x178: {  	vm4 =	vge.f32 v10, $0.0e+00;
	v7 =	vmul.f32 v7, v2;
	v8 =	vmul.f32 v8, v3  }
0x179: {  	v10 =	vsel vm4, v10, v13;
	v13 =	vmul.f32 $2.000000030e-01, v12  }
0x17a: {  	vm5 =	vge.f32 v12, $0.0e+00;
	v7 =	vadd.f32 v8, v7;
	v8 =	vmul.f32 v10, v4  }
0x17b: {  	v10 =	vsel vm5, v12, v13  }
0x17c: {  	v7 =	vadd.f32 v8, v7;
	v8 =	vmul.f32 v10, v5;
	_ =	sdelay $0x1  }
0x17d: {  	v7 =	vadd.f32 v8, v7;
	_ =	sdelay $0x1  }
0x17e: {  	(xrf2) =	vadd.scan.msk.f32 $0xffff, v7;
	_ =	sdelay $0x9  }
0x17f: {  	v7, _, _ =	vpop (xrf2)  }
0x180: {  	v7 =	vmul.f32 $1.442695020e+00, v7;
	_ =	sdelay $0x1  }
0x181: {  	v7 =	vbroadcast v7, $0xF;
	_ =	sdelay $0x1  }
0x182: {  	(erf) = vpow2.f32 v7;
	_ =	sdelay $0x8  }
0x183: {  	v7 =	vpop (erf)  }
0x184: {  	v0 =	vmul.f32 v7, v0  }
0x185: {  	v6 =	vmul.f32 v7, v6  }
0x186: {  	v8 =	vmul.f32 v7, v9;
	[tilespmem:$0xF3C0] =	vst v0  }
0x187: {  	v0 =	vmul.f32 v7, v11;
	[tilespmem:$0xF3D0] =	vst v6  }
0x188: {  	[tilespmem:$0xF3E0] =	vst v8;
	v6 =	vmul.f32 v1, v7  }
0x189: {  	s9 =	sand.u32 $0x3FFFFF00, s3;
	[tilespmem:$0xF3F0] =	vst v0  }
0x18a: {  	s2 =	sadd.s32 $0x2800, s9;
	[tilespmem:$0xF400] =	vst v6  }
0x18b: {  	[spmem:s4] =	stream.indirect.scatter.add.f32 [tilespmem:s23], [sflag:$0x5], $0x50, s2, s16, $0xb8;
	[tilespmem:$0x1E130] =	vst v63  }
0x18c: {  	_ =	swait.ge [sflag:s24], $0x1F40  }
0x18d: {  	[sflag:s24] =	ssyncset.done $0x0  }
0x18e: {  	[sflag:s24] =	ssyncadd.s32 $0xFFFFE0C0  }
0x18f: {  	_ =	swait.ge [sflag:s26], $0x1F40  }
0x190: {  	[sflag:s26] =	ssyncset.done $0x0  }
0x191: {  	s2 =	simm.s32 @!p1 $0x6;
	[sflag:s26] =	ssyncadd.s32 $0xFFFFE0C0  }
0x192: {  	_ =	swait.ge @!p1 [sflag:s2], $0x2710  }
0x193: {  	[sflag:s2] =	ssyncset.done @!p1 $0x0  }
0x194: {  	s10 =	simm.s32 $0x6FC0;
	[sflag:s2] =	ssyncadd.s32 @!p1 $0xFFFFD8F0  }
0x195: {  	v11 =	vld [tilespmem:s10+$0x70]  }
0x196: {  	s13 =	simm.s32 $0xAE40;
	v13 =	vld [tilespmem:s10+$0x50]  }
0x197: {  	v6 =	vld [tilespmem:s13+$0x50]  }
0x198: {  	v14 =	vld [tilespmem:s10+$0x40]  }
0x199: {  	v0 =	vld [tilespmem:s13+$0x40]  }
0x19a: {  	v12 =	vld [tilespmem:s10+$0x60]  }
0x19b: {  	v17 =	vld [tilespmem:s10+$0xFFFFFFC0]  }
0x19c: {  	v7 =	vld [tilespmem:s13+$0x60];
	v6 =	vadd.f32 v6, v13  }
0x19d: {  	v8 =	vld [tilespmem:s13+$0x70]  }
0x19e: {  	v37 =	vld [tilespmem:s10+$0xFFFFFF90];
	v10 =	vmul.f32 $2.000000030e-01, v6  }
0x19f: {  	v15 =	vld [tilespmem:s13+$0xFFFFFF80];
	vm1 =	vge.f32 v6, $0.0e+00  }
0x1a0: {  	v0 =	vadd.f32 v0, v14;
	v6 =	vsel vm1, v6, v10;
	v10 =	vld [tilespmem:s13+$0xFFFFFF90];
	[tilespmem:$0x1FF80] =	vst v17  }
0x1a1: {  	v18 =	vld [tilespmem:s10+$0xFFFFFFD0]  }
0x1a2: {  	v7 =	vadd.f32 v7, v12;
	v9 =	vmul.f32 $2.000000030e-01, v0  }
0x1a3: {  	vm6 =	vge.f32 v0, $0.0e+00  }
0x1a4: {  	v8 =	vadd.f32 v8, v11;
	v0 =	vsel vm6, v0, v9;
	v9 =	vmul.f32 $2.000000030e-01, v7  }
0x1a5: {  	vm7 =	vge.f32 v7, $0.0e+00;
	v0 =	vmul.f32 v0, v2;
	v6 =	vmul.f32 v6, v3  }
0x1a6: {  	v7 =	vsel vm7, v7, v9;
	v9 =	vmul.f32 $2.000000030e-01, v8;
	[tilespmem:$0x1FF90] =	vst v18  }
0x1a7: {  	vm8 =	vge.f32 v8, $0.0e+00;
	v0 =	vadd.f32 v6, v0;
	v6 =	vmul.f32 v7, v4;
	v16 =	vld [tilespmem:s13+$0xFFFFFFC0]  }
0x1a8: {  	v7 =	vsel vm8, v8, v9;
	v8 =	vld [tilespmem:s13+$0xFFFFFFD0]  }
0x1a9: {  	v0 =	vadd.f32 v6, v0;
	v9 =	vmul.f32 v7, v5;
	v6 =	vld [tilespmem:s10+$0x0]  }
0x1aa: {  	v7 =	vld [tilespmem:s10+$0x10]  }
0x1ab: {  	v0 =	vadd.f32 v9, v0;
	v9 =	vadd.f32 v10, v37;
	v10 =	vld [tilespmem:s13+$0x0]  }
0x1ac: {  	v38 =	vld [tilespmem:s10+$0xFFFFFF80]  }
0x1ad: {  	v47 =	vld [tilespmem:s10+$0xFFFFFFA0]  }
0x1ae: {  	v20 =	vld [tilespmem:s13+$0xFFFFFFA0];
	(xrf2) =	vadd.scan.msk.f32 $0xffff, v0  }
0x1af: {  	v0 =	vmul.f32 $2.000000030e-01, v9;
	v16 =	vadd.f32 v16, v17;
	v17 =	vld [tilespmem:s13+$0x10]  }
0x1b0: {  	vm9 =	vge.f32 v9, $0.0e+00  }
0x1b1: {  	v0 =	vsel vm9, v9, v0;
	v18 =	vadd.f32 v8, v18  }
0x1b2: {  	v0 =	vmul.f32 v0, v3;
	v10 =	vadd.f32 v10, v6;
	v15 =	vadd.f32 v15, v38  }
0x1b3: {  	v20 =	vadd.f32 v20, v47;
	v19 =	vmul.f32 $2.000000030e-01, v16;
	vm10 =	vge.f32 v16, $0.0e+00  }
0x1b4: {  	v46 =	vld [tilespmem:s10+$0xFFFFFFB0];
	v9 =	vmul.f32 $2.000000030e-01, v18;
	v24 =	vmul.f32 $2.000000030e-01, v15;
	v17 =	vadd.f32 v17, v7  }
0x1b5: {  	v22 =	vld [tilespmem:s13+$0xFFFFFFB0];
	vm11 =	vge.f32 v18, $0.0e+00;
	vm2 =	vge.f32 v15, $0.0e+00;
	v16 =	vsel vm10, v16, v19  }
0x1b6: {  	v8 =	vld [tilespmem:s10+$0xFFFFFFE0];
	v9 =	vsel vm11, v18, v9;
	v15 =	vsel vm2, v15, v24;
	v23 =	vmul.f32 $2.000000030e-01, v17  }
0x1b7: {  	v19 =	vld [tilespmem:s13+$0xFFFFFFE0];
	v16 =	vmul.f32 v16, v2;
	v21 =	vmul.f32 v9, v3;
	vm13 =	vge.f32 v17, $0.0e+00  }
0x1b8: {  	v24 =	vmul.f32 $2.000000030e-01, v20;
	v9 =	vld [tilespmem:s10+$0x20];
	v15 =	vmul.f32 v15, v2;
	v23 =	vsel vm13, v17, v23;
	v17, _, _ =	vpop (xrf2)  }
0x1b9: {  	vm14 =	vge.f32 v20, $0.0e+00;
	v16 =	vadd.f32 v21, v16;
	v21 =	vld [tilespmem:s13+$0x20];
	v25 =	vmul.f32 $1.442695020e+00, v17  }
0x1ba: {  	v22 =	vadd.f32 v22, v46;
	v0 =	vadd.f32 v0, v15;
	v15 =	vsel vm14, v20, v24;
	v20 =	vld [tilespmem:s13+$0x30]  }
0x1bb: {  	v18 =	vmul.f32 $2.000000030e-01, v10;
	v17 =	vld [tilespmem:s10+$0x30];
	v25 =	vbroadcast v25, $0xF  }
0x1bc: {  	v26 =	vld [tilespmem:s13+$0xFFFFFFF0];
	vm12 =	vge.f32 v10, $0.0e+00;
	vm15 =	vge.f32 v22, $0.0e+00;
	v24 =	vmul.f32 $2.000000030e-01, v22  }
0x1bd: {  	v18 =	vsel vm12, v10, v18;
	v10 =	vld [tilespmem:s10+$0xFFFFFFF0];
	v15 =	vmul.f32 v15, v4;
	(erf) = vpow2.f32 v25  }
0x1be: {  	v22 =	vsel vm15, v22, v24;
	v21 =	vadd.f32 v21, v9  }
0x1bf: {  	v19 =	vadd.f32 v19, v8;
	v0 =	vadd.f32 v15, v0;
	v15 =	vmul.f32 v22, v5  }
0x1c0: {  	v22 =	vmul.f32 v23, v3;
	v23 =	vmul.f32 $2.000000030e-01, v21;
	v20 =	vadd.f32 v20, v17  }
0x1c1: {  	s8 =	simm.s32 $0x70C0;
	v27 =	vmul.f32 $2.000000030e-01, v19;
	vm5 =	vge.f32 v21, $0.0e+00  }
0x1c2: {  	v36 =	vld [tilespmem:s8+$0x70];
	v24 =	vadd.f32 v26, v10;
	v21 =	vsel vm5, v21, v23;
	v23 =	vmul.f32 $2.000000030e-01, v20  }
0x1c3: {  	v35 =	vld [tilespmem:s8+$0x40];
	vm4 =	vge.f32 v19, $0.0e+00  }
0x1c4: {  	v39 =	vld [tilespmem:s8+$0x50];
	v0 =	vadd.f32 v15, v0;
	v19 =	vsel vm4, v19, v27;
	v25 =	vmul.f32 $2.000000030e-01, v24  }
0x1c5: {  	s9 =	simm.s32 $0xAF40;
	v40 =	vld [tilespmem:s8+$0x60];
	vm6 =	vge.f32 v24, $0.0e+00;
	v15 =	vmul.f32 v19, v4;
	vm7 =	vge.f32 v20, $0.0e+00  }
0x1c6: {  	v18 =	vmul.f32 v18, v2;
	v19 =	vld [tilespmem:s9+$0x40];
	v24 =	vsel vm6, v24, v25;
	v20 =	vsel vm7, v20, v23;
	v23 =	vpop (erf)  }
0x1c7: {  	(xrf2) =	vadd.scan.msk.f32 $0xffff, v0;
	v0 =	vld [tilespmem:s9+$0x50];
	v15 =	vadd.f32 v15, v16;
	v16 =	vmul.f32 v24, v5;
	v14 =	vmul.f32 v23, v14  }
0x1c8: {  	v18 =	vadd.f32 v22, v18;
	v22 =	vld [tilespmem:s9+$0x60];
	v21 =	vmul.f32 v21, v4;
	v13 =	vmul.f32 v23, v13  }
0x1c9: {  	v24 =	vld [tilespmem:s9+$0x70];
	v16 =	vadd.f32 v16, v15;
	v12 =	vmul.f32 v23, v12;
	[tilespmem:$0x1FF40] =	vst v14  }
0x1ca: {  	v18 =	vadd.f32 v21, v18;
	v11 =	vmul.f32 v23, v11;
	v15 =	vld [tilespmem:s8+$0xFFFFFF90];
	[tilespmem:$0x1FF50] =	vst v13  }
0x1cb: {  	v20 =	vmul.f32 v20, v5;
	(xrf2) =	vadd.scan.msk.f32 $0xffff, v16;
	v13 =	vadd.f32 v19, v35;
	v16 =	vld [tilespmem:s9+$0xFFFFFF80];
	[tilespmem:$0x1FF60] =	vst v12  }
0x1cc: {  	v0 =	vadd.f32 v0, v39;
	[tilespmem:$0x1FF70] =	vst v11  }
0x1cd: {  	v14 =	vadd.f32 v20, v18;
	v18 =	vld [tilespmem:s9+$0xFFFFFF90];
	v19 =	vmul.f32 $2.000000030e-01, v13  }
0x1ce: {  	v20 =	vmul.f32 $2.000000030e-01, v0;
	v11 =	vld [tilespmem:s8+$0xFFFFFFC0]  }
0x1cf: {  	v21 =	vadd.f32 v22, v40;
	vm9 =	vge.f32 v0, $0.0e+00;
	v22 =	vadd.f32 v24, v36;
	(xrf2) =	vadd.scan.msk.f32 $0xffff, v14;
	v12 =	vld [tilespmem:s8+$0xFFFFFFD0]  }
0x1d0: {  	v48 =	vmul.f32 v1, v23;
	v0 =	vsel vm9, v0, v20;
	vm8 =	vge.f32 v13, $0.0e+00;
	v23 =	vld [tilespmem:s9+$0xFFFFFFC0]  }
0x1d1: {  	v14 =	vmul.f32 $2.000000030e-01, v21;
	v20 =	vld [tilespmem:s9+$0xFFFFFFD0];
	v0 =	vmul.f32 v0, v3;
	v13 =	vsel vm8, v13, v19;
	v19, _, _ =	vpop (xrf2)  }
0x1d2: {  	vm10 =	vge.f32 v21, $0.0e+00;
	v25 =	vld [tilespmem:s9+$0x0];
	v24 =	vmul.f32 v13, v2;
	v30 =	vmul.f32 $1.442695020e+00, v19  }
0x1d3: {  	v27 =	vld [tilespmem:s9+$0xFFFFFFA0];
	v18 =	vadd.f32 v18, v15;
	v19 =	vsel vm10, v21, v14;
	v21 =	vmul.f32 $2.000000030e-01, v22  }
0x1d4: {  	vm11 =	vge.f32 v22, $0.0e+00;
	v13 =	vld [tilespmem:s8+$0x0];
	v0 =	vadd.f32 v0, v24;
	v19 =	vmul.f32 v19, v4  }
0x1d5: {  	v14 =	vld [tilespmem:s8+$0x10];
	vm12 =	vge.f32 v18, $0.0e+00;
	v24 =	vmul.f32 $2.000000030e-01, v18;
	v21 =	vsel vm11, v22, v21  }
0x1d6: {  	v22 =	vadd.f32 v23, v11;
	v23 =	vld [tilespmem:s9+$0x10];
	v0 =	vadd.f32 v19, v0;
	v26 =	vmul.f32 v21, v5  }
0x1d7: {  	v30 =	vbroadcast v30, $0xF;
	v21 =	vld [tilespmem:s8+$0xFFFFFF80];
	v18 =	vsel vm12, v18, v24  }
0x1d8: {  	v57 =	vld [tilespmem:s9+$0x20];
	v24 =	vadd.f32 v20, v12;
	v19, _, _ =	vpop (xrf2);
	v0 =	vadd.f32 v26, v0;
	v26 =	vmul.f32 v18, v3  }
0x1d9: {  	v20 =	vld [tilespmem:s8+$0xFFFFFFA0];
	vm13 =	vge.f32 v22, $0.0e+00;
	v31 =	vmul.f32 $1.442695020e+00, v19;
	v19 =	vmul.f32 $2.000000030e-01, v22;
	v28, _, _ =	vpop (xrf2)  }
0x1da: {  	v51 =	vld [tilespmem:s9+$0xFFFFFFB0];
	vm14 =	vge.f32 v24, $0.0e+00;
	v29 =	vmul.f32 $2.000000030e-01, v24;
	(xrf2) =	vadd.scan.msk.f32 $0xffff, v0;
	v0 =	vmul.f32 $1.442695020e+00, v28  }
0x1db: {  	v18 =	vld [tilespmem:s8+$0xFFFFFFE0];
	v23 =	vadd.f32 v23, v14;
	v19 =	vsel vm13, v22, v19;
	v22 =	vadd.f32 v25, v13  }
0x1dc: {  	v28 =	vld [tilespmem:s9+$0xFFFFFFE0];
	v24 =	vsel vm14, v24, v29;
	v29 =	vadd.f32 v16, v21;
	v19 =	vmul.f32 v19, v2  }
0x1dd: {  	v16 =	vld [tilespmem:s8+$0x20];
	v24 =	vmul.f32 v24, v3;
	vm4 =	vge.f32 v23, $0.0e+00;
	v58 =	vmul.f32 $2.000000030e-01, v23  }
0x1de: {  	v25 =	vld [tilespmem:s8+$0xFFFFFFB0];
	v27 =	vadd.f32 v27, v20;
	vm15 =	vge.f32 v22, $0.0e+00;
	v56 =	vmul.f32 $2.000000030e-01, v22  }
0x1df: {  	vm5 =	vge.f32 v29, $0.0e+00;
	v59 =	vmul.f32 $2.000000030e-01, v29;
	v52 =	vadd.f32 v24, v19  }
0x1e0: {  	s2 =	simm.s32 $0xB040;
	v60 =	vld [tilespmem:s9+$0xFFFFFFF0];
	vm6 =	vge.f32 v27, $0.0e+00;
	v19 =	vsel vm15, v22, v56;
	v22 =	vsel vm4, v23, v58  }
0x1e1: {  	v44 =	vld [tilespmem:s2+$0x70];
	v23 =	vsel vm5, v29, v59;
	v24 =	vadd.f32 v28, v18;
	v28 =	vmul.f32 $2.000000030e-01, v27  }
0x1e2: {  	v29 =	vld [tilespmem:s8+$0xFFFFFFF0];
	v23 =	vmul.f32 v23, v2;
	v61 =	vmul.f32 v19, v2;
	v43 =	vadd.f32 v57, v16  }
0x1e3: {  	v56 =	vld [tilespmem:s2+$0x40];
	v22 =	vmul.f32 v22, v3;
	v51 =	vadd.f32 v51, v25;
	v62 =	vmul.f32 $2.000000030e-01, v24  }
0x1e4: {  	v19 =	vld [tilespmem:s8+$0x30];
	v27 =	vsel vm6, v27, v28;
	vm7 =	vge.f32 v24, $0.0e+00;
	v23 =	vadd.f32 v26, v23  }
0x1e5: {  	v28 =	vld [tilespmem:s9+$0x30];
	vm8 =	vge.f32 v43, $0.0e+00;
	v53 =	vmul.f32 $2.000000030e-01, v43;
	v22 =	vadd.f32 v22, v61  }
0x1e6: {  	s10 =	simm.s32 $0x71C0;
	v58 =	vld [tilespmem:s2+$0x50];
	v54 =	vmul.f32 $2.000000030e-01, v51;
	v34 =	vmul.f32 v27, v4;
	vm9 =	vge.f32 v51, $0.0e+00  }
0x1e7: {  	v27 =	vld [tilespmem:s10+$0x50];
	v50 =	vsel vm7, v24, v62;
	v26, _, _ =	vpop (xrf2);
	v32 =	vadd.f32 v60, v29;
	v43 =	vsel vm8, v43, v53  }
0x1e8: {  	v50 =	vmul.f32 v50, v4;
	v45 =	vsel vm9, v51, v54;
	v63 =	vmul.f32 $1.442695020e+00, v26;
	v26 =	vld [tilespmem:s10+$0x40]  }
0x1e9: {  	v53 =	vadd.f32 v34, v23;
	v60 =	vld [tilespmem:s2+$0x60];
	v43 =	vmul.f32 v43, v4;
	v61 =	vmul.f32 v45, v5  }
0x1ea: {  	v55 =	vadd.f32 v28, v19;
	v57 =	vmul.f32 $2.000000030e-01, v32;
	vm10 =	vge.f32 v32, $0.0e+00;
	v28 =	vld [tilespmem:s10+$0x60]  }
0x1eb: {  	v24 =	vld [tilespmem:s10+$0x70];
	v50 =	vadd.f32 v50, v52;
	v49 =	vbroadcast v63, $0xF;
	v43 =	vadd.f32 v43, v22  }
0x1ec: {  	v63 =	vadd.f32 v58, v27;
	vm11 =	vge.f32 v55, $0.0e+00;
	v59 =	vmul.f32 $2.000000030e-01, v55  }
0x1ed: {  	v23 =	vsel vm10, v32, v57;
	(erf) = vpow2.f32 v49;
	v62 =	vadd.f32 v56, v26  }
0x1ee: {  	v45 =	vmul.f32 v23, v5;
	vm13 =	vge.f32 v63, $0.0e+00;
	v22 =	vsel vm11, v55, v59  }
0x1ef: {  	v59 =	vmul.f32 $2.000000030e-01, v63;
	v52 =	vadd.f32 v60, v28;
	v41 =	vmul.f32 $2.000000030e-01, v62  }
0x1f0: {  	v49 =	vadd.f32 v44, v24;
	v54 =	vmul.f32 v22, v5;
	vm12 =	vge.f32 v62, $0.0e+00  }
0x1f1: {  	v51 =	vld [tilespmem:s2+$0xFFFFFFD0];
	v42 =	vsel vm13, v63, v59;
	v44 =	vmul.f32 $2.000000030e-01, v52;
	v32 =	vsel vm12, v62, v41  }
0x1f2: {  	v58 =	vld [tilespmem:s2+$0xFFFFFF90];
	v55 =	vmul.f32 v42, v3;
	vm14 =	vge.f32 v52, $0.0e+00;
	v60 =	vmul.f32 v32, v2  }
0x1f3: {  	v22 =	vld [tilespmem:s10+$0xFFFFFFC0];
	v50 =	vadd.f32 v45, v50;
	v45 =	vmul.f32 $2.000000030e-01, v49;
	v52 =	vsel vm14, v52, v44  }
0x1f4: {  	vm15 =	vge.f32 v49, $0.0e+00;
	v59 =	vld [tilespmem:s2+$0xFFFFFFC0];
	v52 =	vmul.f32 v52, v4;
	v55 =	vadd.f32 v55, v60  }
0x1f5: {  	v53 =	vadd.f32 v61, v53;
	v23 =	vld [tilespmem:s10+$0xFFFFFF90];
	v49 =	vsel vm15, v49, v45  }
0x1f6: {  	(erf) = vpow2.f32 v30;
	v30 =	vld [tilespmem:s10+$0xFFFFFFD0];
	v49 =	vmul.f32 v49, v5;
	v52 =	vadd.f32 v52, v55  }
0x1f7: {  	(xrf2) =	vadd.scan.msk.f32 $0xffff, v53;
	v53 =	vld [tilespmem:s2+$0x10];
	v43 =	vadd.f32 v54, v43;
	v60 =	vpop (erf)  }
0x1f8: {  	v31 =	vbroadcast v31, $0xF;
	(xrf2) =	vadd.scan.msk.f32 $0xffff, v50;
	v54 =	vmul.f32 v60, v36;
	v36 =	vld [tilespmem:s10+$0xFFFFFFA0];
	v49 =	vadd.f32 v49, v52  }
0x1f9: {  	(xrf2) =	vadd.scan.msk.f32 $0xffff, v43;
	v52 =	vmul.f32 v60, v40;
	v40 =	vadd.f32 v59, v22;
	v59 =	vld [tilespmem:s2+$0xFFFFFFA0]  }
0x1fa: {  	(erf) = vpow2.f32 v31;
	v31 =	vld [tilespmem:s10+$0x10];
	v63 =	vadd.f32 v58, v23;
	(xrf2) =	vadd.scan.msk.f32 $0xffff, v49  }
0x1fb: {  	v61 =	vld [tilespmem:s2+$0x0];
	v51 =	vadd.f32 v51, v30  }
0x1fc: {  	v32 =	vld [tilespmem:s10+$0x0];
	v33 =	vmul.f32 $2.000000030e-01, v63  }
0x1fd: {  	v57 =	vld [tilespmem:s2+$0xFFFFFF80];
	vm4 =	vge.f32 v63, $0.0e+00;
	v44 =	vmul.f32 $2.000000030e-01, v51;
	vm6 =	vge.f32 v51, $0.0e+00  }
0x1fe: {  	v45 =	vmul.f32 v60, v35;
	v35 =	vld [tilespmem:s10+$0xFFFFFF80];
	v34 =	vmul.f32 $2.000000030e-01, v40;
	v59 =	vadd.f32 v59, v36  }
0x1ff: {  	v50 =	vmul.f32 v60, v39;
	v39 =	vadd.f32 v53, v31;
	v55 =	vpop (erf);
	vm5 =	vge.f32 v40, $0.0e+00  }
0x200: {  	v49 =	vmul.f32 v55, v37;
	v37 =	vsel vm5, v40, v34;
	v34 =	vmul.f32 $2.000000030e-01, v59  }
0x201: {  	v61 =	vadd.f32 v61, v32;
	v58 =	vmul.f32 v55, v38;
	v38 =	vsel vm4, v63, v33;
	v63, _, _ =	vpop (xrf2)  }
0x202: {  	v51 =	vsel vm6, v51, v44;
	v62 =	vmul.f32 $2.000000030e-01, v39;
	v44, _, _ =	vpop (xrf2)  }
0x203: {  	v53 =	vadd.f32 v57, v35;
	v57 =	vmul.f32 $2.000000030e-01, v61;
	v42, _, _ =	vpop (xrf2);
	vm10 =	vge.f32 v59, $0.0e+00  }
0x204: {  	vm7 =	vge.f32 v61, $0.0e+00;
	vm8 =	vge.f32 v39, $0.0e+00;
	v59 =	vsel vm10, v59, v34;
	v34, _, _ =	vpop (xrf2)  }
0x205: {  	s13 =	simm.s32 $0xF4B0;
	v57 =	vsel vm7, v61, v57;
	v61 =	vsel vm8, v39, v62;
	v62 =	vmul.f32 $1.442695020e+00, v34  }
0x206: {  	[tilespmem:s13+$0x90] =	vst v48  }
0x207: {  	v48 =	vmul.f32 v61, v3;
	v61 =	vbroadcast v62, $0xF;
	v62 =	vld [tilespmem:$0x1FF40];
	_ =	sdelay $0x4  }
0x208: {  	[tilespmem:s13+$0x50] =	vst v62  }
0x209: {  	v62 =	vmul.f32 $1.442695020e+00, v63;
	v63 =	vld [tilespmem:$0x1FF50];
	_ =	sdelay $0x2  }
0x20a: {  	v0 =	vbroadcast v0, $0xF  }
0x20b: {  	v43 =	vld [tilespmem:s10+$0xFFFFFFE0]  }
0x20c: {  	(erf) = vpow2.f32 v0;
	v33 =	vld [tilespmem:s2+$0xFFFFFFE0];
	[tilespmem:s13+$0x60] =	vst v63  }
0x20d: {  	(erf) = vpow2.f32 v61;
	v61 =	vld [tilespmem:$0x1FF60];
	_ =	sdelay $0x1  }
0x20e: {  	v41 =	vld [tilespmem:s2+$0xFFFFFFB0]  }
0x20f: {  	v39 =	vld [tilespmem:s10+$0xFFFFFFB0];
	_ =	sdelay $0x1  }
0x210: {  	v56 =	vmul.f32 v1, v60;
	v0 =	vmul.f32 $2.000000030e-01, v53;
	v60 =	vadd.f32 v33, v43;
	[tilespmem:s13+$0x70] =	vst v61  }
0x211: {  	s8 =	simm.s32 $0xF5F0;
	v51 =	vmul.f32 v51, v3;
	vm9 =	vge.f32 v53, $0.0e+00;
	v61 =	vld [tilespmem:$0x1FF70]  }
0x212: {  	v47 =	vmul.f32 v55, v47;
	v0 =	vsel vm9, v53, v0;
	v53 =	vmul.f32 $2.000000030e-01, v60;
	[tilespmem:s8+$0x90] =	vst v56  }
0x213: {  	v46 =	vmul.f32 v55, v46;
	vm11 =	vge.f32 v60, $0.0e+00;
	v41 =	vadd.f32 v41, v39;
	[tilespmem:s13+$0xFFFFFF60] =	vst v58  }
0x214: {  	v40 =	vld [tilespmem:s10+$0x20];
	v0 =	vmul.f32 v0, v2;
	v53 =	vsel vm11, v60, v53;
	v60 =	vmul.f32 v38, v3;
	[tilespmem:s13+$0xFFFFFF70] =	vst v49  }
0x215: {  	v37 =	vmul.f32 v37, v2;
	v33 =	vld [tilespmem:s2+$0x20];
	v56 =	vmul.f32 $2.000000030e-01, v41;
	[tilespmem:s13+$0xFFFFFF80] =	vst v47  }
0x216: {  	v0 =	vadd.f32 v60, v0;
	vm13 =	vge.f32 v41, $0.0e+00;
	[tilespmem:s13+$0x80] =	vst v61;
	v61 =	vmul.f32 v59, v4  }
0x217: {  	v51 =	vadd.f32 v51, v37;
	v37 =	vld [tilespmem:s10+$0x30];
	[tilespmem:s13+$0xFFFFFF90] =	vst v46;
	v41 =	vsel vm13, v41, v56  }
0x218: {  	v38 =	vld [tilespmem:s10+$0xFFFFFFF0];
	[tilespmem:s8+$0x50] =	vst v45;
	v41 =	vmul.f32 v41, v5;
	v0 =	vadd.f32 v61, v0  }
0x219: {  	v60 =	vld [tilespmem:s2+$0x30];
	[tilespmem:s8+$0x60] =	vst v50  }
0x21a: {  	v57 =	vmul.f32 v57, v2;
	v33 =	vadd.f32 v33, v40;
	v34 =	vld [tilespmem:s2+$0xFFFFFFF0];
	[tilespmem:s8+$0x70] =	vst v52;
	v0 =	vadd.f32 v41, v0  }
0x21b: {  	[tilespmem:s8+$0x80] =	vst v54  }
0x21c: {  	v42 =	vmul.f32 $1.442695020e+00, v42;
	v48 =	vadd.f32 v48, v57;
	v57 =	vmul.f32 $2.000000030e-01, v33;
	(xrf2) =	vadd.scan.msk.f32 $0xffff, v0;
	v0 =	vld [tilespmem:$0x1FF80]  }
0x21d: {  	vm12 =	vge.f32 v33, $0.0e+00  }
0x21e: {  	v44 =	vmul.f32 $1.442695020e+00, v44;
	v33 =	vsel vm12, v33, v57;
	v63 =	vadd.f32 v60, v37  }
0x21f: {  	v53 =	vmul.f32 v53, v4;
	v33 =	vmul.f32 v33, v4;
	v34 =	vadd.f32 v34, v38  }
0x220: {  	v60 =	vmul.f32 $2.000000030e-01, v63;
	v46 =	vbroadcast v42, $0xF;
	v42 =	vpop (erf)  }
0x221: {  	v33 =	vadd.f32 v33, v48;
	v59 =	vmul.f32 $2.000000030e-01, v34;
	v49 =	vmul.f32 v42, v0;
	v0 =	vld [tilespmem:$0x1FF90]  }
0x222: {  	v48 =	vbroadcast v44, $0xF;
	vm14 =	vge.f32 v34, $0.0e+00;
	vm15 =	vge.f32 v63, $0.0e+00  }
0x223: {  	v34 =	vsel vm14, v34, v59;
	v61 =	vsel vm15, v63, v60;
	v63 =	vbroadcast v62, $0xF  }
0x224: {  	v51 =	vadd.f32 v53, v51;
	v34 =	vmul.f32 v34, v5;
	v45 =	vmul.f32 v61, v5  }
0x225: {  	v50 =	vmul.f32 v1, v55;
	(erf) = vpow2.f32 v63  }
0x226: {  	s7 =	simm.s32 $0xF5F0;
	s9 =	simm.s32 $0x8;
	s10 =	simm.s32 $0x72C0;
	v41 =	vpop (erf);
	v47 =	vadd.f32 v34, v51;
	v45 =	vadd.f32 v45, v33;
	v34 =	vmul.f32 v42, v0  }
.LBB2_9:
0x227: {  	v0 =	vld [tilespmem:s10+$0x70];
	v44 =	vpop (erf);
	(erf) = vpow2.f32 v48;
	[tilespmem:s13+$0xFFFFFFA0] =	vst v50;
	v48 =	vmul.f32 v42, v8;
	v33 =	vmov v30  }
0x228: {  	v8 =	vmovc v18;
	v30 =	vld [tilespmem:s10+$0x40];
	v50 =	vmul.f32 v1, v44;
	(xrf2) =	vadd.scan.msk.f32 $0xffff, v47;
	(erf) = vpow2.f32 v46;
	[tilespmem:s13+$0xFFFFFFB0] =	vst v49  }
0x229: {  	s2 =	sadd.s32 $0x100, s2;
	s8 =	sadd.s32 $0x140, s8;
	v18 =	vmovc v43;
	v47 =	vmul.f32 v42, v10;
	v10 =	vmov v29;
	v46 =	vld [tilespmem:s10+$0x50];
	[tilespmem:s13+$0xFFFFFFC0] =	vst v34;
	v34 =	vmul.f32 v1, v42  }
0x22a: {  	v43 =	vmul.f32 v41, v7;
	v42 =	vmul.f32 v41, v6;
	v6 =	vmovc v13;
	v13 =	vmov v32;
	v29 =	vld [tilespmem:s2+$0x40];
	[tilespmem:s8+$0x90] =	vst v50  }
0x22b: {  	s9 =	sadd.s32 $0x4, s9;
	v17 =	vmul.f32 v41, v17;
	v7 =	vmovc v14;
	v32 =	vld [tilespmem:s2+$0x50];
	(xrf2) =	vadd.scan.msk.f32 $0xffff, v45;
	[tilespmem:s13+$0xFFFFFFD0] =	vst v48;
	v48 =	vmul.f32 v41, v9  }
0x22c: {  	v14 =	vmovc v31;
	p1 =	slt.u32 s9, $0x78;
	v50 =	vmul.f32 v44, v26;
	v9 =	vmov v16;
	v49 =	vld [tilespmem:s10+$0x60];
	[tilespmem:s13+$0xFFFFFFE0] =	vst v47;
	v47 =	vmul.f32 v1, v41  }
0x22d: {  	v51 =	vmul.f32 v44, v27;
	v52 =	vmul.f32 v44, v28;
	v16 =	vmovc v40;
	v31 =	vld [tilespmem:s2+$0x60];
	[tilespmem:s13+$0xFFFFFFF0] =	vst v34;
	v26 =	vmov v30  }
0x22e: {  	v53 =	vmul.f32 v44, v24;
	v24 =	vmov v0;
	v40 =	vld [tilespmem:s2+$0x70];
	v34 =	vpop (erf);
	[tilespmem:s13+$0x0] =	vst v42;
	v27 =	vmov v46  }
0x22f: {  	v0, _, _ =	vpop (xrf2);
	v21 =	vmul.f32 v34, v21;
	v30 =	vmul.f32 v34, v15;
	[tilespmem:s13+$0x10] =	vst v43;
	v15 =	vmov v23;
	v23 =	vld [tilespmem:s10+$0xFFFFFF90]  }
0x230: {  	v29 =	vadd.f32 v29, v26;
	v46 =	vld [tilespmem:s2+$0xFFFFFF80];
	v32 =	vadd.f32 v32, v27;
	v45 =	vmul.f32 $1.442695020e+00, v0;
	v42 =	vpop (erf);
	[tilespmem:s13+$0x20] =	vst v48  }
0x231: {  	v54 =	vmul.f32 v34, v20;
	v55 =	vmul.f32 v34, v25;
	v0 =	vld [tilespmem:s2+$0xFFFFFF90];
	[tilespmem:s7+$0xFFFFFF60] =	vst v21;
	v41 =	vpop (erf);
	v28 =	vmov v49  }
0x232: {  	v43 =	vmul.f32 $2.000000030e-01, v29;
	v44 =	vld [tilespmem:s10+$0xFFFFFFC0];
	v48 =	vmul.f32 $2.000000030e-01, v32;
	v31 =	vadd.f32 v31, v28;
	v49, _, _ =	vpop (xrf2);
	[tilespmem:s7+$0xFFFFFF70] =	vst v30  }
0x233: {  	v20 =	vmovc v36;
	vm0 =	vge.f32 v29, $0.0e+00;
	vm1 =	vge.f32 v32, $0.0e+00;
	v30 =	vld [tilespmem:s10+$0xFFFFFFD0];
	v40 =	vadd.f32 v40, v24;
	[tilespmem:s7+$0xFFFFFF80] =	vst v54;
	v21 =	vmovc v35  }
0x234: {  	v25 =	vmovc v39;
	v56 =	vsel vm0, v29, v43;
	v35 =	vld [tilespmem:s2+$0xFFFFFFC0];
	v32 =	vsel vm1, v32, v48;
	v36 =	vmul.f32 $2.000000030e-01, v31;
	[tilespmem:s7+$0xFFFFFF90] =	vst v55  }
0x235: {  	v43 =	vmul.f32 v56, v2;
	vm0 =	vge.f32 v31, $0.0e+00;
	v39 =	vld [tilespmem:s2+$0xFFFFFFD0];
	v48 =	vmul.f32 v32, v3;
	v54, _, _ =	vpop (xrf2);
	[tilespmem:s13+$0x30] =	vst v17  }
0x236: {  	v29 =	vmovc v38;
	v0 =	vadd.f32 v0, v23;
	v32 =	vld [tilespmem:s10+$0x0];
	v55 =	vsel vm0, v31, v36;
	v36 =	vmul.f32 $2.000000030e-01, v40;
	[tilespmem:s13+$0x40] =	vst v47;
	s13 =	smov.u32 s7;
	s7 =	smov.u32 s8  }
0x237: {  	v17 =	vmovc v19;
	vm0 =	vge.f32 v40, $0.0e+00;
	v31 =	vld [tilespmem:s10+$0x10];
	v38 =	vadd.f32 v48, v43;
	v43 =	vmul.f32 v55, v4;
	[tilespmem:s8+$0x50] =	vst v50  }
0x238: {  	v19 =	vmovc v37;
	vm1 =	vge.f32 v0, $0.0e+00;
	v47 =	vmul.f32 $2.000000030e-01, v0;
	v48 =	vld [tilespmem:s2+$0x0];
	v36 =	vsel vm0, v40, v36;
	[tilespmem:s8+$0x60] =	vst v51  }
0x239: {  	v37 =	vadd.f32 v35, v44;
	v40 =	vld [tilespmem:s2+$0x10];
	v38 =	vadd.f32 v43, v38;
	v43 =	vmul.f32 v36, v5;
	[tilespmem:s8+$0x70] =	vst v52  }
0x23a: {  	v35 =	vld [tilespmem:s10+$0xFFFFFF80];
	v0 =	vsel vm1, v0, v47;
	v39 =	vadd.f32 v39, v30;
	v47 =	vmul.f32 $1.442695020e+00, v49;
	[tilespmem:s8+$0x80] =	vst v53  }
0x23b: {  	v36 =	vld [tilespmem:s10+$0xFFFFFFA0];
	vm0 =	vge.f32 v37, $0.0e+00;
	v49 =	vmul.f32 $2.000000030e-01, v37;
	v38 =	vadd.f32 v43, v38  }
0x23c: {  	v0 =	vmul.f32 v0, v3;
	v50 =	vld [tilespmem:s2+$0xFFFFFFA0];
	vm1 =	vge.f32 v39, $0.0e+00;
	v51 =	vmul.f32 $2.000000030e-01, v39  }
0x23d: {  	v43 =	vld [tilespmem:s10+$0xFFFFFFE0];
	v37 =	vsel vm0, v37, v49;
	v48 =	vadd.f32 v48, v32;
	(xrf2) =	vadd.scan.msk.f32 $0xffff, v38;
	v49 =	vmul.f32 $1.442695020e+00, v54  }
0x23e: {  	v37 =	vmul.f32 v37, v2;
	v38 =	vsel vm1, v39, v51;
	v51 =	vld [tilespmem:s2+$0xFFFFFFE0];
	v52 =	vadd.f32 v40, v31  }
0x23f: {  	v46 =	vadd.f32 v46, v35;
	v40 =	vld [tilespmem:s10+$0x20];
	vm0 =	vge.f32 v48, $0.0e+00;
	v53 =	vmul.f32 $2.000000030e-01, v48  }
0x240: {  	v38 =	vmul.f32 v38, v3;
	vm1 =	vge.f32 v52, $0.0e+00;
	v54 =	vmul.f32 $2.000000030e-01, v52;
	v55 =	vld [tilespmem:s2+$0x20]  }
0x241: {  	v39 =	vld [tilespmem:s10+$0xFFFFFFB0];
	vm2 =	vge.f32 v46, $0.0e+00;
	v56 =	vmul.f32 $2.000000030e-01, v46;
	v50 =	vadd.f32 v50, v36  }
0x242: {  	v58 =	vadd.f32 v38, v37;
	v37 =	vsel vm0, v48, v53;
	v57 =	vld [tilespmem:s2+$0xFFFFFFB0];
	v48 =	vsel vm1, v52, v54  }
0x243: {  	v46 =	vsel vm2, v46, v56;
	v52 =	vmul.f32 $2.000000030e-01, v50;
	v38 =	vld [tilespmem:s10+$0xFFFFFFF0];
	v51 =	vadd.f32 v51, v43  }
0x244: {  	v54 =	vmul.f32 v37, v2;
	vm0 =	vge.f32 v50, $0.0e+00;
	v46 =	vmul.f32 v46, v2;
	v53 =	vld [tilespmem:s2+$0xFFFFFFF0]  }
0x245: {  	v48 =	vmul.f32 v48, v3;
	v56 =	vmul.f32 $2.000000030e-01, v51;
	v37 =	vld [tilespmem:s10+$0x30];
	v55 =	vadd.f32 v55, v40  }
0x246: {  	v0 =	vadd.f32 v0, v46;
	v46 =	vsel vm0, v50, v52;
	vm0 =	vge.f32 v51, $0.0e+00;
	v50 =	vld [tilespmem:s2+$0x30]  }
0x247: {  	v52 =	vadd.f32 v57, v39;
	vm1 =	vge.f32 v55, $0.0e+00;
	v57 =	vmul.f32 $2.000000030e-01, v55;
	v59, _, _ =	vpop (xrf2)  }
0x248: {  	v48 =	vadd.f32 v48, v54;
	v51 =	vsel vm0, v51, v56;
	v54 =	vmul.f32 $1.442695020e+00, v59  }
0x249: {  	v56 =	vmul.f32 $2.000000030e-01, v52;
	v53 =	vadd.f32 v53, v38;
	v55 =	vsel vm1, v55, v57  }
0x24a: {  	v46 =	vmul.f32 v46, v4;
	vm0 =	vge.f32 v52, $0.0e+00;
	v54 =	vbroadcast v54, $0xF  }
0x24b: {  	v51 =	vmul.f32 v51, v4;
	v57 =	vmul.f32 $2.000000030e-01, v53;
	v50 =	vadd.f32 v50, v37  }
0x24c: {  	v55 =	vmul.f32 v55, v4;
	vm1 =	vge.f32 v53, $0.0e+00;
	(erf) = vpow2.f32 v54  }
0x24d: {  	v52 =	vsel vm0, v52, v56;
	vm0 =	vge.f32 v50, $0.0e+00;
	v54 =	vmul.f32 $2.000000030e-01, v50  }
0x24e: {  	v0 =	vadd.f32 v46, v0;
	v46 =	vadd.f32 v51, v58;
	v51 =	vsel vm1, v53, v57  }
0x24f: {  	v52 =	vmul.f32 v52, v5;
	v53 =	vadd.f32 v55, v48;
	v48 =	vsel vm0, v50, v54  }
.Ltmp5:
0x250: {  	v50 =	vmul.f32 v51, v5;
	v51 =	vmul.f32 v48, v5;
	(pc) =	sbr.rel @p1 .LBB2_9-.Ltmp5, $4  }
0x251: {  	v0 =	vadd.f32 v52, v0;
	v52 =	vbroadcast v45, $0xF;
	v48 =	vbroadcast v47, $0xF  }
0x252: {  	v47 =	vadd.f32 v50, v46;
	v46 =	vbroadcast v49, $0xF;
	v45 =	vadd.f32 v51, v53  }
0x253: {  	v50 =	vmul.f32 v1, v34;
	(xrf2) =	vadd.scan.msk.f32 $0xffff, v0;
	(erf) = vpow2.f32 v52  }
0x254: {  	s10 =	sadd.s32 $0x100, s10;
	v49 =	vmul.f32 v42, v11;
	v34 =	vmul.f32 v42, v12;
	v11 =	vmovc v22;
	v22 =	vmovc v44;
	v12 =	vmov v33  }
0x255: {  	[tilespmem:s13+$0xFFFFFFA0] =	vst v50  }
0x256: {  	v8 =	vmul.f32 v42, v8;
	[tilespmem:s13+$0xFFFFFFB0] =	vst v49  }
0x257: {  	v10 =	vmul.f32 v42, v10;
	[tilespmem:s13+$0xFFFFFFC0] =	vst v34  }
0x258: {  	v61 =	vmul.f32 v1, v42;
	[tilespmem:s13+$0xFFFFFFD0] =	vst v8  }
0x259: {  	v6 =	vmul.f32 v41, v6;
	[tilespmem:s13+$0xFFFFFFE0] =	vst v10  }
0x25a: {  	v7 =	vmul.f32 v41, v7;
	[tilespmem:s13+$0xFFFFFFF0] =	vst v61  }
0x25b: {  	v0 =	vpop (erf);
	v62 =	vmul.f32 v41, v9;
	[tilespmem:s13+$0x0] =	vst v6  }
0x25c: {  	(xrf2) =	vadd.scan.msk.f32 $0xffff, v47;
	v33 =	vmul.f32 v1, v0;
	[tilespmem:s13+$0x10] =	vst v7  }
0x25d: {  	s2 =	sadd.s32 $0x140, s8;
	v34 =	vmul.f32 v0, v28;
	[tilespmem:s13+$0x20] =	vst v62;
	v63 =	vpop (erf)  }
0x25e: {  	[tilespmem:s2+$0x90] =	vst v33;
	(erf) = vpow2.f32 v48;
	v6 =	vmul.f32 v63, v21  }
0x25f: {  	[tilespmem:s2+$0x70] =	vst v34;
	v7 =	vmul.f32 v63, v15  }
0x260: {  	v20 =	vmul.f32 v63, v20;
	[tilespmem:s7+$0xFFFFFF60] =	vst v6  }
0x261: {  	v21, _, _ =	vpop (xrf2);
	(erf) = vpow2.f32 v46;
	v6 =	vmul.f32 v63, v25;
	[tilespmem:s7+$0xFFFFFF70] =	vst v7  }
0x262: {  	v10 =	vmul.f32 $1.442695020e+00, v21;
	v7 =	vmul.f32 v41, v17;
	[tilespmem:s7+$0xFFFFFF80] =	vst v20  }
0x263: {  	(xrf2) =	vadd.scan.msk.f32 $0xffff, v45;
	v25 =	vmul.f32 v1, v41;
	[tilespmem:s7+$0xFFFFFF90] =	vst v6;
	v6 =	vmul.f32 v0, v26  }
0x264: {  	v33 =	vbroadcast v10, $0xF;
	[tilespmem:s13+$0x30] =	vst v7  }
0x265: {  	v7 =	vmul.f32 v0, v27;
	[tilespmem:s13+$0x40] =	vst v25  }
0x266: {  	v41, _, _ =	vpop (xrf2);
	v0 =	vmul.f32 v0, v24;
	(erf) = vpow2.f32 v33;
	[tilespmem:s2+$0x50] =	vst v6  }
0x267: {  	[tilespmem:s2+$0x60] =	vst v7;
	v7 =	vmul.f32 v1, v63;
	v6 =	vpop (erf)  }
0x268: {  	v8 =	vmul.f32 $1.442695020e+00, v41;
	[tilespmem:s2+$0x80] =	vst v0;
	v0 =	vmul.f32 v6, v11  }
0x269: {  	[tilespmem:s7+$0xFFFFFFA0] =	vst v7;
	v42 =	vmul.f32 v6, v12;
	v7 =	vmul.f32 v6, v18  }
0x26a: {  	[tilespmem:s7+$0xFFFFFFB0] =	vst v0  }
0x26b: {  	v44 =	vmul.f32 v6, v29;
	v0 =	vbroadcast v8, $0xF;
	[tilespmem:s7+$0xFFFFFFC0] =	vst v42  }
0x26c: {  	v45 =	vpop (erf);
	v6 =	vmul.f32 v1, v6;
	[tilespmem:s7+$0xFFFFFFD0] =	vst v7  }
0x26d: {  	v46 =	vmul.f32 v45, v14;
	[tilespmem:s7+$0xFFFFFFE0] =	vst v44;
	v7, _, _ =	vpop (xrf2);
	(erf) = vpow2.f32 v0  }
0x26e: {  	[tilespmem:s7+$0xFFFFFFF0] =	vst v6;
	v0 =	vmul.f32 v45, v13;
	v7 =	vmul.f32 $1.442695020e+00, v7  }
0x26f: {  	v6 =	vmul.f32 v45, v16;
	[tilespmem:s7+$0x10] =	vst v46;
	v47 =	vpop (erf)  }
0x270: {  	[tilespmem:s7+$0x0] =	vst v0;
	v48 =	vmul.f32 v47, v23;
	v0 =	vbroadcast v7, $0xF  }
0x271: {  	[tilespmem:s7+$0x20] =	vst v6;
	v6 =	vmul.f32 v47, v39  }
0x272: {  	v7 =	vmul.f32 v47, v35;
	[tilespmem:s2+$0xFFFFFF70] =	vst v48;
	(erf) = vpow2.f32 v0  }
0x273: {  	[tilespmem:s2+$0xFFFFFF90] =	vst v6;
	v0 =	vmul.f32 v47, v36  }
0x274: {  	[tilespmem:s2+$0xFFFFFF60] =	vst v7;
	v7 =	vmul.f32 v45, v19  }
0x275: {  	[tilespmem:s2+$0xFFFFFF80] =	vst v0;
	v0 =	vmul.f32 v1, v45  }
0x276: {  	[tilespmem:s7+$0x30] =	vst v7;
	v7 =	vmul.f32 v1, v47;
	v6 =	vpop (erf)  }
0x277: {  	[tilespmem:s7+$0x40] =	vst v0;
	v0 =	vmul.f32 v6, v22  }
0x278: {  	[tilespmem:s2+$0xFFFFFFA0] =	vst v7;
	v49 =	vmul.f32 v6, v30  }
0x279: {  	v7 =	vmul.f32 v6, v43;
	[tilespmem:s2+$0xFFFFFFB0] =	vst v0  }
0x27a: {  	v0 =	vmul.f32 v6, v38;
	[tilespmem:s2+$0xFFFFFFC0] =	vst v49  }
0x27b: {  	v6 =	vmul.f32 v1, v6;
	[tilespmem:s2+$0xFFFFFFD0] =	vst v7;
	v50 =	vpop (erf)  }
0x27c: {  	[tilespmem:s2+$0xFFFFFFE0] =	vst v0;
	v7 =	vmul.f32 v50, v32  }
0x27d: {  	[tilespmem:s2+$0xFFFFFFF0] =	vst v6;
	v0 =	vmul.f32 v50, v31  }
0x27e: {  	v6 =	vmul.f32 v50, v40;
	[tilespmem:s2+$0x0] =	vst v7  }
0x27f: {  	v7 =	vmul.f32 v50, v37;
	[tilespmem:s2+$0x10] =	vst v0  }
0x280: {  	v0 =	vmul.f32 v1, v50;
	[tilespmem:s2+$0x20] =	vst v6  }
0x281: {  	[tilespmem:s2+$0x30] =	vst v7  }
0x282: {  	[tilespmem:s2+$0x40] =	vst v0  }
0x283: {  	v0 =	vld [tilespmem:$0x8E40]  }
0x284: {  	v6 =	vld [tilespmem:$0x8E50]  }
0x285: {  	v7 =	vld [tilespmem:$0xCCC0]  }
0x286: {  	v51 =	vld [tilespmem:$0xCCD0]  }
0x287: {  	v52 =	vld [tilespmem:$0x8E60]  }
0x288: {  	v53 =	vld [tilespmem:$0xCCE0]  }
0x289: {  	v54 =	vld [tilespmem:$0x8E70]  }
0x28a: {  	v55 =	vld [tilespmem:$0xCCF0];
	_ =	sdelay $0x1  }
0x28b: {  	v7 =	vadd.f32 v7, v0;
	v8 =	vadd.f32 v51, v6;
	_ =	sdelay $0x1  }
0x28c: {  	v10 =	vadd.f32 v53, v52;
	v56 =	vmul.f32 $2.000000030e-01, v7;
	v57 =	vmul.f32 $2.000000030e-01, v8  }
0x28d: {  	v12 =	vadd.f32 v55, v54;
	vm0 =	vge.f32 v7, $0.0e+00;
	vm13 =	vge.f32 v8, $0.0e+00  }
0x28e: {  	v58 =	vmul.f32 $2.000000030e-01, v10;
	v7 =	vsel vm0, v7, v56;
	v8 =	vsel vm13, v8, v57  }
0x28f: {  	vm14 =	vge.f32 v10, $0.0e+00;
	v7 =	vmul.f32 v7, v2;
	v8 =	vmul.f32 v8, v3  }
0x290: {  	v59 =	vmul.f32 $2.000000030e-01, v12;
	v10 =	vsel vm14, v10, v58  }
0x291: {  	vm15 =	vge.f32 v12, $0.0e+00;
	v60 =	vmul.f32 v10, v4;
	v7 =	vadd.f32 v8, v7  }
0x292: {  	v61 =	vsel vm15, v12, v59  }
0x293: {  	v62 =	vmul.f32 v61, v5;
	v7 =	vadd.f32 v60, v7;
	_ =	sdelay $0x1  }
0x294: {  	v7 =	vadd.f32 v62, v7;
	_ =	sdelay $0x1  }
0x295: {  	(xrf2) =	vadd.scan.msk.f32 $0xffff, v7;
	_ =	sdelay $0x9  }
0x296: {  	v7, _, _ =	vpop (xrf2)  }
0x297: {  	v7 =	vmul.f32 $1.442695020e+00, v7;
	_ =	sdelay $0x1  }
0x298: {  	v7 =	vbroadcast v7, $0xF;
	_ =	sdelay $0x1  }
0x299: {  	(erf) = vpow2.f32 v7;
	_ =	sdelay $0x8  }
0x29a: {  	v7 =	vpop (erf)  }
0x29b: {  	v0 =	vmul.f32 v7, v0  }
0x29c: {  	v6 =	vmul.f32 v7, v6  }
0x29d: {  	p1 =	seq.s32 s0, $0x27;
	v63 =	vmul.f32 v7, v52;
	[tilespmem:$0x11AD0] =	vst v0  }
.Ltmp6:
0x29e: {  	v0 =	vmul.f32 v7, v54;
	[tilespmem:$0x11AE0] =	vst v6;
	(pc) =	sbr.rel @p1 .LBB2_12-.Ltmp6, $4  }
0x29f: {  	[tilespmem:$0x11AF0] =	vst v63;
	v6 =	vmul.f32 v1, v7  }
0x2a0: {  	[tilespmem:$0x11B00] =	vst v0  }
0x2a1: {  	[tilespmem:$0x11B10] =	vst v6  }
0x2a2: {  	[spmem:s4] =	stream.indirect.scatter.add.f32 [tilespmem:s28], [sflag:$0x6], $0x50, s14, s16, $0xb8;
	[tilespmem:$0x1E130] =	vst v63  }
.Ltmp7:
0x2a3: {  	(pc) =	sbr.rel .LBB2_6-.Ltmp7, $4  }
0x2a4: {  	s2 =	sadd.s32 $0x100, s3  }
0x2a5: {  	[tilespmem:s17], [sflag:$0x1] =	stream.indirect.gather [hbm4b:s1+s16], $0x40, s2, s16, $0xb8;
	[tilespmem:$0x1E130] =	vst v63  }
0x2a6: {  	s14 =	sadd.s32 $0x2900, s3;
	s0 =	sadd.s32 $0x1, s0  }
0x2a7: {  	[tilespmem:s18], [sflag:$0x3] =	stream.indirect.gather [hbm4b:s6+s16], $0x40, s14, s16, $0xb8;
	[tilespmem:$0x1E130] =	vst v63  }
.LBB2_13:
0x2a8: {  	_ =	sfence.sel $0x180000  }
0x2a9: {  	[bflag:$0x0] =	sbarrier.arrive $0xFFFF  }
0x2aa: {  	_ =	strace $0x90000047  }
0x2ab: {  	s0 =	stileid.u32;
	[bflag:$0x2] =	sbarrier.arrive $0xFFFF  }
0x2ac: {  	p0 =	sne.s32 s0, $0x0;
	s0 =	rddreg [dreg:$0x4]  }
0x2ad: {  	s0 =	sadd.s32 @!p0 $0x100000, s0  }
0x2ae: {  	[sflag:s0] =	ssyncadd.tile.s32 @!p0 $0x1;
	_ =	shalt  }
.Lfunc_end2:
_tile_overlayer_lowered:
.L_overlay_start_2:
0x2af: {  	(tag) =	ssettag $0x2  }
0x2b0: {  	s0 =	rddreg [dreg:$0x0];
	s2 =	stileid.u32  }
0x2b1: {  	s1 =	rddreg [dreg:$0x1];
	p0 =	sne.s32 s2, $0x0  }
0x2b2: {  	s3 =	rddreg [dreg:$0x2];
	[bflag:$0x3] =	sbarrier.arrive $0xFFFF;
	s2 =	simm.s32 @!p0 $0x1C07  }
0x2b3: {  	[timem:s3], [sflag:s2] =	dma.local @!p0 [hbm:s0], s1  }
0x2b4: {  	s0 =	simm.s32 @!p0 $0x7  }
0x2b5: {  	_ =	swait.ge @!p0 [sflag:s0], s1  }
0x2b6: {  	s1 =	ssub.s32 @!p0 $0x0, s1;
	[sflag:s0] =	ssyncset.done @!p0 $0x0  }
0x2b7: {  	[sflag:s0] =	ssyncadd.s32 @!p0 s1  }
0x2b8: {  	[bflag:$0x3] =	sbarrier.arrive $0xFFFF  }
0x2b9: {  	_ =	shalt  }

</sc_bundles>
